<compile_context>
chip_gen: v7x
topology: tpu7x:2x2x1
jax: 0.10.2.dev20260603
libtpu: 0.0.44.dev20260713+nightly
codegen_flags: <defaults>
</compile_context>

<pallas_src>
import functools

import jax
import jax.numpy as jnp
from jax import lax
from jax.experimental import pallas as pl
from jax.experimental.pallas import tpu as pltpu
from jax.experimental.pallas import tpu_sc as plsc

N = 50000
E = 1600000
NW = 32
EPT = E // NW
CH = 2000
NCH = EPT // CH
GPC = CH // 16
NB = 25
BR = N // NB


def _vtake(x, idx):
    dnums = lax.GatherDimensionNumbers(
        offset_dims=(), collapsed_slice_dims=(0,), start_index_map=(0,))
    return lax.gather(x, idx[:, None], dnums, (1,),
                      mode=lax.GatherScatterMode.PROMISE_IN_BOUNDS)


def _sc_body(edge_hbm, dist_hbm, out_hbm, dtab, acc, sbuf0, dbuf0, sbuf1,
             dbuf1, sem0, sem1):
    cid = lax.axis_index("c")
    sid = lax.axis_index("s")
    wid = sid * 2 + cid
    base = wid * EPT

    sbufs = (sbuf0, sbuf1)
    dbufs = (dbuf0, dbuf1)
    sems = (sem0, sem1)

    def fire(c, b):
        off = base + c * CH
        sd = pltpu.async_copy(edge_hbm.at[pl.ds(off, CH)], sbufs[b], sems[b])
        dd = pltpu.async_copy(edge_hbm.at[pl.ds(E + off, CH)], dbufs[b],
                              sems[b])
        return sd, dd

    pend = [fire(0, 0), None]

    pltpu.sync_copy(dist_hbm, dtab)

    inf16 = jnp.full((16,), 3e38, dtype=jnp.float32)

    def init_body(i, _):
        acc[pl.ds(i * 16, 16)] = inf16
        return 0

    lax.fori_loop(0, N // 16, init_body, 0)

    iota = lax.iota(jnp.int32, 16)

    def make_group_body(sbuf, dbuf):
        def group_body(g, _):
            s = sbuf[pl.ds(g * 16, 16)]
            d = dbuf[pl.ds(g * 16, 16)]
            m = plsc.load_gather(dtab, [s])
            d_s, m_s = plsc.sort_key_val(d, m)
            for o in (1, 2, 4, 8):
                j = jnp.maximum(iota - o, 0)
                pd = _vtake(d_s, j)
                pm = _vtake(m_s, j)
                take = (iota >= o) & (pd == d_s)
                m_s = jnp.where(take, jnp.minimum(m_s, pm), m_s)
            nd = _vtake(d_s, jnp.minimum(iota + 1, 15))
            last = (iota == 15) | (nd != d_s)
            old = plsc.load_gather(acc, [d_s])
            plsc.store_scatter(acc, [d_s], jnp.minimum(old, m_s), mask=last)
            return 0

        return group_body

    for c in range(NCH):
        b = c & 1
        if c + 1 < NCH:
            pend[(c + 1) & 1] = fire(c + 1, (c + 1) & 1)
        pend[b][0].wait()
        pend[b][1].wait()
        lax.fori_loop(0, GPC, make_group_body(sbufs[b], dbufs[b]), 0)

    def out_body(c, _):
        pltpu.sync_copy(acc.at[pl.ds(c * BR, BR)],
                        out_hbm.at[pl.ds((c * NW + wid) * BR, BR)])
        return 0

    lax.fori_loop(0, NB, out_body, 0)


def _sc_segment_min(edge_index, distance_to_center):
    mesh = plsc.VectorSubcoreMesh(core_axis_name="c", subcore_axis_name="s")
    kern = pl.kernel(
        _sc_body,
        out_type=jax.ShapeDtypeStruct((NB * NW * BR,), jnp.float32),
        mesh=mesh,
        scratch_types=[
            pltpu.VMEM((N,), jnp.float32),
            pltpu.VMEM((N,), jnp.float32),
            pltpu.VMEM((CH,), jnp.int32),
            pltpu.VMEM((CH,), jnp.int32),
            pltpu.VMEM((CH,), jnp.int32),
            pltpu.VMEM((CH,), jnp.int32),
            pltpu.SemaphoreType.DMA,
            pltpu.SemaphoreType.DMA,
        ],
        compiler_params=pltpu.CompilerParams(needs_layout_passes=False),
    )
    return kern(edge_index.reshape(2 * E),
                distance_to_center).reshape(NB, NW, BR)


def _mlp_body(hg_ref, gi_ref, w1a_ref, w1b_ref, b1_ref, w2_ref, b2_ref,
              temp_ref):
    h1 = (jnp.dot(hg_ref[...], w1a_ref[...],
                  preferred_element_type=jnp.float32) +
          jnp.dot(gi_ref[...], w1b_ref[...],
                  preferred_element_type=jnp.float32))
    h1 = h1 + b1_ref[...]
    h1 = jnp.where(h1 > 0, h1, jnp.exp(h1) - 1.0)
    tl = jnp.dot(h1, w2_ref[...], preferred_element_type=jnp.float32)
    temp_ref[...] = jax.nn.sigmoid(tl + b2_ref[...])


def _mlp(h_gru, gru_inp, W1, b1, W2, b2):
    b1r = b1.reshape(1, 256)
    b2r = b2.reshape(1, 1)
    return pl.pallas_call(
        _mlp_body,
        grid=(NB,),
        in_specs=[
            pl.BlockSpec((BR, 256), lambda i: (i, 0)),
            pl.BlockSpec((BR, 256), lambda i: (i, 0)),
            pl.BlockSpec((256, 256), lambda i: (0, 0)),
            pl.BlockSpec((256, 256), lambda i: (0, 0)),
            pl.BlockSpec((1, 256), lambda i: (0, 0)),
            pl.BlockSpec((256, 1), lambda i: (0, 0)),
            pl.BlockSpec((1, 1), lambda i: (0, 0)),
        ],
        out_specs=pl.BlockSpec((BR, 1), lambda i: (i, 0)),
        out_shape=jax.ShapeDtypeStruct((N, 1), jnp.float32),
    )(h_gru, gru_inp, W1[:256], W1[256:], b1r, W2, b2r)


def _combine_body(part_ref, temp_ref, beta_ref, ds_ref, ts_ref, sw_ref,
                  lab_ref):
    md = jnp.min(part_ref[0], axis=0)
    md = jnp.minimum(md, 1e4)
    bw = beta_ref[0, 0] * beta_ref[0, 0]
    ds = jnp.exp(-bw * md)
    t = temp_ref[0, 0, :]
    sw = ds * t
    ds_ref[0, 0, :] = ds
    ts_ref[0, 0, :] = t
    sw_ref[0, 0, :] = sw
    lab_ref[0, 0, :] = jnp.where(sw >= 0.5, 1.0, 0.0)


def _combine(partial, temp, beta):
    blk = pl.BlockSpec((1, 1, BR), lambda i: (i, 0, 0))
    shp = jax.ShapeDtypeStruct((NB, 1, BR), jnp.float32)
    return pl.pallas_call(
        _combine_body,
        grid=(NB,),
        in_specs=[
            pl.BlockSpec((1, NW, BR), lambda i: (i, 0, 0)),
            blk,
            pl.BlockSpec((1, 1), lambda i: (0, 0)),
        ],
        out_specs=[blk, blk, blk, blk],
        out_shape=[shp, shp, shp, shp],
    )(partial, temp, beta)


def kernel(distance_to_center, edge_index, h_gru, gru_inp, beta, W1, b1, W2,
           b2):
    temp = _mlp(h_gru, gru_inp, W1, b1, W2, b2)
    partial = _sc_segment_min(edge_index, distance_to_center)
    ds, ts, sw, lab = _combine(partial, temp.reshape(NB, 1, BR), beta)
    r = lambda x: x.reshape(N)
    return r(ds), r(ts), r(sw), r(lab)

# --- scband reference (transcript-rebuilt; emitter-appended) ---
"""Pipeline reference for scband-switch-module-11716670784010 (READ-ONLY COPY).

The authoritative reference and input builder live on the scoring server;
editing this copy changes nothing except your own understanding.
"""

import jax, jax.numpy as jnp
import numpy as np

N = 50000
E = 1600000
GRU = 256
HID = 256
SW = 256


def setup_inputs(seed: int = 0):
    key = jax.random.key(seed)
    ks = jax.random.split(key, 10)
    distance_to_center = jax.random.uniform(ks[0], (N,), dtype=jnp.float32) * 10.0
    edge_index = jax.random.randint(ks[1], (2, E), 0, N)
    h_gru = jax.random.normal(ks[2], (N, GRU), dtype=jnp.float32)
    gru_inp = jax.random.normal(ks[3], (N, HID), dtype=jnp.float32)
    beta = jnp.ones((1, 1), dtype=jnp.float32)  # human_distance_beta, init 1.0
    W1 = jax.random.normal(ks[4], (GRU + HID, SW), dtype=jnp.float32) * 0.02
    b1 = jnp.zeros((SW,), dtype=jnp.float32)
    W2 = jax.random.normal(ks[5], (SW, 1), dtype=jnp.float32) * 0.02
    b2 = jnp.zeros((1,), dtype=jnp.float32)
    return {
        "distance_to_center": distance_to_center,
        "edge_index": edge_index,
        "h_gru": h_gru,
        "gru_inp": gru_inp,
        "beta": beta,
        "W1": W1,
        "b1": b1,
        "W2": W2,
        "b2": b2,
    }


def reference(distance_to_center, edge_index, h_gru, gru_inp, beta, W1, b1, W2, b2):
    src = edge_index[0]
    dst = edge_index[1]
    n_center = h_gru.shape[0]
    # graph.update_all(copy_src('distance_to_center'), min(...)) over ('leaf','interacts','center')
    msg = distance_to_center[src]
    min_distance = jax.ops.segment_min(msg, dst, num_segments=n_center)
    # guard isolated centers (segment_min gives +inf)
    min_distance = jnp.minimum(min_distance, 1e4)
    # distance score: exp(-beta^2 * min_distance)
    distance_weight = beta ** 2  # [1,1]
    distance_score = jnp.exp(-distance_weight * min_distance[:, None])[:, 0]
    # temporal score: MLP([h_gru, gru_inp]) with elu -> sigmoid (skip connection on)
    h = jnp.concatenate([h_gru, gru_inp], axis=-1)
    h1 = jax.nn.elu(h @ W1 + b1)
    temp_score = jax.nn.sigmoid(h1 @ W2 + b2)[:, 0]
    switch_score = distance_score * temp_score
    # straight_through_boolean(score >= 0.5, score)
    hard = (switch_score >= 0.5).astype(switch_score.dtype)
    switch_label = jax.lax.stop_gradient(hard - switch_score) + switch_score
    return distance_score, temp_score, switch_score, switch_label

if __name__ == "__main__":
    import jax
    _d = setup_inputs()
    print(jax.jit(kernel)(*tuple(_d.values())))

</pallas_src>

<mosaic_0001>
#map = affine_map<(d0, d1) -> (0)>
module attributes {stable_mosaic.version = 14 : i64} {
  func.func @_sc_body(%arg0: i32, %arg1: i32, %arg2: memref<3200000xi32, #tpu.memory_space<hbm>>, %arg3: memref<50000xf32, #tpu.memory_space<hbm>>, %arg4: memref<1600000xf32, #tpu.memory_space<hbm>>, %arg5: memref<50000xf32, #tpu.memory_space<vmem>>, %arg6: memref<50000xf32, #tpu.memory_space<vmem>>, %arg7: memref<2000xi32, #tpu.memory_space<vmem>>, %arg8: memref<2000xi32, #tpu.memory_space<vmem>>, %arg9: memref<2000xi32, #tpu.memory_space<vmem>>, %arg10: memref<2000xi32, #tpu.memory_space<vmem>>, %arg11: memref<!tpu.dma_semaphore, #tpu.memory_space<semaphore_mem>>, %arg12: memref<!tpu.dma_semaphore, #tpu.memory_space<semaphore_mem>>) attributes {dimension_semantics = [#tpu.dimension_semantics<core_parallel>, #tpu.dimension_semantics<subcore_parallel>], iteration_bounds = array<i64: 2, 16>, scalar_prefetch = 0 : i64, scratch_operands = 8 : i64, tpu.core_type = #tpu.core_type<sc_vector_subcore>, window_params = [{transform_indices = #map}, {transform_indices = #map}, {transform_indices = #map}]} {
    %mul3A = arith.constant 2 : i32
    %mul3A_0 = arith.muli %arg1, %mul3A : i32
    %add3A = arith.addi %mul3A_0, %arg0 : i32
    %mul3A_1 = arith.constant 50000 : i32
    %mul3A_2 = arith.muli %add3A, %mul3A_1 : i32
    %add3A_3 = arith.constant 0 : i32
    %add3A_4 = arith.addi %mul3A_2, %add3A_3 : i32
    %dma_start3A = tpu.memref_slice %arg2[%add3A_4] : memref<3200000xi32, #tpu.memory_space<hbm>> -> memref<2000xi32, #tpu.memory_space<hbm>>
    %dma_start3A_5 = tpu.memref_slice %arg2[%add3A_4] : memref<3200000xi32, #tpu.memory_space<hbm>> -> memref<2000xi32, #tpu.memory_space<hbm>>
    tpu.enqueue_dma source(%dma_start3A_5 : memref<2000xi32, #tpu.memory_space<hbm>>) target(%arg7 : memref<2000xi32, #tpu.memory_space<vmem>>) target_semaphore(%arg11 : memref<!tpu.dma_semaphore, #tpu.memory_space<semaphore_mem>>)
    %add3A_6 = arith.constant 1600000 : i32
    %add3A_7 = arith.addi %add3A_6, %add3A_4 : i32
    %dma_start3A_8 = tpu.memref_slice %arg2[%add3A_7] : memref<3200000xi32, #tpu.memory_space<hbm>> -> memref<2000xi32, #tpu.memory_space<hbm>>
    %dma_start3A_9 = tpu.memref_slice %arg2[%add3A_7] : memref<3200000xi32, #tpu.memory_space<hbm>> -> memref<2000xi32, #tpu.memory_space<hbm>>
    tpu.enqueue_dma source(%dma_start3A_9 : memref<2000xi32, #tpu.memory_space<hbm>>) target(%arg8 : memref<2000xi32, #tpu.memory_space<vmem>>) target_semaphore(%arg11 : memref<!tpu.dma_semaphore, #tpu.memory_space<semaphore_mem>>)
    "tpu.region"() ({
      %run_scoped3A = tpu.sem_alloc : memref<!tpu.dma_semaphore, #tpu.memory_space<semaphore_mem>>
      tpu.enqueue_dma source(%arg3 : memref<50000xf32, #tpu.memory_space<hbm>>) target(%arg5 : memref<50000xf32, #tpu.memory_space<vmem>>) target_semaphore(%run_scoped3A : memref<!tpu.dma_semaphore, #tpu.memory_space<semaphore_mem>>)
      tpu.wait_dma2 semaphore(%run_scoped3A : memref<!tpu.dma_semaphore, #tpu.memory_space<semaphore_mem>>) src(%arg3 : memref<50000xf32, #tpu.memory_space<hbm>>) dst(%arg5 : memref<50000xf32, #tpu.memory_space<vmem>>)
      tpu.yield
    }) : () -> ()
    %broadcast_in_dim3A = arith.constant 3.000000e+38 : f32
    %broadcast_in_dim3A_10 = vector.broadcast %broadcast_in_dim3A : f32 to vector<16xf32>
    %scan3A = arith.constant 0 : i32
    %scan3A_11 = arith.constant 0 : i32
    %scan3A_12 = arith.constant 3125 : i32
    %scan3A_13 = arith.addi %scan3A_11, %scan3A_12 : i32
    %scan3A_14 = arith.constant 1 : i32
    %scan3A_15 = scf.for %scan3A_490 = %scan3A_11 to %scan3A_13 step %scan3A_14 iter_args(%scan3A_491 = %scan3A) -> (i32)  : i32 {
      %mul3A_492 = arith.constant 16 : i32
      %mul3A_493 = arith.muli %scan3A_490, %mul3A_492 : i32
      %swap3A = arith.index_cast %mul3A_493 : i32 to index
      %swap3A_494 = tpu.vector_load %arg6[%swap3A] {strides = array<i32>} : memref<50000xf32, #tpu.memory_space<vmem>>, vector<16xf32>,
      tpu.vector_store %arg6[%swap3A], %broadcast_in_dim3A_10 {strides = array<i32>} : memref<50000xf32, #tpu.memory_space<vmem>>, vector<16xf32>,
      %scan3A_495 = arith.constant 0 : i32
      scf.yield %scan3A_495 : i32
    }
    %scan3A_16 = arith.constant 3125 : i32
    %iota3A = tpu.iota {dimensions = array<i32: 0>} : vector<16xi32>
    %add3A_17 = arith.constant 2000 : i32
    %add3A_18 = arith.addi %mul3A_2, %add3A_17 : i32
    %dma_start3A_19 = tpu.memref_slice %arg2[%add3A_18] : memref<3200000xi32, #tpu.memory_space<hbm>> -> memref<2000xi32, #tpu.memory_space<hbm>>
    %dma_start3A_20 = tpu.memref_slice %arg2[%add3A_18] : memref<3200000xi32, #tpu.memory_space<hbm>> -> memref<2000xi32, #tpu.memory_space<hbm>>
    tpu.enqueue_dma source(%dma_start3A_20 : memref<2000xi32, #tpu.memory_space<hbm>>) target(%arg9 : memref<2000xi32, #tpu.memory_space<vmem>>) target_semaphore(%arg12 : memref<!tpu.dma_semaphore, #tpu.memory_space<semaphore_mem>>)
    %add3A_21 = arith.constant 1600000 : i32
    %add3A_22 = arith.addi %add3A_21, %add3A_18 : i32
    %dma_start3A_23 = tpu.memref_slice %arg2[%add3A_22] : memref<3200000xi32, #tpu.memory_space<hbm>> -> memref<2000xi32, #tpu.memory_space<hbm>>
    %dma_start3A_24 = tpu.memref_slice %arg2[%add3A_22] : memref<3200000xi32, #tpu.memory_space<hbm>> -> memref<2000xi32, #tpu.memory_space<hbm>>
    tpu.enqueue_dma source(%dma_start3A_24 : memref<2000xi32, #tpu.memory_space<hbm>>) target(%arg10 : memref<2000xi32, #tpu.memory_space<vmem>>) target_semaphore(%arg12 : memref<!tpu.dma_semaphore, #tpu.memory_space<semaphore_mem>>)
    %dma_wait3A = tpu.memref_slice %arg2[%add3A_4] : memref<3200000xi32, #tpu.memory_space<hbm>> -> memref<2000xi32, #tpu.memory_space<hbm>>
    %dma_wait3A_25 = tpu.memref_slice %arg2[%add3A_4] : memref<3200000xi32, #tpu.memory_space<hbm>> -> memref<2000xi32, #tpu.memory_space<hbm>>
    tpu.wait_dma2 semaphore(%arg11 : memref<!tpu.dma_semaphore, #tpu.memory_space<semaphore_mem>>) src(%dma_wait3A_25 : memref<2000xi32, #tpu.memory_space<hbm>>) dst(%arg7 : memref<2000xi32, #tpu.memory_space<vmem>>)
    %dma_wait3A_26 = tpu.memref_slice %arg2[%add3A_7] : memref<3200000xi32, #tpu.memory_space<hbm>> -> memref<2000xi32, #tpu.memory_space<hbm>>
    %dma_wait3A_27 = tpu.memref_slice %arg2[%add3A_7] : memref<3200000xi32, #tpu.memory_space<hbm>> -> memref<2000xi32, #tpu.memory_space<hbm>>
    tpu.wait_dma2 semaphore(%arg11 : memref<!tpu.dma_semaphore, #tpu.memory_space<semaphore_mem>>) src(%dma_wait3A_27 : memref<2000xi32, #tpu.memory_space<hbm>>) dst(%arg8 : memref<2000xi32, #tpu.memory_space<vmem>>)
    %scan3A_28 = arith.constant 0 : i32
    %scan3A_29 = arith.constant 0 : i32
    %scan3A_30 = arith.constant 125 : i32
    %scan3A_31 = arith.addi %scan3A_29, %scan3A_30 : i32
    %scan3A_32 = arith.constant 1 : i32
    %scan3A_33 = scf.for %scan3A_490 = %scan3A_29 to %scan3A_31 step %scan3A_32 iter_args(%scan3A_491 = %scan3A_28) -> (i32)  : i32 {
      %mul3A_492 = arith.constant 16 : i32
      %mul3A_493 = arith.muli %scan3A_490, %mul3A_492 : i32
      %get3A = arith.index_cast %mul3A_493 : i32 to index
      %get3A_494 = tpu.vector_load %arg7[%get3A] {strides = array<i32>} : memref<2000xi32, #tpu.memory_space<vmem>>, vector<16xi32>,
      %mul3A_495 = arith.constant 16 : i32
      %mul3A_496 = arith.muli %scan3A_490, %mul3A_495 : i32
      %get3A_497 = arith.index_cast %mul3A_496 : i32 to index
      %get3A_498 = tpu.vector_load %arg8[%get3A_497] {strides = array<i32>} : memref<2000xi32, #tpu.memory_space<vmem>>, vector<16xi32>,
      %gather3A = tpu.vector_load_idx %arg5[%get3A_494] : memref<50000xf32, #tpu.memory_space<vmem>>[vector<16xi32>], vector<16xf32>,
      %masked_sort3A = arith.constant dense<true> : vector<16xi1>
      %masked_sort3A_499 = arith.constant -2147483648 : i32
      %masked_sort3A_500 = vector.broadcast %masked_sort3A_499 : i32 to vector<16xi32>
      %masked_sort3A_501 = arith.xori %get3A_498, %masked_sort3A_500 : vector<16xi32>
      %masked_sort3A_502, %masked_sort3A_503, %masked_sort3A_504 = tpu.sort %masked_sort3A_501, %gather3A masked %masked_sort3A : (vector<16xi32>, vector<16xf32>, vector<16xi1>) -> (vector<16xi1>, vector<16xi32>, vector<16xf32>)
      %masked_sort3A_505 = arith.xori %masked_sort3A_503, %masked_sort3A_500 : vector<16xi32>
      %sub3A = arith.constant 1 : i32
      %sub3A_506 = vector.broadcast %sub3A : i32 to vector<16xi32>
      %sub3A_507 = arith.subi %iota3A, %sub3A_506 : vector<16xi32>
      %max3A = arith.constant 0 : i32
      %max3A_508 = vector.broadcast %max3A : i32 to vector<16xi32>
      %max3A_509 = arith.maxsi %sub3A_507, %max3A_508 : vector<16xi32>
      %broadcast_in_dim3A_510 = vector.shape_cast %max3A_509 : vector<16xi32> to vector<16x1xi32>
      %gather3A_511 = vector.shape_cast %broadcast_in_dim3A_510 : vector<16x1xi32> to vector<16xi32>
      %gather3A_512 = tpu.dynamic_gather %masked_sort3A_505[%gather3A_511] in [0] : vector<16xi32>, vector<16xi32> -> vector<16xi32>
      %broadcast_in_dim3A_513 = vector.shape_cast %max3A_509 : vector<16xi32> to vector<16x1xi32>
      %gather3A_514 = vector.shape_cast %broadcast_in_dim3A_513 : vector<16x1xi32> to vector<16xi32>
      %gather3A_515 = tpu.dynamic_gather %masked_sort3A_504[%gather3A_514] in [0] : vector<16xf32>, vector<16xi32> -> vector<16xf32>
      %ge3A = arith.constant 1 : i32
      %ge3A_516 = vector.broadcast %ge3A : i32 to vector<16xi32>
      %ge3A_517 = arith.cmpi sge, %iota3A, %ge3A_516 : vector<16xi32>
      %eq3A = arith.cmpi eq, %gather3A_512, %masked_sort3A_505 : vector<16xi32>
      %and3A = arith.andi %ge3A_517, %eq3A : vector<16xi1>
      %min3A = arith.minimumf %masked_sort3A_504, %gather3A_515 : vector<16xf32>
      %select_n3A = arith.select %and3A, %min3A, %masked_sort3A_504 : vector<16xi1>, vector<16xf32>
      %sub3A_518 = arith.constant 2 : i32
      %sub3A_519 = vector.broadcast %sub3A_518 : i32 to vector<16xi32>
      %sub3A_520 = arith.subi %iota3A, %sub3A_519 : vector<16xi32>
      %max3A_521 = arith.constant 0 : i32
      %max3A_522 = vector.broadcast %max3A_521 : i32 to vector<16xi32>
      %max3A_523 = arith.maxsi %sub3A_520, %max3A_522 : vector<16xi32>
      %broadcast_in_dim3A_524 = vector.shape_cast %max3A_523 : vector<16xi32> to vector<16x1xi32>
      %gather3A_525 = vector.shape_cast %broadcast_in_dim3A_524 : vector<16x1xi32> to vector<16xi32>
      %gather3A_526 = tpu.dynamic_gather %masked_sort3A_505[%gather3A_525] in [0] : vector<16xi32>, vector<16xi32> -> vector<16xi32>
      %broadcast_in_dim3A_527 = vector.shape_cast %max3A_523 : vector<16xi32> to vector<16x1xi32>
      %gather3A_528 = vector.shape_cast %broadcast_in_dim3A_527 : vector<16x1xi32> to vector<16xi32>
      %gather3A_529 = tpu.dynamic_gather %select_n3A[%gather3A_528] in [0] : vector<16xf32>, vector<16xi32> -> vector<16xf32>
      %ge3A_530 = arith.constant 2 : i32
      %ge3A_531 = vector.broadcast %ge3A_530 : i32 to vector<16xi32>
      %ge3A_532 = arith.cmpi sge, %iota3A, %ge3A_531 : vector<16xi32>
      %eq3A_533 = arith.cmpi eq, %gather3A_526, %masked_sort3A_505 : vector<16xi32>
      %and3A_534 = arith.andi %ge3A_532, %eq3A_533 : vector<16xi1>
      %min3A_535 = arith.minimumf %select_n3A, %gather3A_529 : vector<16xf32>
      %select_n3A_536 = arith.select %and3A_534, %min3A_535, %select_n3A : vector<16xi1>, vector<16xf32>
      %sub3A_537 = arith.constant 4 : i32
      %sub3A_538 = vector.broadcast %sub3A_537 : i32 to vector<16xi32>
      %sub3A_539 = arith.subi %iota3A, %sub3A_538 : vector<16xi32>
      %max3A_540 = arith.constant 0 : i32
      %max3A_541 = vector.broadcast %max3A_540 : i32 to vector<16xi32>
      %max3A_542 = arith.maxsi %sub3A_539, %max3A_541 : vector<16xi32>
      %broadcast_in_dim3A_543 = vector.shape_cast %max3A_542 : vector<16xi32> to vector<16x1xi32>
      %gather3A_544 = vector.shape_cast %broadcast_in_dim3A_543 : vector<16x1xi32> to vector<16xi32>
      %gather3A_545 = tpu.dynamic_gather %masked_sort3A_505[%gather3A_544] in [0] : vector<16xi32>, vector<16xi32> -> vector<16xi32>
      %broadcast_in_dim3A_546 = vector.shape_cast %max3A_542 : vector<16xi32> to vector<16x1xi32>
      %gather3A_547 = vector.shape_cast %broadcast_in_dim3A_546 : vector<16x1xi32> to vector<16xi32>
      %gather3A_548 = tpu.dynamic_gather %select_n3A_536[%gather3A_547] in [0] : vector<16xf32>, vector<16xi32> -> vector<16xf32>
      %ge3A_549 = arith.constant 4 : i32
      %ge3A_550 = vector.broadcast %ge3A_549 : i32 to vector<16xi32>
      %ge3A_551 = arith.cmpi sge, %iota3A, %ge3A_550 : vector<16xi32>
      %eq3A_552 = arith.cmpi eq, %gather3A_545, %masked_sort3A_505 : vector<16xi32>
      %and3A_553 = arith.andi %ge3A_551, %eq3A_552 : vector<16xi1>
      %min3A_554 = arith.minimumf %select_n3A_536, %gather3A_548 : vector<16xf32>
      %select_n3A_555 = arith.select %and3A_553, %min3A_554, %select_n3A_536 : vector<16xi1>, vector<16xf32>
      %sub3A_556 = arith.constant 8 : i32
      %sub3A_557 = vector.broadcast %sub3A_556 : i32 to vector<16xi32>
      %sub3A_558 = arith.subi %iota3A, %sub3A_557 : vector<16xi32>
      %max3A_559 = arith.constant 0 : i32
      %max3A_560 = vector.broadcast %max3A_559 : i32 to vector<16xi32>
      %max3A_561 = arith.maxsi %sub3A_558, %max3A_560 : vector<16xi32>
      %broadcast_in_dim3A_562 = vector.shape_cast %max3A_561 : vector<16xi32> to vector<16x1xi32>
      %gather3A_563 = vector.shape_cast %broadcast_in_dim3A_562 : vector<16x1xi32> to vector<16xi32>
      %gather3A_564 = tpu.dynamic_gather %masked_sort3A_505[%gather3A_563] in [0] : vector<16xi32>, vector<16xi32> -> vector<16xi32>
      %broadcast_in_dim3A_565 = vector.shape_cast %max3A_561 : vector<16xi32> to vector<16x1xi32>
      %gather3A_566 = vector.shape_cast %broadcast_in_dim3A_565 : vector<16x1xi32> to vector<16xi32>
      %gather3A_567 = tpu.dynamic_gather %select_n3A_555[%gather3A_566] in [0] : vector<16xf32>, vector<16xi32> -> vector<16xf32>
      %ge3A_568 = arith.constant 8 : i32
      %ge3A_569 = vector.broadcast %ge3A_568 : i32 to vector<16xi32>
      %ge3A_570 = arith.cmpi sge, %iota3A, %ge3A_569 : vector<16xi32>
      %eq3A_571 = arith.cmpi eq, %gather3A_564, %masked_sort3A_505 : vector<16xi32>
      %and3A_572 = arith.andi %ge3A_570, %eq3A_571 : vector<16xi1>
      %min3A_573 = arith.minimumf %select_n3A_555, %gather3A_567 : vector<16xf32>
      %select_n3A_574 = arith.select %and3A_572, %min3A_573, %select_n3A_555 : vector<16xi1>, vector<16xf32>
      %add3A_575 = arith.constant 1 : i32
      %add3A_576 = vector.broadcast %add3A_575 : i32 to vector<16xi32>
      %add3A_577 = arith.addi %iota3A, %add3A_576 : vector<16xi32>
      %min3A_578 = arith.constant 15 : i32
      %min3A_579 = vector.broadcast %min3A_578 : i32 to vector<16xi32>
      %min3A_580 = arith.minsi %add3A_577, %min3A_579 : vector<16xi32>
      %broadcast_in_dim3A_581 = vector.shape_cast %min3A_580 : vector<16xi32> to vector<16x1xi32>
      %gather3A_582 = vector.shape_cast %broadcast_in_dim3A_581 : vector<16x1xi32> to vector<16xi32>
      %gather3A_583 = tpu.dynamic_gather %masked_sort3A_505[%gather3A_582] in [0] : vector<16xi32>, vector<16xi32> -> vector<16xi32>
      %eq3A_584 = arith.constant 15 : i32
      %eq3A_585 = vector.broadcast %eq3A_584 : i32 to vector<16xi32>
      %eq3A_586 = arith.cmpi eq, %iota3A, %eq3A_585 : vector<16xi32>
      %ne3A = arith.cmpi ne, %gather3A_583, %masked_sort3A_505 : vector<16xi32>
      %or3A = arith.ori %eq3A_586, %ne3A : vector<16xi1>
      %gather3A_587 = tpu.vector_load_idx %arg6[%masked_sort3A_505] : memref<50000xf32, #tpu.memory_space<vmem>>[vector<16xi32>], vector<16xf32>,
      %min3A_588 = arith.minimumf %gather3A_587, %select_n3A_574 : vector<16xf32>
      tpu.vector_store_idx %arg6[%masked_sort3A_505], %min3A_588 masked %or3A : memref<50000xf32, #tpu.memory_space<vmem>>[vector<16xi32>], vector<16xf32>, vector<16xi1>
      %scan3A_589 = arith.constant 0 : i32
      scf.yield %scan3A_589 : i32
    }
    %scan3A_34 = arith.constant 125 : i32
    %add3A_35 = arith.constant 4000 : i32
    %add3A_36 = arith.addi %mul3A_2, %add3A_35 : i32
    %dma_start3A_37 = tpu.memref_slice %arg2[%add3A_36] : memref<3200000xi32, #tpu.memory_space<hbm>> -> memref<2000xi32, #tpu.memory_space<hbm>>
    %dma_start3A_38 = tpu.memref_slice %arg2[%add3A_36] : memref<3200000xi32, #tpu.memory_space<hbm>> -> memref<2000xi32, #tpu.memory_space<hbm>>
    tpu.enqueue_dma source(%dma_start3A_38 : memref<2000xi32, #tpu.memory_space<hbm>>) target(%arg7 : memref<2000xi32, #tpu.memory_space<vmem>>) target_semaphore(%arg11 : memref<!tpu.dma_semaphore, #tpu.memory_space<semaphore_mem>>)
    %add3A_39 = arith.constant 1600000 : i32
    %add3A_40 = arith.addi %add3A_39, %add3A_36 : i32
    %dma_start3A_41 = tpu.memref_slice %arg2[%add3A_40] : memref<3200000xi32, #tpu.memory_space<hbm>> -> memref<2000xi32, #tpu.memory_space<hbm>>
    %dma_start3A_42 = tpu.memref_slice %arg2[%add3A_40] : memref<3200000xi32, #tpu.memory_space<hbm>> -> memref<2000xi32, #tpu.memory_space<hbm>>
    tpu.enqueue_dma source(%dma_start3A_42 : memref<2000xi32, #tpu.memory_space<hbm>>) target(%arg8 : memref<2000xi32, #tpu.memory_space<vmem>>) target_semaphore(%arg11 : memref<!tpu.dma_semaphore, #tpu.memory_space<semaphore_mem>>)
    %dma_wait3A_43 = tpu.memref_slice %arg2[%add3A_18] : memref<3200000xi32, #tpu.memory_space<hbm>> -> memref<2000xi32, #tpu.memory_space<hbm>>
    %dma_wait3A_44 = tpu.memref_slice %arg2[%add3A_18] : memref<3200000xi32, #tpu.memory_space<hbm>> -> memref<2000xi32, #tpu.memory_space<hbm>>
    tpu.wait_dma2 semaphore(%arg12 : memref<!tpu.dma_semaphore, #tpu.memory_space<semaphore_mem>>) src(%dma_wait3A_44 : memref<2000xi32, #tpu.memory_space<hbm>>) dst(%arg9 : memref<2000xi32, #tpu.memory_space<vmem>>)
    %dma_wait3A_45 = tpu.memref_slice %arg2[%add3A_22] : memref<3200000xi32, #tpu.memory_space<hbm>> -> memref<2000xi32, #tpu.memory_space<hbm>>
    %dma_wait3A_46 = tpu.memref_slice %arg2[%add3A_22] : memref<3200000xi32, #tpu.memory_space<hbm>> -> memref<2000xi32, #tpu.memory_space<hbm>>
    tpu.wait_dma2 semaphore(%arg12 : memref<!tpu.dma_semaphore, #tpu.memory_space<semaphore_mem>>) src(%dma_wait3A_46 : memref<2000xi32, #tpu.memory_space<hbm>>) dst(%arg10 : memref<2000xi32, #tpu.memory_space<vmem>>)
    %scan3A_47 = arith.constant 0 : i32
    %scan3A_48 = arith.constant 0 : i32
    %scan3A_49 = arith.constant 125 : i32
    %scan3A_50 = arith.addi %scan3A_48, %scan3A_49 : i32
    %scan3A_51 = arith.constant 1 : i32
    %scan3A_52 = scf.for %scan3A_490 = %scan3A_48 to %scan3A_50 step %scan3A_51 iter_args(%scan3A_491 = %scan3A_47) -> (i32)  : i32 {
      %mul3A_492 = arith.constant 16 : i32
      %mul3A_493 = arith.muli %scan3A_490, %mul3A_492 : i32
      %get3A = arith.index_cast %mul3A_493 : i32 to index
      %get3A_494 = tpu.vector_load %arg9[%get3A] {strides = array<i32>} : memref<2000xi32, #tpu.memory_space<vmem>>, vector<16xi32>,
      %mul3A_495 = arith.constant 16 : i32
      %mul3A_496 = arith.muli %scan3A_490, %mul3A_495 : i32
      %get3A_497 = arith.index_cast %mul3A_496 : i32 to index
      %get3A_498 = tpu.vector_load %arg10[%get3A_497] {strides = array<i32>} : memref<2000xi32, #tpu.memory_space<vmem>>, vector<16xi32>,
      %gather3A = tpu.vector_load_idx %arg5[%get3A_494] : memref<50000xf32, #tpu.memory_space<vmem>>[vector<16xi32>], vector<16xf32>,
      %masked_sort3A = arith.constant dense<true> : vector<16xi1>
      %masked_sort3A_499 = arith.constant -2147483648 : i32
      %masked_sort3A_500 = vector.broadcast %masked_sort3A_499 : i32 to vector<16xi32>
      %masked_sort3A_501 = arith.xori %get3A_498, %masked_sort3A_500 : vector<16xi32>
      %masked_sort3A_502, %masked_sort3A_503, %masked_sort3A_504 = tpu.sort %masked_sort3A_501, %gather3A masked %masked_sort3A : (vector<16xi32>, vector<16xf32>, vector<16xi1>) -> (vector<16xi1>, vector<16xi32>, vector<16xf32>)
      %masked_sort3A_505 = arith.xori %masked_sort3A_503, %masked_sort3A_500 : vector<16xi32>
      %sub3A = arith.constant 1 : i32
      %sub3A_506 = vector.broadcast %sub3A : i32 to vector<16xi32>
      %sub3A_507 = arith.subi %iota3A, %sub3A_506 : vector<16xi32>
      %max3A = arith.constant 0 : i32
      %max3A_508 = vector.broadcast %max3A : i32 to vector<16xi32>
      %max3A_509 = arith.maxsi %sub3A_507, %max3A_508 : vector<16xi32>
      %broadcast_in_dim3A_510 = vector.shape_cast %max3A_509 : vector<16xi32> to vector<16x1xi32>
      %gather3A_511 = vector.shape_cast %broadcast_in_dim3A_510 : vector<16x1xi32> to vector<16xi32>
      %gather3A_512 = tpu.dynamic_gather %masked_sort3A_505[%gather3A_511] in [0] : vector<16xi32>, vector<16xi32> -> vector<16xi32>
      %broadcast_in_dim3A_513 = vector.shape_cast %max3A_509 : vector<16xi32> to vector<16x1xi32>
      %gather3A_514 = vector.shape_cast %broadcast_in_dim3A_513 : vector<16x1xi32> to vector<16xi32>
      %gather3A_515 = tpu.dynamic_gather %masked_sort3A_504[%gather3A_514] in [0] : vector<16xf32>, vector<16xi32> -> vector<16xf32>
      %ge3A = arith.constant 1 : i32
      %ge3A_516 = vector.broadcast %ge3A : i32 to vector<16xi32>
      %ge3A_517 = arith.cmpi sge, %iota3A, %ge3A_516 : vector<16xi32>
      %eq3A = arith.cmpi eq, %gather3A_512, %masked_sort3A_505 : vector<16xi32>
      %and3A = arith.andi %ge3A_517, %eq3A : vector<16xi1>
      %min3A = arith.minimumf %masked_sort3A_504, %gather3A_515 : vector<16xf32>
      %select_n3A = arith.select %and3A, %min3A, %masked_sort3A_504 : vector<16xi1>, vector<16xf32>
      %sub3A_518 = arith.constant 2 : i32
      %sub3A_519 = vector.broadcast %sub3A_518 : i32 to vector<16xi32>
      %sub3A_520 = arith.subi %iota3A, %sub3A_519 : vector<16xi32>
      %max3A_521 = arith.constant 0 : i32
      %max3A_522 = vector.broadcast %max3A_521 : i32 to vector<16xi32>
      %max3A_523 = arith.maxsi %sub3A_520, %max3A_522 : vector<16xi32>
      %broadcast_in_dim3A_524 = vector.shape_cast %max3A_523 : vector<16xi32> to vector<16x1xi32>
      %gather3A_525 = vector.shape_cast %broadcast_in_dim3A_524 : vector<16x1xi32> to vector<16xi32>
      %gather3A_526 = tpu.dynamic_gather %masked_sort3A_505[%gather3A_525] in [0] : vector<16xi32>, vector<16xi32> -> vector<16xi32>
      %broadcast_in_dim3A_527 = vector.shape_cast %max3A_523 : vector<16xi32> to vector<16x1xi32>
      %gather3A_528 = vector.shape_cast %broadcast_in_dim3A_527 : vector<16x1xi32> to vector<16xi32>
      %gather3A_529 = tpu.dynamic_gather %select_n3A[%gather3A_528] in [0] : vector<16xf32>, vector<16xi32> -> vector<16xf32>
      %ge3A_530 = arith.constant 2 : i32
      %ge3A_531 = vector.broadcast %ge3A_530 : i32 to vector<16xi32>
      %ge3A_532 = arith.cmpi sge, %iota3A, %ge3A_531 : vector<16xi32>
      %eq3A_533 = arith.cmpi eq, %gather3A_526, %masked_sort3A_505 : vector<16xi32>
      %and3A_534 = arith.andi %ge3A_532, %eq3A_533 : vector<16xi1>
      %min3A_535 = arith.minimumf %select_n3A, %gather3A_529 : vector<16xf32>
      %select_n3A_536 = arith.select %and3A_534, %min3A_535, %select_n3A : vector<16xi1>, vector<16xf32>
      %sub3A_537 = arith.constant 4 : i32
      %sub3A_538 = vector.broadcast %sub3A_537 : i32 to vector<16xi32>
      %sub3A_539 = arith.subi %iota3A, %sub3A_538 : vector<16xi32>
      %max3A_540 = arith.constant 0 : i32
      %max3A_541 = vector.broadcast %max3A_540 : i32 to vector<16xi32>
      %max3A_542 = arith.maxsi %sub3A_539, %max3A_541 : vector<16xi32>
      %broadcast_in_dim3A_543 = vector.shape_cast %max3A_542 : vector<16xi32> to vector<16x1xi32>
      %gather3A_544 = vector.shape_cast %broadcast_in_dim3A_543 : vector<16x1xi32> to vector<16xi32>
      %gather3A_545 = tpu.dynamic_gather %masked_sort3A_505[%gather3A_544] in [0] : vector<16xi32>, vector<16xi32> -> vector<16xi32>
      %broadcast_in_dim3A_546 = vector.shape_cast %max3A_542 : vector<16xi32> to vector<16x1xi32>
      %gather3A_547 = vector.shape_cast %broadcast_in_dim3A_546 : vector<16x1xi32> to vector<16xi32>
      %gather3A_548 = tpu.dynamic_gather %select_n3A_536[%gather3A_547] in [0] : vector<16xf32>, vector<16xi32> -> vector<16xf32>
      %ge3A_549 = arith.constant 4 : i32
      %ge3A_550 = vector.broadcast %ge3A_549 : i32 to vector<16xi32>
      %ge3A_551 = arith.cmpi sge, %iota3A, %ge3A_550 : vector<16xi32>
      %eq3A_552 = arith.cmpi eq, %gather3A_545, %masked_sort3A_505 : vector<16xi32>
      %and3A_553 = arith.andi %ge3A_551, %eq3A_552 : vector<16xi1>
      %min3A_554 = arith.minimumf %select_n3A_536, %gather3A_548 : vector<16xf32>
      %select_n3A_555 = arith.select %and3A_553, %min3A_554, %select_n3A_536 : vector<16xi1>, vector<16xf32>
      %sub3A_556 = arith.constant 8 : i32
      %sub3A_557 = vector.broadcast %sub3A_556 : i32 to vector<16xi32>
      %sub3A_558 = arith.subi %iota3A, %sub3A_557 : vector<16xi32>
      %max3A_559 = arith.constant 0 : i32
      %max3A_560 = vector.broadcast %max3A_559 : i32 to vector<16xi32>
      %max3A_561 = arith.maxsi %sub3A_558, %max3A_560 : vector<16xi32>
      %broadcast_in_dim3A_562 = vector.shape_cast %max3A_561 : vector<16xi32> to vector<16x1xi32>
      %gather3A_563 = vector.shape_cast %broadcast_in_dim3A_562 : vector<16x1xi32> to vector<16xi32>
      %gather3A_564 = tpu.dynamic_gather %masked_sort3A_505[%gather3A_563] in [0] : vector<16xi32>, vector<16xi32> -> vector<16xi32>
      %broadcast_in_dim3A_565 = vector.shape_cast %max3A_561 : vector<16xi32> to vector<16x1xi32>
      %gather3A_566 = vector.shape_cast %broadcast_in_dim3A_565 : vector<16x1xi32> to vector<16xi32>
      %gather3A_567 = tpu.dynamic_gather %select_n3A_555[%gather3A_566] in [0] : vector<16xf32>, vector<16xi32> -> vector<16xf32>
      %ge3A_568 = arith.constant 8 : i32
      %ge3A_569 = vector.broadcast %ge3A_568 : i32 to vector<16xi32>
      %ge3A_570 = arith.cmpi sge, %iota3A, %ge3A_569 : vector<16xi32>
      %eq3A_571 = arith.cmpi eq, %gather3A_564, %masked_sort3A_505 : vector<16xi32>
      %and3A_572 = arith.andi %ge3A_570, %eq3A_571 : vector<16xi1>
      %min3A_573 = arith.minimumf %select_n3A_555, %gather3A_567 : vector<16xf32>
      %select_n3A_574 = arith.select %and3A_572, %min3A_573, %select_n3A_555 : vector<16xi1>, vector<16xf32>
      %add3A_575 = arith.constant 1 : i32
      %add3A_576 = vector.broadcast %add3A_575 : i32 to vector<16xi32>
      %add3A_577 = arith.addi %iota3A, %add3A_576 : vector<16xi32>
      %min3A_578 = arith.constant 15 : i32
      %min3A_579 = vector.broadcast %min3A_578 : i32 to vector<16xi32>
      %min3A_580 = arith.minsi %add3A_577, %min3A_579 : vector<16xi32>
      %broadcast_in_dim3A_581 = vector.shape_cast %min3A_580 : vector<16xi32> to vector<16x1xi32>
      %gather3A_582 = vector.shape_cast %broadcast_in_dim3A_581 : vector<16x1xi32> to vector<16xi32>
      %gather3A_583 = tpu.dynamic_gather %masked_sort3A_505[%gather3A_582] in [0] : vector<16xi32>, vector<16xi32> -> vector<16xi32>
      %eq3A_584 = arith.constant 15 : i32
      %eq3A_585 = vector.broadcast %eq3A_584 : i32 to vector<16xi32>
      %eq3A_586 = arith.cmpi eq, %iota3A, %eq3A_585 : vector<16xi32>
      %ne3A = arith.cmpi ne, %gather3A_583, %masked_sort3A_505 : vector<16xi32>
      %or3A = arith.ori %eq3A_586, %ne3A : vector<16xi1>
      %gather3A_587 = tpu.vector_load_idx %arg6[%masked_sort3A_505] : memref<50000xf32, #tpu.memory_space<vmem>>[vector<16xi32>], vector<16xf32>,
      %min3A_588 = arith.minimumf %gather3A_587, %select_n3A_574 : vector<16xf32>
      tpu.vector_store_idx %arg6[%masked_sort3A_505], %min3A_588 masked %or3A : memref<50000xf32, #tpu.memory_space<vmem>>[vector<16xi32>], vector<16xf32>, vector<16xi1>
      %scan3A_589 = arith.constant 0 : i32
      scf.yield %scan3A_589 : i32
    }
    %scan3A_53 = arith.constant 125 : i32
    %add3A_54 = arith.constant 6000 : i32
    %add3A_55 = arith.addi %mul3A_2, %add3A_54 : i32
    %dma_start3A_56 = tpu.memref_slice %arg2[%add3A_55] : memref<3200000xi32, #tpu.memory_space<hbm>> -> memref<2000xi32, #tpu.memory_space<hbm>>
    %dma_start3A_57 = tpu.memref_slice %arg2[%add3A_55] : memref<3200000xi32, #tpu.memory_space<hbm>> -> memref<2000xi32, #tpu.memory_space<hbm>>
    tpu.enqueue_dma source(%dma_start3A_57 : memref<2000xi32, #tpu.memory_space<hbm>>) target(%arg9 : memref<2000xi32, #tpu.memory_space<vmem>>) target_semaphore(%arg12 : memref<!tpu.dma_semaphore, #tpu.memory_space<semaphore_mem>>)
    %add3A_58 = arith.constant 1600000 : i32
    %add3A_59 = arith.addi %add3A_58, %add3A_55 : i32
    %dma_start3A_60 = tpu.memref_slice %arg2[%add3A_59] : memref<3200000xi32, #tpu.memory_space<hbm>> -> memref<2000xi32, #tpu.memory_space<hbm>>
    %dma_start3A_61 = tpu.memref_slice %arg2[%add3A_59] : memref<3200000xi32, #tpu.memory_space<hbm>> -> memref<2000xi32, #tpu.memory_space<hbm>>
    tpu.enqueue_dma source(%dma_start3A_61 : memref<2000xi32, #tpu.memory_space<hbm>>) target(%arg10 : memref<2000xi32, #tpu.memory_space<vmem>>) target_semaphore(%arg12 : memref<!tpu.dma_semaphore, #tpu.memory_space<semaphore_mem>>)
    %dma_wait3A_62 = tpu.memref_slice %arg2[%add3A_36] : memref<3200000xi32, #tpu.memory_space<hbm>> -> memref<2000xi32, #tpu.memory_space<hbm>>
    %dma_wait3A_63 = tpu.memref_slice %arg2[%add3A_36] : memref<3200000xi32, #tpu.memory_space<hbm>> -> memref<2000xi32, #tpu.memory_space<hbm>>
    tpu.wait_dma2 semaphore(%arg11 : memref<!tpu.dma_semaphore, #tpu.memory_space<semaphore_mem>>) src(%dma_wait3A_63 : memref<2000xi32, #tpu.memory_space<hbm>>) dst(%arg7 : memref<2000xi32, #tpu.memory_space<vmem>>)
    %dma_wait3A_64 = tpu.memref_slice %arg2[%add3A_40] : memref<3200000xi32, #tpu.memory_space<hbm>> -> memref<2000xi32, #tpu.memory_space<hbm>>
    %dma_wait3A_65 = tpu.memref_slice %arg2[%add3A_40] : memref<3200000xi32, #tpu.memory_space<hbm>> -> memref<2000xi32, #tpu.memory_space<hbm>>
    tpu.wait_dma2 semaphore(%arg11 : memref<!tpu.dma_semaphore, #tpu.memory_space<semaphore_mem>>) src(%dma_wait3A_65 : memref<2000xi32, #tpu.memory_space<hbm>>) dst(%arg8 : memref<2000xi32, #tpu.memory_space<vmem>>)
    %scan3A_66 = arith.constant 0 : i32
    %scan3A_67 = arith.constant 0 : i32
    %scan3A_68 = arith.constant 125 : i32
    %scan3A_69 = arith.addi %scan3A_67, %scan3A_68 : i32
    %scan3A_70 = arith.constant 1 : i32
    %scan3A_71 = scf.for %scan3A_490 = %scan3A_67 to %scan3A_69 step %scan3A_70 iter_args(%scan3A_491 = %scan3A_66) -> (i32)  : i32 {
      %mul3A_492 = arith.constant 16 : i32
      %mul3A_493 = arith.muli %scan3A_490, %mul3A_492 : i32
      %get3A = arith.index_cast %mul3A_493 : i32 to index
      %get3A_494 = tpu.vector_load %arg7[%get3A] {strides = array<i32>} : memref<2000xi32, #tpu.memory_space<vmem>>, vector<16xi32>,
      %mul3A_495 = arith.constant 16 : i32
      %mul3A_496 = arith.muli %scan3A_490, %mul3A_495 : i32
      %get3A_497 = arith.index_cast %mul3A_496 : i32 to index
      %get3A_498 = tpu.vector_load %arg8[%get3A_497] {strides = array<i32>} : memref<2000xi32, #tpu.memory_space<vmem>>, vector<16xi32>,
      %gather3A = tpu.vector_load_idx %arg5[%get3A_494] : memref<50000xf32, #tpu.memory_space<vmem>>[vector<16xi32>], vector<16xf32>,
      %masked_sort3A = arith.constant dense<true> : vector<16xi1>
      %masked_sort3A_499 = arith.constant -2147483648 : i32
      %masked_sort3A_500 = vector.broadcast %masked_sort3A_499 : i32 to vector<16xi32>
      %masked_sort3A_501 = arith.xori %get3A_498, %masked_sort3A_500 : vector<16xi32>
      %masked_sort3A_502, %masked_sort3A_503, %masked_sort3A_504 = tpu.sort %masked_sort3A_501, %gather3A masked %masked_sort3A : (vector<16xi32>, vector<16xf32>, vector<16xi1>) -> (vector<16xi1>, vector<16xi32>, vector<16xf32>)
      %masked_sort3A_505 = arith.xori %masked_sort3A_503, %masked_sort3A_500 : vector<16xi32>
      %sub3A = arith.constant 1 : i32
      %sub3A_506 = vector.broadcast %sub3A : i32 to vector<16xi32>
      %sub3A_507 = arith.subi %iota3A, %sub3A_506 : vector<16xi32>
      %max3A = arith.constant 0 : i32
      %max3A_508 = vector.broadcast %max3A : i32 to vector<16xi32>
      %max3A_509 = arith.maxsi %sub3A_507, %max3A_508 : vector<16xi32>
      %broadcast_in_dim3A_510 = vector.shape_cast %max3A_509 : vector<16xi32> to vector<16x1xi32>
      %gather3A_511 = vector.shape_cast %broadcast_in_dim3A_510 : vector<16x1xi32> to vector<16xi32>
      %gather3A_512 = tpu.dynamic_gather %masked_sort3A_505[%gather3A_511] in [0] : vector<16xi32>, vector<16xi32> -> vector<16xi32>
      %broadcast_in_dim3A_513 = vector.shape_cast %max3A_509 : vector<16xi32> to vector<16x1xi32>
      %gather3A_514 = vector.shape_cast %broadcast_in_dim3A_513 : vector<16x1xi32> to vector<16xi32>
      %gather3A_515 = tpu.dynamic_gather %masked_sort3A_504[%gather3A_514] in [0] : vector<16xf32>, vector<16xi32> -> vector<16xf32>
      %ge3A = arith.constant 1 : i32
      %ge3A_516 = vector.broadcast %ge3A : i32 to vector<16xi32>
      %ge3A_517 = arith.cmpi sge, %iota3A, %ge3A_516 : vector<16xi32>
      %eq3A = arith.cmpi eq, %gather3A_512, %masked_sort3A_505 : vector<16xi32>
      %and3A = arith.andi %ge3A_517, %eq3A : vector<16xi1>
      %min3A = arith.minimumf %masked_sort3A_504, %gather3A_515 : vector<16xf32>
      %select_n3A = arith.select %and3A, %min3A, %masked_sort3A_504 : vector<16xi1>, vector<16xf32>
      %sub3A_518 = arith.constant 2 : i32
      %sub3A_519 = vector.broadcast %sub3A_518 : i32 to vector<16xi32>
      %sub3A_520 = arith.subi %iota3A, %sub3A_519 : vector<16xi32>
      %max3A_521 = arith.constant 0 : i32
      %max3A_522 = vector.broadcast %max3A_521 : i32 to vector<16xi32>
      %max3A_523 = arith.maxsi %sub3A_520, %max3A_522 : vector<16xi32>
      %broadcast_in_dim3A_524 = vector.shape_cast %max3A_523 : vector<16xi32> to vector<16x1xi32>
      %gather3A_525 = vector.shape_cast %broadcast_in_dim3A_524 : vector<16x1xi32> to vector<16xi32>
      %gather3A_526 = tpu.dynamic_gather %masked_sort3A_505[%gather3A_525] in [0] : vector<16xi32>, vector<16xi32> -> vector<16xi32>
      %broadcast_in_dim3A_527 = vector.shape_cast %max3A_523 : vector<16xi32> to vector<16x1xi32>
      %gather3A_528 = vector.shape_cast %broadcast_in_dim3A_527 : vector<16x1xi32> to vector<16xi32>
      %gather3A_529 = tpu.dynamic_gather %select_n3A[%gather3A_528] in [0] : vector<16xf32>, vector<16xi32> -> vector<16xf32>
      %ge3A_530 = arith.constant 2 : i32
      %ge3A_531 = vector.broadcast %ge3A_530 : i32 to vector<16xi32>
      %ge3A_532 = arith.cmpi sge, %iota3A, %ge3A_531 : vector<16xi32>
      %eq3A_533 = arith.cmpi eq, %gather3A_526, %masked_sort3A_505 : vector<16xi32>
      %and3A_534 = arith.andi %ge3A_532, %eq3A_533 : vector<16xi1>
      %min3A_535 = arith.minimumf %select_n3A, %gather3A_529 : vector<16xf32>
      %select_n3A_536 = arith.select %and3A_534, %min3A_535, %select_n3A : vector<16xi1>, vector<16xf32>
      %sub3A_537 = arith.constant 4 : i32
      %sub3A_538 = vector.broadcast %sub3A_537 : i32 to vector<16xi32>
      %sub3A_539 = arith.subi %iota3A, %sub3A_538 : vector<16xi32>
      %max3A_540 = arith.constant 0 : i32
      %max3A_541 = vector.broadcast %max3A_540 : i32 to vector<16xi32>
      %max3A_542 = arith.maxsi %sub3A_539, %max3A_541 : vector<16xi32>
      %broadcast_in_dim3A_543 = vector.shape_cast %max3A_542 : vector<16xi32> to vector<16x1xi32>
      %gather3A_544 = vector.shape_cast %broadcast_in_dim3A_543 : vector<16x1xi32> to vector<16xi32>
      %gather3A_545 = tpu.dynamic_gather %masked_sort3A_505[%gather3A_544] in [0] : vector<16xi32>, vector<16xi32> -> vector<16xi32>
      %broadcast_in_dim3A_546 = vector.shape_cast %max3A_542 : vector<16xi32> to vector<16x1xi32>
      %gather3A_547 = vector.shape_cast %broadcast_in_dim3A_546 : vector<16x1xi32> to vector<16xi32>
      %gather3A_548 = tpu.dynamic_gather %select_n3A_536[%gather3A_547] in [0] : vector<16xf32>, vector<16xi32> -> vector<16xf32>
      %ge3A_549 = arith.constant 4 : i32
      %ge3A_550 = vector.broadcast %ge3A_549 : i32 to vector<16xi32>
      %ge3A_551 = arith.cmpi sge, %iota3A, %ge3A_550 : vector<16xi32>
      %eq3A_552 = arith.cmpi eq, %gather3A_545, %masked_sort3A_505 : vector<16xi32>
      %and3A_553 = arith.andi %ge3A_551, %eq3A_552 : vector<16xi1>
      %min3A_554 = arith.minimumf %select_n3A_536, %gather3A_548 : vector<16xf32>
      %select_n3A_555 = arith.select %and3A_553, %min3A_554, %select_n3A_536 : vector<16xi1>, vector<16xf32>
      %sub3A_556 = arith.constant 8 : i32
      %sub3A_557 = vector.broadcast %sub3A_556 : i32 to vector<16xi32>
      %sub3A_558 = arith.subi %iota3A, %sub3A_557 : vector<16xi32>
      %max3A_559 = arith.constant 0 : i32
      %max3A_560 = vector.broadcast %max3A_559 : i32 to vector<16xi32>
      %max3A_561 = arith.maxsi %sub3A_558, %max3A_560 : vector<16xi32>
      %broadcast_in_dim3A_562 = vector.shape_cast %max3A_561 : vector<16xi32> to vector<16x1xi32>
      %gather3A_563 = vector.shape_cast %broadcast_in_dim3A_562 : vector<16x1xi32> to vector<16xi32>
      %gather3A_564 = tpu.dynamic_gather %masked_sort3A_505[%gather3A_563] in [0] : vector<16xi32>, vector<16xi32> -> vector<16xi32>
      %broadcast_in_dim3A_565 = vector.shape_cast %max3A_561 : vector<16xi32> to vector<16x1xi32>
      %gather3A_566 = vector.shape_cast %broadcast_in_dim3A_565 : vector<16x1xi32> to vector<16xi32>
      %gather3A_567 = tpu.dynamic_gather %select_n3A_555[%gather3A_566] in [0] : vector<16xf32>, vector<16xi32> -> vector<16xf32>
      %ge3A_568 = arith.constant 8 : i32
      %ge3A_569 = vector.broadcast %ge3A_568 : i32 to vector<16xi32>
      %ge3A_570 = arith.cmpi sge, %iota3A, %ge3A_569 : vector<16xi32>
      %eq3A_571 = arith.cmpi eq, %gather3A_564, %masked_sort3A_505 : vector<16xi32>
      %and3A_572 = arith.andi %ge3A_570, %eq3A_571 : vector<16xi1>
      %min3A_573 = arith.minimumf %select_n3A_555, %gather3A_567 : vector<16xf32>
      %select_n3A_574 = arith.select %and3A_572, %min3A_573, %select_n3A_555 : vector<16xi1>, vector<16xf32>
      %add3A_575 = arith.constant 1 : i32
      %add3A_576 = vector.broadcast %add3A_575 : i32 to vector<16xi32>
      %add3A_577 = arith.addi %iota3A, %add3A_576 : vector<16xi32>
      %min3A_578 = arith.constant 15 : i32
      %min3A_579 = vector.broadcast %min3A_578 : i32 to vector<16xi32>
      %min3A_580 = arith.minsi %add3A_577, %min3A_579 : vector<16xi32>
      %broadcast_in_dim3A_581 = vector.shape_cast %min3A_580 : vector<16xi32> to vector<16x1xi32>
      %gather3A_582 = vector.shape_cast %broadcast_in_dim3A_581 : vector<16x1xi32> to vector<16xi32>
      %gather3A_583 = tpu.dynamic_gather %masked_sort3A_505[%gather3A_582] in [0] : vector<16xi32>, vector<16xi32> -> vector<16xi32>
      %eq3A_584 = arith.constant 15 : i32
      %eq3A_585 = vector.broadcast %eq3A_584 : i32 to vector<16xi32>
      %eq3A_586 = arith.cmpi eq, %iota3A, %eq3A_585 : vector<16xi32>
      %ne3A = arith.cmpi ne, %gather3A_583, %masked_sort3A_505 : vector<16xi32>
      %or3A = arith.ori %eq3A_586, %ne3A : vector<16xi1>
      %gather3A_587 = tpu.vector_load_idx %arg6[%masked_sort3A_505] : memref<50000xf32, #tpu.memory_space<vmem>>[vector<16xi32>], vector<16xf32>,
      %min3A_588 = arith.minimumf %gather3A_587, %select_n3A_574 : vector<16xf32>
      tpu.vector_store_idx %arg6[%masked_sort3A_505], %min3A_588 masked %or3A : memref<50000xf32, #tpu.memory_space<vmem>>[vector<16xi32>], vector<16xf32>, vector<16xi1>
      %scan3A_589 = arith.constant 0 : i32
      scf.yield %scan3A_589 : i32
    }
    %scan3A_72 = arith.constant 125 : i32
    %add3A_73 = arith.constant 8000 : i32
    %add3A_74 = arith.addi %mul3A_2, %add3A_73 : i32
    %dma_start3A_75 = tpu.memref_slice %arg2[%add3A_74] : memref<3200000xi32, #tpu.memory_space<hbm>> -> memref<2000xi32, #tpu.memory_space<hbm>>
    %dma_start3A_76 = tpu.memref_slice %arg2[%add3A_74] : memref<3200000xi32, #tpu.memory_space<hbm>> -> memref<2000xi32, #tpu.memory_space<hbm>>
    tpu.enqueue_dma source(%dma_start3A_76 : memref<2000xi32, #tpu.memory_space<hbm>>) target(%arg7 : memref<2000xi32, #tpu.memory_space<vmem>>) target_semaphore(%arg11 : memref<!tpu.dma_semaphore, #tpu.memory_space<semaphore_mem>>)
    %add3A_77 = arith.constant 1600000 : i32
    %add3A_78 = arith.addi %add3A_77, %add3A_74 : i32
    %dma_start3A_79 = tpu.memref_slice %arg2[%add3A_78] : memref<3200000xi32, #tpu.memory_space<hbm>> -> memref<2000xi32, #tpu.memory_space<hbm>>
    %dma_start3A_80 = tpu.memref_slice %arg2[%add3A_78] : memref<3200000xi32, #tpu.memory_space<hbm>> -> memref<2000xi32, #tpu.memory_space<hbm>>
    tpu.enqueue_dma source(%dma_start3A_80 : memref<2000xi32, #tpu.memory_space<hbm>>) target(%arg8 : memref<2000xi32, #tpu.memory_space<vmem>>) target_semaphore(%arg11 : memref<!tpu.dma_semaphore, #tpu.memory_space<semaphore_mem>>)
    %dma_wait3A_81 = tpu.memref_slice %arg2[%add3A_55] : memref<3200000xi32, #tpu.memory_space<hbm>> -> memref<2000xi32, #tpu.memory_space<hbm>>
    %dma_wait3A_82 = tpu.memref_slice %arg2[%add3A_55] : memref<3200000xi32, #tpu.memory_space<hbm>> -> memref<2000xi32, #tpu.memory_space<hbm>>
    tpu.wait_dma2 semaphore(%arg12 : memref<!tpu.dma_semaphore, #tpu.memory_space<semaphore_mem>>) src(%dma_wait3A_82 : memref<2000xi32, #tpu.memory_space<hbm>>) dst(%arg9 : memref<2000xi32, #tpu.memory_space<vmem>>)
    %dma_wait3A_83 = tpu.memref_slice %arg2[%add3A_59] : memref<3200000xi32, #tpu.memory_space<hbm>> -> memref<2000xi32, #tpu.memory_space<hbm>>
    %dma_wait3A_84 = tpu.memref_slice %arg2[%add3A_59] : memref<3200000xi32, #tpu.memory_space<hbm>> -> memref<2000xi32, #tpu.memory_space<hbm>>
    tpu.wait_dma2 semaphore(%arg12 : memref<!tpu.dma_semaphore, #tpu.memory_space<semaphore_mem>>) src(%dma_wait3A_84 : memref<2000xi32, #tpu.memory_space<hbm>>) dst(%arg10 : memref<2000xi32, #tpu.memory_space<vmem>>)
    %scan3A_85 = arith.constant 0 : i32
    %scan3A_86 = arith.constant 0 : i32
    %scan3A_87 = arith.constant 125 : i32
    %scan3A_88 = arith.addi %scan3A_86, %scan3A_87 : i32
    %scan3A_89 = arith.constant 1 : i32
    %scan3A_90 = scf.for %scan3A_490 = %scan3A_86 to %scan3A_88 step %scan3A_89 iter_args(%scan3A_491 = %scan3A_85) -> (i32)  : i32 {
      %mul3A_492 = arith.constant 16 : i32
      %mul3A_493 = arith.muli %scan3A_490, %mul3A_492 : i32
      %get3A = arith.index_cast %mul3A_493 : i32 to index
      %get3A_494 = tpu.vector_load %arg9[%get3A] {strides = array<i32>} : memref<2000xi32, #tpu.memory_space<vmem>>, vector<16xi32>,
      %mul3A_495 = arith.constant 16 : i32
      %mul3A_496 = arith.muli %scan3A_490, %mul3A_495 : i32
      %get3A_497 = arith.index_cast %mul3A_496 : i32 to index
      %get3A_498 = tpu.vector_load %arg10[%get3A_497] {strides = array<i32>} : memref<2000xi32, #tpu.memory_space<vmem>>, vector<16xi32>,
      %gather3A = tpu.vector_load_idx %arg5[%get3A_494] : memref<50000xf32, #tpu.memory_space<vmem>>[vector<16xi32>], vector<16xf32>,
      %masked_sort3A = arith.constant dense<true> : vector<16xi1>
      %masked_sort3A_499 = arith.constant -2147483648 : i32
      %masked_sort3A_500 = vector.broadcast %masked_sort3A_499 : i32 to vector<16xi32>
      %masked_sort3A_501 = arith.xori %get3A_498, %masked_sort3A_500 : vector<16xi32>
      %masked_sort3A_502, %masked_sort3A_503, %masked_sort3A_504 = tpu.sort %masked_sort3A_501, %gather3A masked %masked_sort3A : (vector<16xi32>, vector<16xf32>, vector<16xi1>) -> (vector<16xi1>, vector<16xi32>, vector<16xf32>)
      %masked_sort3A_505 = arith.xori %masked_sort3A_503, %masked_sort3A_500 : vector<16xi32>
      %sub3A = arith.constant 1 : i32
      %sub3A_506 = vector.broadcast %sub3A : i32 to vector<16xi32>
      %sub3A_507 = arith.subi %iota3A, %sub3A_506 : vector<16xi32>
      %max3A = arith.constant 0 : i32
      %max3A_508 = vector.broadcast %max3A : i32 to vector<16xi32>
      %max3A_509 = arith.maxsi %sub3A_507, %max3A_508 : vector<16xi32>
      %broadcast_in_dim3A_510 = vector.shape_cast %max3A_509 : vector<16xi32> to vector<16x1xi32>
      %gather3A_511 = vector.shape_cast %broadcast_in_dim3A_510 : vector<16x1xi32> to vector<16xi32>
      %gather3A_512 = tpu.dynamic_gather %masked_sort3A_505[%gather3A_511] in [0] : vector<16xi32>, vector<16xi32> -> vector<16xi32>
      %broadcast_in_dim3A_513 = vector.shape_cast %max3A_509 : vector<16xi32> to vector<16x1xi32>
      %gather3A_514 = vector.shape_cast %broadcast_in_dim3A_513 : vector<16x1xi32> to vector<16xi32>
      %gather3A_515 = tpu.dynamic_gather %masked_sort3A_504[%gather3A_514] in [0] : vector<16xf32>, vector<16xi32> -> vector<16xf32>
      %ge3A = arith.constant 1 : i32
      %ge3A_516 = vector.broadcast %ge3A : i32 to vector<16xi32>
      %ge3A_517 = arith.cmpi sge, %iota3A, %ge3A_516 : vector<16xi32>
      %eq3A = arith.cmpi eq, %gather3A_512, %masked_sort3A_505 : vector<16xi32>
      %and3A = arith.andi %ge3A_517, %eq3A : vector<16xi1>
      %min3A = arith.minimumf %masked_sort3A_504, %gather3A_515 : vector<16xf32>
      %select_n3A = arith.select %and3A, %min3A, %masked_sort3A_504 : vector<16xi1>, vector<16xf32>
      %sub3A_518 = arith.constant 2 : i32
      %sub3A_519 = vector.broadcast %sub3A_518 : i32 to vector<16xi32>
      %sub3A_520 = arith.subi %iota3A, %sub3A_519 : vector<16xi32>
      %max3A_521 = arith.constant 0 : i32
      %max3A_522 = vector.broadcast %max3A_521 : i32 to vector<16xi32>
      %max3A_523 = arith.maxsi %sub3A_520, %max3A_522 : vector<16xi32>
      %broadcast_in_dim3A_524 = vector.shape_cast %max3A_523 : vector<16xi32> to vector<16x1xi32>
      %gather3A_525 = vector.shape_cast %broadcast_in_dim3A_524 : vector<16x1xi32> to vector<16xi32>
      %gather3A_526 = tpu.dynamic_gather %masked_sort3A_505[%gather3A_525] in [0] : vector<16xi32>, vector<16xi32> -> vector<16xi32>
      %broadcast_in_dim3A_527 = vector.shape_cast %max3A_523 : vector<16xi32> to vector<16x1xi32>
      %gather3A_528 = vector.shape_cast %broadcast_in_dim3A_527 : vector<16x1xi32> to vector<16xi32>
      %gather3A_529 = tpu.dynamic_gather %select_n3A[%gather3A_528] in [0] : vector<16xf32>, vector<16xi32> -> vector<16xf32>
      %ge3A_530 = arith.constant 2 : i32
      %ge3A_531 = vector.broadcast %ge3A_530 : i32 to vector<16xi32>
      %ge3A_532 = arith.cmpi sge, %iota3A, %ge3A_531 : vector<16xi32>
      %eq3A_533 = arith.cmpi eq, %gather3A_526, %masked_sort3A_505 : vector<16xi32>
      %and3A_534 = arith.andi %ge3A_532, %eq3A_533 : vector<16xi1>
      %min3A_535 = arith.minimumf %select_n3A, %gather3A_529 : vector<16xf32>
      %select_n3A_536 = arith.select %and3A_534, %min3A_535, %select_n3A : vector<16xi1>, vector<16xf32>
      %sub3A_537 = arith.constant 4 : i32
      %sub3A_538 = vector.broadcast %sub3A_537 : i32 to vector<16xi32>
      %sub3A_539 = arith.subi %iota3A, %sub3A_538 : vector<16xi32>
      %max3A_540 = arith.constant 0 : i32
      %max3A_541 = vector.broadcast %max3A_540 : i32 to vector<16xi32>
      %max3A_542 = arith.maxsi %sub3A_539, %max3A_541 : vector<16xi32>
      %broadcast_in_dim3A_543 = vector.shape_cast %max3A_542 : vector<16xi32> to vector<16x1xi32>
      %gather3A_544 = vector.shape_cast %broadcast_in_dim3A_543 : vector<16x1xi32> to vector<16xi32>
      %gather3A_545 = tpu.dynamic_gather %masked_sort3A_505[%gather3A_544] in [0] : vector<16xi32>, vector<16xi32> -> vector<16xi32>
      %broadcast_in_dim3A_546 = vector.shape_cast %max3A_542 : vector<16xi32> to vector<16x1xi32>
      %gather3A_547 = vector.shape_cast %broadcast_in_dim3A_546 : vector<16x1xi32> to vector<16xi32>
      %gather3A_548 = tpu.dynamic_gather %select_n3A_536[%gather3A_547] in [0] : vector<16xf32>, vector<16xi32> -> vector<16xf32>
      %ge3A_549 = arith.constant 4 : i32
      %ge3A_550 = vector.broadcast %ge3A_549 : i32 to vector<16xi32>
      %ge3A_551 = arith.cmpi sge, %iota3A, %ge3A_550 : vector<16xi32>
      %eq3A_552 = arith.cmpi eq, %gather3A_545, %masked_sort3A_505 : vector<16xi32>
      %and3A_553 = arith.andi %ge3A_551, %eq3A_552 : vector<16xi1>
      %min3A_554 = arith.minimumf %select_n3A_536, %gather3A_548 : vector<16xf32>
      %select_n3A_555 = arith.select %and3A_553, %min3A_554, %select_n3A_536 : vector<16xi1>, vector<16xf32>
      %sub3A_556 = arith.constant 8 : i32
      %sub3A_557 = vector.broadcast %sub3A_556 : i32 to vector<16xi32>
      %sub3A_558 = arith.subi %iota3A, %sub3A_557 : vector<16xi32>
      %max3A_559 = arith.constant 0 : i32
      %max3A_560 = vector.broadcast %max3A_559 : i32 to vector<16xi32>
      %max3A_561 = arith.maxsi %sub3A_558, %max3A_560 : vector<16xi32>
      %broadcast_in_dim3A_562 = vector.shape_cast %max3A_561 : vector<16xi32> to vector<16x1xi32>
      %gather3A_563 = vector.shape_cast %broadcast_in_dim3A_562 : vector<16x1xi32> to vector<16xi32>
      %gather3A_564 = tpu.dynamic_gather %masked_sort3A_505[%gather3A_563] in [0] : vector<16xi32>, vector<16xi32> -> vector<16xi32>
      %broadcast_in_dim3A_565 = vector.shape_cast %max3A_561 : vector<16xi32> to vector<16x1xi32>
      %gather3A_566 = vector.shape_cast %broadcast_in_dim3A_565 : vector<16x1xi32> to vector<16xi32>
      %gather3A_567 = tpu.dynamic_gather %select_n3A_555[%gather3A_566] in [0] : vector<16xf32>, vector<16xi32> -> vector<16xf32>
      %ge3A_568 = arith.constant 8 : i32
      %ge3A_569 = vector.broadcast %ge3A_568 : i32 to vector<16xi32>
      %ge3A_570 = arith.cmpi sge, %iota3A, %ge3A_569 : vector<16xi32>
      %eq3A_571 = arith.cmpi eq, %gather3A_564, %masked_sort3A_505 : vector<16xi32>
      %and3A_572 = arith.andi %ge3A_570, %eq3A_571 : vector<16xi1>
      %min3A_573 = arith.minimumf %select_n3A_555, %gather3A_567 : vector<16xf32>
      %select_n3A_574 = arith.select %and3A_572, %min3A_573, %select_n3A_555 : vector<16xi1>, vector<16xf32>
      %add3A_575 = arith.constant 1 : i32
      %add3A_576 = vector.broadcast %add3A_575 : i32 to vector<16xi32>
      %add3A_577 = arith.addi %iota3A, %add3A_576 : vector<16xi32>
      %min3A_578 = arith.constant 15 : i32
      %min3A_579 = vector.broadcast %min3A_578 : i32 to vector<16xi32>
      %min3A_580 = arith.minsi %add3A_577, %min3A_579 : vector<16xi32>
      %broadcast_in_dim3A_581 = vector.shape_cast %min3A_580 : vector<16xi32> to vector<16x1xi32>
      %gather3A_582 = vector.shape_cast %broadcast_in_dim3A_581 : vector<16x1xi32> to vector<16xi32>
      %gather3A_583 = tpu.dynamic_gather %masked_sort3A_505[%gather3A_582] in [0] : vector<16xi32>, vector<16xi32> -> vector<16xi32>
      %eq3A_584 = arith.constant 15 : i32
      %eq3A_585 = vector.broadcast %eq3A_584 : i32 to vector<16xi32>
      %eq3A_586 = arith.cmpi eq, %iota3A, %eq3A_585 : vector<16xi32>
      %ne3A = arith.cmpi ne, %gather3A_583, %masked_sort3A_505 : vector<16xi32>
      %or3A = arith.ori %eq3A_586, %ne3A : vector<16xi1>
      %gather3A_587 = tpu.vector_load_idx %arg6[%masked_sort3A_505] : memref<50000xf32, #tpu.memory_space<vmem>>[vector<16xi32>], vector<16xf32>,
      %min3A_588 = arith.minimumf %gather3A_587, %select_n3A_574 : vector<16xf32>
      tpu.vector_store_idx %arg6[%masked_sort3A_505], %min3A_588 masked %or3A : memref<50000xf32, #tpu.memory_space<vmem>>[vector<16xi32>], vector<16xf32>, vector<16xi1>
      %scan3A_589 = arith.constant 0 : i32
      scf.yield %scan3A_589 : i32
    }
    %scan3A_91 = arith.constant 125 : i32
    %add3A_92 = arith.constant 10000 : i32
    %add3A_93 = arith.addi %mul3A_2, %add3A_92 : i32
    %dma_start3A_94 = tpu.memref_slice %arg2[%add3A_93] : memref<3200000xi32, #tpu.memory_space<hbm>> -> memref<2000xi32, #tpu.memory_space<hbm>>
    %dma_start3A_95 = tpu.memref_slice %arg2[%add3A_93] : memref<3200000xi32, #tpu.memory_space<hbm>> -> memref<2000xi32, #tpu.memory_space<hbm>>
    tpu.enqueue_dma source(%dma_start3A_95 : memref<2000xi32, #tpu.memory_space<hbm>>) target(%arg9 : memref<2000xi32, #tpu.memory_space<vmem>>) target_semaphore(%arg12 : memref<!tpu.dma_semaphore, #tpu.memory_space<semaphore_mem>>)
    %add3A_96 = arith.constant 1600000 : i32
    %add3A_97 = arith.addi %add3A_96, %add3A_93 : i32
    %dma_start3A_98 = tpu.memref_slice %arg2[%add3A_97] : memref<3200000xi32, #tpu.memory_space<hbm>> -> memref<2000xi32, #tpu.memory_space<hbm>>
    %dma_start3A_99 = tpu.memref_slice %arg2[%add3A_97] : memref<3200000xi32, #tpu.memory_space<hbm>> -> memref<2000xi32, #tpu.memory_space<hbm>>
    tpu.enqueue_dma source(%dma_start3A_99 : memref<2000xi32, #tpu.memory_space<hbm>>) target(%arg10 : memref<2000xi32, #tpu.memory_space<vmem>>) target_semaphore(%arg12 : memref<!tpu.dma_semaphore, #tpu.memory_space<semaphore_mem>>)
    %dma_wait3A_100 = tpu.memref_slice %arg2[%add3A_74] : memref<3200000xi32, #tpu.memory_space<hbm>> -> memref<2000xi32, #tpu.memory_space<hbm>>
    %dma_wait3A_101 = tpu.memref_slice %arg2[%add3A_74] : memref<3200000xi32, #tpu.memory_space<hbm>> -> memref<2000xi32, #tpu.memory_space<hbm>>
    tpu.wait_dma2 semaphore(%arg11 : memref<!tpu.dma_semaphore, #tpu.memory_space<semaphore_mem>>) src(%dma_wait3A_101 : memref<2000xi32, #tpu.memory_space<hbm>>) dst(%arg7 : memref<2000xi32, #tpu.memory_space<vmem>>)
    %dma_wait3A_102 = tpu.memref_slice %arg2[%add3A_78] : memref<3200000xi32, #tpu.memory_space<hbm>> -> memref<2000xi32, #tpu.memory_space<hbm>>
    %dma_wait3A_103 = tpu.memref_slice %arg2[%add3A_78] : memref<3200000xi32, #tpu.memory_space<hbm>> -> memref<2000xi32, #tpu.memory_space<hbm>>
    tpu.wait_dma2 semaphore(%arg11 : memref<!tpu.dma_semaphore, #tpu.memory_space<semaphore_mem>>) src(%dma_wait3A_103 : memref<2000xi32, #tpu.memory_space<hbm>>) dst(%arg8 : memref<2000xi32, #tpu.memory_space<vmem>>)
    %scan3A_104 = arith.constant 0 : i32
    %scan3A_105 = arith.constant 0 : i32
    %scan3A_106 = arith.constant 125 : i32
    %scan3A_107 = arith.addi %scan3A_105, %scan3A_106 : i32
    %scan3A_108 = arith.constant 1 : i32
    %scan3A_109 = scf.for %scan3A_490 = %scan3A_105 to %scan3A_107 step %scan3A_108 iter_args(%scan3A_491 = %scan3A_104) -> (i32)  : i32 {
      %mul3A_492 = arith.constant 16 : i32
      %mul3A_493 = arith.muli %scan3A_490, %mul3A_492 : i32
      %get3A = arith.index_cast %mul3A_493 : i32 to index
      %get3A_494 = tpu.vector_load %arg7[%get3A] {strides = array<i32>} : memref<2000xi32, #tpu.memory_space<vmem>>, vector<16xi32>,
      %mul3A_495 = arith.constant 16 : i32
      %mul3A_496 = arith.muli %scan3A_490, %mul3A_495 : i32
      %get3A_497 = arith.index_cast %mul3A_496 : i32 to index
      %get3A_498 = tpu.vector_load %arg8[%get3A_497] {strides = array<i32>} : memref<2000xi32, #tpu.memory_space<vmem>>, vector<16xi32>,
      %gather3A = tpu.vector_load_idx %arg5[%get3A_494] : memref<50000xf32, #tpu.memory_space<vmem>>[vector<16xi32>], vector<16xf32>,
      %masked_sort3A = arith.constant dense<true> : vector<16xi1>
      %masked_sort3A_499 = arith.constant -2147483648 : i32
      %masked_sort3A_500 = vector.broadcast %masked_sort3A_499 : i32 to vector<16xi32>
      %masked_sort3A_501 = arith.xori %get3A_498, %masked_sort3A_500 : vector<16xi32>
      %masked_sort3A_502, %masked_sort3A_503, %masked_sort3A_504 = tpu.sort %masked_sort3A_501, %gather3A masked %masked_sort3A : (vector<16xi32>, vector<16xf32>, vector<16xi1>) -> (vector<16xi1>, vector<16xi32>, vector<16xf32>)
      %masked_sort3A_505 = arith.xori %masked_sort3A_503, %masked_sort3A_500 : vector<16xi32>
      %sub3A = arith.constant 1 : i32
      %sub3A_506 = vector.broadcast %sub3A : i32 to vector<16xi32>
      %sub3A_507 = arith.subi %iota3A, %sub3A_506 : vector<16xi32>
      %max3A = arith.constant 0 : i32
      %max3A_508 = vector.broadcast %max3A : i32 to vector<16xi32>
      %max3A_509 = arith.maxsi %sub3A_507, %max3A_508 : vector<16xi32>
      %broadcast_in_dim3A_510 = vector.shape_cast %max3A_509 : vector<16xi32> to vector<16x1xi32>
      %gather3A_511 = vector.shape_cast %broadcast_in_dim3A_510 : vector<16x1xi32> to vector<16xi32>
      %gather3A_512 = tpu.dynamic_gather %masked_sort3A_505[%gather3A_511] in [0] : vector<16xi32>, vector<16xi32> -> vector<16xi32>
      %broadcast_in_dim3A_513 = vector.shape_cast %max3A_509 : vector<16xi32> to vector<16x1xi32>
      %gather3A_514 = vector.shape_cast %broadcast_in_dim3A_513 : vector<16x1xi32> to vector<16xi32>
      %gather3A_515 = tpu.dynamic_gather %masked_sort3A_504[%gather3A_514] in [0] : vector<16xf32>, vector<16xi32> -> vector<16xf32>
      %ge3A = arith.constant 1 : i32
      %ge3A_516 = vector.broadcast %ge3A : i32 to vector<16xi32>
      %ge3A_517 = arith.cmpi sge, %iota3A, %ge3A_516 : vector<16xi32>
      %eq3A = arith.cmpi eq, %gather3A_512, %masked_sort3A_505 : vector<16xi32>
      %and3A = arith.andi %ge3A_517, %eq3A : vector<16xi1>
      %min3A = arith.minimumf %masked_sort3A_504, %gather3A_515 : vector<16xf32>
      %select_n3A = arith.select %and3A, %min3A, %masked_sort3A_504 : vector<16xi1>, vector<16xf32>
      %sub3A_518 = arith.constant 2 : i32
      %sub3A_519 = vector.broadcast %sub3A_518 : i32 to vector<16xi32>
      %sub3A_520 = arith.subi %iota3A, %sub3A_519 : vector<16xi32>
      %max3A_521 = arith.constant 0 : i32
      %max3A_522 = vector.broadcast %max3A_521 : i32 to vector<16xi32>
      %max3A_523 = arith.maxsi %sub3A_520, %max3A_522 : vector<16xi32>
      %broadcast_in_dim3A_524 = vector.shape_cast %max3A_523 : vector<16xi32> to vector<16x1xi32>
      %gather3A_525 = vector.shape_cast %broadcast_in_dim3A_524 : vector<16x1xi32> to vector<16xi32>
      %gather3A_526 = tpu.dynamic_gather %masked_sort3A_505[%gather3A_525] in [0] : vector<16xi32>, vector<16xi32> -> vector<16xi32>
      %broadcast_in_dim3A_527 = vector.shape_cast %max3A_523 : vector<16xi32> to vector<16x1xi32>
      %gather3A_528 = vector.shape_cast %broadcast_in_dim3A_527 : vector<16x1xi32> to vector<16xi32>
      %gather3A_529 = tpu.dynamic_gather %select_n3A[%gather3A_528] in [0] : vector<16xf32>, vector<16xi32> -> vector<16xf32>
      %ge3A_530 = arith.constant 2 : i32
      %ge3A_531 = vector.broadcast %ge3A_530 : i32 to vector<16xi32>
      %ge3A_532 = arith.cmpi sge, %iota3A, %ge3A_531 : vector<16xi32>
      %eq3A_533 = arith.cmpi eq, %gather3A_526, %masked_sort3A_505 : vector<16xi32>
      %and3A_534 = arith.andi %ge3A_532, %eq3A_533 : vector<16xi1>
      %min3A_535 = arith.minimumf %select_n3A, %gather3A_529 : vector<16xf32>
      %select_n3A_536 = arith.select %and3A_534, %min3A_535, %select_n3A : vector<16xi1>, vector<16xf32>
      %sub3A_537 = arith.constant 4 : i32
      %sub3A_538 = vector.broadcast %sub3A_537 : i32 to vector<16xi32>
      %sub3A_539 = arith.subi %iota3A, %sub3A_538 : vector<16xi32>
      %max3A_540 = arith.constant 0 : i32
      %max3A_541 = vector.broadcast %max3A_540 : i32 to vector<16xi32>
      %max3A_542 = arith.maxsi %sub3A_539, %max3A_541 : vector<16xi32>
      %broadcast_in_dim3A_543 = vector.shape_cast %max3A_542 : vector<16xi32> to vector<16x1xi32>
      %gather3A_544 = vector.shape_cast %broadcast_in_dim3A_543 : vector<16x1xi32> to vector<16xi32>
      %gather3A_545 = tpu.dynamic_gather %masked_sort3A_505[%gather3A_544] in [0] : vector<16xi32>, vector<16xi32> -> vector<16xi32>
      %broadcast_in_dim3A_546 = vector.shape_cast %max3A_542 : vector<16xi32> to vector<16x1xi32>
      %gather3A_547 = vector.shape_cast %broadcast_in_dim3A_546 : vector<16x1xi32> to vector<16xi32>
      %gather3A_548 = tpu.dynamic_gather %select_n3A_536[%gather3A_547] in [0] : vector<16xf32>, vector<16xi32> -> vector<16xf32>
      %ge3A_549 = arith.constant 4 : i32
      %ge3A_550 = vector.broadcast %ge3A_549 : i32 to vector<16xi32>
      %ge3A_551 = arith.cmpi sge, %iota3A, %ge3A_550 : vector<16xi32>
      %eq3A_552 = arith.cmpi eq, %gather3A_545, %masked_sort3A_505 : vector<16xi32>
      %and3A_553 = arith.andi %ge3A_551, %eq3A_552 : vector<16xi1>
      %min3A_554 = arith.minimumf %select_n3A_536, %gather3A_548 : vector<16xf32>
      %select_n3A_555 = arith.select %and3A_553, %min3A_554, %select_n3A_536 : vector<16xi1>, vector<16xf32>
      %sub3A_556 = arith.constant 8 : i32
      %sub3A_557 = vector.broadcast %sub3A_556 : i32 to vector<16xi32>
      %sub3A_558 = arith.subi %iota3A, %sub3A_557 : vector<16xi32>
      %max3A_559 = arith.constant 0 : i32
      %max3A_560 = vector.broadcast %max3A_559 : i32 to vector<16xi32>
      %max3A_561 = arith.maxsi %sub3A_558, %max3A_560 : vector<16xi32>
      %broadcast_in_dim3A_562 = vector.shape_cast %max3A_561 : vector<16xi32> to vector<16x1xi32>
      %gather3A_563 = vector.shape_cast %broadcast_in_dim3A_562 : vector<16x1xi32> to vector<16xi32>
      %gather3A_564 = tpu.dynamic_gather %masked_sort3A_505[%gather3A_563] in [0] : vector<16xi32>, vector<16xi32> -> vector<16xi32>
      %broadcast_in_dim3A_565 = vector.shape_cast %max3A_561 : vector<16xi32> to vector<16x1xi32>
      %gather3A_566 = vector.shape_cast %broadcast_in_dim3A_565 : vector<16x1xi32> to vector<16xi32>
      %gather3A_567 = tpu.dynamic_gather %select_n3A_555[%gather3A_566] in [0] : vector<16xf32>, vector<16xi32> -> vector<16xf32>
      %ge3A_568 = arith.constant 8 : i32
      %ge3A_569 = vector.broadcast %ge3A_568 : i32 to vector<16xi32>
      %ge3A_570 = arith.cmpi sge, %iota3A, %ge3A_569 : vector<16xi32>
      %eq3A_571 = arith.cmpi eq, %gather3A_564, %masked_sort3A_505 : vector<16xi32>
      %and3A_572 = arith.andi %ge3A_570, %eq3A_571 : vector<16xi1>
      %min3A_573 = arith.minimumf %select_n3A_555, %gather3A_567 : vector<16xf32>
      %select_n3A_574 = arith.select %and3A_572, %min3A_573, %select_n3A_555 : vector<16xi1>, vector<16xf32>
      %add3A_575 = arith.constant 1 : i32
      %add3A_576 = vector.broadcast %add3A_575 : i32 to vector<16xi32>
      %add3A_577 = arith.addi %iota3A, %add3A_576 : vector<16xi32>
      %min3A_578 = arith.constant 15 : i32
      %min3A_579 = vector.broadcast %min3A_578 : i32 to vector<16xi32>
      %min3A_580 = arith.minsi %add3A_577, %min3A_579 : vector<16xi32>
      %broadcast_in_dim3A_581 = vector.shape_cast %min3A_580 : vector<16xi32> to vector<16x1xi32>
      %gather3A_582 = vector.shape_cast %broadcast_in_dim3A_581 : vector<16x1xi32> to vector<16xi32>
      %gather3A_583 = tpu.dynamic_gather %masked_sort3A_505[%gather3A_582] in [0] : vector<16xi32>, vector<16xi32> -> vector<16xi32>
      %eq3A_584 = arith.constant 15 : i32
      %eq3A_585 = vector.broadcast %eq3A_584 : i32 to vector<16xi32>
      %eq3A_586 = arith.cmpi eq, %iota3A, %eq3A_585 : vector<16xi32>
      %ne3A = arith.cmpi ne, %gather3A_583, %masked_sort3A_505 : vector<16xi32>
      %or3A = arith.ori %eq3A_586, %ne3A : vector<16xi1>
      %gather3A_587 = tpu.vector_load_idx %arg6[%masked_sort3A_505] : memref<50000xf32, #tpu.memory_space<vmem>>[vector<16xi32>], vector<16xf32>,
      %min3A_588 = arith.minimumf %gather3A_587, %select_n3A_574 : vector<16xf32>
      tpu.vector_store_idx %arg6[%masked_sort3A_505], %min3A_588 masked %or3A : memref<50000xf32, #tpu.memory_space<vmem>>[vector<16xi32>], vector<16xf32>, vector<16xi1>
      %scan3A_589 = arith.constant 0 : i32
      scf.yield %scan3A_589 : i32
    }
    %scan3A_110 = arith.constant 125 : i32
    %add3A_111 = arith.constant 12000 : i32
    %add3A_112 = arith.addi %mul3A_2, %add3A_111 : i32
    %dma_start3A_113 = tpu.memref_slice %arg2[%add3A_112] : memref<3200000xi32, #tpu.memory_space<hbm>> -> memref<2000xi32, #tpu.memory_space<hbm>>
    %dma_start3A_114 = tpu.memref_slice %arg2[%add3A_112] : memref<3200000xi32, #tpu.memory_space<hbm>> -> memref<2000xi32, #tpu.memory_space<hbm>>
    tpu.enqueue_dma source(%dma_start3A_114 : memref<2000xi32, #tpu.memory_space<hbm>>) target(%arg7 : memref<2000xi32, #tpu.memory_space<vmem>>) target_semaphore(%arg11 : memref<!tpu.dma_semaphore, #tpu.memory_space<semaphore_mem>>)
    %add3A_115 = arith.constant 1600000 : i32
    %add3A_116 = arith.addi %add3A_115, %add3A_112 : i32
    %dma_start3A_117 = tpu.memref_slice %arg2[%add3A_116] : memref<3200000xi32, #tpu.memory_space<hbm>> -> memref<2000xi32, #tpu.memory_space<hbm>>
    %dma_start3A_118 = tpu.memref_slice %arg2[%add3A_116] : memref<3200000xi32, #tpu.memory_space<hbm>> -> memref<2000xi32, #tpu.memory_space<hbm>>
    tpu.enqueue_dma source(%dma_start3A_118 : memref<2000xi32, #tpu.memory_space<hbm>>) target(%arg8 : memref<2000xi32, #tpu.memory_space<vmem>>) target_semaphore(%arg11 : memref<!tpu.dma_semaphore, #tpu.memory_space<semaphore_mem>>)
    %dma_wait3A_119 = tpu.memref_slice %arg2[%add3A_93] : memref<3200000xi32, #tpu.memory_space<hbm>> -> memref<2000xi32, #tpu.memory_space<hbm>>
    %dma_wait3A_120 = tpu.memref_slice %arg2[%add3A_93] : memref<3200000xi32, #tpu.memory_space<hbm>> -> memref<2000xi32, #tpu.memory_space<hbm>>
    tpu.wait_dma2 semaphore(%arg12 : memref<!tpu.dma_semaphore, #tpu.memory_space<semaphore_mem>>) src(%dma_wait3A_120 : memref<2000xi32, #tpu.memory_space<hbm>>) dst(%arg9 : memref<2000xi32, #tpu.memory_space<vmem>>)
    %dma_wait3A_121 = tpu.memref_slice %arg2[%add3A_97] : memref<3200000xi32, #tpu.memory_space<hbm>> -> memref<2000xi32, #tpu.memory_space<hbm>>
    %dma_wait3A_122 = tpu.memref_slice %arg2[%add3A_97] : memref<3200000xi32, #tpu.memory_space<hbm>> -> memref<2000xi32, #tpu.memory_space<hbm>>
    tpu.wait_dma2 semaphore(%arg12 : memref<!tpu.dma_semaphore, #tpu.memory_space<semaphore_mem>>) src(%dma_wait3A_122 : memref<2000xi32, #tpu.memory_space<hbm>>) dst(%arg10 : memref<2000xi32, #tpu.memory_space<vmem>>)
    %scan3A_123 = arith.constant 0 : i32
    %scan3A_124 = arith.constant 0 : i32
    %scan3A_125 = arith.constant 125 : i32
    %scan3A_126 = arith.addi %scan3A_124, %scan3A_125 : i32
    %scan3A_127 = arith.constant 1 : i32
    %scan3A_128 = scf.for %scan3A_490 = %scan3A_124 to %scan3A_126 step %scan3A_127 iter_args(%scan3A_491 = %scan3A_123) -> (i32)  : i32 {
      %mul3A_492 = arith.constant 16 : i32
      %mul3A_493 = arith.muli %scan3A_490, %mul3A_492 : i32
      %get3A = arith.index_cast %mul3A_493 : i32 to index
      %get3A_494 = tpu.vector_load %arg9[%get3A] {strides = array<i32>} : memref<2000xi32, #tpu.memory_space<vmem>>, vector<16xi32>,
      %mul3A_495 = arith.constant 16 : i32
      %mul3A_496 = arith.muli %scan3A_490, %mul3A_495 : i32
      %get3A_497 = arith.index_cast %mul3A_496 : i32 to index
      %get3A_498 = tpu.vector_load %arg10[%get3A_497] {strides = array<i32>} : memref<2000xi32, #tpu.memory_space<vmem>>, vector<16xi32>,
      %gather3A = tpu.vector_load_idx %arg5[%get3A_494] : memref<50000xf32, #tpu.memory_space<vmem>>[vector<16xi32>], vector<16xf32>,
      %masked_sort3A = arith.constant dense<true> : vector<16xi1>
      %masked_sort3A_499 = arith.constant -2147483648 : i32
      %masked_sort3A_500 = vector.broadcast %masked_sort3A_499 : i32 to vector<16xi32>
      %masked_sort3A_501 = arith.xori %get3A_498, %masked_sort3A_500 : vector<16xi32>
      %masked_sort3A_502, %masked_sort3A_503, %masked_sort3A_504 = tpu.sort %masked_sort3A_501, %gather3A masked %masked_sort3A : (vector<16xi32>, vector<16xf32>, vector<16xi1>) -> (vector<16xi1>, vector<16xi32>, vector<16xf32>)
      %masked_sort3A_505 = arith.xori %masked_sort3A_503, %masked_sort3A_500 : vector<16xi32>
      %sub3A = arith.constant 1 : i32
      %sub3A_506 = vector.broadcast %sub3A : i32 to vector<16xi32>
      %sub3A_507 = arith.subi %iota3A, %sub3A_506 : vector<16xi32>
      %max3A = arith.constant 0 : i32
      %max3A_508 = vector.broadcast %max3A : i32 to vector<16xi32>
      %max3A_509 = arith.maxsi %sub3A_507, %max3A_508 : vector<16xi32>
      %broadcast_in_dim3A_510 = vector.shape_cast %max3A_509 : vector<16xi32> to vector<16x1xi32>
      %gather3A_511 = vector.shape_cast %broadcast_in_dim3A_510 : vector<16x1xi32> to vector<16xi32>
      %gather3A_512 = tpu.dynamic_gather %masked_sort3A_505[%gather3A_511] in [0] : vector<16xi32>, vector<16xi32> -> vector<16xi32>
      %broadcast_in_dim3A_513 = vector.shape_cast %max3A_509 : vector<16xi32> to vector<16x1xi32>
      %gather3A_514 = vector.shape_cast %broadcast_in_dim3A_513 : vector<16x1xi32> to vector<16xi32>
      %gather3A_515 = tpu.dynamic_gather %masked_sort3A_504[%gather3A_514] in [0] : vector<16xf32>, vector<16xi32> -> vector<16xf32>
      %ge3A = arith.constant 1 : i32
      %ge3A_516 = vector.broadcast %ge3A : i32 to vector<16xi32>
      %ge3A_517 = arith.cmpi sge, %iota3A, %ge3A_516 : vector<16xi32>
      %eq3A = arith.cmpi eq, %gather3A_512, %masked_sort3A_505 : vector<16xi32>
      %and3A = arith.andi %ge3A_517, %eq3A : vector<16xi1>
      %min3A = arith.minimumf %masked_sort3A_504, %gather3A_515 : vector<16xf32>
      %select_n3A = arith.select %and3A, %min3A, %masked_sort3A_504 : vector<16xi1>, vector<16xf32>
      %sub3A_518 = arith.constant 2 : i32
      %sub3A_519 = vector.broadcast %sub3A_518 : i32 to vector<16xi32>
      %sub3A_520 = arith.subi %iota3A, %sub3A_519 : vector<16xi32>
      %max3A_521 = arith.constant 0 : i32
      %max3A_522 = vector.broadcast %max3A_521 : i32 to vector<16xi32>
      %max3A_523 = arith.maxsi %sub3A_520, %max3A_522 : vector<16xi32>
      %broadcast_in_dim3A_524 = vector.shape_cast %max3A_523 : vector<16xi32> to vector<16x1xi32>
      %gather3A_525 = vector.shape_cast %broadcast_in_dim3A_524 : vector<16x1xi32> to vector<16xi32>
      %gather3A_526 = tpu.dynamic_gather %masked_sort3A_505[%gather3A_525] in [0] : vector<16xi32>, vector<16xi32> -> vector<16xi32>
      %broadcast_in_dim3A_527 = vector.shape_cast %max3A_523 : vector<16xi32> to vector<16x1xi32>
      %gather3A_528 = vector.shape_cast %broadcast_in_dim3A_527 : vector<16x1xi32> to vector<16xi32>
      %gather3A_529 = tpu.dynamic_gather %select_n3A[%gather3A_528] in [0] : vector<16xf32>, vector<16xi32> -> vector<16xf32>
      %ge3A_530 = arith.constant 2 : i32
      %ge3A_531 = vector.broadcast %ge3A_530 : i32 to vector<16xi32>
      %ge3A_532 = arith.cmpi sge, %iota3A, %ge3A_531 : vector<16xi32>
      %eq3A_533 = arith.cmpi eq, %gather3A_526, %masked_sort3A_505 : vector<16xi32>
      %and3A_534 = arith.andi %ge3A_532, %eq3A_533 : vector<16xi1>
      %min3A_535 = arith.minimumf %select_n3A, %gather3A_529 : vector<16xf32>
      %select_n3A_536 = arith.select %and3A_534, %min3A_535, %select_n3A : vector<16xi1>, vector<16xf32>
      %sub3A_537 = arith.constant 4 : i32
      %sub3A_538 = vector.broadcast %sub3A_537 : i32 to vector<16xi32>
      %sub3A_539 = arith.subi %iota3A, %sub3A_538 : vector<16xi32>
      %max3A_540 = arith.constant 0 : i32
      %max3A_541 = vector.broadcast %max3A_540 : i32 to vector<16xi32>
      %max3A_542 = arith.maxsi %sub3A_539, %max3A_541 : vector<16xi32>
      %broadcast_in_dim3A_543 = vector.shape_cast %max3A_542 : vector<16xi32> to vector<16x1xi32>
      %gather3A_544 = vector.shape_cast %broadcast_in_dim3A_543 : vector<16x1xi32> to vector<16xi32>
      %gather3A_545 = tpu.dynamic_gather %masked_sort3A_505[%gather3A_544] in [0] : vector<16xi32>, vector<16xi32> -> vector<16xi32>
      %broadcast_in_dim3A_546 = vector.shape_cast %max3A_542 : vector<16xi32> to vector<16x1xi32>
      %gather3A_547 = vector.shape_cast %broadcast_in_dim3A_546 : vector<16x1xi32> to vector<16xi32>
      %gather3A_548 = tpu.dynamic_gather %select_n3A_536[%gather3A_547] in [0] : vector<16xf32>, vector<16xi32> -> vector<16xf32>
      %ge3A_549 = arith.constant 4 : i32
      %ge3A_550 = vector.broadcast %ge3A_549 : i32 to vector<16xi32>
      %ge3A_551 = arith.cmpi sge, %iota3A, %ge3A_550 : vector<16xi32>
      %eq3A_552 = arith.cmpi eq, %gather3A_545, %masked_sort3A_505 : vector<16xi32>
      %and3A_553 = arith.andi %ge3A_551, %eq3A_552 : vector<16xi1>
      %min3A_554 = arith.minimumf %select_n3A_536, %gather3A_548 : vector<16xf32>
      %select_n3A_555 = arith.select %and3A_553, %min3A_554, %select_n3A_536 : vector<16xi1>, vector<16xf32>
      %sub3A_556 = arith.constant 8 : i32
      %sub3A_557 = vector.broadcast %sub3A_556 : i32 to vector<16xi32>
      %sub3A_558 = arith.subi %iota3A, %sub3A_557 : vector<16xi32>
      %max3A_559 = arith.constant 0 : i32
      %max3A_560 = vector.broadcast %max3A_559 : i32 to vector<16xi32>
      %max3A_561 = arith.maxsi %sub3A_558, %max3A_560 : vector<16xi32>
      %broadcast_in_dim3A_562 = vector.shape_cast %max3A_561 : vector<16xi32> to vector<16x1xi32>
      %gather3A_563 = vector.shape_cast %broadcast_in_dim3A_562 : vector<16x1xi32> to vector<16xi32>
      %gather3A_564 = tpu.dynamic_gather %masked_sort3A_505[%gather3A_563] in [0] : vector<16xi32>, vector<16xi32> -> vector<16xi32>
      %broadcast_in_dim3A_565 = vector.shape_cast %max3A_561 : vector<16xi32> to vector<16x1xi32>
      %gather3A_566 = vector.shape_cast %broadcast_in_dim3A_565 : vector<16x1xi32> to vector<16xi32>
      %gather3A_567 = tpu.dynamic_gather %select_n3A_555[%gather3A_566] in [0] : vector<16xf32>, vector<16xi32> -> vector<16xf32>
      %ge3A_568 = arith.constant 8 : i32
      %ge3A_569 = vector.broadcast %ge3A_568 : i32 to vector<16xi32>
      %ge3A_570 = arith.cmpi sge, %iota3A, %ge3A_569 : vector<16xi32>
      %eq3A_571 = arith.cmpi eq, %gather3A_564, %masked_sort3A_505 : vector<16xi32>
      %and3A_572 = arith.andi %ge3A_570, %eq3A_571 : vector<16xi1>
      %min3A_573 = arith.minimumf %select_n3A_555, %gather3A_567 : vector<16xf32>
      %select_n3A_574 = arith.select %and3A_572, %min3A_573, %select_n3A_555 : vector<16xi1>, vector<16xf32>
      %add3A_575 = arith.constant 1 : i32
      %add3A_576 = vector.broadcast %add3A_575 : i32 to vector<16xi32>
      %add3A_577 = arith.addi %iota3A, %add3A_576 : vector<16xi32>
      %min3A_578 = arith.constant 15 : i32
      %min3A_579 = vector.broadcast %min3A_578 : i32 to vector<16xi32>
      %min3A_580 = arith.minsi %add3A_577, %min3A_579 : vector<16xi32>
      %broadcast_in_dim3A_581 = vector.shape_cast %min3A_580 : vector<16xi32> to vector<16x1xi32>
      %gather3A_582 = vector.shape_cast %broadcast_in_dim3A_581 : vector<16x1xi32> to vector<16xi32>
      %gather3A_583 = tpu.dynamic_gather %masked_sort3A_505[%gather3A_582] in [0] : vector<16xi32>, vector<16xi32> -> vector<16xi32>
      %eq3A_584 = arith.constant 15 : i32
      %eq3A_585 = vector.broadcast %eq3A_584 : i32 to vector<16xi32>
      %eq3A_586 = arith.cmpi eq, %iota3A, %eq3A_585 : vector<16xi32>
      %ne3A = arith.cmpi ne, %gather3A_583, %masked_sort3A_505 : vector<16xi32>
      %or3A = arith.ori %eq3A_586, %ne3A : vector<16xi1>
      %gather3A_587 = tpu.vector_load_idx %arg6[%masked_sort3A_505] : memref<50000xf32, #tpu.memory_space<vmem>>[vector<16xi32>], vector<16xf32>,
      %min3A_588 = arith.minimumf %gather3A_587, %select_n3A_574 : vector<16xf32>
      tpu.vector_store_idx %arg6[%masked_sort3A_505], %min3A_588 masked %or3A : memref<50000xf32, #tpu.memory_space<vmem>>[vector<16xi32>], vector<16xf32>, vector<16xi1>
      %scan3A_589 = arith.constant 0 : i32
      scf.yield %scan3A_589 : i32
    }
    %scan3A_129 = arith.constant 125 : i32
    %add3A_130 = arith.constant 14000 : i32
    %add3A_131 = arith.addi %mul3A_2, %add3A_130 : i32
    %dma_start3A_132 = tpu.memref_slice %arg2[%add3A_131] : memref<3200000xi32, #tpu.memory_space<hbm>> -> memref<2000xi32, #tpu.memory_space<hbm>>
    %dma_start3A_133 = tpu.memref_slice %arg2[%add3A_131] : memref<3200000xi32, #tpu.memory_space<hbm>> -> memref<2000xi32, #tpu.memory_space<hbm>>
    tpu.enqueue_dma source(%dma_start3A_133 : memref<2000xi32, #tpu.memory_space<hbm>>) target(%arg9 : memref<2000xi32, #tpu.memory_space<vmem>>) target_semaphore(%arg12 : memref<!tpu.dma_semaphore, #tpu.memory_space<semaphore_mem>>)
    %add3A_134 = arith.constant 1600000 : i32
    %add3A_135 = arith.addi %add3A_134, %add3A_131 : i32
    %dma_start3A_136 = tpu.memref_slice %arg2[%add3A_135] : memref<3200000xi32, #tpu.memory_space<hbm>> -> memref<2000xi32, #tpu.memory_space<hbm>>
    %dma_start3A_137 = tpu.memref_slice %arg2[%add3A_135] : memref<3200000xi32, #tpu.memory_space<hbm>> -> memref<2000xi32, #tpu.memory_space<hbm>>
    tpu.enqueue_dma source(%dma_start3A_137 : memref<2000xi32, #tpu.memory_space<hbm>>) target(%arg10 : memref<2000xi32, #tpu.memory_space<vmem>>) target_semaphore(%arg12 : memref<!tpu.dma_semaphore, #tpu.memory_space<semaphore_mem>>)
    %dma_wait3A_138 = tpu.memref_slice %arg2[%add3A_112] : memref<3200000xi32, #tpu.memory_space<hbm>> -> memref<2000xi32, #tpu.memory_space<hbm>>
    %dma_wait3A_139 = tpu.memref_slice %arg2[%add3A_112] : memref<3200000xi32, #tpu.memory_space<hbm>> -> memref<2000xi32, #tpu.memory_space<hbm>>
    tpu.wait_dma2 semaphore(%arg11 : memref<!tpu.dma_semaphore, #tpu.memory_space<semaphore_mem>>) src(%dma_wait3A_139 : memref<2000xi32, #tpu.memory_space<hbm>>) dst(%arg7 : memref<2000xi32, #tpu.memory_space<vmem>>)
    %dma_wait3A_140 = tpu.memref_slice %arg2[%add3A_116] : memref<3200000xi32, #tpu.memory_space<hbm>> -> memref<2000xi32, #tpu.memory_space<hbm>>
    %dma_wait3A_141 = tpu.memref_slice %arg2[%add3A_116] : memref<3200000xi32, #tpu.memory_space<hbm>> -> memref<2000xi32, #tpu.memory_space<hbm>>
    tpu.wait_dma2 semaphore(%arg11 : memref<!tpu.dma_semaphore, #tpu.memory_space<semaphore_mem>>) src(%dma_wait3A_141 : memref<2000xi32, #tpu.memory_space<hbm>>) dst(%arg8 : memref<2000xi32, #tpu.memory_space<vmem>>)
    %scan3A_142 = arith.constant 0 : i32
    %scan3A_143 = arith.constant 0 : i32
    %scan3A_144 = arith.constant 125 : i32
    %scan3A_145 = arith.addi %scan3A_143, %scan3A_144 : i32
    %scan3A_146 = arith.constant 1 : i32
    %scan3A_147 = scf.for %scan3A_490 = %scan3A_143 to %scan3A_145 step %scan3A_146 iter_args(%scan3A_491 = %scan3A_142) -> (i32)  : i32 {
      %mul3A_492 = arith.constant 16 : i32
      %mul3A_493 = arith.muli %scan3A_490, %mul3A_492 : i32
      %get3A = arith.index_cast %mul3A_493 : i32 to index
      %get3A_494 = tpu.vector_load %arg7[%get3A] {strides = array<i32>} : memref<2000xi32, #tpu.memory_space<vmem>>, vector<16xi32>,
      %mul3A_495 = arith.constant 16 : i32
      %mul3A_496 = arith.muli %scan3A_490, %mul3A_495 : i32
      %get3A_497 = arith.index_cast %mul3A_496 : i32 to index
      %get3A_498 = tpu.vector_load %arg8[%get3A_497] {strides = array<i32>} : memref<2000xi32, #tpu.memory_space<vmem>>, vector<16xi32>,
      %gather3A = tpu.vector_load_idx %arg5[%get3A_494] : memref<50000xf32, #tpu.memory_space<vmem>>[vector<16xi32>], vector<16xf32>,
      %masked_sort3A = arith.constant dense<true> : vector<16xi1>
      %masked_sort3A_499 = arith.constant -2147483648 : i32
      %masked_sort3A_500 = vector.broadcast %masked_sort3A_499 : i32 to vector<16xi32>
      %masked_sort3A_501 = arith.xori %get3A_498, %masked_sort3A_500 : vector<16xi32>
      %masked_sort3A_502, %masked_sort3A_503, %masked_sort3A_504 = tpu.sort %masked_sort3A_501, %gather3A masked %masked_sort3A : (vector<16xi32>, vector<16xf32>, vector<16xi1>) -> (vector<16xi1>, vector<16xi32>, vector<16xf32>)
      %masked_sort3A_505 = arith.xori %masked_sort3A_503, %masked_sort3A_500 : vector<16xi32>
      %sub3A = arith.constant 1 : i32
      %sub3A_506 = vector.broadcast %sub3A : i32 to vector<16xi32>
      %sub3A_507 = arith.subi %iota3A, %sub3A_506 : vector<16xi32>
      %max3A = arith.constant 0 : i32
      %max3A_508 = vector.broadcast %max3A : i32 to vector<16xi32>
      %max3A_509 = arith.maxsi %sub3A_507, %max3A_508 : vector<16xi32>
      %broadcast_in_dim3A_510 = vector.shape_cast %max3A_509 : vector<16xi32> to vector<16x1xi32>
      %gather3A_511 = vector.shape_cast %broadcast_in_dim3A_510 : vector<16x1xi32> to vector<16xi32>
      %gather3A_512 = tpu.dynamic_gather %masked_sort3A_505[%gather3A_511] in [0] : vector<16xi32>, vector<16xi32> -> vector<16xi32>
      %broadcast_in_dim3A_513 = vector.shape_cast %max3A_509 : vector<16xi32> to vector<16x1xi32>
      %gather3A_514 = vector.shape_cast %broadcast_in_dim3A_513 : vector<16x1xi32> to vector<16xi32>
      %gather3A_515 = tpu.dynamic_gather %masked_sort3A_504[%gather3A_514] in [0] : vector<16xf32>, vector<16xi32> -> vector<16xf32>
      %ge3A = arith.constant 1 : i32
      %ge3A_516 = vector.broadcast %ge3A : i32 to vector<16xi32>
      %ge3A_517 = arith.cmpi sge, %iota3A, %ge3A_516 : vector<16xi32>
      %eq3A = arith.cmpi eq, %gather3A_512, %masked_sort3A_505 : vector<16xi32>
      %and3A = arith.andi %ge3A_517, %eq3A : vector<16xi1>
      %min3A = arith.minimumf %masked_sort3A_504, %gather3A_515 : vector<16xf32>
      %select_n3A = arith.select %and3A, %min3A, %masked_sort3A_504 : vector<16xi1>, vector<16xf32>
      %sub3A_518 = arith.constant 2 : i32
      %sub3A_519 = vector.broadcast %sub3A_518 : i32 to vector<16xi32>
      %sub3A_520 = arith.subi %iota3A, %sub3A_519 : vector<16xi32>
      %max3A_521 = arith.constant 0 : i32
      %max3A_522 = vector.broadcast %max3A_521 : i32 to vector<16xi32>
      %max3A_523 = arith.maxsi %sub3A_520, %max3A_522 : vector<16xi32>
      %broadcast_in_dim3A_524 = vector.shape_cast %max3A_523 : vector<16xi32> to vector<16x1xi32>
      %gather3A_525 = vector.shape_cast %broadcast_in_dim3A_524 : vector<16x1xi32> to vector<16xi32>
      %gather3A_526 = tpu.dynamic_gather %masked_sort3A_505[%gather3A_525] in [0] : vector<16xi32>, vector<16xi32> -> vector<16xi32>
      %broadcast_in_dim3A_527 = vector.shape_cast %max3A_523 : vector<16xi32> to vector<16x1xi32>
      %gather3A_528 = vector.shape_cast %broadcast_in_dim3A_527 : vector<16x1xi32> to vector<16xi32>
      %gather3A_529 = tpu.dynamic_gather %select_n3A[%gather3A_528] in [0] : vector<16xf32>, vector<16xi32> -> vector<16xf32>
      %ge3A_530 = arith.constant 2 : i32
      %ge3A_531 = vector.broadcast %ge3A_530 : i32 to vector<16xi32>
      %ge3A_532 = arith.cmpi sge, %iota3A, %ge3A_531 : vector<16xi32>
      %eq3A_533 = arith.cmpi eq, %gather3A_526, %masked_sort3A_505 : vector<16xi32>
      %and3A_534 = arith.andi %ge3A_532, %eq3A_533 : vector<16xi1>
      %min3A_535 = arith.minimumf %select_n3A, %gather3A_529 : vector<16xf32>
      %select_n3A_536 = arith.select %and3A_534, %min3A_535, %select_n3A : vector<16xi1>, vector<16xf32>
      %sub3A_537 = arith.constant 4 : i32
      %sub3A_538 = vector.broadcast %sub3A_537 : i32 to vector<16xi32>
      %sub3A_539 = arith.subi %iota3A, %sub3A_538 : vector<16xi32>
      %max3A_540 = arith.constant 0 : i32
      %max3A_541 = vector.broadcast %max3A_540 : i32 to vector<16xi32>
      %max3A_542 = arith.maxsi %sub3A_539, %max3A_541 : vector<16xi32>
      %broadcast_in_dim3A_543 = vector.shape_cast %max3A_542 : vector<16xi32> to vector<16x1xi32>
      %gather3A_544 = vector.shape_cast %broadcast_in_dim3A_543 : vector<16x1xi32> to vector<16xi32>
      %gather3A_545 = tpu.dynamic_gather %masked_sort3A_505[%gather3A_544] in [0] : vector<16xi32>, vector<16xi32> -> vector<16xi32>
      %broadcast_in_dim3A_546 = vector.shape_cast %max3A_542 : vector<16xi32> to vector<16x1xi32>
      %gather3A_547 = vector.shape_cast %broadcast_in_dim3A_546 : vector<16x1xi32> to vector<16xi32>
      %gather3A_548 = tpu.dynamic_gather %select_n3A_536[%gather3A_547] in [0] : vector<16xf32>, vector<16xi32> -> vector<16xf32>
      %ge3A_549 = arith.constant 4 : i32
      %ge3A_550 = vector.broadcast %ge3A_549 : i32 to vector<16xi32>
      %ge3A_551 = arith.cmpi sge, %iota3A, %ge3A_550 : vector<16xi32>
      %eq3A_552 = arith.cmpi eq, %gather3A_545, %masked_sort3A_505 : vector<16xi32>
      %and3A_553 = arith.andi %ge3A_551, %eq3A_552 : vector<16xi1>
      %min3A_554 = arith.minimumf %select_n3A_536, %gather3A_548 : vector<16xf32>
      %select_n3A_555 = arith.select %and3A_553, %min3A_554, %select_n3A_536 : vector<16xi1>, vector<16xf32>
      %sub3A_556 = arith.constant 8 : i32
      %sub3A_557 = vector.broadcast %sub3A_556 : i32 to vector<16xi32>
      %sub3A_558 = arith.subi %iota3A, %sub3A_557 : vector<16xi32>
      %max3A_559 = arith.constant 0 : i32
      %max3A_560 = vector.broadcast %max3A_559 : i32 to vector<16xi32>
      %max3A_561 = arith.maxsi %sub3A_558, %max3A_560 : vector<16xi32>
      %broadcast_in_dim3A_562 = vector.shape_cast %max3A_561 : vector<16xi32> to vector<16x1xi32>
      %gather3A_563 = vector.shape_cast %broadcast_in_dim3A_562 : vector<16x1xi32> to vector<16xi32>
      %gather3A_564 = tpu.dynamic_gather %masked_sort3A_505[%gather3A_563] in [0] : vector<16xi32>, vector<16xi32> -> vector<16xi32>
      %broadcast_in_dim3A_565 = vector.shape_cast %max3A_561 : vector<16xi32> to vector<16x1xi32>
      %gather3A_566 = vector.shape_cast %broadcast_in_dim3A_565 : vector<16x1xi32> to vector<16xi32>
      %gather3A_567 = tpu.dynamic_gather %select_n3A_555[%gather3A_566] in [0] : vector<16xf32>, vector<16xi32> -> vector<16xf32>
      %ge3A_568 = arith.constant 8 : i32
      %ge3A_569 = vector.broadcast %ge3A_568 : i32 to vector<16xi32>
      %ge3A_570 = arith.cmpi sge, %iota3A, %ge3A_569 : vector<16xi32>
      %eq3A_571 = arith.cmpi eq, %gather3A_564, %masked_sort3A_505 : vector<16xi32>
      %and3A_572 = arith.andi %ge3A_570, %eq3A_571 : vector<16xi1>
      %min3A_573 = arith.minimumf %select_n3A_555, %gather3A_567 : vector<16xf32>
      %select_n3A_574 = arith.select %and3A_572, %min3A_573, %select_n3A_555 : vector<16xi1>, vector<16xf32>
      %add3A_575 = arith.constant 1 : i32
      %add3A_576 = vector.broadcast %add3A_575 : i32 to vector<16xi32>
      %add3A_577 = arith.addi %iota3A, %add3A_576 : vector<16xi32>
      %min3A_578 = arith.constant 15 : i32
      %min3A_579 = vector.broadcast %min3A_578 : i32 to vector<16xi32>
      %min3A_580 = arith.minsi %add3A_577, %min3A_579 : vector<16xi32>
      %broadcast_in_dim3A_581 = vector.shape_cast %min3A_580 : vector<16xi32> to vector<16x1xi32>
      %gather3A_582 = vector.shape_cast %broadcast_in_dim3A_581 : vector<16x1xi32> to vector<16xi32>
      %gather3A_583 = tpu.dynamic_gather %masked_sort3A_505[%gather3A_582] in [0] : vector<16xi32>, vector<16xi32> -> vector<16xi32>
      %eq3A_584 = arith.constant 15 : i32
      %eq3A_585 = vector.broadcast %eq3A_584 : i32 to vector<16xi32>
      %eq3A_586 = arith.cmpi eq, %iota3A, %eq3A_585 : vector<16xi32>
      %ne3A = arith.cmpi ne, %gather3A_583, %masked_sort3A_505 : vector<16xi32>
      %or3A = arith.ori %eq3A_586, %ne3A : vector<16xi1>
      %gather3A_587 = tpu.vector_load_idx %arg6[%masked_sort3A_505] : memref<50000xf32, #tpu.memory_space<vmem>>[vector<16xi32>], vector<16xf32>,
      %min3A_588 = arith.minimumf %gather3A_587, %select_n3A_574 : vector<16xf32>
      tpu.vector_store_idx %arg6[%masked_sort3A_505], %min3A_588 masked %or3A : memref<50000xf32, #tpu.memory_space<vmem>>[vector<16xi32>], vector<16xf32>, vector<16xi1>
      %scan3A_589 = arith.constant 0 : i32
      scf.yield %scan3A_589 : i32
    }
    %scan3A_148 = arith.constant 125 : i32
    %add3A_149 = arith.constant 16000 : i32
    %add3A_150 = arith.addi %mul3A_2, %add3A_149 : i32
    %dma_start3A_151 = tpu.memref_slice %arg2[%add3A_150] : memref<3200000xi32, #tpu.memory_space<hbm>> -> memref<2000xi32, #tpu.memory_space<hbm>>
    %dma_start3A_152 = tpu.memref_slice %arg2[%add3A_150] : memref<3200000xi32, #tpu.memory_space<hbm>> -> memref<2000xi32, #tpu.memory_space<hbm>>
    tpu.enqueue_dma source(%dma_start3A_152 : memref<2000xi32, #tpu.memory_space<hbm>>) target(%arg7 : memref<2000xi32, #tpu.memory_space<vmem>>) target_semaphore(%arg11 : memref<!tpu.dma_semaphore, #tpu.memory_space<semaphore_mem>>)
    %add3A_153 = arith.constant 1600000 : i32
    %add3A_154 = arith.addi %add3A_153, %add3A_150 : i32
    %dma_start3A_155 = tpu.memref_slice %arg2[%add3A_154] : memref<3200000xi32, #tpu.memory_space<hbm>> -> memref<2000xi32, #tpu.memory_space<hbm>>
    %dma_start3A_156 = tpu.memref_slice %arg2[%add3A_154] : memref<3200000xi32, #tpu.memory_space<hbm>> -> memref<2000xi32, #tpu.memory_space<hbm>>
    tpu.enqueue_dma source(%dma_start3A_156 : memref<2000xi32, #tpu.memory_space<hbm>>) target(%arg8 : memref<2000xi32, #tpu.memory_space<vmem>>) target_semaphore(%arg11 : memref<!tpu.dma_semaphore, #tpu.memory_space<semaphore_mem>>)
    %dma_wait3A_157 = tpu.memref_slice %arg2[%add3A_131] : memref<3200000xi32, #tpu.memory_space<hbm>> -> memref<2000xi32, #tpu.memory_space<hbm>>
    %dma_wait3A_158 = tpu.memref_slice %arg2[%add3A_131] : memref<3200000xi32, #tpu.memory_space<hbm>> -> memref<2000xi32, #tpu.memory_space<hbm>>
    tpu.wait_dma2 semaphore(%arg12 : memref<!tpu.dma_semaphore, #tpu.memory_space<semaphore_mem>>) src(%dma_wait3A_158 : memref<2000xi32, #tpu.memory_space<hbm>>) dst(%arg9 : memref<2000xi32, #tpu.memory_space<vmem>>)
    %dma_wait3A_159 = tpu.memref_slice %arg2[%add3A_135] : memref<3200000xi32, #tpu.memory_space<hbm>> -> memref<2000xi32, #tpu.memory_space<hbm>>
    %dma_wait3A_160 = tpu.memref_slice %arg2[%add3A_135] : memref<3200000xi32, #tpu.memory_space<hbm>> -> memref<2000xi32, #tpu.memory_space<hbm>>
    tpu.wait_dma2 semaphore(%arg12 : memref<!tpu.dma_semaphore, #tpu.memory_space<semaphore_mem>>) src(%dma_wait3A_160 : memref<2000xi32, #tpu.memory_space<hbm>>) dst(%arg10 : memref<2000xi32, #tpu.memory_space<vmem>>)
    %scan3A_161 = arith.constant 0 : i32
    %scan3A_162 = arith.constant 0 : i32
    %scan3A_163 = arith.constant 125 : i32
    %scan3A_164 = arith.addi %scan3A_162, %scan3A_163 : i32
    %scan3A_165 = arith.constant 1 : i32
    %scan3A_166 = scf.for %scan3A_490 = %scan3A_162 to %scan3A_164 step %scan3A_165 iter_args(%scan3A_491 = %scan3A_161) -> (i32)  : i32 {
      %mul3A_492 = arith.constant 16 : i32
      %mul3A_493 = arith.muli %scan3A_490, %mul3A_492 : i32
      %get3A = arith.index_cast %mul3A_493 : i32 to index
      %get3A_494 = tpu.vector_load %arg9[%get3A] {strides = array<i32>} : memref<2000xi32, #tpu.memory_space<vmem>>, vector<16xi32>,
      %mul3A_495 = arith.constant 16 : i32
      %mul3A_496 = arith.muli %scan3A_490, %mul3A_495 : i32
      %get3A_497 = arith.index_cast %mul3A_496 : i32 to index
      %get3A_498 = tpu.vector_load %arg10[%get3A_497] {strides = array<i32>} : memref<2000xi32, #tpu.memory_space<vmem>>, vector<16xi32>,
      %gather3A = tpu.vector_load_idx %arg5[%get3A_494] : memref<50000xf32, #tpu.memory_space<vmem>>[vector<16xi32>], vector<16xf32>,
      %masked_sort3A = arith.constant dense<true> : vector<16xi1>
      %masked_sort3A_499 = arith.constant -2147483648 : i32
      %masked_sort3A_500 = vector.broadcast %masked_sort3A_499 : i32 to vector<16xi32>
      %masked_sort3A_501 = arith.xori %get3A_498, %masked_sort3A_500 : vector<16xi32>
      %masked_sort3A_502, %masked_sort3A_503, %masked_sort3A_504 = tpu.sort %masked_sort3A_501, %gather3A masked %masked_sort3A : (vector<16xi32>, vector<16xf32>, vector<16xi1>) -> (vector<16xi1>, vector<16xi32>, vector<16xf32>)
      %masked_sort3A_505 = arith.xori %masked_sort3A_503, %masked_sort3A_500 : vector<16xi32>
      %sub3A = arith.constant 1 : i32
      %sub3A_506 = vector.broadcast %sub3A : i32 to vector<16xi32>
      %sub3A_507 = arith.subi %iota3A, %sub3A_506 : vector<16xi32>
      %max3A = arith.constant 0 : i32
      %max3A_508 = vector.broadcast %max3A : i32 to vector<16xi32>
      %max3A_509 = arith.maxsi %sub3A_507, %max3A_508 : vector<16xi32>
      %broadcast_in_dim3A_510 = vector.shape_cast %max3A_509 : vector<16xi32> to vector<16x1xi32>
      %gather3A_511 = vector.shape_cast %broadcast_in_dim3A_510 : vector<16x1xi32> to vector<16xi32>
      %gather3A_512 = tpu.dynamic_gather %masked_sort3A_505[%gather3A_511] in [0] : vector<16xi32>, vector<16xi32> -> vector<16xi32>
      %broadcast_in_dim3A_513 = vector.shape_cast %max3A_509 : vector<16xi32> to vector<16x1xi32>
      %gather3A_514 = vector.shape_cast %broadcast_in_dim3A_513 : vector<16x1xi32> to vector<16xi32>
      %gather3A_515 = tpu.dynamic_gather %masked_sort3A_504[%gather3A_514] in [0] : vector<16xf32>, vector<16xi32> -> vector<16xf32>
      %ge3A = arith.constant 1 : i32
      %ge3A_516 = vector.broadcast %ge3A : i32 to vector<16xi32>
      %ge3A_517 = arith.cmpi sge, %iota3A, %ge3A_516 : vector<16xi32>
      %eq3A = arith.cmpi eq, %gather3A_512, %masked_sort3A_505 : vector<16xi32>
      %and3A = arith.andi %ge3A_517, %eq3A : vector<16xi1>
      %min3A = arith.minimumf %masked_sort3A_504, %gather3A_515 : vector<16xf32>
      %select_n3A = arith.select %and3A, %min3A, %masked_sort3A_504 : vector<16xi1>, vector<16xf32>
      %sub3A_518 = arith.constant 2 : i32
      %sub3A_519 = vector.broadcast %sub3A_518 : i32 to vector<16xi32>
      %sub3A_520 = arith.subi %iota3A, %sub3A_519 : vector<16xi32>
      %max3A_521 = arith.constant 0 : i32
      %max3A_522 = vector.broadcast %max3A_521 : i32 to vector<16xi32>
      %max3A_523 = arith.maxsi %sub3A_520, %max3A_522 : vector<16xi32>
      %broadcast_in_dim3A_524 = vector.shape_cast %max3A_523 : vector<16xi32> to vector<16x1xi32>
      %gather3A_525 = vector.shape_cast %broadcast_in_dim3A_524 : vector<16x1xi32> to vector<16xi32>
      %gather3A_526 = tpu.dynamic_gather %masked_sort3A_505[%gather3A_525] in [0] : vector<16xi32>, vector<16xi32> -> vector<16xi32>
      %broadcast_in_dim3A_527 = vector.shape_cast %max3A_523 : vector<16xi32> to vector<16x1xi32>
      %gather3A_528 = vector.shape_cast %broadcast_in_dim3A_527 : vector<16x1xi32> to vector<16xi32>
      %gather3A_529 = tpu.dynamic_gather %select_n3A[%gather3A_528] in [0] : vector<16xf32>, vector<16xi32> -> vector<16xf32>
      %ge3A_530 = arith.constant 2 : i32
      %ge3A_531 = vector.broadcast %ge3A_530 : i32 to vector<16xi32>
      %ge3A_532 = arith.cmpi sge, %iota3A, %ge3A_531 : vector<16xi32>
      %eq3A_533 = arith.cmpi eq, %gather3A_526, %masked_sort3A_505 : vector<16xi32>
      %and3A_534 = arith.andi %ge3A_532, %eq3A_533 : vector<16xi1>
      %min3A_535 = arith.minimumf %select_n3A, %gather3A_529 : vector<16xf32>
      %select_n3A_536 = arith.select %and3A_534, %min3A_535, %select_n3A : vector<16xi1>, vector<16xf32>
      %sub3A_537 = arith.constant 4 : i32
      %sub3A_538 = vector.broadcast %sub3A_537 : i32 to vector<16xi32>
      %sub3A_539 = arith.subi %iota3A, %sub3A_538 : vector<16xi32>
      %max3A_540 = arith.constant 0 : i32
      %max3A_541 = vector.broadcast %max3A_540 : i32 to vector<16xi32>
      %max3A_542 = arith.maxsi %sub3A_539, %max3A_541 : vector<16xi32>
      %broadcast_in_dim3A_543 = vector.shape_cast %max3A_542 : vector<16xi32> to vector<16x1xi32>
      %gather3A_544 = vector.shape_cast %broadcast_in_dim3A_543 : vector<16x1xi32> to vector<16xi32>
      %gather3A_545 = tpu.dynamic_gather %masked_sort3A_505[%gather3A_544] in [0] : vector<16xi32>, vector<16xi32> -> vector<16xi32>
      %broadcast_in_dim3A_546 = vector.shape_cast %max3A_542 : vector<16xi32> to vector<16x1xi32>
      %gather3A_547 = vector.shape_cast %broadcast_in_dim3A_546 : vector<16x1xi32> to vector<16xi32>
      %gather3A_548 = tpu.dynamic_gather %select_n3A_536[%gather3A_547] in [0] : vector<16xf32>, vector<16xi32> -> vector<16xf32>
      %ge3A_549 = arith.constant 4 : i32
      %ge3A_550 = vector.broadcast %ge3A_549 : i32 to vector<16xi32>
      %ge3A_551 = arith.cmpi sge, %iota3A, %ge3A_550 : vector<16xi32>
      %eq3A_552 = arith.cmpi eq, %gather3A_545, %masked_sort3A_505 : vector<16xi32>
      %and3A_553 = arith.andi %ge3A_551, %eq3A_552 : vector<16xi1>
      %min3A_554 = arith.minimumf %select_n3A_536, %gather3A_548 : vector<16xf32>
      %select_n3A_555 = arith.select %and3A_553, %min3A_554, %select_n3A_536 : vector<16xi1>, vector<16xf32>
      %sub3A_556 = arith.constant 8 : i32
      %sub3A_557 = vector.broadcast %sub3A_556 : i32 to vector<16xi32>
      %sub3A_558 = arith.subi %iota3A, %sub3A_557 : vector<16xi32>
      %max3A_559 = arith.constant 0 : i32
      %max3A_560 = vector.broadcast %max3A_559 : i32 to vector<16xi32>
      %max3A_561 = arith.maxsi %sub3A_558, %max3A_560 : vector<16xi32>
      %broadcast_in_dim3A_562 = vector.shape_cast %max3A_561 : vector<16xi32> to vector<16x1xi32>
      %gather3A_563 = vector.shape_cast %broadcast_in_dim3A_562 : vector<16x1xi32> to vector<16xi32>
      %gather3A_564 = tpu.dynamic_gather %masked_sort3A_505[%gather3A_563] in [0] : vector<16xi32>, vector<16xi32> -> vector<16xi32>
      %broadcast_in_dim3A_565 = vector.shape_cast %max3A_561 : vector<16xi32> to vector<16x1xi32>
      %gather3A_566 = vector.shape_cast %broadcast_in_dim3A_565 : vector<16x1xi32> to vector<16xi32>
      %gather3A_567 = tpu.dynamic_gather %select_n3A_555[%gather3A_566] in [0] : vector<16xf32>, vector<16xi32> -> vector<16xf32>
      %ge3A_568 = arith.constant 8 : i32
      %ge3A_569 = vector.broadcast %ge3A_568 : i32 to vector<16xi32>
      %ge3A_570 = arith.cmpi sge, %iota3A, %ge3A_569 : vector<16xi32>
      %eq3A_571 = arith.cmpi eq, %gather3A_564, %masked_sort3A_505 : vector<16xi32>
      %and3A_572 = arith.andi %ge3A_570, %eq3A_571 : vector<16xi1>
      %min3A_573 = arith.minimumf %select_n3A_555, %gather3A_567 : vector<16xf32>
      %select_n3A_574 = arith.select %and3A_572, %min3A_573, %select_n3A_555 : vector<16xi1>, vector<16xf32>
      %add3A_575 = arith.constant 1 : i32
      %add3A_576 = vector.broadcast %add3A_575 : i32 to vector<16xi32>
      %add3A_577 = arith.addi %iota3A, %add3A_576 : vector<16xi32>
      %min3A_578 = arith.constant 15 : i32
      %min3A_579 = vector.broadcast %min3A_578 : i32 to vector<16xi32>
      %min3A_580 = arith.minsi %add3A_577, %min3A_579 : vector<16xi32>
      %broadcast_in_dim3A_581 = vector.shape_cast %min3A_580 : vector<16xi32> to vector<16x1xi32>
      %gather3A_582 = vector.shape_cast %broadcast_in_dim3A_581 : vector<16x1xi32> to vector<16xi32>
      %gather3A_583 = tpu.dynamic_gather %masked_sort3A_505[%gather3A_582] in [0] : vector<16xi32>, vector<16xi32> -> vector<16xi32>
      %eq3A_584 = arith.constant 15 : i32
      %eq3A_585 = vector.broadcast %eq3A_584 : i32 to vector<16xi32>
      %eq3A_586 = arith.cmpi eq, %iota3A, %eq3A_585 : vector<16xi32>
      %ne3A = arith.cmpi ne, %gather3A_583, %masked_sort3A_505 : vector<16xi32>
      %or3A = arith.ori %eq3A_586, %ne3A : vector<16xi1>
      %gather3A_587 = tpu.vector_load_idx %arg6[%masked_sort3A_505] : memref<50000xf32, #tpu.memory_space<vmem>>[vector<16xi32>], vector<16xf32>,
      %min3A_588 = arith.minimumf %gather3A_587, %select_n3A_574 : vector<16xf32>
      tpu.vector_store_idx %arg6[%masked_sort3A_505], %min3A_588 masked %or3A : memref<50000xf32, #tpu.memory_space<vmem>>[vector<16xi32>], vector<16xf32>, vector<16xi1>
      %scan3A_589 = arith.constant 0 : i32
      scf.yield %scan3A_589 : i32
    }
    %scan3A_167 = arith.constant 125 : i32
    %add3A_168 = arith.constant 18000 : i32
    %add3A_169 = arith.addi %mul3A_2, %add3A_168 : i32
    %dma_start3A_170 = tpu.memref_slice %arg2[%add3A_169] : memref<3200000xi32, #tpu.memory_space<hbm>> -> memref<2000xi32, #tpu.memory_space<hbm>>
    %dma_start3A_171 = tpu.memref_slice %arg2[%add3A_169] : memref<3200000xi32, #tpu.memory_space<hbm>> -> memref<2000xi32, #tpu.memory_space<hbm>>
    tpu.enqueue_dma source(%dma_start3A_171 : memref<2000xi32, #tpu.memory_space<hbm>>) target(%arg9 : memref<2000xi32, #tpu.memory_space<vmem>>) target_semaphore(%arg12 : memref<!tpu.dma_semaphore, #tpu.memory_space<semaphore_mem>>)
    %add3A_172 = arith.constant 1600000 : i32
    %add3A_173 = arith.addi %add3A_172, %add3A_169 : i32
    %dma_start3A_174 = tpu.memref_slice %arg2[%add3A_173] : memref<3200000xi32, #tpu.memory_space<hbm>> -> memref<2000xi32, #tpu.memory_space<hbm>>
    %dma_start3A_175 = tpu.memref_slice %arg2[%add3A_173] : memref<3200000xi32, #tpu.memory_space<hbm>> -> memref<2000xi32, #tpu.memory_space<hbm>>
    tpu.enqueue_dma source(%dma_start3A_175 : memref<2000xi32, #tpu.memory_space<hbm>>) target(%arg10 : memref<2000xi32, #tpu.memory_space<vmem>>) target_semaphore(%arg12 : memref<!tpu.dma_semaphore, #tpu.memory_space<semaphore_mem>>)
    %dma_wait3A_176 = tpu.memref_slice %arg2[%add3A_150] : memref<3200000xi32, #tpu.memory_space<hbm>> -> memref<2000xi32, #tpu.memory_space<hbm>>
    %dma_wait3A_177 = tpu.memref_slice %arg2[%add3A_150] : memref<3200000xi32, #tpu.memory_space<hbm>> -> memref<2000xi32, #tpu.memory_space<hbm>>
    tpu.wait_dma2 semaphore(%arg11 : memref<!tpu.dma_semaphore, #tpu.memory_space<semaphore_mem>>) src(%dma_wait3A_177 : memref<2000xi32, #tpu.memory_space<hbm>>) dst(%arg7 : memref<2000xi32, #tpu.memory_space<vmem>>)
    %dma_wait3A_178 = tpu.memref_slice %arg2[%add3A_154] : memref<3200000xi32, #tpu.memory_space<hbm>> -> memref<2000xi32, #tpu.memory_space<hbm>>
    %dma_wait3A_179 = tpu.memref_slice %arg2[%add3A_154] : memref<3200000xi32, #tpu.memory_space<hbm>> -> memref<2000xi32, #tpu.memory_space<hbm>>
    tpu.wait_dma2 semaphore(%arg11 : memref<!tpu.dma_semaphore, #tpu.memory_space<semaphore_mem>>) src(%dma_wait3A_179 : memref<2000xi32, #tpu.memory_space<hbm>>) dst(%arg8 : memref<2000xi32, #tpu.memory_space<vmem>>)
    %scan3A_180 = arith.constant 0 : i32
    %scan3A_181 = arith.constant 0 : i32
    %scan3A_182 = arith.constant 125 : i32
    %scan3A_183 = arith.addi %scan3A_181, %scan3A_182 : i32
    %scan3A_184 = arith.constant 1 : i32
    %scan3A_185 = scf.for %scan3A_490 = %scan3A_181 to %scan3A_183 step %scan3A_184 iter_args(%scan3A_491 = %scan3A_180) -> (i32)  : i32 {
      %mul3A_492 = arith.constant 16 : i32
      %mul3A_493 = arith.muli %scan3A_490, %mul3A_492 : i32
      %get3A = arith.index_cast %mul3A_493 : i32 to index
      %get3A_494 = tpu.vector_load %arg7[%get3A] {strides = array<i32>} : memref<2000xi32, #tpu.memory_space<vmem>>, vector<16xi32>,
      %mul3A_495 = arith.constant 16 : i32
      %mul3A_496 = arith.muli %scan3A_490, %mul3A_495 : i32
      %get3A_497 = arith.index_cast %mul3A_496 : i32 to index
      %get3A_498 = tpu.vector_load %arg8[%get3A_497] {strides = array<i32>} : memref<2000xi32, #tpu.memory_space<vmem>>, vector<16xi32>,
      %gather3A = tpu.vector_load_idx %arg5[%get3A_494] : memref<50000xf32, #tpu.memory_space<vmem>>[vector<16xi32>], vector<16xf32>,
      %masked_sort3A = arith.constant dense<true> : vector<16xi1>
      %masked_sort3A_499 = arith.constant -2147483648 : i32
      %masked_sort3A_500 = vector.broadcast %masked_sort3A_499 : i32 to vector<16xi32>
      %masked_sort3A_501 = arith.xori %get3A_498, %masked_sort3A_500 : vector<16xi32>
      %masked_sort3A_502, %masked_sort3A_503, %masked_sort3A_504 = tpu.sort %masked_sort3A_501, %gather3A masked %masked_sort3A : (vector<16xi32>, vector<16xf32>, vector<16xi1>) -> (vector<16xi1>, vector<16xi32>, vector<16xf32>)
      %masked_sort3A_505 = arith.xori %masked_sort3A_503, %masked_sort3A_500 : vector<16xi32>
      %sub3A = arith.constant 1 : i32
      %sub3A_506 = vector.broadcast %sub3A : i32 to vector<16xi32>
      %sub3A_507 = arith.subi %iota3A, %sub3A_506 : vector<16xi32>
      %max3A = arith.constant 0 : i32
      %max3A_508 = vector.broadcast %max3A : i32 to vector<16xi32>
      %max3A_509 = arith.maxsi %sub3A_507, %max3A_508 : vector<16xi32>
      %broadcast_in_dim3A_510 = vector.shape_cast %max3A_509 : vector<16xi32> to vector<16x1xi32>
      %gather3A_511 = vector.shape_cast %broadcast_in_dim3A_510 : vector<16x1xi32> to vector<16xi32>
      %gather3A_512 = tpu.dynamic_gather %masked_sort3A_505[%gather3A_511] in [0] : vector<16xi32>, vector<16xi32> -> vector<16xi32>
      %broadcast_in_dim3A_513 = vector.shape_cast %max3A_509 : vector<16xi32> to vector<16x1xi32>
      %gather3A_514 = vector.shape_cast %broadcast_in_dim3A_513 : vector<16x1xi32> to vector<16xi32>
      %gather3A_515 = tpu.dynamic_gather %masked_sort3A_504[%gather3A_514] in [0] : vector<16xf32>, vector<16xi32> -> vector<16xf32>
      %ge3A = arith.constant 1 : i32
      %ge3A_516 = vector.broadcast %ge3A : i32 to vector<16xi32>
      %ge3A_517 = arith.cmpi sge, %iota3A, %ge3A_516 : vector<16xi32>
      %eq3A = arith.cmpi eq, %gather3A_512, %masked_sort3A_505 : vector<16xi32>
      %and3A = arith.andi %ge3A_517, %eq3A : vector<16xi1>
      %min3A = arith.minimumf %masked_sort3A_504, %gather3A_515 : vector<16xf32>
      %select_n3A = arith.select %and3A, %min3A, %masked_sort3A_504 : vector<16xi1>, vector<16xf32>
      %sub3A_518 = arith.constant 2 : i32
      %sub3A_519 = vector.broadcast %sub3A_518 : i32 to vector<16xi32>
      %sub3A_520 = arith.subi %iota3A, %sub3A_519 : vector<16xi32>
      %max3A_521 = arith.constant 0 : i32
      %max3A_522 = vector.broadcast %max3A_521 : i32 to vector<16xi32>
      %max3A_523 = arith.maxsi %sub3A_520, %max3A_522 : vector<16xi32>
      %broadcast_in_dim3A_524 = vector.shape_cast %max3A_523 : vector<16xi32> to vector<16x1xi32>
      %gather3A_525 = vector.shape_cast %broadcast_in_dim3A_524 : vector<16x1xi32> to vector<16xi32>
      %gather3A_526 = tpu.dynamic_gather %masked_sort3A_505[%gather3A_525] in [0] : vector<16xi32>, vector<16xi32> -> vector<16xi32>
      %broadcast_in_dim3A_527 = vector.shape_cast %max3A_523 : vector<16xi32> to vector<16x1xi32>
      %gather3A_528 = vector.shape_cast %broadcast_in_dim3A_527 : vector<16x1xi32> to vector<16xi32>
      %gather3A_529 = tpu.dynamic_gather %select_n3A[%gather3A_528] in [0] : vector<16xf32>, vector<16xi32> -> vector<16xf32>
      %ge3A_530 = arith.constant 2 : i32
      %ge3A_531 = vector.broadcast %ge3A_530 : i32 to vector<16xi32>
      %ge3A_532 = arith.cmpi sge, %iota3A, %ge3A_531 : vector<16xi32>
      %eq3A_533 = arith.cmpi eq, %gather3A_526, %masked_sort3A_505 : vector<16xi32>
      %and3A_534 = arith.andi %ge3A_532, %eq3A_533 : vector<16xi1>
      %min3A_535 = arith.minimumf %select_n3A, %gather3A_529 : vector<16xf32>
      %select_n3A_536 = arith.select %and3A_534, %min3A_535, %select_n3A : vector<16xi1>, vector<16xf32>
      %sub3A_537 = arith.constant 4 : i32
      %sub3A_538 = vector.broadcast %sub3A_537 : i32 to vector<16xi32>
      %sub3A_539 = arith.subi %iota3A, %sub3A_538 : vector<16xi32>
      %max3A_540 = arith.constant 0 : i32
      %max3A_541 = vector.broadcast %max3A_540 : i32 to vector<16xi32>
      %max3A_542 = arith.maxsi %sub3A_539, %max3A_541 : vector<16xi32>
      %broadcast_in_dim3A_543 = vector.shape_cast %max3A_542 : vector<16xi32> to vector<16x1xi32>
      %gather3A_544 = vector.shape_cast %broadcast_in_dim3A_543 : vector<16x1xi32> to vector<16xi32>
      %gather3A_545 = tpu.dynamic_gather %masked_sort3A_505[%gather3A_544] in [0] : vector<16xi32>, vector<16xi32> -> vector<16xi32>
      %broadcast_in_dim3A_546 = vector.shape_cast %max3A_542 : vector<16xi32> to vector<16x1xi32>
      %gather3A_547 = vector.shape_cast %broadcast_in_dim3A_546 : vector<16x1xi32> to vector<16xi32>
      %gather3A_548 = tpu.dynamic_gather %select_n3A_536[%gather3A_547] in [0] : vector<16xf32>, vector<16xi32> -> vector<16xf32>
      %ge3A_549 = arith.constant 4 : i32
      %ge3A_550 = vector.broadcast %ge3A_549 : i32 to vector<16xi32>
      %ge3A_551 = arith.cmpi sge, %iota3A, %ge3A_550 : vector<16xi32>
      %eq3A_552 = arith.cmpi eq, %gather3A_545, %masked_sort3A_505 : vector<16xi32>
      %and3A_553 = arith.andi %ge3A_551, %eq3A_552 : vector<16xi1>
      %min3A_554 = arith.minimumf %select_n3A_536, %gather3A_548 : vector<16xf32>
      %select_n3A_555 = arith.select %and3A_553, %min3A_554, %select_n3A_536 : vector<16xi1>, vector<16xf32>
      %sub3A_556 = arith.constant 8 : i32
      %sub3A_557 = vector.broadcast %sub3A_556 : i32 to vector<16xi32>
      %sub3A_558 = arith.subi %iota3A, %sub3A_557 : vector<16xi32>
      %max3A_559 = arith.constant 0 : i32
      %max3A_560 = vector.broadcast %max3A_559 : i32 to vector<16xi32>
      %max3A_561 = arith.maxsi %sub3A_558, %max3A_560 : vector<16xi32>
      %broadcast_in_dim3A_562 = vector.shape_cast %max3A_561 : vector<16xi32> to vector<16x1xi32>
      %gather3A_563 = vector.shape_cast %broadcast_in_dim3A_562 : vector<16x1xi32> to vector<16xi32>
      %gather3A_564 = tpu.dynamic_gather %masked_sort3A_505[%gather3A_563] in [0] : vector<16xi32>, vector<16xi32> -> vector<16xi32>
      %broadcast_in_dim3A_565 = vector.shape_cast %max3A_561 : vector<16xi32> to vector<16x1xi32>
      %gather3A_566 = vector.shape_cast %broadcast_in_dim3A_565 : vector<16x1xi32> to vector<16xi32>
      %gather3A_567 = tpu.dynamic_gather %select_n3A_555[%gather3A_566] in [0] : vector<16xf32>, vector<16xi32> -> vector<16xf32>
      %ge3A_568 = arith.constant 8 : i32
      %ge3A_569 = vector.broadcast %ge3A_568 : i32 to vector<16xi32>
      %ge3A_570 = arith.cmpi sge, %iota3A, %ge3A_569 : vector<16xi32>
      %eq3A_571 = arith.cmpi eq, %gather3A_564, %masked_sort3A_505 : vector<16xi32>
      %and3A_572 = arith.andi %ge3A_570, %eq3A_571 : vector<16xi1>
      %min3A_573 = arith.minimumf %select_n3A_555, %gather3A_567 : vector<16xf32>
      %select_n3A_574 = arith.select %and3A_572, %min3A_573, %select_n3A_555 : vector<16xi1>, vector<16xf32>
      %add3A_575 = arith.constant 1 : i32
      %add3A_576 = vector.broadcast %add3A_575 : i32 to vector<16xi32>
      %add3A_577 = arith.addi %iota3A, %add3A_576 : vector<16xi32>
      %min3A_578 = arith.constant 15 : i32
      %min3A_579 = vector.broadcast %min3A_578 : i32 to vector<16xi32>
      %min3A_580 = arith.minsi %add3A_577, %min3A_579 : vector<16xi32>
      %broadcast_in_dim3A_581 = vector.shape_cast %min3A_580 : vector<16xi32> to vector<16x1xi32>
      %gather3A_582 = vector.shape_cast %broadcast_in_dim3A_581 : vector<16x1xi32> to vector<16xi32>
      %gather3A_583 = tpu.dynamic_gather %masked_sort3A_505[%gather3A_582] in [0] : vector<16xi32>, vector<16xi32> -> vector<16xi32>
      %eq3A_584 = arith.constant 15 : i32
      %eq3A_585 = vector.broadcast %eq3A_584 : i32 to vector<16xi32>
      %eq3A_586 = arith.cmpi eq, %iota3A, %eq3A_585 : vector<16xi32>
      %ne3A = arith.cmpi ne, %gather3A_583, %masked_sort3A_505 : vector<16xi32>
      %or3A = arith.ori %eq3A_586, %ne3A : vector<16xi1>
      %gather3A_587 = tpu.vector_load_idx %arg6[%masked_sort3A_505] : memref<50000xf32, #tpu.memory_space<vmem>>[vector<16xi32>], vector<16xf32>,
      %min3A_588 = arith.minimumf %gather3A_587, %select_n3A_574 : vector<16xf32>
      tpu.vector_store_idx %arg6[%masked_sort3A_505], %min3A_588 masked %or3A : memref<50000xf32, #tpu.memory_space<vmem>>[vector<16xi32>], vector<16xf32>, vector<16xi1>
      %scan3A_589 = arith.constant 0 : i32
      scf.yield %scan3A_589 : i32
    }
    %scan3A_186 = arith.constant 125 : i32
    %add3A_187 = arith.constant 20000 : i32
    %add3A_188 = arith.addi %mul3A_2, %add3A_187 : i32
    %dma_start3A_189 = tpu.memref_slice %arg2[%add3A_188] : memref<3200000xi32, #tpu.memory_space<hbm>> -> memref<2000xi32, #tpu.memory_space<hbm>>
    %dma_start3A_190 = tpu.memref_slice %arg2[%add3A_188] : memref<3200000xi32, #tpu.memory_space<hbm>> -> memref<2000xi32, #tpu.memory_space<hbm>>
    tpu.enqueue_dma source(%dma_start3A_190 : memref<2000xi32, #tpu.memory_space<hbm>>) target(%arg7 : memref<2000xi32, #tpu.memory_space<vmem>>) target_semaphore(%arg11 : memref<!tpu.dma_semaphore, #tpu.memory_space<semaphore_mem>>)
    %add3A_191 = arith.constant 1600000 : i32
    %add3A_192 = arith.addi %add3A_191, %add3A_188 : i32
    %dma_start3A_193 = tpu.memref_slice %arg2[%add3A_192] : memref<3200000xi32, #tpu.memory_space<hbm>> -> memref<2000xi32, #tpu.memory_space<hbm>>
    %dma_start3A_194 = tpu.memref_slice %arg2[%add3A_192] : memref<3200000xi32, #tpu.memory_space<hbm>> -> memref<2000xi32, #tpu.memory_space<hbm>>
    tpu.enqueue_dma source(%dma_start3A_194 : memref<2000xi32, #tpu.memory_space<hbm>>) target(%arg8 : memref<2000xi32, #tpu.memory_space<vmem>>) target_semaphore(%arg11 : memref<!tpu.dma_semaphore, #tpu.memory_space<semaphore_mem>>)
    %dma_wait3A_195 = tpu.memref_slice %arg2[%add3A_169] : memref<3200000xi32, #tpu.memory_space<hbm>> -> memref<2000xi32, #tpu.memory_space<hbm>>
    %dma_wait3A_196 = tpu.memref_slice %arg2[%add3A_169] : memref<3200000xi32, #tpu.memory_space<hbm>> -> memref<2000xi32, #tpu.memory_space<hbm>>
    tpu.wait_dma2 semaphore(%arg12 : memref<!tpu.dma_semaphore, #tpu.memory_space<semaphore_mem>>) src(%dma_wait3A_196 : memref<2000xi32, #tpu.memory_space<hbm>>) dst(%arg9 : memref<2000xi32, #tpu.memory_space<vmem>>)
    %dma_wait3A_197 = tpu.memref_slice %arg2[%add3A_173] : memref<3200000xi32, #tpu.memory_space<hbm>> -> memref<2000xi32, #tpu.memory_space<hbm>>
    %dma_wait3A_198 = tpu.memref_slice %arg2[%add3A_173] : memref<3200000xi32, #tpu.memory_space<hbm>> -> memref<2000xi32, #tpu.memory_space<hbm>>
    tpu.wait_dma2 semaphore(%arg12 : memref<!tpu.dma_semaphore, #tpu.memory_space<semaphore_mem>>) src(%dma_wait3A_198 : memref<2000xi32, #tpu.memory_space<hbm>>) dst(%arg10 : memref<2000xi32, #tpu.memory_space<vmem>>)
    %scan3A_199 = arith.constant 0 : i32
    %scan3A_200 = arith.constant 0 : i32
    %scan3A_201 = arith.constant 125 : i32
    %scan3A_202 = arith.addi %scan3A_200, %scan3A_201 : i32
    %scan3A_203 = arith.constant 1 : i32
    %scan3A_204 = scf.for %scan3A_490 = %scan3A_200 to %scan3A_202 step %scan3A_203 iter_args(%scan3A_491 = %scan3A_199) -> (i32)  : i32 {
      %mul3A_492 = arith.constant 16 : i32
      %mul3A_493 = arith.muli %scan3A_490, %mul3A_492 : i32
      %get3A = arith.index_cast %mul3A_493 : i32 to index
      %get3A_494 = tpu.vector_load %arg9[%get3A] {strides = array<i32>} : memref<2000xi32, #tpu.memory_space<vmem>>, vector<16xi32>,
      %mul3A_495 = arith.constant 16 : i32
      %mul3A_496 = arith.muli %scan3A_490, %mul3A_495 : i32
      %get3A_497 = arith.index_cast %mul3A_496 : i32 to index
      %get3A_498 = tpu.vector_load %arg10[%get3A_497] {strides = array<i32>} : memref<2000xi32, #tpu.memory_space<vmem>>, vector<16xi32>,
      %gather3A = tpu.vector_load_idx %arg5[%get3A_494] : memref<50000xf32, #tpu.memory_space<vmem>>[vector<16xi32>], vector<16xf32>,
      %masked_sort3A = arith.constant dense<true> : vector<16xi1>
      %masked_sort3A_499 = arith.constant -2147483648 : i32
      %masked_sort3A_500 = vector.broadcast %masked_sort3A_499 : i32 to vector<16xi32>
      %masked_sort3A_501 = arith.xori %get3A_498, %masked_sort3A_500 : vector<16xi32>
      %masked_sort3A_502, %masked_sort3A_503, %masked_sort3A_504 = tpu.sort %masked_sort3A_501, %gather3A masked %masked_sort3A : (vector<16xi32>, vector<16xf32>, vector<16xi1>) -> (vector<16xi1>, vector<16xi32>, vector<16xf32>)
      %masked_sort3A_505 = arith.xori %masked_sort3A_503, %masked_sort3A_500 : vector<16xi32>
      %sub3A = arith.constant 1 : i32
      %sub3A_506 = vector.broadcast %sub3A : i32 to vector<16xi32>
      %sub3A_507 = arith.subi %iota3A, %sub3A_506 : vector<16xi32>
      %max3A = arith.constant 0 : i32
      %max3A_508 = vector.broadcast %max3A : i32 to vector<16xi32>
      %max3A_509 = arith.maxsi %sub3A_507, %max3A_508 : vector<16xi32>
      %broadcast_in_dim3A_510 = vector.shape_cast %max3A_509 : vector<16xi32> to vector<16x1xi32>
      %gather3A_511 = vector.shape_cast %broadcast_in_dim3A_510 : vector<16x1xi32> to vector<16xi32>
      %gather3A_512 = tpu.dynamic_gather %masked_sort3A_505[%gather3A_511] in [0] : vector<16xi32>, vector<16xi32> -> vector<16xi32>
      %broadcast_in_dim3A_513 = vector.shape_cast %max3A_509 : vector<16xi32> to vector<16x1xi32>
      %gather3A_514 = vector.shape_cast %broadcast_in_dim3A_513 : vector<16x1xi32> to vector<16xi32>
      %gather3A_515 = tpu.dynamic_gather %masked_sort3A_504[%gather3A_514] in [0] : vector<16xf32>, vector<16xi32> -> vector<16xf32>
      %ge3A = arith.constant 1 : i32
      %ge3A_516 = vector.broadcast %ge3A : i32 to vector<16xi32>
      %ge3A_517 = arith.cmpi sge, %iota3A, %ge3A_516 : vector<16xi32>
      %eq3A = arith.cmpi eq, %gather3A_512, %masked_sort3A_505 : vector<16xi32>
      %and3A = arith.andi %ge3A_517, %eq3A : vector<16xi1>
      %min3A = arith.minimumf %masked_sort3A_504, %gather3A_515 : vector<16xf32>
      %select_n3A = arith.select %and3A, %min3A, %masked_sort3A_504 : vector<16xi1>, vector<16xf32>
      %sub3A_518 = arith.constant 2 : i32
      %sub3A_519 = vector.broadcast %sub3A_518 : i32 to vector<16xi32>
      %sub3A_520 = arith.subi %iota3A, %sub3A_519 : vector<16xi32>
      %max3A_521 = arith.constant 0 : i32
      %max3A_522 = vector.broadcast %max3A_521 : i32 to vector<16xi32>
      %max3A_523 = arith.maxsi %sub3A_520, %max3A_522 : vector<16xi32>
      %broadcast_in_dim3A_524 = vector.shape_cast %max3A_523 : vector<16xi32> to vector<16x1xi32>
      %gather3A_525 = vector.shape_cast %broadcast_in_dim3A_524 : vector<16x1xi32> to vector<16xi32>
      %gather3A_526 = tpu.dynamic_gather %masked_sort3A_505[%gather3A_525] in [0] : vector<16xi32>, vector<16xi32> -> vector<16xi32>
      %broadcast_in_dim3A_527 = vector.shape_cast %max3A_523 : vector<16xi32> to vector<16x1xi32>
      %gather3A_528 = vector.shape_cast %broadcast_in_dim3A_527 : vector<16x1xi32> to vector<16xi32>
      %gather3A_529 = tpu.dynamic_gather %select_n3A[%gather3A_528] in [0] : vector<16xf32>, vector<16xi32> -> vector<16xf32>
      %ge3A_530 = arith.constant 2 : i32
      %ge3A_531 = vector.broadcast %ge3A_530 : i32 to vector<16xi32>
      %ge3A_532 = arith.cmpi sge, %iota3A, %ge3A_531 : vector<16xi32>
      %eq3A_533 = arith.cmpi eq, %gather3A_526, %masked_sort3A_505 : vector<16xi32>
      %and3A_534 = arith.andi %ge3A_532, %eq3A_533 : vector<16xi1>
      %min3A_535 = arith.minimumf %select_n3A, %gather3A_529 : vector<16xf32>
      %select_n3A_536 = arith.select %and3A_534, %min3A_535, %select_n3A : vector<16xi1>, vector<16xf32>
      %sub3A_537 = arith.constant 4 : i32
      %sub3A_538 = vector.broadcast %sub3A_537 : i32 to vector<16xi32>
      %sub3A_539 = arith.subi %iota3A, %sub3A_538 : vector<16xi32>
      %max3A_540 = arith.constant 0 : i32
      %max3A_541 = vector.broadcast %max3A_540 : i32 to vector<16xi32>
      %max3A_542 = arith.maxsi %sub3A_539, %max3A_541 : vector<16xi32>
      %broadcast_in_dim3A_543 = vector.shape_cast %max3A_542 : vector<16xi32> to vector<16x1xi32>
      %gather3A_544 = vector.shape_cast %broadcast_in_dim3A_543 : vector<16x1xi32> to vector<16xi32>
      %gather3A_545 = tpu.dynamic_gather %masked_sort3A_505[%gather3A_544] in [0] : vector<16xi32>, vector<16xi32> -> vector<16xi32>
      %broadcast_in_dim3A_546 = vector.shape_cast %max3A_542 : vector<16xi32> to vector<16x1xi32>
      %gather3A_547 = vector.shape_cast %broadcast_in_dim3A_546 : vector<16x1xi32> to vector<16xi32>
      %gather3A_548 = tpu.dynamic_gather %select_n3A_536[%gather3A_547] in [0] : vector<16xf32>, vector<16xi32> -> vector<16xf32>
      %ge3A_549 = arith.constant 4 : i32
      %ge3A_550 = vector.broadcast %ge3A_549 : i32 to vector<16xi32>
      %ge3A_551 = arith.cmpi sge, %iota3A, %ge3A_550 : vector<16xi32>
      %eq3A_552 = arith.cmpi eq, %gather3A_545, %masked_sort3A_505 : vector<16xi32>
      %and3A_553 = arith.andi %ge3A_551, %eq3A_552 : vector<16xi1>
      %min3A_554 = arith.minimumf %select_n3A_536, %gather3A_548 : vector<16xf32>
      %select_n3A_555 = arith.select %and3A_553, %min3A_554, %select_n3A_536 : vector<16xi1>, vector<16xf32>
      %sub3A_556 = arith.constant 8 : i32
      %sub3A_557 = vector.broadcast %sub3A_556 : i32 to vector<16xi32>
      %sub3A_558 = arith.subi %iota3A, %sub3A_557 : vector<16xi32>
      %max3A_559 = arith.constant 0 : i32
      %max3A_560 = vector.broadcast %max3A_559 : i32 to vector<16xi32>
      %max3A_561 = arith.maxsi %sub3A_558, %max3A_560 : vector<16xi32>
      %broadcast_in_dim3A_562 = vector.shape_cast %max3A_561 : vector<16xi32> to vector<16x1xi32>
      %gather3A_563 = vector.shape_cast %broadcast_in_dim3A_562 : vector<16x1xi32> to vector<16xi32>
      %gather3A_564 = tpu.dynamic_gather %masked_sort3A_505[%gather3A_563] in [0] : vector<16xi32>, vector<16xi32> -> vector<16xi32>
      %broadcast_in_dim3A_565 = vector.shape_cast %max3A_561 : vector<16xi32> to vector<16x1xi32>
      %gather3A_566 = vector.shape_cast %broadcast_in_dim3A_565 : vector<16x1xi32> to vector<16xi32>
      %gather3A_567 = tpu.dynamic_gather %select_n3A_555[%gather3A_566] in [0] : vector<16xf32>, vector<16xi32> -> vector<16xf32>
      %ge3A_568 = arith.constant 8 : i32
      %ge3A_569 = vector.broadcast %ge3A_568 : i32 to vector<16xi32>
      %ge3A_570 = arith.cmpi sge, %iota3A, %ge3A_569 : vector<16xi32>
      %eq3A_571 = arith.cmpi eq, %gather3A_564, %masked_sort3A_505 : vector<16xi32>
      %and3A_572 = arith.andi %ge3A_570, %eq3A_571 : vector<16xi1>
      %min3A_573 = arith.minimumf %select_n3A_555, %gather3A_567 : vector<16xf32>
      %select_n3A_574 = arith.select %and3A_572, %min3A_573, %select_n3A_555 : vector<16xi1>, vector<16xf32>
      %add3A_575 = arith.constant 1 : i32
      %add3A_576 = vector.broadcast %add3A_575 : i32 to vector<16xi32>
      %add3A_577 = arith.addi %iota3A, %add3A_576 : vector<16xi32>
      %min3A_578 = arith.constant 15 : i32
      %min3A_579 = vector.broadcast %min3A_578 : i32 to vector<16xi32>
      %min3A_580 = arith.minsi %add3A_577, %min3A_579 : vector<16xi32>
      %broadcast_in_dim3A_581 = vector.shape_cast %min3A_580 : vector<16xi32> to vector<16x1xi32>
      %gather3A_582 = vector.shape_cast %broadcast_in_dim3A_581 : vector<16x1xi32> to vector<16xi32>
      %gather3A_583 = tpu.dynamic_gather %masked_sort3A_505[%gather3A_582] in [0] : vector<16xi32>, vector<16xi32> -> vector<16xi32>
      %eq3A_584 = arith.constant 15 : i32
      %eq3A_585 = vector.broadcast %eq3A_584 : i32 to vector<16xi32>
      %eq3A_586 = arith.cmpi eq, %iota3A, %eq3A_585 : vector<16xi32>
      %ne3A = arith.cmpi ne, %gather3A_583, %masked_sort3A_505 : vector<16xi32>
      %or3A = arith.ori %eq3A_586, %ne3A : vector<16xi1>
      %gather3A_587 = tpu.vector_load_idx %arg6[%masked_sort3A_505] : memref<50000xf32, #tpu.memory_space<vmem>>[vector<16xi32>], vector<16xf32>,
      %min3A_588 = arith.minimumf %gather3A_587, %select_n3A_574 : vector<16xf32>
      tpu.vector_store_idx %arg6[%masked_sort3A_505], %min3A_588 masked %or3A : memref<50000xf32, #tpu.memory_space<vmem>>[vector<16xi32>], vector<16xf32>, vector<16xi1>
      %scan3A_589 = arith.constant 0 : i32
      scf.yield %scan3A_589 : i32
    }
    %scan3A_205 = arith.constant 125 : i32
    %add3A_206 = arith.constant 22000 : i32
    %add3A_207 = arith.addi %mul3A_2, %add3A_206 : i32
    %dma_start3A_208 = tpu.memref_slice %arg2[%add3A_207] : memref<3200000xi32, #tpu.memory_space<hbm>> -> memref<2000xi32, #tpu.memory_space<hbm>>
    %dma_start3A_209 = tpu.memref_slice %arg2[%add3A_207] : memref<3200000xi32, #tpu.memory_space<hbm>> -> memref<2000xi32, #tpu.memory_space<hbm>>
    tpu.enqueue_dma source(%dma_start3A_209 : memref<2000xi32, #tpu.memory_space<hbm>>) target(%arg9 : memref<2000xi32, #tpu.memory_space<vmem>>) target_semaphore(%arg12 : memref<!tpu.dma_semaphore, #tpu.memory_space<semaphore_mem>>)
    %add3A_210 = arith.constant 1600000 : i32
    %add3A_211 = arith.addi %add3A_210, %add3A_207 : i32
    %dma_start3A_212 = tpu.memref_slice %arg2[%add3A_211] : memref<3200000xi32, #tpu.memory_space<hbm>> -> memref<2000xi32, #tpu.memory_space<hbm>>
    %dma_start3A_213 = tpu.memref_slice %arg2[%add3A_211] : memref<3200000xi32, #tpu.memory_space<hbm>> -> memref<2000xi32, #tpu.memory_space<hbm>>
    tpu.enqueue_dma source(%dma_start3A_213 : memref<2000xi32, #tpu.memory_space<hbm>>) target(%arg10 : memref<2000xi32, #tpu.memory_space<vmem>>) target_semaphore(%arg12 : memref<!tpu.dma_semaphore, #tpu.memory_space<semaphore_mem>>)
    %dma_wait3A_214 = tpu.memref_slice %arg2[%add3A_188] : memref<3200000xi32, #tpu.memory_space<hbm>> -> memref<2000xi32, #tpu.memory_space<hbm>>
    %dma_wait3A_215 = tpu.memref_slice %arg2[%add3A_188] : memref<3200000xi32, #tpu.memory_space<hbm>> -> memref<2000xi32, #tpu.memory_space<hbm>>
    tpu.wait_dma2 semaphore(%arg11 : memref<!tpu.dma_semaphore, #tpu.memory_space<semaphore_mem>>) src(%dma_wait3A_215 : memref<2000xi32, #tpu.memory_space<hbm>>) dst(%arg7 : memref<2000xi32, #tpu.memory_space<vmem>>)
    %dma_wait3A_216 = tpu.memref_slice %arg2[%add3A_192] : memref<3200000xi32, #tpu.memory_space<hbm>> -> memref<2000xi32, #tpu.memory_space<hbm>>
    %dma_wait3A_217 = tpu.memref_slice %arg2[%add3A_192] : memref<3200000xi32, #tpu.memory_space<hbm>> -> memref<2000xi32, #tpu.memory_space<hbm>>
    tpu.wait_dma2 semaphore(%arg11 : memref<!tpu.dma_semaphore, #tpu.memory_space<semaphore_mem>>) src(%dma_wait3A_217 : memref<2000xi32, #tpu.memory_space<hbm>>) dst(%arg8 : memref<2000xi32, #tpu.memory_space<vmem>>)
    %scan3A_218 = arith.constant 0 : i32
    %scan3A_219 = arith.constant 0 : i32
    %scan3A_220 = arith.constant 125 : i32
    %scan3A_221 = arith.addi %scan3A_219, %scan3A_220 : i32
    %scan3A_222 = arith.constant 1 : i32
    %scan3A_223 = scf.for %scan3A_490 = %scan3A_219 to %scan3A_221 step %scan3A_222 iter_args(%scan3A_491 = %scan3A_218) -> (i32)  : i32 {
      %mul3A_492 = arith.constant 16 : i32
      %mul3A_493 = arith.muli %scan3A_490, %mul3A_492 : i32
      %get3A = arith.index_cast %mul3A_493 : i32 to index
      %get3A_494 = tpu.vector_load %arg7[%get3A] {strides = array<i32>} : memref<2000xi32, #tpu.memory_space<vmem>>, vector<16xi32>,
      %mul3A_495 = arith.constant 16 : i32
      %mul3A_496 = arith.muli %scan3A_490, %mul3A_495 : i32
      %get3A_497 = arith.index_cast %mul3A_496 : i32 to index
      %get3A_498 = tpu.vector_load %arg8[%get3A_497] {strides = array<i32>} : memref<2000xi32, #tpu.memory_space<vmem>>, vector<16xi32>,
      %gather3A = tpu.vector_load_idx %arg5[%get3A_494] : memref<50000xf32, #tpu.memory_space<vmem>>[vector<16xi32>], vector<16xf32>,
      %masked_sort3A = arith.constant dense<true> : vector<16xi1>
      %masked_sort3A_499 = arith.constant -2147483648 : i32
      %masked_sort3A_500 = vector.broadcast %masked_sort3A_499 : i32 to vector<16xi32>
      %masked_sort3A_501 = arith.xori %get3A_498, %masked_sort3A_500 : vector<16xi32>
      %masked_sort3A_502, %masked_sort3A_503, %masked_sort3A_504 = tpu.sort %masked_sort3A_501, %gather3A masked %masked_sort3A : (vector<16xi32>, vector<16xf32>, vector<16xi1>) -> (vector<16xi1>, vector<16xi32>, vector<16xf32>)
      %masked_sort3A_505 = arith.xori %masked_sort3A_503, %masked_sort3A_500 : vector<16xi32>
      %sub3A = arith.constant 1 : i32
      %sub3A_506 = vector.broadcast %sub3A : i32 to vector<16xi32>
      %sub3A_507 = arith.subi %iota3A, %sub3A_506 : vector<16xi32>
      %max3A = arith.constant 0 : i32
      %max3A_508 = vector.broadcast %max3A : i32 to vector<16xi32>
      %max3A_509 = arith.maxsi %sub3A_507, %max3A_508 : vector<16xi32>
      %broadcast_in_dim3A_510 = vector.shape_cast %max3A_509 : vector<16xi32> to vector<16x1xi32>
      %gather3A_511 = vector.shape_cast %broadcast_in_dim3A_510 : vector<16x1xi32> to vector<16xi32>
      %gather3A_512 = tpu.dynamic_gather %masked_sort3A_505[%gather3A_511] in [0] : vector<16xi32>, vector<16xi32> -> vector<16xi32>
      %broadcast_in_dim3A_513 = vector.shape_cast %max3A_509 : vector<16xi32> to vector<16x1xi32>
      %gather3A_514 = vector.shape_cast %broadcast_in_dim3A_513 : vector<16x1xi32> to vector<16xi32>
      %gather3A_515 = tpu.dynamic_gather %masked_sort3A_504[%gather3A_514] in [0] : vector<16xf32>, vector<16xi32> -> vector<16xf32>
      %ge3A = arith.constant 1 : i32
      %ge3A_516 = vector.broadcast %ge3A : i32 to vector<16xi32>
      %ge3A_517 = arith.cmpi sge, %iota3A, %ge3A_516 : vector<16xi32>
      %eq3A = arith.cmpi eq, %gather3A_512, %masked_sort3A_505 : vector<16xi32>
      %and3A = arith.andi %ge3A_517, %eq3A : vector<16xi1>
      %min3A = arith.minimumf %masked_sort3A_504, %gather3A_515 : vector<16xf32>
      %select_n3A = arith.select %and3A, %min3A, %masked_sort3A_504 : vector<16xi1>, vector<16xf32>
      %sub3A_518 = arith.constant 2 : i32
      %sub3A_519 = vector.broadcast %sub3A_518 : i32 to vector<16xi32>
      %sub3A_520 = arith.subi %iota3A, %sub3A_519 : vector<16xi32>
      %max3A_521 = arith.constant 0 : i32
      %max3A_522 = vector.broadcast %max3A_521 : i32 to vector<16xi32>
      %max3A_523 = arith.maxsi %sub3A_520, %max3A_522 : vector<16xi32>
      %broadcast_in_dim3A_524 = vector.shape_cast %max3A_523 : vector<16xi32> to vector<16x1xi32>
      %gather3A_525 = vector.shape_cast %broadcast_in_dim3A_524 : vector<16x1xi32> to vector<16xi32>
      %gather3A_526 = tpu.dynamic_gather %masked_sort3A_505[%gather3A_525] in [0] : vector<16xi32>, vector<16xi32> -> vector<16xi32>
      %broadcast_in_dim3A_527 = vector.shape_cast %max3A_523 : vector<16xi32> to vector<16x1xi32>
      %gather3A_528 = vector.shape_cast %broadcast_in_dim3A_527 : vector<16x1xi32> to vector<16xi32>
      %gather3A_529 = tpu.dynamic_gather %select_n3A[%gather3A_528] in [0] : vector<16xf32>, vector<16xi32> -> vector<16xf32>
      %ge3A_530 = arith.constant 2 : i32
      %ge3A_531 = vector.broadcast %ge3A_530 : i32 to vector<16xi32>
      %ge3A_532 = arith.cmpi sge, %iota3A, %ge3A_531 : vector<16xi32>
      %eq3A_533 = arith.cmpi eq, %gather3A_526, %masked_sort3A_505 : vector<16xi32>
      %and3A_534 = arith.andi %ge3A_532, %eq3A_533 : vector<16xi1>
      %min3A_535 = arith.minimumf %select_n3A, %gather3A_529 : vector<16xf32>
      %select_n3A_536 = arith.select %and3A_534, %min3A_535, %select_n3A : vector<16xi1>, vector<16xf32>
      %sub3A_537 = arith.constant 4 : i32
      %sub3A_538 = vector.broadcast %sub3A_537 : i32 to vector<16xi32>
      %sub3A_539 = arith.subi %iota3A, %sub3A_538 : vector<16xi32>
      %max3A_540 = arith.constant 0 : i32
      %max3A_541 = vector.broadcast %max3A_540 : i32 to vector<16xi32>
      %max3A_542 = arith.maxsi %sub3A_539, %max3A_541 : vector<16xi32>
      %broadcast_in_dim3A_543 = vector.shape_cast %max3A_542 : vector<16xi32> to vector<16x1xi32>
      %gather3A_544 = vector.shape_cast %broadcast_in_dim3A_543 : vector<16x1xi32> to vector<16xi32>
      %gather3A_545 = tpu.dynamic_gather %masked_sort3A_505[%gather3A_544] in [0] : vector<16xi32>, vector<16xi32> -> vector<16xi32>
      %broadcast_in_dim3A_546 = vector.shape_cast %max3A_542 : vector<16xi32> to vector<16x1xi32>
      %gather3A_547 = vector.shape_cast %broadcast_in_dim3A_546 : vector<16x1xi32> to vector<16xi32>
      %gather3A_548 = tpu.dynamic_gather %select_n3A_536[%gather3A_547] in [0] : vector<16xf32>, vector<16xi32> -> vector<16xf32>
      %ge3A_549 = arith.constant 4 : i32
      %ge3A_550 = vector.broadcast %ge3A_549 : i32 to vector<16xi32>
      %ge3A_551 = arith.cmpi sge, %iota3A, %ge3A_550 : vector<16xi32>
      %eq3A_552 = arith.cmpi eq, %gather3A_545, %masked_sort3A_505 : vector<16xi32>
      %and3A_553 = arith.andi %ge3A_551, %eq3A_552 : vector<16xi1>
      %min3A_554 = arith.minimumf %select_n3A_536, %gather3A_548 : vector<16xf32>
      %select_n3A_555 = arith.select %and3A_553, %min3A_554, %select_n3A_536 : vector<16xi1>, vector<16xf32>
      %sub3A_556 = arith.constant 8 : i32
      %sub3A_557 = vector.broadcast %sub3A_556 : i32 to vector<16xi32>
      %sub3A_558 = arith.subi %iota3A, %sub3A_557 : vector<16xi32>
      %max3A_559 = arith.constant 0 : i32
      %max3A_560 = vector.broadcast %max3A_559 : i32 to vector<16xi32>
      %max3A_561 = arith.maxsi %sub3A_558, %max3A_560 : vector<16xi32>
      %broadcast_in_dim3A_562 = vector.shape_cast %max3A_561 : vector<16xi32> to vector<16x1xi32>
      %gather3A_563 = vector.shape_cast %broadcast_in_dim3A_562 : vector<16x1xi32> to vector<16xi32>
      %gather3A_564 = tpu.dynamic_gather %masked_sort3A_505[%gather3A_563] in [0] : vector<16xi32>, vector<16xi32> -> vector<16xi32>
      %broadcast_in_dim3A_565 = vector.shape_cast %max3A_561 : vector<16xi32> to vector<16x1xi32>
      %gather3A_566 = vector.shape_cast %broadcast_in_dim3A_565 : vector<16x1xi32> to vector<16xi32>
      %gather3A_567 = tpu.dynamic_gather %select_n3A_555[%gather3A_566] in [0] : vector<16xf32>, vector<16xi32> -> vector<16xf32>
      %ge3A_568 = arith.constant 8 : i32
      %ge3A_569 = vector.broadcast %ge3A_568 : i32 to vector<16xi32>
      %ge3A_570 = arith.cmpi sge, %iota3A, %ge3A_569 : vector<16xi32>
      %eq3A_571 = arith.cmpi eq, %gather3A_564, %masked_sort3A_505 : vector<16xi32>
      %and3A_572 = arith.andi %ge3A_570, %eq3A_571 : vector<16xi1>
      %min3A_573 = arith.minimumf %select_n3A_555, %gather3A_567 : vector<16xf32>
      %select_n3A_574 = arith.select %and3A_572, %min3A_573, %select_n3A_555 : vector<16xi1>, vector<16xf32>
      %add3A_575 = arith.constant 1 : i32
      %add3A_576 = vector.broadcast %add3A_575 : i32 to vector<16xi32>
      %add3A_577 = arith.addi %iota3A, %add3A_576 : vector<16xi32>
      %min3A_578 = arith.constant 15 : i32
      %min3A_579 = vector.broadcast %min3A_578 : i32 to vector<16xi32>
      %min3A_580 = arith.minsi %add3A_577, %min3A_579 : vector<16xi32>
      %broadcast_in_dim3A_581 = vector.shape_cast %min3A_580 : vector<16xi32> to vector<16x1xi32>
      %gather3A_582 = vector.shape_cast %broadcast_in_dim3A_581 : vector<16x1xi32> to vector<16xi32>
      %gather3A_583 = tpu.dynamic_gather %masked_sort3A_505[%gather3A_582] in [0] : vector<16xi32>, vector<16xi32> -> vector<16xi32>
      %eq3A_584 = arith.constant 15 : i32
      %eq3A_585 = vector.broadcast %eq3A_584 : i32 to vector<16xi32>
      %eq3A_586 = arith.cmpi eq, %iota3A, %eq3A_585 : vector<16xi32>
      %ne3A = arith.cmpi ne, %gather3A_583, %masked_sort3A_505 : vector<16xi32>
      %or3A = arith.ori %eq3A_586, %ne3A : vector<16xi1>
      %gather3A_587 = tpu.vector_load_idx %arg6[%masked_sort3A_505] : memref<50000xf32, #tpu.memory_space<vmem>>[vector<16xi32>], vector<16xf32>,
      %min3A_588 = arith.minimumf %gather3A_587, %select_n3A_574 : vector<16xf32>
      tpu.vector_store_idx %arg6[%masked_sort3A_505], %min3A_588 masked %or3A : memref<50000xf32, #tpu.memory_space<vmem>>[vector<16xi32>], vector<16xf32>, vector<16xi1>
      %scan3A_589 = arith.constant 0 : i32
      scf.yield %scan3A_589 : i32
    }
    %scan3A_224 = arith.constant 125 : i32
    %add3A_225 = arith.constant 24000 : i32
    %add3A_226 = arith.addi %mul3A_2, %add3A_225 : i32
    %dma_start3A_227 = tpu.memref_slice %arg2[%add3A_226] : memref<3200000xi32, #tpu.memory_space<hbm>> -> memref<2000xi32, #tpu.memory_space<hbm>>
    %dma_start3A_228 = tpu.memref_slice %arg2[%add3A_226] : memref<3200000xi32, #tpu.memory_space<hbm>> -> memref<2000xi32, #tpu.memory_space<hbm>>
    tpu.enqueue_dma source(%dma_start3A_228 : memref<2000xi32, #tpu.memory_space<hbm>>) target(%arg7 : memref<2000xi32, #tpu.memory_space<vmem>>) target_semaphore(%arg11 : memref<!tpu.dma_semaphore, #tpu.memory_space<semaphore_mem>>)
    %add3A_229 = arith.constant 1600000 : i32
    %add3A_230 = arith.addi %add3A_229, %add3A_226 : i32
    %dma_start3A_231 = tpu.memref_slice %arg2[%add3A_230] : memref<3200000xi32, #tpu.memory_space<hbm>> -> memref<2000xi32, #tpu.memory_space<hbm>>
    %dma_start3A_232 = tpu.memref_slice %arg2[%add3A_230] : memref<3200000xi32, #tpu.memory_space<hbm>> -> memref<2000xi32, #tpu.memory_space<hbm>>
    tpu.enqueue_dma source(%dma_start3A_232 : memref<2000xi32, #tpu.memory_space<hbm>>) target(%arg8 : memref<2000xi32, #tpu.memory_space<vmem>>) target_semaphore(%arg11 : memref<!tpu.dma_semaphore, #tpu.memory_space<semaphore_mem>>)
    %dma_wait3A_233 = tpu.memref_slice %arg2[%add3A_207] : memref<3200000xi32, #tpu.memory_space<hbm>> -> memref<2000xi32, #tpu.memory_space<hbm>>
    %dma_wait3A_234 = tpu.memref_slice %arg2[%add3A_207] : memref<3200000xi32, #tpu.memory_space<hbm>> -> memref<2000xi32, #tpu.memory_space<hbm>>
    tpu.wait_dma2 semaphore(%arg12 : memref<!tpu.dma_semaphore, #tpu.memory_space<semaphore_mem>>) src(%dma_wait3A_234 : memref<2000xi32, #tpu.memory_space<hbm>>) dst(%arg9 : memref<2000xi32, #tpu.memory_space<vmem>>)
    %dma_wait3A_235 = tpu.memref_slice %arg2[%add3A_211] : memref<3200000xi32, #tpu.memory_space<hbm>> -> memref<2000xi32, #tpu.memory_space<hbm>>
    %dma_wait3A_236 = tpu.memref_slice %arg2[%add3A_211] : memref<3200000xi32, #tpu.memory_space<hbm>> -> memref<2000xi32, #tpu.memory_space<hbm>>
    tpu.wait_dma2 semaphore(%arg12 : memref<!tpu.dma_semaphore, #tpu.memory_space<semaphore_mem>>) src(%dma_wait3A_236 : memref<2000xi32, #tpu.memory_space<hbm>>) dst(%arg10 : memref<2000xi32, #tpu.memory_space<vmem>>)
    %scan3A_237 = arith.constant 0 : i32
    %scan3A_238 = arith.constant 0 : i32
    %scan3A_239 = arith.constant 125 : i32
    %scan3A_240 = arith.addi %scan3A_238, %scan3A_239 : i32
    %scan3A_241 = arith.constant 1 : i32
    %scan3A_242 = scf.for %scan3A_490 = %scan3A_238 to %scan3A_240 step %scan3A_241 iter_args(%scan3A_491 = %scan3A_237) -> (i32)  : i32 {
      %mul3A_492 = arith.constant 16 : i32
      %mul3A_493 = arith.muli %scan3A_490, %mul3A_492 : i32
      %get3A = arith.index_cast %mul3A_493 : i32 to index
      %get3A_494 = tpu.vector_load %arg9[%get3A] {strides = array<i32>} : memref<2000xi32, #tpu.memory_space<vmem>>, vector<16xi32>,
      %mul3A_495 = arith.constant 16 : i32
      %mul3A_496 = arith.muli %scan3A_490, %mul3A_495 : i32
      %get3A_497 = arith.index_cast %mul3A_496 : i32 to index
      %get3A_498 = tpu.vector_load %arg10[%get3A_497] {strides = array<i32>} : memref<2000xi32, #tpu.memory_space<vmem>>, vector<16xi32>,
      %gather3A = tpu.vector_load_idx %arg5[%get3A_494] : memref<50000xf32, #tpu.memory_space<vmem>>[vector<16xi32>], vector<16xf32>,
      %masked_sort3A = arith.constant dense<true> : vector<16xi1>
      %masked_sort3A_499 = arith.constant -2147483648 : i32
      %masked_sort3A_500 = vector.broadcast %masked_sort3A_499 : i32 to vector<16xi32>
      %masked_sort3A_501 = arith.xori %get3A_498, %masked_sort3A_500 : vector<16xi32>
      %masked_sort3A_502, %masked_sort3A_503, %masked_sort3A_504 = tpu.sort %masked_sort3A_501, %gather3A masked %masked_sort3A : (vector<16xi32>, vector<16xf32>, vector<16xi1>) -> (vector<16xi1>, vector<16xi32>, vector<16xf32>)
      %masked_sort3A_505 = arith.xori %masked_sort3A_503, %masked_sort3A_500 : vector<16xi32>
      %sub3A = arith.constant 1 : i32
      %sub3A_506 = vector.broadcast %sub3A : i32 to vector<16xi32>
      %sub3A_507 = arith.subi %iota3A, %sub3A_506 : vector<16xi32>
      %max3A = arith.constant 0 : i32
      %max3A_508 = vector.broadcast %max3A : i32 to vector<16xi32>
      %max3A_509 = arith.maxsi %sub3A_507, %max3A_508 : vector<16xi32>
      %broadcast_in_dim3A_510 = vector.shape_cast %max3A_509 : vector<16xi32> to vector<16x1xi32>
      %gather3A_511 = vector.shape_cast %broadcast_in_dim3A_510 : vector<16x1xi32> to vector<16xi32>
      %gather3A_512 = tpu.dynamic_gather %masked_sort3A_505[%gather3A_511] in [0] : vector<16xi32>, vector<16xi32> -> vector<16xi32>
      %broadcast_in_dim3A_513 = vector.shape_cast %max3A_509 : vector<16xi32> to vector<16x1xi32>
      %gather3A_514 = vector.shape_cast %broadcast_in_dim3A_513 : vector<16x1xi32> to vector<16xi32>
      %gather3A_515 = tpu.dynamic_gather %masked_sort3A_504[%gather3A_514] in [0] : vector<16xf32>, vector<16xi32> -> vector<16xf32>
      %ge3A = arith.constant 1 : i32
      %ge3A_516 = vector.broadcast %ge3A : i32 to vector<16xi32>
      %ge3A_517 = arith.cmpi sge, %iota3A, %ge3A_516 : vector<16xi32>
      %eq3A = arith.cmpi eq, %gather3A_512, %masked_sort3A_505 : vector<16xi32>
      %and3A = arith.andi %ge3A_517, %eq3A : vector<16xi1>
      %min3A = arith.minimumf %masked_sort3A_504, %gather3A_515 : vector<16xf32>
      %select_n3A = arith.select %and3A, %min3A, %masked_sort3A_504 : vector<16xi1>, vector<16xf32>
      %sub3A_518 = arith.constant 2 : i32
      %sub3A_519 = vector.broadcast %sub3A_518 : i32 to vector<16xi32>
      %sub3A_520 = arith.subi %iota3A, %sub3A_519 : vector<16xi32>
      %max3A_521 = arith.constant 0 : i32
      %max3A_522 = vector.broadcast %max3A_521 : i32 to vector<16xi32>
      %max3A_523 = arith.maxsi %sub3A_520, %max3A_522 : vector<16xi32>
      %broadcast_in_dim3A_524 = vector.shape_cast %max3A_523 : vector<16xi32> to vector<16x1xi32>
      %gather3A_525 = vector.shape_cast %broadcast_in_dim3A_524 : vector<16x1xi32> to vector<16xi32>
      %gather3A_526 = tpu.dynamic_gather %masked_sort3A_505[%gather3A_525] in [0] : vector<16xi32>, vector<16xi32> -> vector<16xi32>
      %broadcast_in_dim3A_527 = vector.shape_cast %max3A_523 : vector<16xi32> to vector<16x1xi32>
      %gather3A_528 = vector.shape_cast %broadcast_in_dim3A_527 : vector<16x1xi32> to vector<16xi32>
      %gather3A_529 = tpu.dynamic_gather %select_n3A[%gather3A_528] in [0] : vector<16xf32>, vector<16xi32> -> vector<16xf32>
      %ge3A_530 = arith.constant 2 : i32
      %ge3A_531 = vector.broadcast %ge3A_530 : i32 to vector<16xi32>
      %ge3A_532 = arith.cmpi sge, %iota3A, %ge3A_531 : vector<16xi32>
      %eq3A_533 = arith.cmpi eq, %gather3A_526, %masked_sort3A_505 : vector<16xi32>
      %and3A_534 = arith.andi %ge3A_532, %eq3A_533 : vector<16xi1>
      %min3A_535 = arith.minimumf %select_n3A, %gather3A_529 : vector<16xf32>
      %select_n3A_536 = arith.select %and3A_534, %min3A_535, %select_n3A : vector<16xi1>, vector<16xf32>
      %sub3A_537 = arith.constant 4 : i32
      %sub3A_538 = vector.broadcast %sub3A_537 : i32 to vector<16xi32>
      %sub3A_539 = arith.subi %iota3A, %sub3A_538 : vector<16xi32>
      %max3A_540 = arith.constant 0 : i32
      %max3A_541 = vector.broadcast %max3A_540 : i32 to vector<16xi32>
      %max3A_542 = arith.maxsi %sub3A_539, %max3A_541 : vector<16xi32>
      %broadcast_in_dim3A_543 = vector.shape_cast %max3A_542 : vector<16xi32> to vector<16x1xi32>
      %gather3A_544 = vector.shape_cast %broadcast_in_dim3A_543 : vector<16x1xi32> to vector<16xi32>
      %gather3A_545 = tpu.dynamic_gather %masked_sort3A_505[%gather3A_544] in [0] : vector<16xi32>, vector<16xi32> -> vector<16xi32>
      %broadcast_in_dim3A_546 = vector.shape_cast %max3A_542 : vector<16xi32> to vector<16x1xi32>
      %gather3A_547 = vector.shape_cast %broadcast_in_dim3A_546 : vector<16x1xi32> to vector<16xi32>
      %gather3A_548 = tpu.dynamic_gather %select_n3A_536[%gather3A_547] in [0] : vector<16xf32>, vector<16xi32> -> vector<16xf32>
      %ge3A_549 = arith.constant 4 : i32
      %ge3A_550 = vector.broadcast %ge3A_549 : i32 to vector<16xi32>
      %ge3A_551 = arith.cmpi sge, %iota3A, %ge3A_550 : vector<16xi32>
      %eq3A_552 = arith.cmpi eq, %gather3A_545, %masked_sort3A_505 : vector<16xi32>
      %and3A_553 = arith.andi %ge3A_551, %eq3A_552 : vector<16xi1>
      %min3A_554 = arith.minimumf %select_n3A_536, %gather3A_548 : vector<16xf32>
      %select_n3A_555 = arith.select %and3A_553, %min3A_554, %select_n3A_536 : vector<16xi1>, vector<16xf32>
      %sub3A_556 = arith.constant 8 : i32
      %sub3A_557 = vector.broadcast %sub3A_556 : i32 to vector<16xi32>
      %sub3A_558 = arith.subi %iota3A, %sub3A_557 : vector<16xi32>
      %max3A_559 = arith.constant 0 : i32
      %max3A_560 = vector.broadcast %max3A_559 : i32 to vector<16xi32>
      %max3A_561 = arith.maxsi %sub3A_558, %max3A_560 : vector<16xi32>
      %broadcast_in_dim3A_562 = vector.shape_cast %max3A_561 : vector<16xi32> to vector<16x1xi32>
      %gather3A_563 = vector.shape_cast %broadcast_in_dim3A_562 : vector<16x1xi32> to vector<16xi32>
      %gather3A_564 = tpu.dynamic_gather %masked_sort3A_505[%gather3A_563] in [0] : vector<16xi32>, vector<16xi32> -> vector<16xi32>
      %broadcast_in_dim3A_565 = vector.shape_cast %max3A_561 : vector<16xi32> to vector<16x1xi32>
      %gather3A_566 = vector.shape_cast %broadcast_in_dim3A_565 : vector<16x1xi32> to vector<16xi32>
      %gather3A_567 = tpu.dynamic_gather %select_n3A_555[%gather3A_566] in [0] : vector<16xf32>, vector<16xi32> -> vector<16xf32>
      %ge3A_568 = arith.constant 8 : i32
      %ge3A_569 = vector.broadcast %ge3A_568 : i32 to vector<16xi32>
      %ge3A_570 = arith.cmpi sge, %iota3A, %ge3A_569 : vector<16xi32>
      %eq3A_571 = arith.cmpi eq, %gather3A_564, %masked_sort3A_505 : vector<16xi32>
      %and3A_572 = arith.andi %ge3A_570, %eq3A_571 : vector<16xi1>
      %min3A_573 = arith.minimumf %select_n3A_555, %gather3A_567 : vector<16xf32>
      %select_n3A_574 = arith.select %and3A_572, %min3A_573, %select_n3A_555 : vector<16xi1>, vector<16xf32>
      %add3A_575 = arith.constant 1 : i32
      %add3A_576 = vector.broadcast %add3A_575 : i32 to vector<16xi32>
      %add3A_577 = arith.addi %iota3A, %add3A_576 : vector<16xi32>
      %min3A_578 = arith.constant 15 : i32
      %min3A_579 = vector.broadcast %min3A_578 : i32 to vector<16xi32>
      %min3A_580 = arith.minsi %add3A_577, %min3A_579 : vector<16xi32>
      %broadcast_in_dim3A_581 = vector.shape_cast %min3A_580 : vector<16xi32> to vector<16x1xi32>
      %gather3A_582 = vector.shape_cast %broadcast_in_dim3A_581 : vector<16x1xi32> to vector<16xi32>
      %gather3A_583 = tpu.dynamic_gather %masked_sort3A_505[%gather3A_582] in [0] : vector<16xi32>, vector<16xi32> -> vector<16xi32>
      %eq3A_584 = arith.constant 15 : i32
      %eq3A_585 = vector.broadcast %eq3A_584 : i32 to vector<16xi32>
      %eq3A_586 = arith.cmpi eq, %iota3A, %eq3A_585 : vector<16xi32>
      %ne3A = arith.cmpi ne, %gather3A_583, %masked_sort3A_505 : vector<16xi32>
      %or3A = arith.ori %eq3A_586, %ne3A : vector<16xi1>
      %gather3A_587 = tpu.vector_load_idx %arg6[%masked_sort3A_505] : memref<50000xf32, #tpu.memory_space<vmem>>[vector<16xi32>], vector<16xf32>,
      %min3A_588 = arith.minimumf %gather3A_587, %select_n3A_574 : vector<16xf32>
      tpu.vector_store_idx %arg6[%masked_sort3A_505], %min3A_588 masked %or3A : memref<50000xf32, #tpu.memory_space<vmem>>[vector<16xi32>], vector<16xf32>, vector<16xi1>
      %scan3A_589 = arith.constant 0 : i32
      scf.yield %scan3A_589 : i32
    }
    %scan3A_243 = arith.constant 125 : i32
    %add3A_244 = arith.constant 26000 : i32
    %add3A_245 = arith.addi %mul3A_2, %add3A_244 : i32
    %dma_start3A_246 = tpu.memref_slice %arg2[%add3A_245] : memref<3200000xi32, #tpu.memory_space<hbm>> -> memref<2000xi32, #tpu.memory_space<hbm>>
    %dma_start3A_247 = tpu.memref_slice %arg2[%add3A_245] : memref<3200000xi32, #tpu.memory_space<hbm>> -> memref<2000xi32, #tpu.memory_space<hbm>>
    tpu.enqueue_dma source(%dma_start3A_247 : memref<2000xi32, #tpu.memory_space<hbm>>) target(%arg9 : memref<2000xi32, #tpu.memory_space<vmem>>) target_semaphore(%arg12 : memref<!tpu.dma_semaphore, #tpu.memory_space<semaphore_mem>>)
    %add3A_248 = arith.constant 1600000 : i32
    %add3A_249 = arith.addi %add3A_248, %add3A_245 : i32
    %dma_start3A_250 = tpu.memref_slice %arg2[%add3A_249] : memref<3200000xi32, #tpu.memory_space<hbm>> -> memref<2000xi32, #tpu.memory_space<hbm>>
    %dma_start3A_251 = tpu.memref_slice %arg2[%add3A_249] : memref<3200000xi32, #tpu.memory_space<hbm>> -> memref<2000xi32, #tpu.memory_space<hbm>>
    tpu.enqueue_dma source(%dma_start3A_251 : memref<2000xi32, #tpu.memory_space<hbm>>) target(%arg10 : memref<2000xi32, #tpu.memory_space<vmem>>) target_semaphore(%arg12 : memref<!tpu.dma_semaphore, #tpu.memory_space<semaphore_mem>>)
    %dma_wait3A_252 = tpu.memref_slice %arg2[%add3A_226] : memref<3200000xi32, #tpu.memory_space<hbm>> -> memref<2000xi32, #tpu.memory_space<hbm>>
    %dma_wait3A_253 = tpu.memref_slice %arg2[%add3A_226] : memref<3200000xi32, #tpu.memory_space<hbm>> -> memref<2000xi32, #tpu.memory_space<hbm>>
    tpu.wait_dma2 semaphore(%arg11 : memref<!tpu.dma_semaphore, #tpu.memory_space<semaphore_mem>>) src(%dma_wait3A_253 : memref<2000xi32, #tpu.memory_space<hbm>>) dst(%arg7 : memref<2000xi32, #tpu.memory_space<vmem>>)
    %dma_wait3A_254 = tpu.memref_slice %arg2[%add3A_230] : memref<3200000xi32, #tpu.memory_space<hbm>> -> memref<2000xi32, #tpu.memory_space<hbm>>
    %dma_wait3A_255 = tpu.memref_slice %arg2[%add3A_230] : memref<3200000xi32, #tpu.memory_space<hbm>> -> memref<2000xi32, #tpu.memory_space<hbm>>
    tpu.wait_dma2 semaphore(%arg11 : memref<!tpu.dma_semaphore, #tpu.memory_space<semaphore_mem>>) src(%dma_wait3A_255 : memref<2000xi32, #tpu.memory_space<hbm>>) dst(%arg8 : memref<2000xi32, #tpu.memory_space<vmem>>)
    %scan3A_256 = arith.constant 0 : i32
    %scan3A_257 = arith.constant 0 : i32
    %scan3A_258 = arith.constant 125 : i32
    %scan3A_259 = arith.addi %scan3A_257, %scan3A_258 : i32
    %scan3A_260 = arith.constant 1 : i32
    %scan3A_261 = scf.for %scan3A_490 = %scan3A_257 to %scan3A_259 step %scan3A_260 iter_args(%scan3A_491 = %scan3A_256) -> (i32)  : i32 {
      %mul3A_492 = arith.constant 16 : i32
      %mul3A_493 = arith.muli %scan3A_490, %mul3A_492 : i32
      %get3A = arith.index_cast %mul3A_493 : i32 to index
      %get3A_494 = tpu.vector_load %arg7[%get3A] {strides = array<i32>} : memref<2000xi32, #tpu.memory_space<vmem>>, vector<16xi32>,
      %mul3A_495 = arith.constant 16 : i32
      %mul3A_496 = arith.muli %scan3A_490, %mul3A_495 : i32
      %get3A_497 = arith.index_cast %mul3A_496 : i32 to index
      %get3A_498 = tpu.vector_load %arg8[%get3A_497] {strides = array<i32>} : memref<2000xi32, #tpu.memory_space<vmem>>, vector<16xi32>,
      %gather3A = tpu.vector_load_idx %arg5[%get3A_494] : memref<50000xf32, #tpu.memory_space<vmem>>[vector<16xi32>], vector<16xf32>,
      %masked_sort3A = arith.constant dense<true> : vector<16xi1>
      %masked_sort3A_499 = arith.constant -2147483648 : i32
      %masked_sort3A_500 = vector.broadcast %masked_sort3A_499 : i32 to vector<16xi32>
      %masked_sort3A_501 = arith.xori %get3A_498, %masked_sort3A_500 : vector<16xi32>
      %masked_sort3A_502, %masked_sort3A_503, %masked_sort3A_504 = tpu.sort %masked_sort3A_501, %gather3A masked %masked_sort3A : (vector<16xi32>, vector<16xf32>, vector<16xi1>) -> (vector<16xi1>, vector<16xi32>, vector<16xf32>)
      %masked_sort3A_505 = arith.xori %masked_sort3A_503, %masked_sort3A_500 : vector<16xi32>
      %sub3A = arith.constant 1 : i32
      %sub3A_506 = vector.broadcast %sub3A : i32 to vector<16xi32>
      %sub3A_507 = arith.subi %iota3A, %sub3A_506 : vector<16xi32>
      %max3A = arith.constant 0 : i32
      %max3A_508 = vector.broadcast %max3A : i32 to vector<16xi32>
      %max3A_509 = arith.maxsi %sub3A_507, %max3A_508 : vector<16xi32>
      %broadcast_in_dim3A_510 = vector.shape_cast %max3A_509 : vector<16xi32> to vector<16x1xi32>
      %gather3A_511 = vector.shape_cast %broadcast_in_dim3A_510 : vector<16x1xi32> to vector<16xi32>
      %gather3A_512 = tpu.dynamic_gather %masked_sort3A_505[%gather3A_511] in [0] : vector<16xi32>, vector<16xi32> -> vector<16xi32>
      %broadcast_in_dim3A_513 = vector.shape_cast %max3A_509 : vector<16xi32> to vector<16x1xi32>
      %gather3A_514 = vector.shape_cast %broadcast_in_dim3A_513 : vector<16x1xi32> to vector<16xi32>
      %gather3A_515 = tpu.dynamic_gather %masked_sort3A_504[%gather3A_514] in [0] : vector<16xf32>, vector<16xi32> -> vector<16xf32>
      %ge3A = arith.constant 1 : i32
      %ge3A_516 = vector.broadcast %ge3A : i32 to vector<16xi32>
      %ge3A_517 = arith.cmpi sge, %iota3A, %ge3A_516 : vector<16xi32>
      %eq3A = arith.cmpi eq, %gather3A_512, %masked_sort3A_505 : vector<16xi32>
      %and3A = arith.andi %ge3A_517, %eq3A : vector<16xi1>
      %min3A = arith.minimumf %masked_sort3A_504, %gather3A_515 : vector<16xf32>
      %select_n3A = arith.select %and3A, %min3A, %masked_sort3A_504 : vector<16xi1>, vector<16xf32>
      %sub3A_518 = arith.constant 2 : i32
      %sub3A_519 = vector.broadcast %sub3A_518 : i32 to vector<16xi32>
      %sub3A_520 = arith.subi %iota3A, %sub3A_519 : vector<16xi32>
      %max3A_521 = arith.constant 0 : i32
      %max3A_522 = vector.broadcast %max3A_521 : i32 to vector<16xi32>
      %max3A_523 = arith.maxsi %sub3A_520, %max3A_522 : vector<16xi32>
      %broadcast_in_dim3A_524 = vector.shape_cast %max3A_523 : vector<16xi32> to vector<16x1xi32>
      %gather3A_525 = vector.shape_cast %broadcast_in_dim3A_524 : vector<16x1xi32> to vector<16xi32>
      %gather3A_526 = tpu.dynamic_gather %masked_sort3A_505[%gather3A_525] in [0] : vector<16xi32>, vector<16xi32> -> vector<16xi32>
      %broadcast_in_dim3A_527 = vector.shape_cast %max3A_523 : vector<16xi32> to vector<16x1xi32>
      %gather3A_528 = vector.shape_cast %broadcast_in_dim3A_527 : vector<16x1xi32> to vector<16xi32>
      %gather3A_529 = tpu.dynamic_gather %select_n3A[%gather3A_528] in [0] : vector<16xf32>, vector<16xi32> -> vector<16xf32>
      %ge3A_530 = arith.constant 2 : i32
      %ge3A_531 = vector.broadcast %ge3A_530 : i32 to vector<16xi32>
      %ge3A_532 = arith.cmpi sge, %iota3A, %ge3A_531 : vector<16xi32>
      %eq3A_533 = arith.cmpi eq, %gather3A_526, %masked_sort3A_505 : vector<16xi32>
      %and3A_534 = arith.andi %ge3A_532, %eq3A_533 : vector<16xi1>
      %min3A_535 = arith.minimumf %select_n3A, %gather3A_529 : vector<16xf32>
      %select_n3A_536 = arith.select %and3A_534, %min3A_535, %select_n3A : vector<16xi1>, vector<16xf32>
      %sub3A_537 = arith.constant 4 : i32
      %sub3A_538 = vector.broadcast %sub3A_537 : i32 to vector<16xi32>
      %sub3A_539 = arith.subi %iota3A, %sub3A_538 : vector<16xi32>
      %max3A_540 = arith.constant 0 : i32
      %max3A_541 = vector.broadcast %max3A_540 : i32 to vector<16xi32>
      %max3A_542 = arith.maxsi %sub3A_539, %max3A_541 : vector<16xi32>
      %broadcast_in_dim3A_543 = vector.shape_cast %max3A_542 : vector<16xi32> to vector<16x1xi32>
      %gather3A_544 = vector.shape_cast %broadcast_in_dim3A_543 : vector<16x1xi32> to vector<16xi32>
      %gather3A_545 = tpu.dynamic_gather %masked_sort3A_505[%gather3A_544] in [0] : vector<16xi32>, vector<16xi32> -> vector<16xi32>
      %broadcast_in_dim3A_546 = vector.shape_cast %max3A_542 : vector<16xi32> to vector<16x1xi32>
      %gather3A_547 = vector.shape_cast %broadcast_in_dim3A_546 : vector<16x1xi32> to vector<16xi32>
      %gather3A_548 = tpu.dynamic_gather %select_n3A_536[%gather3A_547] in [0] : vector<16xf32>, vector<16xi32> -> vector<16xf32>
      %ge3A_549 = arith.constant 4 : i32
      %ge3A_550 = vector.broadcast %ge3A_549 : i32 to vector<16xi32>
      %ge3A_551 = arith.cmpi sge, %iota3A, %ge3A_550 : vector<16xi32>
      %eq3A_552 = arith.cmpi eq, %gather3A_545, %masked_sort3A_505 : vector<16xi32>
      %and3A_553 = arith.andi %ge3A_551, %eq3A_552 : vector<16xi1>
      %min3A_554 = arith.minimumf %select_n3A_536, %gather3A_548 : vector<16xf32>
      %select_n3A_555 = arith.select %and3A_553, %min3A_554, %select_n3A_536 : vector<16xi1>, vector<16xf32>
      %sub3A_556 = arith.constant 8 : i32
      %sub3A_557 = vector.broadcast %sub3A_556 : i32 to vector<16xi32>
      %sub3A_558 = arith.subi %iota3A, %sub3A_557 : vector<16xi32>
      %max3A_559 = arith.constant 0 : i32
      %max3A_560 = vector.broadcast %max3A_559 : i32 to vector<16xi32>
      %max3A_561 = arith.maxsi %sub3A_558, %max3A_560 : vector<16xi32>
      %broadcast_in_dim3A_562 = vector.shape_cast %max3A_561 : vector<16xi32> to vector<16x1xi32>
      %gather3A_563 = vector.shape_cast %broadcast_in_dim3A_562 : vector<16x1xi32> to vector<16xi32>
      %gather3A_564 = tpu.dynamic_gather %masked_sort3A_505[%gather3A_563] in [0] : vector<16xi32>, vector<16xi32> -> vector<16xi32>
      %broadcast_in_dim3A_565 = vector.shape_cast %max3A_561 : vector<16xi32> to vector<16x1xi32>
      %gather3A_566 = vector.shape_cast %broadcast_in_dim3A_565 : vector<16x1xi32> to vector<16xi32>
      %gather3A_567 = tpu.dynamic_gather %select_n3A_555[%gather3A_566] in [0] : vector<16xf32>, vector<16xi32> -> vector<16xf32>
      %ge3A_568 = arith.constant 8 : i32
      %ge3A_569 = vector.broadcast %ge3A_568 : i32 to vector<16xi32>
      %ge3A_570 = arith.cmpi sge, %iota3A, %ge3A_569 : vector<16xi32>
      %eq3A_571 = arith.cmpi eq, %gather3A_564, %masked_sort3A_505 : vector<16xi32>
      %and3A_572 = arith.andi %ge3A_570, %eq3A_571 : vector<16xi1>
      %min3A_573 = arith.minimumf %select_n3A_555, %gather3A_567 : vector<16xf32>
      %select_n3A_574 = arith.select %and3A_572, %min3A_573, %select_n3A_555 : vector<16xi1>, vector<16xf32>
      %add3A_575 = arith.constant 1 : i32
      %add3A_576 = vector.broadcast %add3A_575 : i32 to vector<16xi32>
      %add3A_577 = arith.addi %iota3A, %add3A_576 : vector<16xi32>
      %min3A_578 = arith.constant 15 : i32
      %min3A_579 = vector.broadcast %min3A_578 : i32 to vector<16xi32>
      %min3A_580 = arith.minsi %add3A_577, %min3A_579 : vector<16xi32>
      %broadcast_in_dim3A_581 = vector.shape_cast %min3A_580 : vector<16xi32> to vector<16x1xi32>
      %gather3A_582 = vector.shape_cast %broadcast_in_dim3A_581 : vector<16x1xi32> to vector<16xi32>
      %gather3A_583 = tpu.dynamic_gather %masked_sort3A_505[%gather3A_582] in [0] : vector<16xi32>, vector<16xi32> -> vector<16xi32>
      %eq3A_584 = arith.constant 15 : i32
      %eq3A_585 = vector.broadcast %eq3A_584 : i32 to vector<16xi32>
      %eq3A_586 = arith.cmpi eq, %iota3A, %eq3A_585 : vector<16xi32>
      %ne3A = arith.cmpi ne, %gather3A_583, %masked_sort3A_505 : vector<16xi32>
      %or3A = arith.ori %eq3A_586, %ne3A : vector<16xi1>
      %gather3A_587 = tpu.vector_load_idx %arg6[%masked_sort3A_505] : memref<50000xf32, #tpu.memory_space<vmem>>[vector<16xi32>], vector<16xf32>,
      %min3A_588 = arith.minimumf %gather3A_587, %select_n3A_574 : vector<16xf32>
      tpu.vector_store_idx %arg6[%masked_sort3A_505], %min3A_588 masked %or3A : memref<50000xf32, #tpu.memory_space<vmem>>[vector<16xi32>], vector<16xf32>, vector<16xi1>
      %scan3A_589 = arith.constant 0 : i32
      scf.yield %scan3A_589 : i32
    }
    %scan3A_262 = arith.constant 125 : i32
    %add3A_263 = arith.constant 28000 : i32
    %add3A_264 = arith.addi %mul3A_2, %add3A_263 : i32
    %dma_start3A_265 = tpu.memref_slice %arg2[%add3A_264] : memref<3200000xi32, #tpu.memory_space<hbm>> -> memref<2000xi32, #tpu.memory_space<hbm>>
    %dma_start3A_266 = tpu.memref_slice %arg2[%add3A_264] : memref<3200000xi32, #tpu.memory_space<hbm>> -> memref<2000xi32, #tpu.memory_space<hbm>>
    tpu.enqueue_dma source(%dma_start3A_266 : memref<2000xi32, #tpu.memory_space<hbm>>) target(%arg7 : memref<2000xi32, #tpu.memory_space<vmem>>) target_semaphore(%arg11 : memref<!tpu.dma_semaphore, #tpu.memory_space<semaphore_mem>>)
    %add3A_267 = arith.constant 1600000 : i32
    %add3A_268 = arith.addi %add3A_267, %add3A_264 : i32
    %dma_start3A_269 = tpu.memref_slice %arg2[%add3A_268] : memref<3200000xi32, #tpu.memory_space<hbm>> -> memref<2000xi32, #tpu.memory_space<hbm>>
    %dma_start3A_270 = tpu.memref_slice %arg2[%add3A_268] : memref<3200000xi32, #tpu.memory_space<hbm>> -> memref<2000xi32, #tpu.memory_space<hbm>>
    tpu.enqueue_dma source(%dma_start3A_270 : memref<2000xi32, #tpu.memory_space<hbm>>) target(%arg8 : memref<2000xi32, #tpu.memory_space<vmem>>) target_semaphore(%arg11 : memref<!tpu.dma_semaphore, #tpu.memory_space<semaphore_mem>>)
    %dma_wait3A_271 = tpu.memref_slice %arg2[%add3A_245] : memref<3200000xi32, #tpu.memory_space<hbm>> -> memref<2000xi32, #tpu.memory_space<hbm>>
    %dma_wait3A_272 = tpu.memref_slice %arg2[%add3A_245] : memref<3200000xi32, #tpu.memory_space<hbm>> -> memref<2000xi32, #tpu.memory_space<hbm>>
    tpu.wait_dma2 semaphore(%arg12 : memref<!tpu.dma_semaphore, #tpu.memory_space<semaphore_mem>>) src(%dma_wait3A_272 : memref<2000xi32, #tpu.memory_space<hbm>>) dst(%arg9 : memref<2000xi32, #tpu.memory_space<vmem>>)
    %dma_wait3A_273 = tpu.memref_slice %arg2[%add3A_249] : memref<3200000xi32, #tpu.memory_space<hbm>> -> memref<2000xi32, #tpu.memory_space<hbm>>
    %dma_wait3A_274 = tpu.memref_slice %arg2[%add3A_249] : memref<3200000xi32, #tpu.memory_space<hbm>> -> memref<2000xi32, #tpu.memory_space<hbm>>
    tpu.wait_dma2 semaphore(%arg12 : memref<!tpu.dma_semaphore, #tpu.memory_space<semaphore_mem>>) src(%dma_wait3A_274 : memref<2000xi32, #tpu.memory_space<hbm>>) dst(%arg10 : memref<2000xi32, #tpu.memory_space<vmem>>)
    %scan3A_275 = arith.constant 0 : i32
    %scan3A_276 = arith.constant 0 : i32
    %scan3A_277 = arith.constant 125 : i32
    %scan3A_278 = arith.addi %scan3A_276, %scan3A_277 : i32
    %scan3A_279 = arith.constant 1 : i32
    %scan3A_280 = scf.for %scan3A_490 = %scan3A_276 to %scan3A_278 step %scan3A_279 iter_args(%scan3A_491 = %scan3A_275) -> (i32)  : i32 {
      %mul3A_492 = arith.constant 16 : i32
      %mul3A_493 = arith.muli %scan3A_490, %mul3A_492 : i32
      %get3A = arith.index_cast %mul3A_493 : i32 to index
      %get3A_494 = tpu.vector_load %arg9[%get3A] {strides = array<i32>} : memref<2000xi32, #tpu.memory_space<vmem>>, vector<16xi32>,
      %mul3A_495 = arith.constant 16 : i32
      %mul3A_496 = arith.muli %scan3A_490, %mul3A_495 : i32
      %get3A_497 = arith.index_cast %mul3A_496 : i32 to index
      %get3A_498 = tpu.vector_load %arg10[%get3A_497] {strides = array<i32>} : memref<2000xi32, #tpu.memory_space<vmem>>, vector<16xi32>,
      %gather3A = tpu.vector_load_idx %arg5[%get3A_494] : memref<50000xf32, #tpu.memory_space<vmem>>[vector<16xi32>], vector<16xf32>,
      %masked_sort3A = arith.constant dense<true> : vector<16xi1>
      %masked_sort3A_499 = arith.constant -2147483648 : i32
      %masked_sort3A_500 = vector.broadcast %masked_sort3A_499 : i32 to vector<16xi32>
      %masked_sort3A_501 = arith.xori %get3A_498, %masked_sort3A_500 : vector<16xi32>
      %masked_sort3A_502, %masked_sort3A_503, %masked_sort3A_504 = tpu.sort %masked_sort3A_501, %gather3A masked %masked_sort3A : (vector<16xi32>, vector<16xf32>, vector<16xi1>) -> (vector<16xi1>, vector<16xi32>, vector<16xf32>)
      %masked_sort3A_505 = arith.xori %masked_sort3A_503, %masked_sort3A_500 : vector<16xi32>
      %sub3A = arith.constant 1 : i32
      %sub3A_506 = vector.broadcast %sub3A : i32 to vector<16xi32>
      %sub3A_507 = arith.subi %iota3A, %sub3A_506 : vector<16xi32>
      %max3A = arith.constant 0 : i32
      %max3A_508 = vector.broadcast %max3A : i32 to vector<16xi32>
      %max3A_509 = arith.maxsi %sub3A_507, %max3A_508 : vector<16xi32>
      %broadcast_in_dim3A_510 = vector.shape_cast %max3A_509 : vector<16xi32> to vector<16x1xi32>
      %gather3A_511 = vector.shape_cast %broadcast_in_dim3A_510 : vector<16x1xi32> to vector<16xi32>
      %gather3A_512 = tpu.dynamic_gather %masked_sort3A_505[%gather3A_511] in [0] : vector<16xi32>, vector<16xi32> -> vector<16xi32>
      %broadcast_in_dim3A_513 = vector.shape_cast %max3A_509 : vector<16xi32> to vector<16x1xi32>
      %gather3A_514 = vector.shape_cast %broadcast_in_dim3A_513 : vector<16x1xi32> to vector<16xi32>
      %gather3A_515 = tpu.dynamic_gather %masked_sort3A_504[%gather3A_514] in [0] : vector<16xf32>, vector<16xi32> -> vector<16xf32>
      %ge3A = arith.constant 1 : i32
      %ge3A_516 = vector.broadcast %ge3A : i32 to vector<16xi32>
      %ge3A_517 = arith.cmpi sge, %iota3A, %ge3A_516 : vector<16xi32>
      %eq3A = arith.cmpi eq, %gather3A_512, %masked_sort3A_505 : vector<16xi32>
      %and3A = arith.andi %ge3A_517, %eq3A : vector<16xi1>
      %min3A = arith.minimumf %masked_sort3A_504, %gather3A_515 : vector<16xf32>
      %select_n3A = arith.select %and3A, %min3A, %masked_sort3A_504 : vector<16xi1>, vector<16xf32>
      %sub3A_518 = arith.constant 2 : i32
      %sub3A_519 = vector.broadcast %sub3A_518 : i32 to vector<16xi32>
      %sub3A_520 = arith.subi %iota3A, %sub3A_519 : vector<16xi32>
      %max3A_521 = arith.constant 0 : i32
      %max3A_522 = vector.broadcast %max3A_521 : i32 to vector<16xi32>
      %max3A_523 = arith.maxsi %sub3A_520, %max3A_522 : vector<16xi32>
      %broadcast_in_dim3A_524 = vector.shape_cast %max3A_523 : vector<16xi32> to vector<16x1xi32>
      %gather3A_525 = vector.shape_cast %broadcast_in_dim3A_524 : vector<16x1xi32> to vector<16xi32>
      %gather3A_526 = tpu.dynamic_gather %masked_sort3A_505[%gather3A_525] in [0] : vector<16xi32>, vector<16xi32> -> vector<16xi32>
      %broadcast_in_dim3A_527 = vector.shape_cast %max3A_523 : vector<16xi32> to vector<16x1xi32>
      %gather3A_528 = vector.shape_cast %broadcast_in_dim3A_527 : vector<16x1xi32> to vector<16xi32>
      %gather3A_529 = tpu.dynamic_gather %select_n3A[%gather3A_528] in [0] : vector<16xf32>, vector<16xi32> -> vector<16xf32>
      %ge3A_530 = arith.constant 2 : i32
      %ge3A_531 = vector.broadcast %ge3A_530 : i32 to vector<16xi32>
      %ge3A_532 = arith.cmpi sge, %iota3A, %ge3A_531 : vector<16xi32>
      %eq3A_533 = arith.cmpi eq, %gather3A_526, %masked_sort3A_505 : vector<16xi32>
      %and3A_534 = arith.andi %ge3A_532, %eq3A_533 : vector<16xi1>
      %min3A_535 = arith.minimumf %select_n3A, %gather3A_529 : vector<16xf32>
      %select_n3A_536 = arith.select %and3A_534, %min3A_535, %select_n3A : vector<16xi1>, vector<16xf32>
      %sub3A_537 = arith.constant 4 : i32
      %sub3A_538 = vector.broadcast %sub3A_537 : i32 to vector<16xi32>
      %sub3A_539 = arith.subi %iota3A, %sub3A_538 : vector<16xi32>
      %max3A_540 = arith.constant 0 : i32
      %max3A_541 = vector.broadcast %max3A_540 : i32 to vector<16xi32>
      %max3A_542 = arith.maxsi %sub3A_539, %max3A_541 : vector<16xi32>
      %broadcast_in_dim3A_543 = vector.shape_cast %max3A_542 : vector<16xi32> to vector<16x1xi32>
      %gather3A_544 = vector.shape_cast %broadcast_in_dim3A_543 : vector<16x1xi32> to vector<16xi32>
      %gather3A_545 = tpu.dynamic_gather %masked_sort3A_505[%gather3A_544] in [0] : vector<16xi32>, vector<16xi32> -> vector<16xi32>
      %broadcast_in_dim3A_546 = vector.shape_cast %max3A_542 : vector<16xi32> to vector<16x1xi32>
      %gather3A_547 = vector.shape_cast %broadcast_in_dim3A_546 : vector<16x1xi32> to vector<16xi32>
      %gather3A_548 = tpu.dynamic_gather %select_n3A_536[%gather3A_547] in [0] : vector<16xf32>, vector<16xi32> -> vector<16xf32>
      %ge3A_549 = arith.constant 4 : i32
      %ge3A_550 = vector.broadcast %ge3A_549 : i32 to vector<16xi32>
      %ge3A_551 = arith.cmpi sge, %iota3A, %ge3A_550 : vector<16xi32>
      %eq3A_552 = arith.cmpi eq, %gather3A_545, %masked_sort3A_505 : vector<16xi32>
      %and3A_553 = arith.andi %ge3A_551, %eq3A_552 : vector<16xi1>
      %min3A_554 = arith.minimumf %select_n3A_536, %gather3A_548 : vector<16xf32>
      %select_n3A_555 = arith.select %and3A_553, %min3A_554, %select_n3A_536 : vector<16xi1>, vector<16xf32>
      %sub3A_556 = arith.constant 8 : i32
      %sub3A_557 = vector.broadcast %sub3A_556 : i32 to vector<16xi32>
      %sub3A_558 = arith.subi %iota3A, %sub3A_557 : vector<16xi32>
      %max3A_559 = arith.constant 0 : i32
      %max3A_560 = vector.broadcast %max3A_559 : i32 to vector<16xi32>
      %max3A_561 = arith.maxsi %sub3A_558, %max3A_560 : vector<16xi32>
      %broadcast_in_dim3A_562 = vector.shape_cast %max3A_561 : vector<16xi32> to vector<16x1xi32>
      %gather3A_563 = vector.shape_cast %broadcast_in_dim3A_562 : vector<16x1xi32> to vector<16xi32>
      %gather3A_564 = tpu.dynamic_gather %masked_sort3A_505[%gather3A_563] in [0] : vector<16xi32>, vector<16xi32> -> vector<16xi32>
      %broadcast_in_dim3A_565 = vector.shape_cast %max3A_561 : vector<16xi32> to vector<16x1xi32>
      %gather3A_566 = vector.shape_cast %broadcast_in_dim3A_565 : vector<16x1xi32> to vector<16xi32>
      %gather3A_567 = tpu.dynamic_gather %select_n3A_555[%gather3A_566] in [0] : vector<16xf32>, vector<16xi32> -> vector<16xf32>
      %ge3A_568 = arith.constant 8 : i32
      %ge3A_569 = vector.broadcast %ge3A_568 : i32 to vector<16xi32>
      %ge3A_570 = arith.cmpi sge, %iota3A, %ge3A_569 : vector<16xi32>
      %eq3A_571 = arith.cmpi eq, %gather3A_564, %masked_sort3A_505 : vector<16xi32>
      %and3A_572 = arith.andi %ge3A_570, %eq3A_571 : vector<16xi1>
      %min3A_573 = arith.minimumf %select_n3A_555, %gather3A_567 : vector<16xf32>
      %select_n3A_574 = arith.select %and3A_572, %min3A_573, %select_n3A_555 : vector<16xi1>, vector<16xf32>
      %add3A_575 = arith.constant 1 : i32
      %add3A_576 = vector.broadcast %add3A_575 : i32 to vector<16xi32>
      %add3A_577 = arith.addi %iota3A, %add3A_576 : vector<16xi32>
      %min3A_578 = arith.constant 15 : i32
      %min3A_579 = vector.broadcast %min3A_578 : i32 to vector<16xi32>
      %min3A_580 = arith.minsi %add3A_577, %min3A_579 : vector<16xi32>
      %broadcast_in_dim3A_581 = vector.shape_cast %min3A_580 : vector<16xi32> to vector<16x1xi32>
      %gather3A_582 = vector.shape_cast %broadcast_in_dim3A_581 : vector<16x1xi32> to vector<16xi32>
      %gather3A_583 = tpu.dynamic_gather %masked_sort3A_505[%gather3A_582] in [0] : vector<16xi32>, vector<16xi32> -> vector<16xi32>
      %eq3A_584 = arith.constant 15 : i32
      %eq3A_585 = vector.broadcast %eq3A_584 : i32 to vector<16xi32>
      %eq3A_586 = arith.cmpi eq, %iota3A, %eq3A_585 : vector<16xi32>
      %ne3A = arith.cmpi ne, %gather3A_583, %masked_sort3A_505 : vector<16xi32>
      %or3A = arith.ori %eq3A_586, %ne3A : vector<16xi1>
      %gather3A_587 = tpu.vector_load_idx %arg6[%masked_sort3A_505] : memref<50000xf32, #tpu.memory_space<vmem>>[vector<16xi32>], vector<16xf32>,
      %min3A_588 = arith.minimumf %gather3A_587, %select_n3A_574 : vector<16xf32>
      tpu.vector_store_idx %arg6[%masked_sort3A_505], %min3A_588 masked %or3A : memref<50000xf32, #tpu.memory_space<vmem>>[vector<16xi32>], vector<16xf32>, vector<16xi1>
      %scan3A_589 = arith.constant 0 : i32
      scf.yield %scan3A_589 : i32
    }
    %scan3A_281 = arith.constant 125 : i32
    %add3A_282 = arith.constant 30000 : i32
    %add3A_283 = arith.addi %mul3A_2, %add3A_282 : i32
    %dma_start3A_284 = tpu.memref_slice %arg2[%add3A_283] : memref<3200000xi32, #tpu.memory_space<hbm>> -> memref<2000xi32, #tpu.memory_space<hbm>>
    %dma_start3A_285 = tpu.memref_slice %arg2[%add3A_283] : memref<3200000xi32, #tpu.memory_space<hbm>> -> memref<2000xi32, #tpu.memory_space<hbm>>
    tpu.enqueue_dma source(%dma_start3A_285 : memref<2000xi32, #tpu.memory_space<hbm>>) target(%arg9 : memref<2000xi32, #tpu.memory_space<vmem>>) target_semaphore(%arg12 : memref<!tpu.dma_semaphore, #tpu.memory_space<semaphore_mem>>)
    %add3A_286 = arith.constant 1600000 : i32
    %add3A_287 = arith.addi %add3A_286, %add3A_283 : i32
    %dma_start3A_288 = tpu.memref_slice %arg2[%add3A_287] : memref<3200000xi32, #tpu.memory_space<hbm>> -> memref<2000xi32, #tpu.memory_space<hbm>>
    %dma_start3A_289 = tpu.memref_slice %arg2[%add3A_287] : memref<3200000xi32, #tpu.memory_space<hbm>> -> memref<2000xi32, #tpu.memory_space<hbm>>
    tpu.enqueue_dma source(%dma_start3A_289 : memref<2000xi32, #tpu.memory_space<hbm>>) target(%arg10 : memref<2000xi32, #tpu.memory_space<vmem>>) target_semaphore(%arg12 : memref<!tpu.dma_semaphore, #tpu.memory_space<semaphore_mem>>)
    %dma_wait3A_290 = tpu.memref_slice %arg2[%add3A_264] : memref<3200000xi32, #tpu.memory_space<hbm>> -> memref<2000xi32, #tpu.memory_space<hbm>>
    %dma_wait3A_291 = tpu.memref_slice %arg2[%add3A_264] : memref<3200000xi32, #tpu.memory_space<hbm>> -> memref<2000xi32, #tpu.memory_space<hbm>>
    tpu.wait_dma2 semaphore(%arg11 : memref<!tpu.dma_semaphore, #tpu.memory_space<semaphore_mem>>) src(%dma_wait3A_291 : memref<2000xi32, #tpu.memory_space<hbm>>) dst(%arg7 : memref<2000xi32, #tpu.memory_space<vmem>>)
    %dma_wait3A_292 = tpu.memref_slice %arg2[%add3A_268] : memref<3200000xi32, #tpu.memory_space<hbm>> -> memref<2000xi32, #tpu.memory_space<hbm>>
    %dma_wait3A_293 = tpu.memref_slice %arg2[%add3A_268] : memref<3200000xi32, #tpu.memory_space<hbm>> -> memref<2000xi32, #tpu.memory_space<hbm>>
    tpu.wait_dma2 semaphore(%arg11 : memref<!tpu.dma_semaphore, #tpu.memory_space<semaphore_mem>>) src(%dma_wait3A_293 : memref<2000xi32, #tpu.memory_space<hbm>>) dst(%arg8 : memref<2000xi32, #tpu.memory_space<vmem>>)
    %scan3A_294 = arith.constant 0 : i32
    %scan3A_295 = arith.constant 0 : i32
    %scan3A_296 = arith.constant 125 : i32
    %scan3A_297 = arith.addi %scan3A_295, %scan3A_296 : i32
    %scan3A_298 = arith.constant 1 : i32
    %scan3A_299 = scf.for %scan3A_490 = %scan3A_295 to %scan3A_297 step %scan3A_298 iter_args(%scan3A_491 = %scan3A_294) -> (i32)  : i32 {
      %mul3A_492 = arith.constant 16 : i32
      %mul3A_493 = arith.muli %scan3A_490, %mul3A_492 : i32
      %get3A = arith.index_cast %mul3A_493 : i32 to index
      %get3A_494 = tpu.vector_load %arg7[%get3A] {strides = array<i32>} : memref<2000xi32, #tpu.memory_space<vmem>>, vector<16xi32>,
      %mul3A_495 = arith.constant 16 : i32
      %mul3A_496 = arith.muli %scan3A_490, %mul3A_495 : i32
      %get3A_497 = arith.index_cast %mul3A_496 : i32 to index
      %get3A_498 = tpu.vector_load %arg8[%get3A_497] {strides = array<i32>} : memref<2000xi32, #tpu.memory_space<vmem>>, vector<16xi32>,
      %gather3A = tpu.vector_load_idx %arg5[%get3A_494] : memref<50000xf32, #tpu.memory_space<vmem>>[vector<16xi32>], vector<16xf32>,
      %masked_sort3A = arith.constant dense<true> : vector<16xi1>
      %masked_sort3A_499 = arith.constant -2147483648 : i32
      %masked_sort3A_500 = vector.broadcast %masked_sort3A_499 : i32 to vector<16xi32>
      %masked_sort3A_501 = arith.xori %get3A_498, %masked_sort3A_500 : vector<16xi32>
      %masked_sort3A_502, %masked_sort3A_503, %masked_sort3A_504 = tpu.sort %masked_sort3A_501, %gather3A masked %masked_sort3A : (vector<16xi32>, vector<16xf32>, vector<16xi1>) -> (vector<16xi1>, vector<16xi32>, vector<16xf32>)
      %masked_sort3A_505 = arith.xori %masked_sort3A_503, %masked_sort3A_500 : vector<16xi32>
      %sub3A = arith.constant 1 : i32
      %sub3A_506 = vector.broadcast %sub3A : i32 to vector<16xi32>
      %sub3A_507 = arith.subi %iota3A, %sub3A_506 : vector<16xi32>
      %max3A = arith.constant 0 : i32
      %max3A_508 = vector.broadcast %max3A : i32 to vector<16xi32>
      %max3A_509 = arith.maxsi %sub3A_507, %max3A_508 : vector<16xi32>
      %broadcast_in_dim3A_510 = vector.shape_cast %max3A_509 : vector<16xi32> to vector<16x1xi32>
      %gather3A_511 = vector.shape_cast %broadcast_in_dim3A_510 : vector<16x1xi32> to vector<16xi32>
      %gather3A_512 = tpu.dynamic_gather %masked_sort3A_505[%gather3A_511] in [0] : vector<16xi32>, vector<16xi32> -> vector<16xi32>
      %broadcast_in_dim3A_513 = vector.shape_cast %max3A_509 : vector<16xi32> to vector<16x1xi32>
      %gather3A_514 = vector.shape_cast %broadcast_in_dim3A_513 : vector<16x1xi32> to vector<16xi32>
      %gather3A_515 = tpu.dynamic_gather %masked_sort3A_504[%gather3A_514] in [0] : vector<16xf32>, vector<16xi32> -> vector<16xf32>
      %ge3A = arith.constant 1 : i32
      %ge3A_516 = vector.broadcast %ge3A : i32 to vector<16xi32>
      %ge3A_517 = arith.cmpi sge, %iota3A, %ge3A_516 : vector<16xi32>
      %eq3A = arith.cmpi eq, %gather3A_512, %masked_sort3A_505 : vector<16xi32>
      %and3A = arith.andi %ge3A_517, %eq3A : vector<16xi1>
      %min3A = arith.minimumf %masked_sort3A_504, %gather3A_515 : vector<16xf32>
      %select_n3A = arith.select %and3A, %min3A, %masked_sort3A_504 : vector<16xi1>, vector<16xf32>
      %sub3A_518 = arith.constant 2 : i32
      %sub3A_519 = vector.broadcast %sub3A_518 : i32 to vector<16xi32>
      %sub3A_520 = arith.subi %iota3A, %sub3A_519 : vector<16xi32>
      %max3A_521 = arith.constant 0 : i32
      %max3A_522 = vector.broadcast %max3A_521 : i32 to vector<16xi32>
      %max3A_523 = arith.maxsi %sub3A_520, %max3A_522 : vector<16xi32>
      %broadcast_in_dim3A_524 = vector.shape_cast %max3A_523 : vector<16xi32> to vector<16x1xi32>
      %gather3A_525 = vector.shape_cast %broadcast_in_dim3A_524 : vector<16x1xi32> to vector<16xi32>
      %gather3A_526 = tpu.dynamic_gather %masked_sort3A_505[%gather3A_525] in [0] : vector<16xi32>, vector<16xi32> -> vector<16xi32>
      %broadcast_in_dim3A_527 = vector.shape_cast %max3A_523 : vector<16xi32> to vector<16x1xi32>
      %gather3A_528 = vector.shape_cast %broadcast_in_dim3A_527 : vector<16x1xi32> to vector<16xi32>
      %gather3A_529 = tpu.dynamic_gather %select_n3A[%gather3A_528] in [0] : vector<16xf32>, vector<16xi32> -> vector<16xf32>
      %ge3A_530 = arith.constant 2 : i32
      %ge3A_531 = vector.broadcast %ge3A_530 : i32 to vector<16xi32>
      %ge3A_532 = arith.cmpi sge, %iota3A, %ge3A_531 : vector<16xi32>
      %eq3A_533 = arith.cmpi eq, %gather3A_526, %masked_sort3A_505 : vector<16xi32>
      %and3A_534 = arith.andi %ge3A_532, %eq3A_533 : vector<16xi1>
      %min3A_535 = arith.minimumf %select_n3A, %gather3A_529 : vector<16xf32>
      %select_n3A_536 = arith.select %and3A_534, %min3A_535, %select_n3A : vector<16xi1>, vector<16xf32>
      %sub3A_537 = arith.constant 4 : i32
      %sub3A_538 = vector.broadcast %sub3A_537 : i32 to vector<16xi32>
      %sub3A_539 = arith.subi %iota3A, %sub3A_538 : vector<16xi32>
      %max3A_540 = arith.constant 0 : i32
      %max3A_541 = vector.broadcast %max3A_540 : i32 to vector<16xi32>
      %max3A_542 = arith.maxsi %sub3A_539, %max3A_541 : vector<16xi32>
      %broadcast_in_dim3A_543 = vector.shape_cast %max3A_542 : vector<16xi32> to vector<16x1xi32>
      %gather3A_544 = vector.shape_cast %broadcast_in_dim3A_543 : vector<16x1xi32> to vector<16xi32>
      %gather3A_545 = tpu.dynamic_gather %masked_sort3A_505[%gather3A_544] in [0] : vector<16xi32>, vector<16xi32> -> vector<16xi32>
      %broadcast_in_dim3A_546 = vector.shape_cast %max3A_542 : vector<16xi32> to vector<16x1xi32>
      %gather3A_547 = vector.shape_cast %broadcast_in_dim3A_546 : vector<16x1xi32> to vector<16xi32>
      %gather3A_548 = tpu.dynamic_gather %select_n3A_536[%gather3A_547] in [0] : vector<16xf32>, vector<16xi32> -> vector<16xf32>
      %ge3A_549 = arith.constant 4 : i32
      %ge3A_550 = vector.broadcast %ge3A_549 : i32 to vector<16xi32>
      %ge3A_551 = arith.cmpi sge, %iota3A, %ge3A_550 : vector<16xi32>
      %eq3A_552 = arith.cmpi eq, %gather3A_545, %masked_sort3A_505 : vector<16xi32>
      %and3A_553 = arith.andi %ge3A_551, %eq3A_552 : vector<16xi1>
      %min3A_554 = arith.minimumf %select_n3A_536, %gather3A_548 : vector<16xf32>
      %select_n3A_555 = arith.select %and3A_553, %min3A_554, %select_n3A_536 : vector<16xi1>, vector<16xf32>
      %sub3A_556 = arith.constant 8 : i32
      %sub3A_557 = vector.broadcast %sub3A_556 : i32 to vector<16xi32>
      %sub3A_558 = arith.subi %iota3A, %sub3A_557 : vector<16xi32>
      %max3A_559 = arith.constant 0 : i32
      %max3A_560 = vector.broadcast %max3A_559 : i32 to vector<16xi32>
      %max3A_561 = arith.maxsi %sub3A_558, %max3A_560 : vector<16xi32>
      %broadcast_in_dim3A_562 = vector.shape_cast %max3A_561 : vector<16xi32> to vector<16x1xi32>
      %gather3A_563 = vector.shape_cast %broadcast_in_dim3A_562 : vector<16x1xi32> to vector<16xi32>
      %gather3A_564 = tpu.dynamic_gather %masked_sort3A_505[%gather3A_563] in [0] : vector<16xi32>, vector<16xi32> -> vector<16xi32>
      %broadcast_in_dim3A_565 = vector.shape_cast %max3A_561 : vector<16xi32> to vector<16x1xi32>
      %gather3A_566 = vector.shape_cast %broadcast_in_dim3A_565 : vector<16x1xi32> to vector<16xi32>
      %gather3A_567 = tpu.dynamic_gather %select_n3A_555[%gather3A_566] in [0] : vector<16xf32>, vector<16xi32> -> vector<16xf32>
      %ge3A_568 = arith.constant 8 : i32
      %ge3A_569 = vector.broadcast %ge3A_568 : i32 to vector<16xi32>
      %ge3A_570 = arith.cmpi sge, %iota3A, %ge3A_569 : vector<16xi32>
      %eq3A_571 = arith.cmpi eq, %gather3A_564, %masked_sort3A_505 : vector<16xi32>
      %and3A_572 = arith.andi %ge3A_570, %eq3A_571 : vector<16xi1>
      %min3A_573 = arith.minimumf %select_n3A_555, %gather3A_567 : vector<16xf32>
      %select_n3A_574 = arith.select %and3A_572, %min3A_573, %select_n3A_555 : vector<16xi1>, vector<16xf32>
      %add3A_575 = arith.constant 1 : i32
      %add3A_576 = vector.broadcast %add3A_575 : i32 to vector<16xi32>
      %add3A_577 = arith.addi %iota3A, %add3A_576 : vector<16xi32>
      %min3A_578 = arith.constant 15 : i32
      %min3A_579 = vector.broadcast %min3A_578 : i32 to vector<16xi32>
      %min3A_580 = arith.minsi %add3A_577, %min3A_579 : vector<16xi32>
      %broadcast_in_dim3A_581 = vector.shape_cast %min3A_580 : vector<16xi32> to vector<16x1xi32>
      %gather3A_582 = vector.shape_cast %broadcast_in_dim3A_581 : vector<16x1xi32> to vector<16xi32>
      %gather3A_583 = tpu.dynamic_gather %masked_sort3A_505[%gather3A_582] in [0] : vector<16xi32>, vector<16xi32> -> vector<16xi32>
      %eq3A_584 = arith.constant 15 : i32
      %eq3A_585 = vector.broadcast %eq3A_584 : i32 to vector<16xi32>
      %eq3A_586 = arith.cmpi eq, %iota3A, %eq3A_585 : vector<16xi32>
      %ne3A = arith.cmpi ne, %gather3A_583, %masked_sort3A_505 : vector<16xi32>
      %or3A = arith.ori %eq3A_586, %ne3A : vector<16xi1>
      %gather3A_587 = tpu.vector_load_idx %arg6[%masked_sort3A_505] : memref<50000xf32, #tpu.memory_space<vmem>>[vector<16xi32>], vector<16xf32>,
      %min3A_588 = arith.minimumf %gather3A_587, %select_n3A_574 : vector<16xf32>
      tpu.vector_store_idx %arg6[%masked_sort3A_505], %min3A_588 masked %or3A : memref<50000xf32, #tpu.memory_space<vmem>>[vector<16xi32>], vector<16xf32>, vector<16xi1>
      %scan3A_589 = arith.constant 0 : i32
      scf.yield %scan3A_589 : i32
    }
    %scan3A_300 = arith.constant 125 : i32
    %add3A_301 = arith.constant 32000 : i32
    %add3A_302 = arith.addi %mul3A_2, %add3A_301 : i32
    %dma_start3A_303 = tpu.memref_slice %arg2[%add3A_302] : memref<3200000xi32, #tpu.memory_space<hbm>> -> memref<2000xi32, #tpu.memory_space<hbm>>
    %dma_start3A_304 = tpu.memref_slice %arg2[%add3A_302] : memref<3200000xi32, #tpu.memory_space<hbm>> -> memref<2000xi32, #tpu.memory_space<hbm>>
    tpu.enqueue_dma source(%dma_start3A_304 : memref<2000xi32, #tpu.memory_space<hbm>>) target(%arg7 : memref<2000xi32, #tpu.memory_space<vmem>>) target_semaphore(%arg11 : memref<!tpu.dma_semaphore, #tpu.memory_space<semaphore_mem>>)
    %add3A_305 = arith.constant 1600000 : i32
    %add3A_306 = arith.addi %add3A_305, %add3A_302 : i32
    %dma_start3A_307 = tpu.memref_slice %arg2[%add3A_306] : memref<3200000xi32, #tpu.memory_space<hbm>> -> memref<2000xi32, #tpu.memory_space<hbm>>
    %dma_start3A_308 = tpu.memref_slice %arg2[%add3A_306] : memref<3200000xi32, #tpu.memory_space<hbm>> -> memref<2000xi32, #tpu.memory_space<hbm>>
    tpu.enqueue_dma source(%dma_start3A_308 : memref<2000xi32, #tpu.memory_space<hbm>>) target(%arg8 : memref<2000xi32, #tpu.memory_space<vmem>>) target_semaphore(%arg11 : memref<!tpu.dma_semaphore, #tpu.memory_space<semaphore_mem>>)
    %dma_wait3A_309 = tpu.memref_slice %arg2[%add3A_283] : memref<3200000xi32, #tpu.memory_space<hbm>> -> memref<2000xi32, #tpu.memory_space<hbm>>
    %dma_wait3A_310 = tpu.memref_slice %arg2[%add3A_283] : memref<3200000xi32, #tpu.memory_space<hbm>> -> memref<2000xi32, #tpu.memory_space<hbm>>
    tpu.wait_dma2 semaphore(%arg12 : memref<!tpu.dma_semaphore, #tpu.memory_space<semaphore_mem>>) src(%dma_wait3A_310 : memref<2000xi32, #tpu.memory_space<hbm>>) dst(%arg9 : memref<2000xi32, #tpu.memory_space<vmem>>)
    %dma_wait3A_311 = tpu.memref_slice %arg2[%add3A_287] : memref<3200000xi32, #tpu.memory_space<hbm>> -> memref<2000xi32, #tpu.memory_space<hbm>>
    %dma_wait3A_312 = tpu.memref_slice %arg2[%add3A_287] : memref<3200000xi32, #tpu.memory_space<hbm>> -> memref<2000xi32, #tpu.memory_space<hbm>>
    tpu.wait_dma2 semaphore(%arg12 : memref<!tpu.dma_semaphore, #tpu.memory_space<semaphore_mem>>) src(%dma_wait3A_312 : memref<2000xi32, #tpu.memory_space<hbm>>) dst(%arg10 : memref<2000xi32, #tpu.memory_space<vmem>>)
    %scan3A_313 = arith.constant 0 : i32
    %scan3A_314 = arith.constant 0 : i32
    %scan3A_315 = arith.constant 125 : i32
    %scan3A_316 = arith.addi %scan3A_314, %scan3A_315 : i32
    %scan3A_317 = arith.constant 1 : i32
    %scan3A_318 = scf.for %scan3A_490 = %scan3A_314 to %scan3A_316 step %scan3A_317 iter_args(%scan3A_491 = %scan3A_313) -> (i32)  : i32 {
      %mul3A_492 = arith.constant 16 : i32
      %mul3A_493 = arith.muli %scan3A_490, %mul3A_492 : i32
      %get3A = arith.index_cast %mul3A_493 : i32 to index
      %get3A_494 = tpu.vector_load %arg9[%get3A] {strides = array<i32>} : memref<2000xi32, #tpu.memory_space<vmem>>, vector<16xi32>,
      %mul3A_495 = arith.constant 16 : i32
      %mul3A_496 = arith.muli %scan3A_490, %mul3A_495 : i32
      %get3A_497 = arith.index_cast %mul3A_496 : i32 to index
      %get3A_498 = tpu.vector_load %arg10[%get3A_497] {strides = array<i32>} : memref<2000xi32, #tpu.memory_space<vmem>>, vector<16xi32>,
      %gather3A = tpu.vector_load_idx %arg5[%get3A_494] : memref<50000xf32, #tpu.memory_space<vmem>>[vector<16xi32>], vector<16xf32>,
      %masked_sort3A = arith.constant dense<true> : vector<16xi1>
      %masked_sort3A_499 = arith.constant -2147483648 : i32
      %masked_sort3A_500 = vector.broadcast %masked_sort3A_499 : i32 to vector<16xi32>
      %masked_sort3A_501 = arith.xori %get3A_498, %masked_sort3A_500 : vector<16xi32>
      %masked_sort3A_502, %masked_sort3A_503, %masked_sort3A_504 = tpu.sort %masked_sort3A_501, %gather3A masked %masked_sort3A : (vector<16xi32>, vector<16xf32>, vector<16xi1>) -> (vector<16xi1>, vector<16xi32>, vector<16xf32>)
      %masked_sort3A_505 = arith.xori %masked_sort3A_503, %masked_sort3A_500 : vector<16xi32>
      %sub3A = arith.constant 1 : i32
      %sub3A_506 = vector.broadcast %sub3A : i32 to vector<16xi32>
      %sub3A_507 = arith.subi %iota3A, %sub3A_506 : vector<16xi32>
      %max3A = arith.constant 0 : i32
      %max3A_508 = vector.broadcast %max3A : i32 to vector<16xi32>
      %max3A_509 = arith.maxsi %sub3A_507, %max3A_508 : vector<16xi32>
      %broadcast_in_dim3A_510 = vector.shape_cast %max3A_509 : vector<16xi32> to vector<16x1xi32>
      %gather3A_511 = vector.shape_cast %broadcast_in_dim3A_510 : vector<16x1xi32> to vector<16xi32>
      %gather3A_512 = tpu.dynamic_gather %masked_sort3A_505[%gather3A_511] in [0] : vector<16xi32>, vector<16xi32> -> vector<16xi32>
      %broadcast_in_dim3A_513 = vector.shape_cast %max3A_509 : vector<16xi32> to vector<16x1xi32>
      %gather3A_514 = vector.shape_cast %broadcast_in_dim3A_513 : vector<16x1xi32> to vector<16xi32>
      %gather3A_515 = tpu.dynamic_gather %masked_sort3A_504[%gather3A_514] in [0] : vector<16xf32>, vector<16xi32> -> vector<16xf32>
      %ge3A = arith.constant 1 : i32
      %ge3A_516 = vector.broadcast %ge3A : i32 to vector<16xi32>
      %ge3A_517 = arith.cmpi sge, %iota3A, %ge3A_516 : vector<16xi32>
      %eq3A = arith.cmpi eq, %gather3A_512, %masked_sort3A_505 : vector<16xi32>
      %and3A = arith.andi %ge3A_517, %eq3A : vector<16xi1>
      %min3A = arith.minimumf %masked_sort3A_504, %gather3A_515 : vector<16xf32>
      %select_n3A = arith.select %and3A, %min3A, %masked_sort3A_504 : vector<16xi1>, vector<16xf32>
      %sub3A_518 = arith.constant 2 : i32
      %sub3A_519 = vector.broadcast %sub3A_518 : i32 to vector<16xi32>
      %sub3A_520 = arith.subi %iota3A, %sub3A_519 : vector<16xi32>
      %max3A_521 = arith.constant 0 : i32
      %max3A_522 = vector.broadcast %max3A_521 : i32 to vector<16xi32>
      %max3A_523 = arith.maxsi %sub3A_520, %max3A_522 : vector<16xi32>
      %broadcast_in_dim3A_524 = vector.shape_cast %max3A_523 : vector<16xi32> to vector<16x1xi32>
      %gather3A_525 = vector.shape_cast %broadcast_in_dim3A_524 : vector<16x1xi32> to vector<16xi32>
      %gather3A_526 = tpu.dynamic_gather %masked_sort3A_505[%gather3A_525] in [0] : vector<16xi32>, vector<16xi32> -> vector<16xi32>
      %broadcast_in_dim3A_527 = vector.shape_cast %max3A_523 : vector<16xi32> to vector<16x1xi32>
      %gather3A_528 = vector.shape_cast %broadcast_in_dim3A_527 : vector<16x1xi32> to vector<16xi32>
      %gather3A_529 = tpu.dynamic_gather %select_n3A[%gather3A_528] in [0] : vector<16xf32>, vector<16xi32> -> vector<16xf32>
      %ge3A_530 = arith.constant 2 : i32
      %ge3A_531 = vector.broadcast %ge3A_530 : i32 to vector<16xi32>
      %ge3A_532 = arith.cmpi sge, %iota3A, %ge3A_531 : vector<16xi32>
      %eq3A_533 = arith.cmpi eq, %gather3A_526, %masked_sort3A_505 : vector<16xi32>
      %and3A_534 = arith.andi %ge3A_532, %eq3A_533 : vector<16xi1>
      %min3A_535 = arith.minimumf %select_n3A, %gather3A_529 : vector<16xf32>
      %select_n3A_536 = arith.select %and3A_534, %min3A_535, %select_n3A : vector<16xi1>, vector<16xf32>
      %sub3A_537 = arith.constant 4 : i32
      %sub3A_538 = vector.broadcast %sub3A_537 : i32 to vector<16xi32>
      %sub3A_539 = arith.subi %iota3A, %sub3A_538 : vector<16xi32>
      %max3A_540 = arith.constant 0 : i32
      %max3A_541 = vector.broadcast %max3A_540 : i32 to vector<16xi32>
      %max3A_542 = arith.maxsi %sub3A_539, %max3A_541 : vector<16xi32>
      %broadcast_in_dim3A_543 = vector.shape_cast %max3A_542 : vector<16xi32> to vector<16x1xi32>
      %gather3A_544 = vector.shape_cast %broadcast_in_dim3A_543 : vector<16x1xi32> to vector<16xi32>
      %gather3A_545 = tpu.dynamic_gather %masked_sort3A_505[%gather3A_544] in [0] : vector<16xi32>, vector<16xi32> -> vector<16xi32>
      %broadcast_in_dim3A_546 = vector.shape_cast %max3A_542 : vector<16xi32> to vector<16x1xi32>
      %gather3A_547 = vector.shape_cast %broadcast_in_dim3A_546 : vector<16x1xi32> to vector<16xi32>
      %gather3A_548 = tpu.dynamic_gather %select_n3A_536[%gather3A_547] in [0] : vector<16xf32>, vector<16xi32> -> vector<16xf32>
      %ge3A_549 = arith.constant 4 : i32
      %ge3A_550 = vector.broadcast %ge3A_549 : i32 to vector<16xi32>
      %ge3A_551 = arith.cmpi sge, %iota3A, %ge3A_550 : vector<16xi32>
      %eq3A_552 = arith.cmpi eq, %gather3A_545, %masked_sort3A_505 : vector<16xi32>
      %and3A_553 = arith.andi %ge3A_551, %eq3A_552 : vector<16xi1>
      %min3A_554 = arith.minimumf %select_n3A_536, %gather3A_548 : vector<16xf32>
      %select_n3A_555 = arith.select %and3A_553, %min3A_554, %select_n3A_536 : vector<16xi1>, vector<16xf32>
      %sub3A_556 = arith.constant 8 : i32
      %sub3A_557 = vector.broadcast %sub3A_556 : i32 to vector<16xi32>
      %sub3A_558 = arith.subi %iota3A, %sub3A_557 : vector<16xi32>
      %max3A_559 = arith.constant 0 : i32
      %max3A_560 = vector.broadcast %max3A_559 : i32 to vector<16xi32>
      %max3A_561 = arith.maxsi %sub3A_558, %max3A_560 : vector<16xi32>
      %broadcast_in_dim3A_562 = vector.shape_cast %max3A_561 : vector<16xi32> to vector<16x1xi32>
      %gather3A_563 = vector.shape_cast %broadcast_in_dim3A_562 : vector<16x1xi32> to vector<16xi32>
      %gather3A_564 = tpu.dynamic_gather %masked_sort3A_505[%gather3A_563] in [0] : vector<16xi32>, vector<16xi32> -> vector<16xi32>
      %broadcast_in_dim3A_565 = vector.shape_cast %max3A_561 : vector<16xi32> to vector<16x1xi32>
      %gather3A_566 = vector.shape_cast %broadcast_in_dim3A_565 : vector<16x1xi32> to vector<16xi32>
      %gather3A_567 = tpu.dynamic_gather %select_n3A_555[%gather3A_566] in [0] : vector<16xf32>, vector<16xi32> -> vector<16xf32>
      %ge3A_568 = arith.constant 8 : i32
      %ge3A_569 = vector.broadcast %ge3A_568 : i32 to vector<16xi32>
      %ge3A_570 = arith.cmpi sge, %iota3A, %ge3A_569 : vector<16xi32>
      %eq3A_571 = arith.cmpi eq, %gather3A_564, %masked_sort3A_505 : vector<16xi32>
      %and3A_572 = arith.andi %ge3A_570, %eq3A_571 : vector<16xi1>
      %min3A_573 = arith.minimumf %select_n3A_555, %gather3A_567 : vector<16xf32>
      %select_n3A_574 = arith.select %and3A_572, %min3A_573, %select_n3A_555 : vector<16xi1>, vector<16xf32>
      %add3A_575 = arith.constant 1 : i32
      %add3A_576 = vector.broadcast %add3A_575 : i32 to vector<16xi32>
      %add3A_577 = arith.addi %iota3A, %add3A_576 : vector<16xi32>
      %min3A_578 = arith.constant 15 : i32
      %min3A_579 = vector.broadcast %min3A_578 : i32 to vector<16xi32>
      %min3A_580 = arith.minsi %add3A_577, %min3A_579 : vector<16xi32>
      %broadcast_in_dim3A_581 = vector.shape_cast %min3A_580 : vector<16xi32> to vector<16x1xi32>
      %gather3A_582 = vector.shape_cast %broadcast_in_dim3A_581 : vector<16x1xi32> to vector<16xi32>
      %gather3A_583 = tpu.dynamic_gather %masked_sort3A_505[%gather3A_582] in [0] : vector<16xi32>, vector<16xi32> -> vector<16xi32>
      %eq3A_584 = arith.constant 15 : i32
      %eq3A_585 = vector.broadcast %eq3A_584 : i32 to vector<16xi32>
      %eq3A_586 = arith.cmpi eq, %iota3A, %eq3A_585 : vector<16xi32>
      %ne3A = arith.cmpi ne, %gather3A_583, %masked_sort3A_505 : vector<16xi32>
      %or3A = arith.ori %eq3A_586, %ne3A : vector<16xi1>
      %gather3A_587 = tpu.vector_load_idx %arg6[%masked_sort3A_505] : memref<50000xf32, #tpu.memory_space<vmem>>[vector<16xi32>], vector<16xf32>,
      %min3A_588 = arith.minimumf %gather3A_587, %select_n3A_574 : vector<16xf32>
      tpu.vector_store_idx %arg6[%masked_sort3A_505], %min3A_588 masked %or3A : memref<50000xf32, #tpu.memory_space<vmem>>[vector<16xi32>], vector<16xf32>, vector<16xi1>
      %scan3A_589 = arith.constant 0 : i32
      scf.yield %scan3A_589 : i32
    }
    %scan3A_319 = arith.constant 125 : i32
    %add3A_320 = arith.constant 34000 : i32
    %add3A_321 = arith.addi %mul3A_2, %add3A_320 : i32
    %dma_start3A_322 = tpu.memref_slice %arg2[%add3A_321] : memref<3200000xi32, #tpu.memory_space<hbm>> -> memref<2000xi32, #tpu.memory_space<hbm>>
    %dma_start3A_323 = tpu.memref_slice %arg2[%add3A_321] : memref<3200000xi32, #tpu.memory_space<hbm>> -> memref<2000xi32, #tpu.memory_space<hbm>>
    tpu.enqueue_dma source(%dma_start3A_323 : memref<2000xi32, #tpu.memory_space<hbm>>) target(%arg9 : memref<2000xi32, #tpu.memory_space<vmem>>) target_semaphore(%arg12 : memref<!tpu.dma_semaphore, #tpu.memory_space<semaphore_mem>>)
    %add3A_324 = arith.constant 1600000 : i32
    %add3A_325 = arith.addi %add3A_324, %add3A_321 : i32
    %dma_start3A_326 = tpu.memref_slice %arg2[%add3A_325] : memref<3200000xi32, #tpu.memory_space<hbm>> -> memref<2000xi32, #tpu.memory_space<hbm>>
    %dma_start3A_327 = tpu.memref_slice %arg2[%add3A_325] : memref<3200000xi32, #tpu.memory_space<hbm>> -> memref<2000xi32, #tpu.memory_space<hbm>>
    tpu.enqueue_dma source(%dma_start3A_327 : memref<2000xi32, #tpu.memory_space<hbm>>) target(%arg10 : memref<2000xi32, #tpu.memory_space<vmem>>) target_semaphore(%arg12 : memref<!tpu.dma_semaphore, #tpu.memory_space<semaphore_mem>>)
    %dma_wait3A_328 = tpu.memref_slice %arg2[%add3A_302] : memref<3200000xi32, #tpu.memory_space<hbm>> -> memref<2000xi32, #tpu.memory_space<hbm>>
    %dma_wait3A_329 = tpu.memref_slice %arg2[%add3A_302] : memref<3200000xi32, #tpu.memory_space<hbm>> -> memref<2000xi32, #tpu.memory_space<hbm>>
    tpu.wait_dma2 semaphore(%arg11 : memref<!tpu.dma_semaphore, #tpu.memory_space<semaphore_mem>>) src(%dma_wait3A_329 : memref<2000xi32, #tpu.memory_space<hbm>>) dst(%arg7 : memref<2000xi32, #tpu.memory_space<vmem>>)
    %dma_wait3A_330 = tpu.memref_slice %arg2[%add3A_306] : memref<3200000xi32, #tpu.memory_space<hbm>> -> memref<2000xi32, #tpu.memory_space<hbm>>
    %dma_wait3A_331 = tpu.memref_slice %arg2[%add3A_306] : memref<3200000xi32, #tpu.memory_space<hbm>> -> memref<2000xi32, #tpu.memory_space<hbm>>
    tpu.wait_dma2 semaphore(%arg11 : memref<!tpu.dma_semaphore, #tpu.memory_space<semaphore_mem>>) src(%dma_wait3A_331 : memref<2000xi32, #tpu.memory_space<hbm>>) dst(%arg8 : memref<2000xi32, #tpu.memory_space<vmem>>)
    %scan3A_332 = arith.constant 0 : i32
    %scan3A_333 = arith.constant 0 : i32
    %scan3A_334 = arith.constant 125 : i32
    %scan3A_335 = arith.addi %scan3A_333, %scan3A_334 : i32
    %scan3A_336 = arith.constant 1 : i32
    %scan3A_337 = scf.for %scan3A_490 = %scan3A_333 to %scan3A_335 step %scan3A_336 iter_args(%scan3A_491 = %scan3A_332) -> (i32)  : i32 {
      %mul3A_492 = arith.constant 16 : i32
      %mul3A_493 = arith.muli %scan3A_490, %mul3A_492 : i32
      %get3A = arith.index_cast %mul3A_493 : i32 to index
      %get3A_494 = tpu.vector_load %arg7[%get3A] {strides = array<i32>} : memref<2000xi32, #tpu.memory_space<vmem>>, vector<16xi32>,
      %mul3A_495 = arith.constant 16 : i32
      %mul3A_496 = arith.muli %scan3A_490, %mul3A_495 : i32
      %get3A_497 = arith.index_cast %mul3A_496 : i32 to index
      %get3A_498 = tpu.vector_load %arg8[%get3A_497] {strides = array<i32>} : memref<2000xi32, #tpu.memory_space<vmem>>, vector<16xi32>,
      %gather3A = tpu.vector_load_idx %arg5[%get3A_494] : memref<50000xf32, #tpu.memory_space<vmem>>[vector<16xi32>], vector<16xf32>,
      %masked_sort3A = arith.constant dense<true> : vector<16xi1>
      %masked_sort3A_499 = arith.constant -2147483648 : i32
      %masked_sort3A_500 = vector.broadcast %masked_sort3A_499 : i32 to vector<16xi32>
      %masked_sort3A_501 = arith.xori %get3A_498, %masked_sort3A_500 : vector<16xi32>
      %masked_sort3A_502, %masked_sort3A_503, %masked_sort3A_504 = tpu.sort %masked_sort3A_501, %gather3A masked %masked_sort3A : (vector<16xi32>, vector<16xf32>, vector<16xi1>) -> (vector<16xi1>, vector<16xi32>, vector<16xf32>)
      %masked_sort3A_505 = arith.xori %masked_sort3A_503, %masked_sort3A_500 : vector<16xi32>
      %sub3A = arith.constant 1 : i32
      %sub3A_506 = vector.broadcast %sub3A : i32 to vector<16xi32>
      %sub3A_507 = arith.subi %iota3A, %sub3A_506 : vector<16xi32>
      %max3A = arith.constant 0 : i32
      %max3A_508 = vector.broadcast %max3A : i32 to vector<16xi32>
      %max3A_509 = arith.maxsi %sub3A_507, %max3A_508 : vector<16xi32>
      %broadcast_in_dim3A_510 = vector.shape_cast %max3A_509 : vector<16xi32> to vector<16x1xi32>
      %gather3A_511 = vector.shape_cast %broadcast_in_dim3A_510 : vector<16x1xi32> to vector<16xi32>
      %gather3A_512 = tpu.dynamic_gather %masked_sort3A_505[%gather3A_511] in [0] : vector<16xi32>, vector<16xi32> -> vector<16xi32>
      %broadcast_in_dim3A_513 = vector.shape_cast %max3A_509 : vector<16xi32> to vector<16x1xi32>
      %gather3A_514 = vector.shape_cast %broadcast_in_dim3A_513 : vector<16x1xi32> to vector<16xi32>
      %gather3A_515 = tpu.dynamic_gather %masked_sort3A_504[%gather3A_514] in [0] : vector<16xf32>, vector<16xi32> -> vector<16xf32>
      %ge3A = arith.constant 1 : i32
      %ge3A_516 = vector.broadcast %ge3A : i32 to vector<16xi32>
      %ge3A_517 = arith.cmpi sge, %iota3A, %ge3A_516 : vector<16xi32>
      %eq3A = arith.cmpi eq, %gather3A_512, %masked_sort3A_505 : vector<16xi32>
      %and3A = arith.andi %ge3A_517, %eq3A : vector<16xi1>
      %min3A = arith.minimumf %masked_sort3A_504, %gather3A_515 : vector<16xf32>
      %select_n3A = arith.select %and3A, %min3A, %masked_sort3A_504 : vector<16xi1>, vector<16xf32>
      %sub3A_518 = arith.constant 2 : i32
      %sub3A_519 = vector.broadcast %sub3A_518 : i32 to vector<16xi32>
      %sub3A_520 = arith.subi %iota3A, %sub3A_519 : vector<16xi32>
      %max3A_521 = arith.constant 0 : i32
      %max3A_522 = vector.broadcast %max3A_521 : i32 to vector<16xi32>
      %max3A_523 = arith.maxsi %sub3A_520, %max3A_522 : vector<16xi32>
      %broadcast_in_dim3A_524 = vector.shape_cast %max3A_523 : vector<16xi32> to vector<16x1xi32>
      %gather3A_525 = vector.shape_cast %broadcast_in_dim3A_524 : vector<16x1xi32> to vector<16xi32>
      %gather3A_526 = tpu.dynamic_gather %masked_sort3A_505[%gather3A_525] in [0] : vector<16xi32>, vector<16xi32> -> vector<16xi32>
      %broadcast_in_dim3A_527 = vector.shape_cast %max3A_523 : vector<16xi32> to vector<16x1xi32>
      %gather3A_528 = vector.shape_cast %broadcast_in_dim3A_527 : vector<16x1xi32> to vector<16xi32>
      %gather3A_529 = tpu.dynamic_gather %select_n3A[%gather3A_528] in [0] : vector<16xf32>, vector<16xi32> -> vector<16xf32>
      %ge3A_530 = arith.constant 2 : i32
      %ge3A_531 = vector.broadcast %ge3A_530 : i32 to vector<16xi32>
      %ge3A_532 = arith.cmpi sge, %iota3A, %ge3A_531 : vector<16xi32>
      %eq3A_533 = arith.cmpi eq, %gather3A_526, %masked_sort3A_505 : vector<16xi32>
      %and3A_534 = arith.andi %ge3A_532, %eq3A_533 : vector<16xi1>
      %min3A_535 = arith.minimumf %select_n3A, %gather3A_529 : vector<16xf32>
      %select_n3A_536 = arith.select %and3A_534, %min3A_535, %select_n3A : vector<16xi1>, vector<16xf32>
      %sub3A_537 = arith.constant 4 : i32
      %sub3A_538 = vector.broadcast %sub3A_537 : i32 to vector<16xi32>
      %sub3A_539 = arith.subi %iota3A, %sub3A_538 : vector<16xi32>
      %max3A_540 = arith.constant 0 : i32
      %max3A_541 = vector.broadcast %max3A_540 : i32 to vector<16xi32>
      %max3A_542 = arith.maxsi %sub3A_539, %max3A_541 : vector<16xi32>
      %broadcast_in_dim3A_543 = vector.shape_cast %max3A_542 : vector<16xi32> to vector<16x1xi32>
      %gather3A_544 = vector.shape_cast %broadcast_in_dim3A_543 : vector<16x1xi32> to vector<16xi32>
      %gather3A_545 = tpu.dynamic_gather %masked_sort3A_505[%gather3A_544] in [0] : vector<16xi32>, vector<16xi32> -> vector<16xi32>
      %broadcast_in_dim3A_546 = vector.shape_cast %max3A_542 : vector<16xi32> to vector<16x1xi32>
      %gather3A_547 = vector.shape_cast %broadcast_in_dim3A_546 : vector<16x1xi32> to vector<16xi32>
      %gather3A_548 = tpu.dynamic_gather %select_n3A_536[%gather3A_547] in [0] : vector<16xf32>, vector<16xi32> -> vector<16xf32>
      %ge3A_549 = arith.constant 4 : i32
      %ge3A_550 = vector.broadcast %ge3A_549 : i32 to vector<16xi32>
      %ge3A_551 = arith.cmpi sge, %iota3A, %ge3A_550 : vector<16xi32>
      %eq3A_552 = arith.cmpi eq, %gather3A_545, %masked_sort3A_505 : vector<16xi32>
      %and3A_553 = arith.andi %ge3A_551, %eq3A_552 : vector<16xi1>
      %min3A_554 = arith.minimumf %select_n3A_536, %gather3A_548 : vector<16xf32>
      %select_n3A_555 = arith.select %and3A_553, %min3A_554, %select_n3A_536 : vector<16xi1>, vector<16xf32>
      %sub3A_556 = arith.constant 8 : i32
      %sub3A_557 = vector.broadcast %sub3A_556 : i32 to vector<16xi32>
      %sub3A_558 = arith.subi %iota3A, %sub3A_557 : vector<16xi32>
      %max3A_559 = arith.constant 0 : i32
      %max3A_560 = vector.broadcast %max3A_559 : i32 to vector<16xi32>
      %max3A_561 = arith.maxsi %sub3A_558, %max3A_560 : vector<16xi32>
      %broadcast_in_dim3A_562 = vector.shape_cast %max3A_561 : vector<16xi32> to vector<16x1xi32>
      %gather3A_563 = vector.shape_cast %broadcast_in_dim3A_562 : vector<16x1xi32> to vector<16xi32>
      %gather3A_564 = tpu.dynamic_gather %masked_sort3A_505[%gather3A_563] in [0] : vector<16xi32>, vector<16xi32> -> vector<16xi32>
      %broadcast_in_dim3A_565 = vector.shape_cast %max3A_561 : vector<16xi32> to vector<16x1xi32>
      %gather3A_566 = vector.shape_cast %broadcast_in_dim3A_565 : vector<16x1xi32> to vector<16xi32>
      %gather3A_567 = tpu.dynamic_gather %select_n3A_555[%gather3A_566] in [0] : vector<16xf32>, vector<16xi32> -> vector<16xf32>
      %ge3A_568 = arith.constant 8 : i32
      %ge3A_569 = vector.broadcast %ge3A_568 : i32 to vector<16xi32>
      %ge3A_570 = arith.cmpi sge, %iota3A, %ge3A_569 : vector<16xi32>
      %eq3A_571 = arith.cmpi eq, %gather3A_564, %masked_sort3A_505 : vector<16xi32>
      %and3A_572 = arith.andi %ge3A_570, %eq3A_571 : vector<16xi1>
      %min3A_573 = arith.minimumf %select_n3A_555, %gather3A_567 : vector<16xf32>
      %select_n3A_574 = arith.select %and3A_572, %min3A_573, %select_n3A_555 : vector<16xi1>, vector<16xf32>
      %add3A_575 = arith.constant 1 : i32
      %add3A_576 = vector.broadcast %add3A_575 : i32 to vector<16xi32>
      %add3A_577 = arith.addi %iota3A, %add3A_576 : vector<16xi32>
      %min3A_578 = arith.constant 15 : i32
      %min3A_579 = vector.broadcast %min3A_578 : i32 to vector<16xi32>
      %min3A_580 = arith.minsi %add3A_577, %min3A_579 : vector<16xi32>
      %broadcast_in_dim3A_581 = vector.shape_cast %min3A_580 : vector<16xi32> to vector<16x1xi32>
      %gather3A_582 = vector.shape_cast %broadcast_in_dim3A_581 : vector<16x1xi32> to vector<16xi32>
      %gather3A_583 = tpu.dynamic_gather %masked_sort3A_505[%gather3A_582] in [0] : vector<16xi32>, vector<16xi32> -> vector<16xi32>
      %eq3A_584 = arith.constant 15 : i32
      %eq3A_585 = vector.broadcast %eq3A_584 : i32 to vector<16xi32>
      %eq3A_586 = arith.cmpi eq, %iota3A, %eq3A_585 : vector<16xi32>
      %ne3A = arith.cmpi ne, %gather3A_583, %masked_sort3A_505 : vector<16xi32>
      %or3A = arith.ori %eq3A_586, %ne3A : vector<16xi1>
      %gather3A_587 = tpu.vector_load_idx %arg6[%masked_sort3A_505] : memref<50000xf32, #tpu.memory_space<vmem>>[vector<16xi32>], vector<16xf32>,
      %min3A_588 = arith.minimumf %gather3A_587, %select_n3A_574 : vector<16xf32>
      tpu.vector_store_idx %arg6[%masked_sort3A_505], %min3A_588 masked %or3A : memref<50000xf32, #tpu.memory_space<vmem>>[vector<16xi32>], vector<16xf32>, vector<16xi1>
      %scan3A_589 = arith.constant 0 : i32
      scf.yield %scan3A_589 : i32
    }
    %scan3A_338 = arith.constant 125 : i32
    %add3A_339 = arith.constant 36000 : i32
    %add3A_340 = arith.addi %mul3A_2, %add3A_339 : i32
    %dma_start3A_341 = tpu.memref_slice %arg2[%add3A_340] : memref<3200000xi32, #tpu.memory_space<hbm>> -> memref<2000xi32, #tpu.memory_space<hbm>>
    %dma_start3A_342 = tpu.memref_slice %arg2[%add3A_340] : memref<3200000xi32, #tpu.memory_space<hbm>> -> memref<2000xi32, #tpu.memory_space<hbm>>
    tpu.enqueue_dma source(%dma_start3A_342 : memref<2000xi32, #tpu.memory_space<hbm>>) target(%arg7 : memref<2000xi32, #tpu.memory_space<vmem>>) target_semaphore(%arg11 : memref<!tpu.dma_semaphore, #tpu.memory_space<semaphore_mem>>)
    %add3A_343 = arith.constant 1600000 : i32
    %add3A_344 = arith.addi %add3A_343, %add3A_340 : i32
    %dma_start3A_345 = tpu.memref_slice %arg2[%add3A_344] : memref<3200000xi32, #tpu.memory_space<hbm>> -> memref<2000xi32, #tpu.memory_space<hbm>>
    %dma_start3A_346 = tpu.memref_slice %arg2[%add3A_344] : memref<3200000xi32, #tpu.memory_space<hbm>> -> memref<2000xi32, #tpu.memory_space<hbm>>
    tpu.enqueue_dma source(%dma_start3A_346 : memref<2000xi32, #tpu.memory_space<hbm>>) target(%arg8 : memref<2000xi32, #tpu.memory_space<vmem>>) target_semaphore(%arg11 : memref<!tpu.dma_semaphore, #tpu.memory_space<semaphore_mem>>)
    %dma_wait3A_347 = tpu.memref_slice %arg2[%add3A_321] : memref<3200000xi32, #tpu.memory_space<hbm>> -> memref<2000xi32, #tpu.memory_space<hbm>>
    %dma_wait3A_348 = tpu.memref_slice %arg2[%add3A_321] : memref<3200000xi32, #tpu.memory_space<hbm>> -> memref<2000xi32, #tpu.memory_space<hbm>>
    tpu.wait_dma2 semaphore(%arg12 : memref<!tpu.dma_semaphore, #tpu.memory_space<semaphore_mem>>) src(%dma_wait3A_348 : memref<2000xi32, #tpu.memory_space<hbm>>) dst(%arg9 : memref<2000xi32, #tpu.memory_space<vmem>>)
    %dma_wait3A_349 = tpu.memref_slice %arg2[%add3A_325] : memref<3200000xi32, #tpu.memory_space<hbm>> -> memref<2000xi32, #tpu.memory_space<hbm>>
    %dma_wait3A_350 = tpu.memref_slice %arg2[%add3A_325] : memref<3200000xi32, #tpu.memory_space<hbm>> -> memref<2000xi32, #tpu.memory_space<hbm>>
    tpu.wait_dma2 semaphore(%arg12 : memref<!tpu.dma_semaphore, #tpu.memory_space<semaphore_mem>>) src(%dma_wait3A_350 : memref<2000xi32, #tpu.memory_space<hbm>>) dst(%arg10 : memref<2000xi32, #tpu.memory_space<vmem>>)
    %scan3A_351 = arith.constant 0 : i32
    %scan3A_352 = arith.constant 0 : i32
    %scan3A_353 = arith.constant 125 : i32
    %scan3A_354 = arith.addi %scan3A_352, %scan3A_353 : i32
    %scan3A_355 = arith.constant 1 : i32
    %scan3A_356 = scf.for %scan3A_490 = %scan3A_352 to %scan3A_354 step %scan3A_355 iter_args(%scan3A_491 = %scan3A_351) -> (i32)  : i32 {
      %mul3A_492 = arith.constant 16 : i32
      %mul3A_493 = arith.muli %scan3A_490, %mul3A_492 : i32
      %get3A = arith.index_cast %mul3A_493 : i32 to index
      %get3A_494 = tpu.vector_load %arg9[%get3A] {strides = array<i32>} : memref<2000xi32, #tpu.memory_space<vmem>>, vector<16xi32>,
      %mul3A_495 = arith.constant 16 : i32
      %mul3A_496 = arith.muli %scan3A_490, %mul3A_495 : i32
      %get3A_497 = arith.index_cast %mul3A_496 : i32 to index
      %get3A_498 = tpu.vector_load %arg10[%get3A_497] {strides = array<i32>} : memref<2000xi32, #tpu.memory_space<vmem>>, vector<16xi32>,
      %gather3A = tpu.vector_load_idx %arg5[%get3A_494] : memref<50000xf32, #tpu.memory_space<vmem>>[vector<16xi32>], vector<16xf32>,
      %masked_sort3A = arith.constant dense<true> : vector<16xi1>
      %masked_sort3A_499 = arith.constant -2147483648 : i32
      %masked_sort3A_500 = vector.broadcast %masked_sort3A_499 : i32 to vector<16xi32>
      %masked_sort3A_501 = arith.xori %get3A_498, %masked_sort3A_500 : vector<16xi32>
      %masked_sort3A_502, %masked_sort3A_503, %masked_sort3A_504 = tpu.sort %masked_sort3A_501, %gather3A masked %masked_sort3A : (vector<16xi32>, vector<16xf32>, vector<16xi1>) -> (vector<16xi1>, vector<16xi32>, vector<16xf32>)
      %masked_sort3A_505 = arith.xori %masked_sort3A_503, %masked_sort3A_500 : vector<16xi32>
      %sub3A = arith.constant 1 : i32
      %sub3A_506 = vector.broadcast %sub3A : i32 to vector<16xi32>
      %sub3A_507 = arith.subi %iota3A, %sub3A_506 : vector<16xi32>
      %max3A = arith.constant 0 : i32
      %max3A_508 = vector.broadcast %max3A : i32 to vector<16xi32>
      %max3A_509 = arith.maxsi %sub3A_507, %max3A_508 : vector<16xi32>
      %broadcast_in_dim3A_510 = vector.shape_cast %max3A_509 : vector<16xi32> to vector<16x1xi32>
      %gather3A_511 = vector.shape_cast %broadcast_in_dim3A_510 : vector<16x1xi32> to vector<16xi32>
      %gather3A_512 = tpu.dynamic_gather %masked_sort3A_505[%gather3A_511] in [0] : vector<16xi32>, vector<16xi32> -> vector<16xi32>
      %broadcast_in_dim3A_513 = vector.shape_cast %max3A_509 : vector<16xi32> to vector<16x1xi32>
      %gather3A_514 = vector.shape_cast %broadcast_in_dim3A_513 : vector<16x1xi32> to vector<16xi32>
      %gather3A_515 = tpu.dynamic_gather %masked_sort3A_504[%gather3A_514] in [0] : vector<16xf32>, vector<16xi32> -> vector<16xf32>
      %ge3A = arith.constant 1 : i32
      %ge3A_516 = vector.broadcast %ge3A : i32 to vector<16xi32>
      %ge3A_517 = arith.cmpi sge, %iota3A, %ge3A_516 : vector<16xi32>
      %eq3A = arith.cmpi eq, %gather3A_512, %masked_sort3A_505 : vector<16xi32>
      %and3A = arith.andi %ge3A_517, %eq3A : vector<16xi1>
      %min3A = arith.minimumf %masked_sort3A_504, %gather3A_515 : vector<16xf32>
      %select_n3A = arith.select %and3A, %min3A, %masked_sort3A_504 : vector<16xi1>, vector<16xf32>
      %sub3A_518 = arith.constant 2 : i32
      %sub3A_519 = vector.broadcast %sub3A_518 : i32 to vector<16xi32>
      %sub3A_520 = arith.subi %iota3A, %sub3A_519 : vector<16xi32>
      %max3A_521 = arith.constant 0 : i32
      %max3A_522 = vector.broadcast %max3A_521 : i32 to vector<16xi32>
      %max3A_523 = arith.maxsi %sub3A_520, %max3A_522 : vector<16xi32>
      %broadcast_in_dim3A_524 = vector.shape_cast %max3A_523 : vector<16xi32> to vector<16x1xi32>
      %gather3A_525 = vector.shape_cast %broadcast_in_dim3A_524 : vector<16x1xi32> to vector<16xi32>
      %gather3A_526 = tpu.dynamic_gather %masked_sort3A_505[%gather3A_525] in [0] : vector<16xi32>, vector<16xi32> -> vector<16xi32>
      %broadcast_in_dim3A_527 = vector.shape_cast %max3A_523 : vector<16xi32> to vector<16x1xi32>
      %gather3A_528 = vector.shape_cast %broadcast_in_dim3A_527 : vector<16x1xi32> to vector<16xi32>
      %gather3A_529 = tpu.dynamic_gather %select_n3A[%gather3A_528] in [0] : vector<16xf32>, vector<16xi32> -> vector<16xf32>
      %ge3A_530 = arith.constant 2 : i32
      %ge3A_531 = vector.broadcast %ge3A_530 : i32 to vector<16xi32>
      %ge3A_532 = arith.cmpi sge, %iota3A, %ge3A_531 : vector<16xi32>
      %eq3A_533 = arith.cmpi eq, %gather3A_526, %masked_sort3A_505 : vector<16xi32>
      %and3A_534 = arith.andi %ge3A_532, %eq3A_533 : vector<16xi1>
      %min3A_535 = arith.minimumf %select_n3A, %gather3A_529 : vector<16xf32>
      %select_n3A_536 = arith.select %and3A_534, %min3A_535, %select_n3A : vector<16xi1>, vector<16xf32>
      %sub3A_537 = arith.constant 4 : i32
      %sub3A_538 = vector.broadcast %sub3A_537 : i32 to vector<16xi32>
      %sub3A_539 = arith.subi %iota3A, %sub3A_538 : vector<16xi32>
      %max3A_540 = arith.constant 0 : i32
      %max3A_541 = vector.broadcast %max3A_540 : i32 to vector<16xi32>
      %max3A_542 = arith.maxsi %sub3A_539, %max3A_541 : vector<16xi32>
      %broadcast_in_dim3A_543 = vector.shape_cast %max3A_542 : vector<16xi32> to vector<16x1xi32>
      %gather3A_544 = vector.shape_cast %broadcast_in_dim3A_543 : vector<16x1xi32> to vector<16xi32>
      %gather3A_545 = tpu.dynamic_gather %masked_sort3A_505[%gather3A_544] in [0] : vector<16xi32>, vector<16xi32> -> vector<16xi32>
      %broadcast_in_dim3A_546 = vector.shape_cast %max3A_542 : vector<16xi32> to vector<16x1xi32>
      %gather3A_547 = vector.shape_cast %broadcast_in_dim3A_546 : vector<16x1xi32> to vector<16xi32>
      %gather3A_548 = tpu.dynamic_gather %select_n3A_536[%gather3A_547] in [0] : vector<16xf32>, vector<16xi32> -> vector<16xf32>
      %ge3A_549 = arith.constant 4 : i32
      %ge3A_550 = vector.broadcast %ge3A_549 : i32 to vector<16xi32>
      %ge3A_551 = arith.cmpi sge, %iota3A, %ge3A_550 : vector<16xi32>
      %eq3A_552 = arith.cmpi eq, %gather3A_545, %masked_sort3A_505 : vector<16xi32>
      %and3A_553 = arith.andi %ge3A_551, %eq3A_552 : vector<16xi1>
      %min3A_554 = arith.minimumf %select_n3A_536, %gather3A_548 : vector<16xf32>
      %select_n3A_555 = arith.select %and3A_553, %min3A_554, %select_n3A_536 : vector<16xi1>, vector<16xf32>
      %sub3A_556 = arith.constant 8 : i32
      %sub3A_557 = vector.broadcast %sub3A_556 : i32 to vector<16xi32>
      %sub3A_558 = arith.subi %iota3A, %sub3A_557 : vector<16xi32>
      %max3A_559 = arith.constant 0 : i32
      %max3A_560 = vector.broadcast %max3A_559 : i32 to vector<16xi32>
      %max3A_561 = arith.maxsi %sub3A_558, %max3A_560 : vector<16xi32>
      %broadcast_in_dim3A_562 = vector.shape_cast %max3A_561 : vector<16xi32> to vector<16x1xi32>
      %gather3A_563 = vector.shape_cast %broadcast_in_dim3A_562 : vector<16x1xi32> to vector<16xi32>
      %gather3A_564 = tpu.dynamic_gather %masked_sort3A_505[%gather3A_563] in [0] : vector<16xi32>, vector<16xi32> -> vector<16xi32>
      %broadcast_in_dim3A_565 = vector.shape_cast %max3A_561 : vector<16xi32> to vector<16x1xi32>
      %gather3A_566 = vector.shape_cast %broadcast_in_dim3A_565 : vector<16x1xi32> to vector<16xi32>
      %gather3A_567 = tpu.dynamic_gather %select_n3A_555[%gather3A_566] in [0] : vector<16xf32>, vector<16xi32> -> vector<16xf32>
      %ge3A_568 = arith.constant 8 : i32
      %ge3A_569 = vector.broadcast %ge3A_568 : i32 to vector<16xi32>
      %ge3A_570 = arith.cmpi sge, %iota3A, %ge3A_569 : vector<16xi32>
      %eq3A_571 = arith.cmpi eq, %gather3A_564, %masked_sort3A_505 : vector<16xi32>
      %and3A_572 = arith.andi %ge3A_570, %eq3A_571 : vector<16xi1>
      %min3A_573 = arith.minimumf %select_n3A_555, %gather3A_567 : vector<16xf32>
      %select_n3A_574 = arith.select %and3A_572, %min3A_573, %select_n3A_555 : vector<16xi1>, vector<16xf32>
      %add3A_575 = arith.constant 1 : i32
      %add3A_576 = vector.broadcast %add3A_575 : i32 to vector<16xi32>
      %add3A_577 = arith.addi %iota3A, %add3A_576 : vector<16xi32>
      %min3A_578 = arith.constant 15 : i32
      %min3A_579 = vector.broadcast %min3A_578 : i32 to vector<16xi32>
      %min3A_580 = arith.minsi %add3A_577, %min3A_579 : vector<16xi32>
      %broadcast_in_dim3A_581 = vector.shape_cast %min3A_580 : vector<16xi32> to vector<16x1xi32>
      %gather3A_582 = vector.shape_cast %broadcast_in_dim3A_581 : vector<16x1xi32> to vector<16xi32>
      %gather3A_583 = tpu.dynamic_gather %masked_sort3A_505[%gather3A_582] in [0] : vector<16xi32>, vector<16xi32> -> vector<16xi32>
      %eq3A_584 = arith.constant 15 : i32
      %eq3A_585 = vector.broadcast %eq3A_584 : i32 to vector<16xi32>
      %eq3A_586 = arith.cmpi eq, %iota3A, %eq3A_585 : vector<16xi32>
      %ne3A = arith.cmpi ne, %gather3A_583, %masked_sort3A_505 : vector<16xi32>
      %or3A = arith.ori %eq3A_586, %ne3A : vector<16xi1>
      %gather3A_587 = tpu.vector_load_idx %arg6[%masked_sort3A_505] : memref<50000xf32, #tpu.memory_space<vmem>>[vector<16xi32>], vector<16xf32>,
      %min3A_588 = arith.minimumf %gather3A_587, %select_n3A_574 : vector<16xf32>
      tpu.vector_store_idx %arg6[%masked_sort3A_505], %min3A_588 masked %or3A : memref<50000xf32, #tpu.memory_space<vmem>>[vector<16xi32>], vector<16xf32>, vector<16xi1>
      %scan3A_589 = arith.constant 0 : i32
      scf.yield %scan3A_589 : i32
    }
    %scan3A_357 = arith.constant 125 : i32
    %add3A_358 = arith.constant 38000 : i32
    %add3A_359 = arith.addi %mul3A_2, %add3A_358 : i32
    %dma_start3A_360 = tpu.memref_slice %arg2[%add3A_359] : memref<3200000xi32, #tpu.memory_space<hbm>> -> memref<2000xi32, #tpu.memory_space<hbm>>
    %dma_start3A_361 = tpu.memref_slice %arg2[%add3A_359] : memref<3200000xi32, #tpu.memory_space<hbm>> -> memref<2000xi32, #tpu.memory_space<hbm>>
    tpu.enqueue_dma source(%dma_start3A_361 : memref<2000xi32, #tpu.memory_space<hbm>>) target(%arg9 : memref<2000xi32, #tpu.memory_space<vmem>>) target_semaphore(%arg12 : memref<!tpu.dma_semaphore, #tpu.memory_space<semaphore_mem>>)
    %add3A_362 = arith.constant 1600000 : i32
    %add3A_363 = arith.addi %add3A_362, %add3A_359 : i32
    %dma_start3A_364 = tpu.memref_slice %arg2[%add3A_363] : memref<3200000xi32, #tpu.memory_space<hbm>> -> memref<2000xi32, #tpu.memory_space<hbm>>
    %dma_start3A_365 = tpu.memref_slice %arg2[%add3A_363] : memref<3200000xi32, #tpu.memory_space<hbm>> -> memref<2000xi32, #tpu.memory_space<hbm>>
    tpu.enqueue_dma source(%dma_start3A_365 : memref<2000xi32, #tpu.memory_space<hbm>>) target(%arg10 : memref<2000xi32, #tpu.memory_space<vmem>>) target_semaphore(%arg12 : memref<!tpu.dma_semaphore, #tpu.memory_space<semaphore_mem>>)
    %dma_wait3A_366 = tpu.memref_slice %arg2[%add3A_340] : memref<3200000xi32, #tpu.memory_space<hbm>> -> memref<2000xi32, #tpu.memory_space<hbm>>
    %dma_wait3A_367 = tpu.memref_slice %arg2[%add3A_340] : memref<3200000xi32, #tpu.memory_space<hbm>> -> memref<2000xi32, #tpu.memory_space<hbm>>
    tpu.wait_dma2 semaphore(%arg11 : memref<!tpu.dma_semaphore, #tpu.memory_space<semaphore_mem>>) src(%dma_wait3A_367 : memref<2000xi32, #tpu.memory_space<hbm>>) dst(%arg7 : memref<2000xi32, #tpu.memory_space<vmem>>)
    %dma_wait3A_368 = tpu.memref_slice %arg2[%add3A_344] : memref<3200000xi32, #tpu.memory_space<hbm>> -> memref<2000xi32, #tpu.memory_space<hbm>>
    %dma_wait3A_369 = tpu.memref_slice %arg2[%add3A_344] : memref<3200000xi32, #tpu.memory_space<hbm>> -> memref<2000xi32, #tpu.memory_space<hbm>>
    tpu.wait_dma2 semaphore(%arg11 : memref<!tpu.dma_semaphore, #tpu.memory_space<semaphore_mem>>) src(%dma_wait3A_369 : memref<2000xi32, #tpu.memory_space<hbm>>) dst(%arg8 : memref<2000xi32, #tpu.memory_space<vmem>>)
    %scan3A_370 = arith.constant 0 : i32
    %scan3A_371 = arith.constant 0 : i32
    %scan3A_372 = arith.constant 125 : i32
    %scan3A_373 = arith.addi %scan3A_371, %scan3A_372 : i32
    %scan3A_374 = arith.constant 1 : i32
    %scan3A_375 = scf.for %scan3A_490 = %scan3A_371 to %scan3A_373 step %scan3A_374 iter_args(%scan3A_491 = %scan3A_370) -> (i32)  : i32 {
      %mul3A_492 = arith.constant 16 : i32
      %mul3A_493 = arith.muli %scan3A_490, %mul3A_492 : i32
      %get3A = arith.index_cast %mul3A_493 : i32 to index
      %get3A_494 = tpu.vector_load %arg7[%get3A] {strides = array<i32>} : memref<2000xi32, #tpu.memory_space<vmem>>, vector<16xi32>,
      %mul3A_495 = arith.constant 16 : i32
      %mul3A_496 = arith.muli %scan3A_490, %mul3A_495 : i32
      %get3A_497 = arith.index_cast %mul3A_496 : i32 to index
      %get3A_498 = tpu.vector_load %arg8[%get3A_497] {strides = array<i32>} : memref<2000xi32, #tpu.memory_space<vmem>>, vector<16xi32>,
      %gather3A = tpu.vector_load_idx %arg5[%get3A_494] : memref<50000xf32, #tpu.memory_space<vmem>>[vector<16xi32>], vector<16xf32>,
      %masked_sort3A = arith.constant dense<true> : vector<16xi1>
      %masked_sort3A_499 = arith.constant -2147483648 : i32
      %masked_sort3A_500 = vector.broadcast %masked_sort3A_499 : i32 to vector<16xi32>
      %masked_sort3A_501 = arith.xori %get3A_498, %masked_sort3A_500 : vector<16xi32>
      %masked_sort3A_502, %masked_sort3A_503, %masked_sort3A_504 = tpu.sort %masked_sort3A_501, %gather3A masked %masked_sort3A : (vector<16xi32>, vector<16xf32>, vector<16xi1>) -> (vector<16xi1>, vector<16xi32>, vector<16xf32>)
      %masked_sort3A_505 = arith.xori %masked_sort3A_503, %masked_sort3A_500 : vector<16xi32>
      %sub3A = arith.constant 1 : i32
      %sub3A_506 = vector.broadcast %sub3A : i32 to vector<16xi32>
      %sub3A_507 = arith.subi %iota3A, %sub3A_506 : vector<16xi32>
      %max3A = arith.constant 0 : i32
      %max3A_508 = vector.broadcast %max3A : i32 to vector<16xi32>
      %max3A_509 = arith.maxsi %sub3A_507, %max3A_508 : vector<16xi32>
      %broadcast_in_dim3A_510 = vector.shape_cast %max3A_509 : vector<16xi32> to vector<16x1xi32>
      %gather3A_511 = vector.shape_cast %broadcast_in_dim3A_510 : vector<16x1xi32> to vector<16xi32>
      %gather3A_512 = tpu.dynamic_gather %masked_sort3A_505[%gather3A_511] in [0] : vector<16xi32>, vector<16xi32> -> vector<16xi32>
      %broadcast_in_dim3A_513 = vector.shape_cast %max3A_509 : vector<16xi32> to vector<16x1xi32>
      %gather3A_514 = vector.shape_cast %broadcast_in_dim3A_513 : vector<16x1xi32> to vector<16xi32>
      %gather3A_515 = tpu.dynamic_gather %masked_sort3A_504[%gather3A_514] in [0] : vector<16xf32>, vector<16xi32> -> vector<16xf32>
      %ge3A = arith.constant 1 : i32
      %ge3A_516 = vector.broadcast %ge3A : i32 to vector<16xi32>
      %ge3A_517 = arith.cmpi sge, %iota3A, %ge3A_516 : vector<16xi32>
      %eq3A = arith.cmpi eq, %gather3A_512, %masked_sort3A_505 : vector<16xi32>
      %and3A = arith.andi %ge3A_517, %eq3A : vector<16xi1>
      %min3A = arith.minimumf %masked_sort3A_504, %gather3A_515 : vector<16xf32>
      %select_n3A = arith.select %and3A, %min3A, %masked_sort3A_504 : vector<16xi1>, vector<16xf32>
      %sub3A_518 = arith.constant 2 : i32
      %sub3A_519 = vector.broadcast %sub3A_518 : i32 to vector<16xi32>
      %sub3A_520 = arith.subi %iota3A, %sub3A_519 : vector<16xi32>
      %max3A_521 = arith.constant 0 : i32
      %max3A_522 = vector.broadcast %max3A_521 : i32 to vector<16xi32>
      %max3A_523 = arith.maxsi %sub3A_520, %max3A_522 : vector<16xi32>
      %broadcast_in_dim3A_524 = vector.shape_cast %max3A_523 : vector<16xi32> to vector<16x1xi32>
      %gather3A_525 = vector.shape_cast %broadcast_in_dim3A_524 : vector<16x1xi32> to vector<16xi32>
      %gather3A_526 = tpu.dynamic_gather %masked_sort3A_505[%gather3A_525] in [0] : vector<16xi32>, vector<16xi32> -> vector<16xi32>
      %broadcast_in_dim3A_527 = vector.shape_cast %max3A_523 : vector<16xi32> to vector<16x1xi32>
      %gather3A_528 = vector.shape_cast %broadcast_in_dim3A_527 : vector<16x1xi32> to vector<16xi32>
      %gather3A_529 = tpu.dynamic_gather %select_n3A[%gather3A_528] in [0] : vector<16xf32>, vector<16xi32> -> vector<16xf32>
      %ge3A_530 = arith.constant 2 : i32
      %ge3A_531 = vector.broadcast %ge3A_530 : i32 to vector<16xi32>
      %ge3A_532 = arith.cmpi sge, %iota3A, %ge3A_531 : vector<16xi32>
      %eq3A_533 = arith.cmpi eq, %gather3A_526, %masked_sort3A_505 : vector<16xi32>
      %and3A_534 = arith.andi %ge3A_532, %eq3A_533 : vector<16xi1>
      %min3A_535 = arith.minimumf %select_n3A, %gather3A_529 : vector<16xf32>
      %select_n3A_536 = arith.select %and3A_534, %min3A_535, %select_n3A : vector<16xi1>, vector<16xf32>
      %sub3A_537 = arith.constant 4 : i32
      %sub3A_538 = vector.broadcast %sub3A_537 : i32 to vector<16xi32>
      %sub3A_539 = arith.subi %iota3A, %sub3A_538 : vector<16xi32>
      %max3A_540 = arith.constant 0 : i32
      %max3A_541 = vector.broadcast %max3A_540 : i32 to vector<16xi32>
      %max3A_542 = arith.maxsi %sub3A_539, %max3A_541 : vector<16xi32>
      %broadcast_in_dim3A_543 = vector.shape_cast %max3A_542 : vector<16xi32> to vector<16x1xi32>
      %gather3A_544 = vector.shape_cast %broadcast_in_dim3A_543 : vector<16x1xi32> to vector<16xi32>
      %gather3A_545 = tpu.dynamic_gather %masked_sort3A_505[%gather3A_544] in [0] : vector<16xi32>, vector<16xi32> -> vector<16xi32>
      %broadcast_in_dim3A_546 = vector.shape_cast %max3A_542 : vector<16xi32> to vector<16x1xi32>
      %gather3A_547 = vector.shape_cast %broadcast_in_dim3A_546 : vector<16x1xi32> to vector<16xi32>
      %gather3A_548 = tpu.dynamic_gather %select_n3A_536[%gather3A_547] in [0] : vector<16xf32>, vector<16xi32> -> vector<16xf32>
      %ge3A_549 = arith.constant 4 : i32
      %ge3A_550 = vector.broadcast %ge3A_549 : i32 to vector<16xi32>
      %ge3A_551 = arith.cmpi sge, %iota3A, %ge3A_550 : vector<16xi32>
      %eq3A_552 = arith.cmpi eq, %gather3A_545, %masked_sort3A_505 : vector<16xi32>
      %and3A_553 = arith.andi %ge3A_551, %eq3A_552 : vector<16xi1>
      %min3A_554 = arith.minimumf %select_n3A_536, %gather3A_548 : vector<16xf32>
      %select_n3A_555 = arith.select %and3A_553, %min3A_554, %select_n3A_536 : vector<16xi1>, vector<16xf32>
      %sub3A_556 = arith.constant 8 : i32
      %sub3A_557 = vector.broadcast %sub3A_556 : i32 to vector<16xi32>
      %sub3A_558 = arith.subi %iota3A, %sub3A_557 : vector<16xi32>
      %max3A_559 = arith.constant 0 : i32
      %max3A_560 = vector.broadcast %max3A_559 : i32 to vector<16xi32>
      %max3A_561 = arith.maxsi %sub3A_558, %max3A_560 : vector<16xi32>
      %broadcast_in_dim3A_562 = vector.shape_cast %max3A_561 : vector<16xi32> to vector<16x1xi32>
      %gather3A_563 = vector.shape_cast %broadcast_in_dim3A_562 : vector<16x1xi32> to vector<16xi32>
      %gather3A_564 = tpu.dynamic_gather %masked_sort3A_505[%gather3A_563] in [0] : vector<16xi32>, vector<16xi32> -> vector<16xi32>
      %broadcast_in_dim3A_565 = vector.shape_cast %max3A_561 : vector<16xi32> to vector<16x1xi32>
      %gather3A_566 = vector.shape_cast %broadcast_in_dim3A_565 : vector<16x1xi32> to vector<16xi32>
      %gather3A_567 = tpu.dynamic_gather %select_n3A_555[%gather3A_566] in [0] : vector<16xf32>, vector<16xi32> -> vector<16xf32>
      %ge3A_568 = arith.constant 8 : i32
      %ge3A_569 = vector.broadcast %ge3A_568 : i32 to vector<16xi32>
      %ge3A_570 = arith.cmpi sge, %iota3A, %ge3A_569 : vector<16xi32>
      %eq3A_571 = arith.cmpi eq, %gather3A_564, %masked_sort3A_505 : vector<16xi32>
      %and3A_572 = arith.andi %ge3A_570, %eq3A_571 : vector<16xi1>
      %min3A_573 = arith.minimumf %select_n3A_555, %gather3A_567 : vector<16xf32>
      %select_n3A_574 = arith.select %and3A_572, %min3A_573, %select_n3A_555 : vector<16xi1>, vector<16xf32>
      %add3A_575 = arith.constant 1 : i32
      %add3A_576 = vector.broadcast %add3A_575 : i32 to vector<16xi32>
      %add3A_577 = arith.addi %iota3A, %add3A_576 : vector<16xi32>
      %min3A_578 = arith.constant 15 : i32
      %min3A_579 = vector.broadcast %min3A_578 : i32 to vector<16xi32>
      %min3A_580 = arith.minsi %add3A_577, %min3A_579 : vector<16xi32>
      %broadcast_in_dim3A_581 = vector.shape_cast %min3A_580 : vector<16xi32> to vector<16x1xi32>
      %gather3A_582 = vector.shape_cast %broadcast_in_dim3A_581 : vector<16x1xi32> to vector<16xi32>
      %gather3A_583 = tpu.dynamic_gather %masked_sort3A_505[%gather3A_582] in [0] : vector<16xi32>, vector<16xi32> -> vector<16xi32>
      %eq3A_584 = arith.constant 15 : i32
      %eq3A_585 = vector.broadcast %eq3A_584 : i32 to vector<16xi32>
      %eq3A_586 = arith.cmpi eq, %iota3A, %eq3A_585 : vector<16xi32>
      %ne3A = arith.cmpi ne, %gather3A_583, %masked_sort3A_505 : vector<16xi32>
      %or3A = arith.ori %eq3A_586, %ne3A : vector<16xi1>
      %gather3A_587 = tpu.vector_load_idx %arg6[%masked_sort3A_505] : memref<50000xf32, #tpu.memory_space<vmem>>[vector<16xi32>], vector<16xf32>,
      %min3A_588 = arith.minimumf %gather3A_587, %select_n3A_574 : vector<16xf32>
      tpu.vector_store_idx %arg6[%masked_sort3A_505], %min3A_588 masked %or3A : memref<50000xf32, #tpu.memory_space<vmem>>[vector<16xi32>], vector<16xf32>, vector<16xi1>
      %scan3A_589 = arith.constant 0 : i32
      scf.yield %scan3A_589 : i32
    }
    %scan3A_376 = arith.constant 125 : i32
    %add3A_377 = arith.constant 40000 : i32
    %add3A_378 = arith.addi %mul3A_2, %add3A_377 : i32
    %dma_start3A_379 = tpu.memref_slice %arg2[%add3A_378] : memref<3200000xi32, #tpu.memory_space<hbm>> -> memref<2000xi32, #tpu.memory_space<hbm>>
    %dma_start3A_380 = tpu.memref_slice %arg2[%add3A_378] : memref<3200000xi32, #tpu.memory_space<hbm>> -> memref<2000xi32, #tpu.memory_space<hbm>>
    tpu.enqueue_dma source(%dma_start3A_380 : memref<2000xi32, #tpu.memory_space<hbm>>) target(%arg7 : memref<2000xi32, #tpu.memory_space<vmem>>) target_semaphore(%arg11 : memref<!tpu.dma_semaphore, #tpu.memory_space<semaphore_mem>>)
    %add3A_381 = arith.constant 1600000 : i32
    %add3A_382 = arith.addi %add3A_381, %add3A_378 : i32
    %dma_start3A_383 = tpu.memref_slice %arg2[%add3A_382] : memref<3200000xi32, #tpu.memory_space<hbm>> -> memref<2000xi32, #tpu.memory_space<hbm>>
    %dma_start3A_384 = tpu.memref_slice %arg2[%add3A_382] : memref<3200000xi32, #tpu.memory_space<hbm>> -> memref<2000xi32, #tpu.memory_space<hbm>>
    tpu.enqueue_dma source(%dma_start3A_384 : memref<2000xi32, #tpu.memory_space<hbm>>) target(%arg8 : memref<2000xi32, #tpu.memory_space<vmem>>) target_semaphore(%arg11 : memref<!tpu.dma_semaphore, #tpu.memory_space<semaphore_mem>>)
    %dma_wait3A_385 = tpu.memref_slice %arg2[%add3A_359] : memref<3200000xi32, #tpu.memory_space<hbm>> -> memref<2000xi32, #tpu.memory_space<hbm>>
    %dma_wait3A_386 = tpu.memref_slice %arg2[%add3A_359] : memref<3200000xi32, #tpu.memory_space<hbm>> -> memref<2000xi32, #tpu.memory_space<hbm>>
    tpu.wait_dma2 semaphore(%arg12 : memref<!tpu.dma_semaphore, #tpu.memory_space<semaphore_mem>>) src(%dma_wait3A_386 : memref<2000xi32, #tpu.memory_space<hbm>>) dst(%arg9 : memref<2000xi32, #tpu.memory_space<vmem>>)
    %dma_wait3A_387 = tpu.memref_slice %arg2[%add3A_363] : memref<3200000xi32, #tpu.memory_space<hbm>> -> memref<2000xi32, #tpu.memory_space<hbm>>
    %dma_wait3A_388 = tpu.memref_slice %arg2[%add3A_363] : memref<3200000xi32, #tpu.memory_space<hbm>> -> memref<2000xi32, #tpu.memory_space<hbm>>
    tpu.wait_dma2 semaphore(%arg12 : memref<!tpu.dma_semaphore, #tpu.memory_space<semaphore_mem>>) src(%dma_wait3A_388 : memref<2000xi32, #tpu.memory_space<hbm>>) dst(%arg10 : memref<2000xi32, #tpu.memory_space<vmem>>)
    %scan3A_389 = arith.constant 0 : i32
    %scan3A_390 = arith.constant 0 : i32
    %scan3A_391 = arith.constant 125 : i32
    %scan3A_392 = arith.addi %scan3A_390, %scan3A_391 : i32
    %scan3A_393 = arith.constant 1 : i32
    %scan3A_394 = scf.for %scan3A_490 = %scan3A_390 to %scan3A_392 step %scan3A_393 iter_args(%scan3A_491 = %scan3A_389) -> (i32)  : i32 {
      %mul3A_492 = arith.constant 16 : i32
      %mul3A_493 = arith.muli %scan3A_490, %mul3A_492 : i32
      %get3A = arith.index_cast %mul3A_493 : i32 to index
      %get3A_494 = tpu.vector_load %arg9[%get3A] {strides = array<i32>} : memref<2000xi32, #tpu.memory_space<vmem>>, vector<16xi32>,
      %mul3A_495 = arith.constant 16 : i32
      %mul3A_496 = arith.muli %scan3A_490, %mul3A_495 : i32
      %get3A_497 = arith.index_cast %mul3A_496 : i32 to index
      %get3A_498 = tpu.vector_load %arg10[%get3A_497] {strides = array<i32>} : memref<2000xi32, #tpu.memory_space<vmem>>, vector<16xi32>,
      %gather3A = tpu.vector_load_idx %arg5[%get3A_494] : memref<50000xf32, #tpu.memory_space<vmem>>[vector<16xi32>], vector<16xf32>,
      %masked_sort3A = arith.constant dense<true> : vector<16xi1>
      %masked_sort3A_499 = arith.constant -2147483648 : i32
      %masked_sort3A_500 = vector.broadcast %masked_sort3A_499 : i32 to vector<16xi32>
      %masked_sort3A_501 = arith.xori %get3A_498, %masked_sort3A_500 : vector<16xi32>
      %masked_sort3A_502, %masked_sort3A_503, %masked_sort3A_504 = tpu.sort %masked_sort3A_501, %gather3A masked %masked_sort3A : (vector<16xi32>, vector<16xf32>, vector<16xi1>) -> (vector<16xi1>, vector<16xi32>, vector<16xf32>)
      %masked_sort3A_505 = arith.xori %masked_sort3A_503, %masked_sort3A_500 : vector<16xi32>
      %sub3A = arith.constant 1 : i32
      %sub3A_506 = vector.broadcast %sub3A : i32 to vector<16xi32>
      %sub3A_507 = arith.subi %iota3A, %sub3A_506 : vector<16xi32>
      %max3A = arith.constant 0 : i32
      %max3A_508 = vector.broadcast %max3A : i32 to vector<16xi32>
      %max3A_509 = arith.maxsi %sub3A_507, %max3A_508 : vector<16xi32>
      %broadcast_in_dim3A_510 = vector.shape_cast %max3A_509 : vector<16xi32> to vector<16x1xi32>
      %gather3A_511 = vector.shape_cast %broadcast_in_dim3A_510 : vector<16x1xi32> to vector<16xi32>
      %gather3A_512 = tpu.dynamic_gather %masked_sort3A_505[%gather3A_511] in [0] : vector<16xi32>, vector<16xi32> -> vector<16xi32>
      %broadcast_in_dim3A_513 = vector.shape_cast %max3A_509 : vector<16xi32> to vector<16x1xi32>
      %gather3A_514 = vector.shape_cast %broadcast_in_dim3A_513 : vector<16x1xi32> to vector<16xi32>
      %gather3A_515 = tpu.dynamic_gather %masked_sort3A_504[%gather3A_514] in [0] : vector<16xf32>, vector<16xi32> -> vector<16xf32>
      %ge3A = arith.constant 1 : i32
      %ge3A_516 = vector.broadcast %ge3A : i32 to vector<16xi32>
      %ge3A_517 = arith.cmpi sge, %iota3A, %ge3A_516 : vector<16xi32>
      %eq3A = arith.cmpi eq, %gather3A_512, %masked_sort3A_505 : vector<16xi32>
      %and3A = arith.andi %ge3A_517, %eq3A : vector<16xi1>
      %min3A = arith.minimumf %masked_sort3A_504, %gather3A_515 : vector<16xf32>
      %select_n3A = arith.select %and3A, %min3A, %masked_sort3A_504 : vector<16xi1>, vector<16xf32>
      %sub3A_518 = arith.constant 2 : i32
      %sub3A_519 = vector.broadcast %sub3A_518 : i32 to vector<16xi32>
      %sub3A_520 = arith.subi %iota3A, %sub3A_519 : vector<16xi32>
      %max3A_521 = arith.constant 0 : i32
      %max3A_522 = vector.broadcast %max3A_521 : i32 to vector<16xi32>
      %max3A_523 = arith.maxsi %sub3A_520, %max3A_522 : vector<16xi32>
      %broadcast_in_dim3A_524 = vector.shape_cast %max3A_523 : vector<16xi32> to vector<16x1xi32>
      %gather3A_525 = vector.shape_cast %broadcast_in_dim3A_524 : vector<16x1xi32> to vector<16xi32>
      %gather3A_526 = tpu.dynamic_gather %masked_sort3A_505[%gather3A_525] in [0] : vector<16xi32>, vector<16xi32> -> vector<16xi32>
      %broadcast_in_dim3A_527 = vector.shape_cast %max3A_523 : vector<16xi32> to vector<16x1xi32>
      %gather3A_528 = vector.shape_cast %broadcast_in_dim3A_527 : vector<16x1xi32> to vector<16xi32>
      %gather3A_529 = tpu.dynamic_gather %select_n3A[%gather3A_528] in [0] : vector<16xf32>, vector<16xi32> -> vector<16xf32>
      %ge3A_530 = arith.constant 2 : i32
      %ge3A_531 = vector.broadcast %ge3A_530 : i32 to vector<16xi32>
      %ge3A_532 = arith.cmpi sge, %iota3A, %ge3A_531 : vector<16xi32>
      %eq3A_533 = arith.cmpi eq, %gather3A_526, %masked_sort3A_505 : vector<16xi32>
      %and3A_534 = arith.andi %ge3A_532, %eq3A_533 : vector<16xi1>
      %min3A_535 = arith.minimumf %select_n3A, %gather3A_529 : vector<16xf32>
      %select_n3A_536 = arith.select %and3A_534, %min3A_535, %select_n3A : vector<16xi1>, vector<16xf32>
      %sub3A_537 = arith.constant 4 : i32
      %sub3A_538 = vector.broadcast %sub3A_537 : i32 to vector<16xi32>
      %sub3A_539 = arith.subi %iota3A, %sub3A_538 : vector<16xi32>
      %max3A_540 = arith.constant 0 : i32
      %max3A_541 = vector.broadcast %max3A_540 : i32 to vector<16xi32>
      %max3A_542 = arith.maxsi %sub3A_539, %max3A_541 : vector<16xi32>
      %broadcast_in_dim3A_543 = vector.shape_cast %max3A_542 : vector<16xi32> to vector<16x1xi32>
      %gather3A_544 = vector.shape_cast %broadcast_in_dim3A_543 : vector<16x1xi32> to vector<16xi32>
      %gather3A_545 = tpu.dynamic_gather %masked_sort3A_505[%gather3A_544] in [0] : vector<16xi32>, vector<16xi32> -> vector<16xi32>
      %broadcast_in_dim3A_546 = vector.shape_cast %max3A_542 : vector<16xi32> to vector<16x1xi32>
      %gather3A_547 = vector.shape_cast %broadcast_in_dim3A_546 : vector<16x1xi32> to vector<16xi32>
      %gather3A_548 = tpu.dynamic_gather %select_n3A_536[%gather3A_547] in [0] : vector<16xf32>, vector<16xi32> -> vector<16xf32>
      %ge3A_549 = arith.constant 4 : i32
      %ge3A_550 = vector.broadcast %ge3A_549 : i32 to vector<16xi32>
      %ge3A_551 = arith.cmpi sge, %iota3A, %ge3A_550 : vector<16xi32>
      %eq3A_552 = arith.cmpi eq, %gather3A_545, %masked_sort3A_505 : vector<16xi32>
      %and3A_553 = arith.andi %ge3A_551, %eq3A_552 : vector<16xi1>
      %min3A_554 = arith.minimumf %select_n3A_536, %gather3A_548 : vector<16xf32>
      %select_n3A_555 = arith.select %and3A_553, %min3A_554, %select_n3A_536 : vector<16xi1>, vector<16xf32>
      %sub3A_556 = arith.constant 8 : i32
      %sub3A_557 = vector.broadcast %sub3A_556 : i32 to vector<16xi32>
      %sub3A_558 = arith.subi %iota3A, %sub3A_557 : vector<16xi32>
      %max3A_559 = arith.constant 0 : i32
      %max3A_560 = vector.broadcast %max3A_559 : i32 to vector<16xi32>
      %max3A_561 = arith.maxsi %sub3A_558, %max3A_560 : vector<16xi32>
      %broadcast_in_dim3A_562 = vector.shape_cast %max3A_561 : vector<16xi32> to vector<16x1xi32>
      %gather3A_563 = vector.shape_cast %broadcast_in_dim3A_562 : vector<16x1xi32> to vector<16xi32>
      %gather3A_564 = tpu.dynamic_gather %masked_sort3A_505[%gather3A_563] in [0] : vector<16xi32>, vector<16xi32> -> vector<16xi32>
      %broadcast_in_dim3A_565 = vector.shape_cast %max3A_561 : vector<16xi32> to vector<16x1xi32>
      %gather3A_566 = vector.shape_cast %broadcast_in_dim3A_565 : vector<16x1xi32> to vector<16xi32>
      %gather3A_567 = tpu.dynamic_gather %select_n3A_555[%gather3A_566] in [0] : vector<16xf32>, vector<16xi32> -> vector<16xf32>
      %ge3A_568 = arith.constant 8 : i32
      %ge3A_569 = vector.broadcast %ge3A_568 : i32 to vector<16xi32>
      %ge3A_570 = arith.cmpi sge, %iota3A, %ge3A_569 : vector<16xi32>
      %eq3A_571 = arith.cmpi eq, %gather3A_564, %masked_sort3A_505 : vector<16xi32>
      %and3A_572 = arith.andi %ge3A_570, %eq3A_571 : vector<16xi1>
      %min3A_573 = arith.minimumf %select_n3A_555, %gather3A_567 : vector<16xf32>
      %select_n3A_574 = arith.select %and3A_572, %min3A_573, %select_n3A_555 : vector<16xi1>, vector<16xf32>
      %add3A_575 = arith.constant 1 : i32
      %add3A_576 = vector.broadcast %add3A_575 : i32 to vector<16xi32>
      %add3A_577 = arith.addi %iota3A, %add3A_576 : vector<16xi32>
      %min3A_578 = arith.constant 15 : i32
      %min3A_579 = vector.broadcast %min3A_578 : i32 to vector<16xi32>
      %min3A_580 = arith.minsi %add3A_577, %min3A_579 : vector<16xi32>
      %broadcast_in_dim3A_581 = vector.shape_cast %min3A_580 : vector<16xi32> to vector<16x1xi32>
      %gather3A_582 = vector.shape_cast %broadcast_in_dim3A_581 : vector<16x1xi32> to vector<16xi32>
      %gather3A_583 = tpu.dynamic_gather %masked_sort3A_505[%gather3A_582] in [0] : vector<16xi32>, vector<16xi32> -> vector<16xi32>
      %eq3A_584 = arith.constant 15 : i32
      %eq3A_585 = vector.broadcast %eq3A_584 : i32 to vector<16xi32>
      %eq3A_586 = arith.cmpi eq, %iota3A, %eq3A_585 : vector<16xi32>
      %ne3A = arith.cmpi ne, %gather3A_583, %masked_sort3A_505 : vector<16xi32>
      %or3A = arith.ori %eq3A_586, %ne3A : vector<16xi1>
      %gather3A_587 = tpu.vector_load_idx %arg6[%masked_sort3A_505] : memref<50000xf32, #tpu.memory_space<vmem>>[vector<16xi32>], vector<16xf32>,
      %min3A_588 = arith.minimumf %gather3A_587, %select_n3A_574 : vector<16xf32>
      tpu.vector_store_idx %arg6[%masked_sort3A_505], %min3A_588 masked %or3A : memref<50000xf32, #tpu.memory_space<vmem>>[vector<16xi32>], vector<16xf32>, vector<16xi1>
      %scan3A_589 = arith.constant 0 : i32
      scf.yield %scan3A_589 : i32
    }
    %scan3A_395 = arith.constant 125 : i32
    %add3A_396 = arith.constant 42000 : i32
    %add3A_397 = arith.addi %mul3A_2, %add3A_396 : i32
    %dma_start3A_398 = tpu.memref_slice %arg2[%add3A_397] : memref<3200000xi32, #tpu.memory_space<hbm>> -> memref<2000xi32, #tpu.memory_space<hbm>>
    %dma_start3A_399 = tpu.memref_slice %arg2[%add3A_397] : memref<3200000xi32, #tpu.memory_space<hbm>> -> memref<2000xi32, #tpu.memory_space<hbm>>
    tpu.enqueue_dma source(%dma_start3A_399 : memref<2000xi32, #tpu.memory_space<hbm>>) target(%arg9 : memref<2000xi32, #tpu.memory_space<vmem>>) target_semaphore(%arg12 : memref<!tpu.dma_semaphore, #tpu.memory_space<semaphore_mem>>)
    %add3A_400 = arith.constant 1600000 : i32
    %add3A_401 = arith.addi %add3A_400, %add3A_397 : i32
    %dma_start3A_402 = tpu.memref_slice %arg2[%add3A_401] : memref<3200000xi32, #tpu.memory_space<hbm>> -> memref<2000xi32, #tpu.memory_space<hbm>>
    %dma_start3A_403 = tpu.memref_slice %arg2[%add3A_401] : memref<3200000xi32, #tpu.memory_space<hbm>> -> memref<2000xi32, #tpu.memory_space<hbm>>
    tpu.enqueue_dma source(%dma_start3A_403 : memref<2000xi32, #tpu.memory_space<hbm>>) target(%arg10 : memref<2000xi32, #tpu.memory_space<vmem>>) target_semaphore(%arg12 : memref<!tpu.dma_semaphore, #tpu.memory_space<semaphore_mem>>)
    %dma_wait3A_404 = tpu.memref_slice %arg2[%add3A_378] : memref<3200000xi32, #tpu.memory_space<hbm>> -> memref<2000xi32, #tpu.memory_space<hbm>>
    %dma_wait3A_405 = tpu.memref_slice %arg2[%add3A_378] : memref<3200000xi32, #tpu.memory_space<hbm>> -> memref<2000xi32, #tpu.memory_space<hbm>>
    tpu.wait_dma2 semaphore(%arg11 : memref<!tpu.dma_semaphore, #tpu.memory_space<semaphore_mem>>) src(%dma_wait3A_405 : memref<2000xi32, #tpu.memory_space<hbm>>) dst(%arg7 : memref<2000xi32, #tpu.memory_space<vmem>>)
    %dma_wait3A_406 = tpu.memref_slice %arg2[%add3A_382] : memref<3200000xi32, #tpu.memory_space<hbm>> -> memref<2000xi32, #tpu.memory_space<hbm>>
    %dma_wait3A_407 = tpu.memref_slice %arg2[%add3A_382] : memref<3200000xi32, #tpu.memory_space<hbm>> -> memref<2000xi32, #tpu.memory_space<hbm>>
    tpu.wait_dma2 semaphore(%arg11 : memref<!tpu.dma_semaphore, #tpu.memory_space<semaphore_mem>>) src(%dma_wait3A_407 : memref<2000xi32, #tpu.memory_space<hbm>>) dst(%arg8 : memref<2000xi32, #tpu.memory_space<vmem>>)
    %scan3A_408 = arith.constant 0 : i32
    %scan3A_409 = arith.constant 0 : i32
    %scan3A_410 = arith.constant 125 : i32
    %scan3A_411 = arith.addi %scan3A_409, %scan3A_410 : i32
    %scan3A_412 = arith.constant 1 : i32
    %scan3A_413 = scf.for %scan3A_490 = %scan3A_409 to %scan3A_411 step %scan3A_412 iter_args(%scan3A_491 = %scan3A_408) -> (i32)  : i32 {
      %mul3A_492 = arith.constant 16 : i32
      %mul3A_493 = arith.muli %scan3A_490, %mul3A_492 : i32
      %get3A = arith.index_cast %mul3A_493 : i32 to index
      %get3A_494 = tpu.vector_load %arg7[%get3A] {strides = array<i32>} : memref<2000xi32, #tpu.memory_space<vmem>>, vector<16xi32>,
      %mul3A_495 = arith.constant 16 : i32
      %mul3A_496 = arith.muli %scan3A_490, %mul3A_495 : i32
      %get3A_497 = arith.index_cast %mul3A_496 : i32 to index
      %get3A_498 = tpu.vector_load %arg8[%get3A_497] {strides = array<i32>} : memref<2000xi32, #tpu.memory_space<vmem>>, vector<16xi32>,
      %gather3A = tpu.vector_load_idx %arg5[%get3A_494] : memref<50000xf32, #tpu.memory_space<vmem>>[vector<16xi32>], vector<16xf32>,
      %masked_sort3A = arith.constant dense<true> : vector<16xi1>
      %masked_sort3A_499 = arith.constant -2147483648 : i32
      %masked_sort3A_500 = vector.broadcast %masked_sort3A_499 : i32 to vector<16xi32>
      %masked_sort3A_501 = arith.xori %get3A_498, %masked_sort3A_500 : vector<16xi32>
      %masked_sort3A_502, %masked_sort3A_503, %masked_sort3A_504 = tpu.sort %masked_sort3A_501, %gather3A masked %masked_sort3A : (vector<16xi32>, vector<16xf32>, vector<16xi1>) -> (vector<16xi1>, vector<16xi32>, vector<16xf32>)
      %masked_sort3A_505 = arith.xori %masked_sort3A_503, %masked_sort3A_500 : vector<16xi32>
      %sub3A = arith.constant 1 : i32
      %sub3A_506 = vector.broadcast %sub3A : i32 to vector<16xi32>
      %sub3A_507 = arith.subi %iota3A, %sub3A_506 : vector<16xi32>
      %max3A = arith.constant 0 : i32
      %max3A_508 = vector.broadcast %max3A : i32 to vector<16xi32>
      %max3A_509 = arith.maxsi %sub3A_507, %max3A_508 : vector<16xi32>
      %broadcast_in_dim3A_510 = vector.shape_cast %max3A_509 : vector<16xi32> to vector<16x1xi32>
      %gather3A_511 = vector.shape_cast %broadcast_in_dim3A_510 : vector<16x1xi32> to vector<16xi32>
      %gather3A_512 = tpu.dynamic_gather %masked_sort3A_505[%gather3A_511] in [0] : vector<16xi32>, vector<16xi32> -> vector<16xi32>
      %broadcast_in_dim3A_513 = vector.shape_cast %max3A_509 : vector<16xi32> to vector<16x1xi32>
      %gather3A_514 = vector.shape_cast %broadcast_in_dim3A_513 : vector<16x1xi32> to vector<16xi32>
      %gather3A_515 = tpu.dynamic_gather %masked_sort3A_504[%gather3A_514] in [0] : vector<16xf32>, vector<16xi32> -> vector<16xf32>
      %ge3A = arith.constant 1 : i32
      %ge3A_516 = vector.broadcast %ge3A : i32 to vector<16xi32>
      %ge3A_517 = arith.cmpi sge, %iota3A, %ge3A_516 : vector<16xi32>
      %eq3A = arith.cmpi eq, %gather3A_512, %masked_sort3A_505 : vector<16xi32>
      %and3A = arith.andi %ge3A_517, %eq3A : vector<16xi1>
      %min3A = arith.minimumf %masked_sort3A_504, %gather3A_515 : vector<16xf32>
      %select_n3A = arith.select %and3A, %min3A, %masked_sort3A_504 : vector<16xi1>, vector<16xf32>
      %sub3A_518 = arith.constant 2 : i32
      %sub3A_519 = vector.broadcast %sub3A_518 : i32 to vector<16xi32>
      %sub3A_520 = arith.subi %iota3A, %sub3A_519 : vector<16xi32>
      %max3A_521 = arith.constant 0 : i32
      %max3A_522 = vector.broadcast %max3A_521 : i32 to vector<16xi32>
      %max3A_523 = arith.maxsi %sub3A_520, %max3A_522 : vector<16xi32>
      %broadcast_in_dim3A_524 = vector.shape_cast %max3A_523 : vector<16xi32> to vector<16x1xi32>
      %gather3A_525 = vector.shape_cast %broadcast_in_dim3A_524 : vector<16x1xi32> to vector<16xi32>
      %gather3A_526 = tpu.dynamic_gather %masked_sort3A_505[%gather3A_525] in [0] : vector<16xi32>, vector<16xi32> -> vector<16xi32>
      %broadcast_in_dim3A_527 = vector.shape_cast %max3A_523 : vector<16xi32> to vector<16x1xi32>
      %gather3A_528 = vector.shape_cast %broadcast_in_dim3A_527 : vector<16x1xi32> to vector<16xi32>
      %gather3A_529 = tpu.dynamic_gather %select_n3A[%gather3A_528] in [0] : vector<16xf32>, vector<16xi32> -> vector<16xf32>
      %ge3A_530 = arith.constant 2 : i32
      %ge3A_531 = vector.broadcast %ge3A_530 : i32 to vector<16xi32>
      %ge3A_532 = arith.cmpi sge, %iota3A, %ge3A_531 : vector<16xi32>
      %eq3A_533 = arith.cmpi eq, %gather3A_526, %masked_sort3A_505 : vector<16xi32>
      %and3A_534 = arith.andi %ge3A_532, %eq3A_533 : vector<16xi1>
      %min3A_535 = arith.minimumf %select_n3A, %gather3A_529 : vector<16xf32>
      %select_n3A_536 = arith.select %and3A_534, %min3A_535, %select_n3A : vector<16xi1>, vector<16xf32>
      %sub3A_537 = arith.constant 4 : i32
      %sub3A_538 = vector.broadcast %sub3A_537 : i32 to vector<16xi32>
      %sub3A_539 = arith.subi %iota3A, %sub3A_538 : vector<16xi32>
      %max3A_540 = arith.constant 0 : i32
      %max3A_541 = vector.broadcast %max3A_540 : i32 to vector<16xi32>
      %max3A_542 = arith.maxsi %sub3A_539, %max3A_541 : vector<16xi32>
      %broadcast_in_dim3A_543 = vector.shape_cast %max3A_542 : vector<16xi32> to vector<16x1xi32>
      %gather3A_544 = vector.shape_cast %broadcast_in_dim3A_543 : vector<16x1xi32> to vector<16xi32>
      %gather3A_545 = tpu.dynamic_gather %masked_sort3A_505[%gather3A_544] in [0] : vector<16xi32>, vector<16xi32> -> vector<16xi32>
      %broadcast_in_dim3A_546 = vector.shape_cast %max3A_542 : vector<16xi32> to vector<16x1xi32>
      %gather3A_547 = vector.shape_cast %broadcast_in_dim3A_546 : vector<16x1xi32> to vector<16xi32>
      %gather3A_548 = tpu.dynamic_gather %select_n3A_536[%gather3A_547] in [0] : vector<16xf32>, vector<16xi32> -> vector<16xf32>
      %ge3A_549 = arith.constant 4 : i32
      %ge3A_550 = vector.broadcast %ge3A_549 : i32 to vector<16xi32>
      %ge3A_551 = arith.cmpi sge, %iota3A, %ge3A_550 : vector<16xi32>
      %eq3A_552 = arith.cmpi eq, %gather3A_545, %masked_sort3A_505 : vector<16xi32>
      %and3A_553 = arith.andi %ge3A_551, %eq3A_552 : vector<16xi1>
      %min3A_554 = arith.minimumf %select_n3A_536, %gather3A_548 : vector<16xf32>
      %select_n3A_555 = arith.select %and3A_553, %min3A_554, %select_n3A_536 : vector<16xi1>, vector<16xf32>
      %sub3A_556 = arith.constant 8 : i32
      %sub3A_557 = vector.broadcast %sub3A_556 : i32 to vector<16xi32>
      %sub3A_558 = arith.subi %iota3A, %sub3A_557 : vector<16xi32>
      %max3A_559 = arith.constant 0 : i32
      %max3A_560 = vector.broadcast %max3A_559 : i32 to vector<16xi32>
      %max3A_561 = arith.maxsi %sub3A_558, %max3A_560 : vector<16xi32>
      %broadcast_in_dim3A_562 = vector.shape_cast %max3A_561 : vector<16xi32> to vector<16x1xi32>
      %gather3A_563 = vector.shape_cast %broadcast_in_dim3A_562 : vector<16x1xi32> to vector<16xi32>
      %gather3A_564 = tpu.dynamic_gather %masked_sort3A_505[%gather3A_563] in [0] : vector<16xi32>, vector<16xi32> -> vector<16xi32>
      %broadcast_in_dim3A_565 = vector.shape_cast %max3A_561 : vector<16xi32> to vector<16x1xi32>
      %gather3A_566 = vector.shape_cast %broadcast_in_dim3A_565 : vector<16x1xi32> to vector<16xi32>
      %gather3A_567 = tpu.dynamic_gather %select_n3A_555[%gather3A_566] in [0] : vector<16xf32>, vector<16xi32> -> vector<16xf32>
      %ge3A_568 = arith.constant 8 : i32
      %ge3A_569 = vector.broadcast %ge3A_568 : i32 to vector<16xi32>
      %ge3A_570 = arith.cmpi sge, %iota3A, %ge3A_569 : vector<16xi32>
      %eq3A_571 = arith.cmpi eq, %gather3A_564, %masked_sort3A_505 : vector<16xi32>
      %and3A_572 = arith.andi %ge3A_570, %eq3A_571 : vector<16xi1>
      %min3A_573 = arith.minimumf %select_n3A_555, %gather3A_567 : vector<16xf32>
      %select_n3A_574 = arith.select %and3A_572, %min3A_573, %select_n3A_555 : vector<16xi1>, vector<16xf32>
      %add3A_575 = arith.constant 1 : i32
      %add3A_576 = vector.broadcast %add3A_575 : i32 to vector<16xi32>
      %add3A_577 = arith.addi %iota3A, %add3A_576 : vector<16xi32>
      %min3A_578 = arith.constant 15 : i32
      %min3A_579 = vector.broadcast %min3A_578 : i32 to vector<16xi32>
      %min3A_580 = arith.minsi %add3A_577, %min3A_579 : vector<16xi32>
      %broadcast_in_dim3A_581 = vector.shape_cast %min3A_580 : vector<16xi32> to vector<16x1xi32>
      %gather3A_582 = vector.shape_cast %broadcast_in_dim3A_581 : vector<16x1xi32> to vector<16xi32>
      %gather3A_583 = tpu.dynamic_gather %masked_sort3A_505[%gather3A_582] in [0] : vector<16xi32>, vector<16xi32> -> vector<16xi32>
      %eq3A_584 = arith.constant 15 : i32
      %eq3A_585 = vector.broadcast %eq3A_584 : i32 to vector<16xi32>
      %eq3A_586 = arith.cmpi eq, %iota3A, %eq3A_585 : vector<16xi32>
      %ne3A = arith.cmpi ne, %gather3A_583, %masked_sort3A_505 : vector<16xi32>
      %or3A = arith.ori %eq3A_586, %ne3A : vector<16xi1>
      %gather3A_587 = tpu.vector_load_idx %arg6[%masked_sort3A_505] : memref<50000xf32, #tpu.memory_space<vmem>>[vector<16xi32>], vector<16xf32>,
      %min3A_588 = arith.minimumf %gather3A_587, %select_n3A_574 : vector<16xf32>
      tpu.vector_store_idx %arg6[%masked_sort3A_505], %min3A_588 masked %or3A : memref<50000xf32, #tpu.memory_space<vmem>>[vector<16xi32>], vector<16xf32>, vector<16xi1>
      %scan3A_589 = arith.constant 0 : i32
      scf.yield %scan3A_589 : i32
    }
    %scan3A_414 = arith.constant 125 : i32
    %add3A_415 = arith.constant 44000 : i32
    %add3A_416 = arith.addi %mul3A_2, %add3A_415 : i32
    %dma_start3A_417 = tpu.memref_slice %arg2[%add3A_416] : memref<3200000xi32, #tpu.memory_space<hbm>> -> memref<2000xi32, #tpu.memory_space<hbm>>
    %dma_start3A_418 = tpu.memref_slice %arg2[%add3A_416] : memref<3200000xi32, #tpu.memory_space<hbm>> -> memref<2000xi32, #tpu.memory_space<hbm>>
    tpu.enqueue_dma source(%dma_start3A_418 : memref<2000xi32, #tpu.memory_space<hbm>>) target(%arg7 : memref<2000xi32, #tpu.memory_space<vmem>>) target_semaphore(%arg11 : memref<!tpu.dma_semaphore, #tpu.memory_space<semaphore_mem>>)
    %add3A_419 = arith.constant 1600000 : i32
    %add3A_420 = arith.addi %add3A_419, %add3A_416 : i32
    %dma_start3A_421 = tpu.memref_slice %arg2[%add3A_420] : memref<3200000xi32, #tpu.memory_space<hbm>> -> memref<2000xi32, #tpu.memory_space<hbm>>
    %dma_start3A_422 = tpu.memref_slice %arg2[%add3A_420] : memref<3200000xi32, #tpu.memory_space<hbm>> -> memref<2000xi32, #tpu.memory_space<hbm>>
    tpu.enqueue_dma source(%dma_start3A_422 : memref<2000xi32, #tpu.memory_space<hbm>>) target(%arg8 : memref<2000xi32, #tpu.memory_space<vmem>>) target_semaphore(%arg11 : memref<!tpu.dma_semaphore, #tpu.memory_space<semaphore_mem>>)
    %dma_wait3A_423 = tpu.memref_slice %arg2[%add3A_397] : memref<3200000xi32, #tpu.memory_space<hbm>> -> memref<2000xi32, #tpu.memory_space<hbm>>
    %dma_wait3A_424 = tpu.memref_slice %arg2[%add3A_397] : memref<3200000xi32, #tpu.memory_space<hbm>> -> memref<2000xi32, #tpu.memory_space<hbm>>
    tpu.wait_dma2 semaphore(%arg12 : memref<!tpu.dma_semaphore, #tpu.memory_space<semaphore_mem>>) src(%dma_wait3A_424 : memref<2000xi32, #tpu.memory_space<hbm>>) dst(%arg9 : memref<2000xi32, #tpu.memory_space<vmem>>)
    %dma_wait3A_425 = tpu.memref_slice %arg2[%add3A_401] : memref<3200000xi32, #tpu.memory_space<hbm>> -> memref<2000xi32, #tpu.memory_space<hbm>>
    %dma_wait3A_426 = tpu.memref_slice %arg2[%add3A_401] : memref<3200000xi32, #tpu.memory_space<hbm>> -> memref<2000xi32, #tpu.memory_space<hbm>>
    tpu.wait_dma2 semaphore(%arg12 : memref<!tpu.dma_semaphore, #tpu.memory_space<semaphore_mem>>) src(%dma_wait3A_426 : memref<2000xi32, #tpu.memory_space<hbm>>) dst(%arg10 : memref<2000xi32, #tpu.memory_space<vmem>>)
    %scan3A_427 = arith.constant 0 : i32
    %scan3A_428 = arith.constant 0 : i32
    %scan3A_429 = arith.constant 125 : i32
    %scan3A_430 = arith.addi %scan3A_428, %scan3A_429 : i32
    %scan3A_431 = arith.constant 1 : i32
    %scan3A_432 = scf.for %scan3A_490 = %scan3A_428 to %scan3A_430 step %scan3A_431 iter_args(%scan3A_491 = %scan3A_427) -> (i32)  : i32 {
      %mul3A_492 = arith.constant 16 : i32
      %mul3A_493 = arith.muli %scan3A_490, %mul3A_492 : i32
      %get3A = arith.index_cast %mul3A_493 : i32 to index
      %get3A_494 = tpu.vector_load %arg9[%get3A] {strides = array<i32>} : memref<2000xi32, #tpu.memory_space<vmem>>, vector<16xi32>,
      %mul3A_495 = arith.constant 16 : i32
      %mul3A_496 = arith.muli %scan3A_490, %mul3A_495 : i32
      %get3A_497 = arith.index_cast %mul3A_496 : i32 to index
      %get3A_498 = tpu.vector_load %arg10[%get3A_497] {strides = array<i32>} : memref<2000xi32, #tpu.memory_space<vmem>>, vector<16xi32>,
      %gather3A = tpu.vector_load_idx %arg5[%get3A_494] : memref<50000xf32, #tpu.memory_space<vmem>>[vector<16xi32>], vector<16xf32>,
      %masked_sort3A = arith.constant dense<true> : vector<16xi1>
      %masked_sort3A_499 = arith.constant -2147483648 : i32
      %masked_sort3A_500 = vector.broadcast %masked_sort3A_499 : i32 to vector<16xi32>
      %masked_sort3A_501 = arith.xori %get3A_498, %masked_sort3A_500 : vector<16xi32>
      %masked_sort3A_502, %masked_sort3A_503, %masked_sort3A_504 = tpu.sort %masked_sort3A_501, %gather3A masked %masked_sort3A : (vector<16xi32>, vector<16xf32>, vector<16xi1>) -> (vector<16xi1>, vector<16xi32>, vector<16xf32>)
      %masked_sort3A_505 = arith.xori %masked_sort3A_503, %masked_sort3A_500 : vector<16xi32>
      %sub3A = arith.constant 1 : i32
      %sub3A_506 = vector.broadcast %sub3A : i32 to vector<16xi32>
      %sub3A_507 = arith.subi %iota3A, %sub3A_506 : vector<16xi32>
      %max3A = arith.constant 0 : i32
      %max3A_508 = vector.broadcast %max3A : i32 to vector<16xi32>
      %max3A_509 = arith.maxsi %sub3A_507, %max3A_508 : vector<16xi32>
      %broadcast_in_dim3A_510 = vector.shape_cast %max3A_509 : vector<16xi32> to vector<16x1xi32>
      %gather3A_511 = vector.shape_cast %broadcast_in_dim3A_510 : vector<16x1xi32> to vector<16xi32>
      %gather3A_512 = tpu.dynamic_gather %masked_sort3A_505[%gather3A_511] in [0] : vector<16xi32>, vector<16xi32> -> vector<16xi32>
      %broadcast_in_dim3A_513 = vector.shape_cast %max3A_509 : vector<16xi32> to vector<16x1xi32>
      %gather3A_514 = vector.shape_cast %broadcast_in_dim3A_513 : vector<16x1xi32> to vector<16xi32>
      %gather3A_515 = tpu.dynamic_gather %masked_sort3A_504[%gather3A_514] in [0] : vector<16xf32>, vector<16xi32> -> vector<16xf32>
      %ge3A = arith.constant 1 : i32
      %ge3A_516 = vector.broadcast %ge3A : i32 to vector<16xi32>
      %ge3A_517 = arith.cmpi sge, %iota3A, %ge3A_516 : vector<16xi32>
      %eq3A = arith.cmpi eq, %gather3A_512, %masked_sort3A_505 : vector<16xi32>
      %and3A = arith.andi %ge3A_517, %eq3A : vector<16xi1>
      %min3A = arith.minimumf %masked_sort3A_504, %gather3A_515 : vector<16xf32>
      %select_n3A = arith.select %and3A, %min3A, %masked_sort3A_504 : vector<16xi1>, vector<16xf32>
      %sub3A_518 = arith.constant 2 : i32
      %sub3A_519 = vector.broadcast %sub3A_518 : i32 to vector<16xi32>
      %sub3A_520 = arith.subi %iota3A, %sub3A_519 : vector<16xi32>
      %max3A_521 = arith.constant 0 : i32
      %max3A_522 = vector.broadcast %max3A_521 : i32 to vector<16xi32>
      %max3A_523 = arith.maxsi %sub3A_520, %max3A_522 : vector<16xi32>
      %broadcast_in_dim3A_524 = vector.shape_cast %max3A_523 : vector<16xi32> to vector<16x1xi32>
      %gather3A_525 = vector.shape_cast %broadcast_in_dim3A_524 : vector<16x1xi32> to vector<16xi32>
      %gather3A_526 = tpu.dynamic_gather %masked_sort3A_505[%gather3A_525] in [0] : vector<16xi32>, vector<16xi32> -> vector<16xi32>
      %broadcast_in_dim3A_527 = vector.shape_cast %max3A_523 : vector<16xi32> to vector<16x1xi32>
      %gather3A_528 = vector.shape_cast %broadcast_in_dim3A_527 : vector<16x1xi32> to vector<16xi32>
      %gather3A_529 = tpu.dynamic_gather %select_n3A[%gather3A_528] in [0] : vector<16xf32>, vector<16xi32> -> vector<16xf32>
      %ge3A_530 = arith.constant 2 : i32
      %ge3A_531 = vector.broadcast %ge3A_530 : i32 to vector<16xi32>
      %ge3A_532 = arith.cmpi sge, %iota3A, %ge3A_531 : vector<16xi32>
      %eq3A_533 = arith.cmpi eq, %gather3A_526, %masked_sort3A_505 : vector<16xi32>
      %and3A_534 = arith.andi %ge3A_532, %eq3A_533 : vector<16xi1>
      %min3A_535 = arith.minimumf %select_n3A, %gather3A_529 : vector<16xf32>
      %select_n3A_536 = arith.select %and3A_534, %min3A_535, %select_n3A : vector<16xi1>, vector<16xf32>
      %sub3A_537 = arith.constant 4 : i32
      %sub3A_538 = vector.broadcast %sub3A_537 : i32 to vector<16xi32>
      %sub3A_539 = arith.subi %iota3A, %sub3A_538 : vector<16xi32>
      %max3A_540 = arith.constant 0 : i32
      %max3A_541 = vector.broadcast %max3A_540 : i32 to vector<16xi32>
      %max3A_542 = arith.maxsi %sub3A_539, %max3A_541 : vector<16xi32>
      %broadcast_in_dim3A_543 = vector.shape_cast %max3A_542 : vector<16xi32> to vector<16x1xi32>
      %gather3A_544 = vector.shape_cast %broadcast_in_dim3A_543 : vector<16x1xi32> to vector<16xi32>
      %gather3A_545 = tpu.dynamic_gather %masked_sort3A_505[%gather3A_544] in [0] : vector<16xi32>, vector<16xi32> -> vector<16xi32>
      %broadcast_in_dim3A_546 = vector.shape_cast %max3A_542 : vector<16xi32> to vector<16x1xi32>
      %gather3A_547 = vector.shape_cast %broadcast_in_dim3A_546 : vector<16x1xi32> to vector<16xi32>
      %gather3A_548 = tpu.dynamic_gather %select_n3A_536[%gather3A_547] in [0] : vector<16xf32>, vector<16xi32> -> vector<16xf32>
      %ge3A_549 = arith.constant 4 : i32
      %ge3A_550 = vector.broadcast %ge3A_549 : i32 to vector<16xi32>
      %ge3A_551 = arith.cmpi sge, %iota3A, %ge3A_550 : vector<16xi32>
      %eq3A_552 = arith.cmpi eq, %gather3A_545, %masked_sort3A_505 : vector<16xi32>
      %and3A_553 = arith.andi %ge3A_551, %eq3A_552 : vector<16xi1>
      %min3A_554 = arith.minimumf %select_n3A_536, %gather3A_548 : vector<16xf32>
      %select_n3A_555 = arith.select %and3A_553, %min3A_554, %select_n3A_536 : vector<16xi1>, vector<16xf32>
      %sub3A_556 = arith.constant 8 : i32
      %sub3A_557 = vector.broadcast %sub3A_556 : i32 to vector<16xi32>
      %sub3A_558 = arith.subi %iota3A, %sub3A_557 : vector<16xi32>
      %max3A_559 = arith.constant 0 : i32
      %max3A_560 = vector.broadcast %max3A_559 : i32 to vector<16xi32>
      %max3A_561 = arith.maxsi %sub3A_558, %max3A_560 : vector<16xi32>
      %broadcast_in_dim3A_562 = vector.shape_cast %max3A_561 : vector<16xi32> to vector<16x1xi32>
      %gather3A_563 = vector.shape_cast %broadcast_in_dim3A_562 : vector<16x1xi32> to vector<16xi32>
      %gather3A_564 = tpu.dynamic_gather %masked_sort3A_505[%gather3A_563] in [0] : vector<16xi32>, vector<16xi32> -> vector<16xi32>
      %broadcast_in_dim3A_565 = vector.shape_cast %max3A_561 : vector<16xi32> to vector<16x1xi32>
      %gather3A_566 = vector.shape_cast %broadcast_in_dim3A_565 : vector<16x1xi32> to vector<16xi32>
      %gather3A_567 = tpu.dynamic_gather %select_n3A_555[%gather3A_566] in [0] : vector<16xf32>, vector<16xi32> -> vector<16xf32>
      %ge3A_568 = arith.constant 8 : i32
      %ge3A_569 = vector.broadcast %ge3A_568 : i32 to vector<16xi32>
      %ge3A_570 = arith.cmpi sge, %iota3A, %ge3A_569 : vector<16xi32>
      %eq3A_571 = arith.cmpi eq, %gather3A_564, %masked_sort3A_505 : vector<16xi32>
      %and3A_572 = arith.andi %ge3A_570, %eq3A_571 : vector<16xi1>
      %min3A_573 = arith.minimumf %select_n3A_555, %gather3A_567 : vector<16xf32>
      %select_n3A_574 = arith.select %and3A_572, %min3A_573, %select_n3A_555 : vector<16xi1>, vector<16xf32>
      %add3A_575 = arith.constant 1 : i32
      %add3A_576 = vector.broadcast %add3A_575 : i32 to vector<16xi32>
      %add3A_577 = arith.addi %iota3A, %add3A_576 : vector<16xi32>
      %min3A_578 = arith.constant 15 : i32
      %min3A_579 = vector.broadcast %min3A_578 : i32 to vector<16xi32>
      %min3A_580 = arith.minsi %add3A_577, %min3A_579 : vector<16xi32>
      %broadcast_in_dim3A_581 = vector.shape_cast %min3A_580 : vector<16xi32> to vector<16x1xi32>
      %gather3A_582 = vector.shape_cast %broadcast_in_dim3A_581 : vector<16x1xi32> to vector<16xi32>
      %gather3A_583 = tpu.dynamic_gather %masked_sort3A_505[%gather3A_582] in [0] : vector<16xi32>, vector<16xi32> -> vector<16xi32>
      %eq3A_584 = arith.constant 15 : i32
      %eq3A_585 = vector.broadcast %eq3A_584 : i32 to vector<16xi32>
      %eq3A_586 = arith.cmpi eq, %iota3A, %eq3A_585 : vector<16xi32>
      %ne3A = arith.cmpi ne, %gather3A_583, %masked_sort3A_505 : vector<16xi32>
      %or3A = arith.ori %eq3A_586, %ne3A : vector<16xi1>
      %gather3A_587 = tpu.vector_load_idx %arg6[%masked_sort3A_505] : memref<50000xf32, #tpu.memory_space<vmem>>[vector<16xi32>], vector<16xf32>,
      %min3A_588 = arith.minimumf %gather3A_587, %select_n3A_574 : vector<16xf32>
      tpu.vector_store_idx %arg6[%masked_sort3A_505], %min3A_588 masked %or3A : memref<50000xf32, #tpu.memory_space<vmem>>[vector<16xi32>], vector<16xf32>, vector<16xi1>
      %scan3A_589 = arith.constant 0 : i32
      scf.yield %scan3A_589 : i32
    }
    %scan3A_433 = arith.constant 125 : i32
    %add3A_434 = arith.constant 46000 : i32
    %add3A_435 = arith.addi %mul3A_2, %add3A_434 : i32
    %dma_start3A_436 = tpu.memref_slice %arg2[%add3A_435] : memref<3200000xi32, #tpu.memory_space<hbm>> -> memref<2000xi32, #tpu.memory_space<hbm>>
    %dma_start3A_437 = tpu.memref_slice %arg2[%add3A_435] : memref<3200000xi32, #tpu.memory_space<hbm>> -> memref<2000xi32, #tpu.memory_space<hbm>>
    tpu.enqueue_dma source(%dma_start3A_437 : memref<2000xi32, #tpu.memory_space<hbm>>) target(%arg9 : memref<2000xi32, #tpu.memory_space<vmem>>) target_semaphore(%arg12 : memref<!tpu.dma_semaphore, #tpu.memory_space<semaphore_mem>>)
    %add3A_438 = arith.constant 1600000 : i32
    %add3A_439 = arith.addi %add3A_438, %add3A_435 : i32
    %dma_start3A_440 = tpu.memref_slice %arg2[%add3A_439] : memref<3200000xi32, #tpu.memory_space<hbm>> -> memref<2000xi32, #tpu.memory_space<hbm>>
    %dma_start3A_441 = tpu.memref_slice %arg2[%add3A_439] : memref<3200000xi32, #tpu.memory_space<hbm>> -> memref<2000xi32, #tpu.memory_space<hbm>>
    tpu.enqueue_dma source(%dma_start3A_441 : memref<2000xi32, #tpu.memory_space<hbm>>) target(%arg10 : memref<2000xi32, #tpu.memory_space<vmem>>) target_semaphore(%arg12 : memref<!tpu.dma_semaphore, #tpu.memory_space<semaphore_mem>>)
    %dma_wait3A_442 = tpu.memref_slice %arg2[%add3A_416] : memref<3200000xi32, #tpu.memory_space<hbm>> -> memref<2000xi32, #tpu.memory_space<hbm>>
    %dma_wait3A_443 = tpu.memref_slice %arg2[%add3A_416] : memref<3200000xi32, #tpu.memory_space<hbm>> -> memref<2000xi32, #tpu.memory_space<hbm>>
    tpu.wait_dma2 semaphore(%arg11 : memref<!tpu.dma_semaphore, #tpu.memory_space<semaphore_mem>>) src(%dma_wait3A_443 : memref<2000xi32, #tpu.memory_space<hbm>>) dst(%arg7 : memref<2000xi32, #tpu.memory_space<vmem>>)
    %dma_wait3A_444 = tpu.memref_slice %arg2[%add3A_420] : memref<3200000xi32, #tpu.memory_space<hbm>> -> memref<2000xi32, #tpu.memory_space<hbm>>
    %dma_wait3A_445 = tpu.memref_slice %arg2[%add3A_420] : memref<3200000xi32, #tpu.memory_space<hbm>> -> memref<2000xi32, #tpu.memory_space<hbm>>
    tpu.wait_dma2 semaphore(%arg11 : memref<!tpu.dma_semaphore, #tpu.memory_space<semaphore_mem>>) src(%dma_wait3A_445 : memref<2000xi32, #tpu.memory_space<hbm>>) dst(%arg8 : memref<2000xi32, #tpu.memory_space<vmem>>)
    %scan3A_446 = arith.constant 0 : i32
    %scan3A_447 = arith.constant 0 : i32
    %scan3A_448 = arith.constant 125 : i32
    %scan3A_449 = arith.addi %scan3A_447, %scan3A_448 : i32
    %scan3A_450 = arith.constant 1 : i32
    %scan3A_451 = scf.for %scan3A_490 = %scan3A_447 to %scan3A_449 step %scan3A_450 iter_args(%scan3A_491 = %scan3A_446) -> (i32)  : i32 {
      %mul3A_492 = arith.constant 16 : i32
      %mul3A_493 = arith.muli %scan3A_490, %mul3A_492 : i32
      %get3A = arith.index_cast %mul3A_493 : i32 to index
      %get3A_494 = tpu.vector_load %arg7[%get3A] {strides = array<i32>} : memref<2000xi32, #tpu.memory_space<vmem>>, vector<16xi32>,
      %mul3A_495 = arith.constant 16 : i32
      %mul3A_496 = arith.muli %scan3A_490, %mul3A_495 : i32
      %get3A_497 = arith.index_cast %mul3A_496 : i32 to index
      %get3A_498 = tpu.vector_load %arg8[%get3A_497] {strides = array<i32>} : memref<2000xi32, #tpu.memory_space<vmem>>, vector<16xi32>,
      %gather3A = tpu.vector_load_idx %arg5[%get3A_494] : memref<50000xf32, #tpu.memory_space<vmem>>[vector<16xi32>], vector<16xf32>,
      %masked_sort3A = arith.constant dense<true> : vector<16xi1>
      %masked_sort3A_499 = arith.constant -2147483648 : i32
      %masked_sort3A_500 = vector.broadcast %masked_sort3A_499 : i32 to vector<16xi32>
      %masked_sort3A_501 = arith.xori %get3A_498, %masked_sort3A_500 : vector<16xi32>
      %masked_sort3A_502, %masked_sort3A_503, %masked_sort3A_504 = tpu.sort %masked_sort3A_501, %gather3A masked %masked_sort3A : (vector<16xi32>, vector<16xf32>, vector<16xi1>) -> (vector<16xi1>, vector<16xi32>, vector<16xf32>)
      %masked_sort3A_505 = arith.xori %masked_sort3A_503, %masked_sort3A_500 : vector<16xi32>
      %sub3A = arith.constant 1 : i32
      %sub3A_506 = vector.broadcast %sub3A : i32 to vector<16xi32>
      %sub3A_507 = arith.subi %iota3A, %sub3A_506 : vector<16xi32>
      %max3A = arith.constant 0 : i32
      %max3A_508 = vector.broadcast %max3A : i32 to vector<16xi32>
      %max3A_509 = arith.maxsi %sub3A_507, %max3A_508 : vector<16xi32>
      %broadcast_in_dim3A_510 = vector.shape_cast %max3A_509 : vector<16xi32> to vector<16x1xi32>
      %gather3A_511 = vector.shape_cast %broadcast_in_dim3A_510 : vector<16x1xi32> to vector<16xi32>
      %gather3A_512 = tpu.dynamic_gather %masked_sort3A_505[%gather3A_511] in [0] : vector<16xi32>, vector<16xi32> -> vector<16xi32>
      %broadcast_in_dim3A_513 = vector.shape_cast %max3A_509 : vector<16xi32> to vector<16x1xi32>
      %gather3A_514 = vector.shape_cast %broadcast_in_dim3A_513 : vector<16x1xi32> to vector<16xi32>
      %gather3A_515 = tpu.dynamic_gather %masked_sort3A_504[%gather3A_514] in [0] : vector<16xf32>, vector<16xi32> -> vector<16xf32>
      %ge3A = arith.constant 1 : i32
      %ge3A_516 = vector.broadcast %ge3A : i32 to vector<16xi32>
      %ge3A_517 = arith.cmpi sge, %iota3A, %ge3A_516 : vector<16xi32>
      %eq3A = arith.cmpi eq, %gather3A_512, %masked_sort3A_505 : vector<16xi32>
      %and3A = arith.andi %ge3A_517, %eq3A : vector<16xi1>
      %min3A = arith.minimumf %masked_sort3A_504, %gather3A_515 : vector<16xf32>
      %select_n3A = arith.select %and3A, %min3A, %masked_sort3A_504 : vector<16xi1>, vector<16xf32>
      %sub3A_518 = arith.constant 2 : i32
      %sub3A_519 = vector.broadcast %sub3A_518 : i32 to vector<16xi32>
      %sub3A_520 = arith.subi %iota3A, %sub3A_519 : vector<16xi32>
      %max3A_521 = arith.constant 0 : i32
      %max3A_522 = vector.broadcast %max3A_521 : i32 to vector<16xi32>
      %max3A_523 = arith.maxsi %sub3A_520, %max3A_522 : vector<16xi32>
      %broadcast_in_dim3A_524 = vector.shape_cast %max3A_523 : vector<16xi32> to vector<16x1xi32>
      %gather3A_525 = vector.shape_cast %broadcast_in_dim3A_524 : vector<16x1xi32> to vector<16xi32>
      %gather3A_526 = tpu.dynamic_gather %masked_sort3A_505[%gather3A_525] in [0] : vector<16xi32>, vector<16xi32> -> vector<16xi32>
      %broadcast_in_dim3A_527 = vector.shape_cast %max3A_523 : vector<16xi32> to vector<16x1xi32>
      %gather3A_528 = vector.shape_cast %broadcast_in_dim3A_527 : vector<16x1xi32> to vector<16xi32>
      %gather3A_529 = tpu.dynamic_gather %select_n3A[%gather3A_528] in [0] : vector<16xf32>, vector<16xi32> -> vector<16xf32>
      %ge3A_530 = arith.constant 2 : i32
      %ge3A_531 = vector.broadcast %ge3A_530 : i32 to vector<16xi32>
      %ge3A_532 = arith.cmpi sge, %iota3A, %ge3A_531 : vector<16xi32>
      %eq3A_533 = arith.cmpi eq, %gather3A_526, %masked_sort3A_505 : vector<16xi32>
      %and3A_534 = arith.andi %ge3A_532, %eq3A_533 : vector<16xi1>
      %min3A_535 = arith.minimumf %select_n3A, %gather3A_529 : vector<16xf32>
      %select_n3A_536 = arith.select %and3A_534, %min3A_535, %select_n3A : vector<16xi1>, vector<16xf32>
      %sub3A_537 = arith.constant 4 : i32
      %sub3A_538 = vector.broadcast %sub3A_537 : i32 to vector<16xi32>
      %sub3A_539 = arith.subi %iota3A, %sub3A_538 : vector<16xi32>
      %max3A_540 = arith.constant 0 : i32
      %max3A_541 = vector.broadcast %max3A_540 : i32 to vector<16xi32>
      %max3A_542 = arith.maxsi %sub3A_539, %max3A_541 : vector<16xi32>
      %broadcast_in_dim3A_543 = vector.shape_cast %max3A_542 : vector<16xi32> to vector<16x1xi32>
      %gather3A_544 = vector.shape_cast %broadcast_in_dim3A_543 : vector<16x1xi32> to vector<16xi32>
      %gather3A_545 = tpu.dynamic_gather %masked_sort3A_505[%gather3A_544] in [0] : vector<16xi32>, vector<16xi32> -> vector<16xi32>
      %broadcast_in_dim3A_546 = vector.shape_cast %max3A_542 : vector<16xi32> to vector<16x1xi32>
      %gather3A_547 = vector.shape_cast %broadcast_in_dim3A_546 : vector<16x1xi32> to vector<16xi32>
      %gather3A_548 = tpu.dynamic_gather %select_n3A_536[%gather3A_547] in [0] : vector<16xf32>, vector<16xi32> -> vector<16xf32>
      %ge3A_549 = arith.constant 4 : i32
      %ge3A_550 = vector.broadcast %ge3A_549 : i32 to vector<16xi32>
      %ge3A_551 = arith.cmpi sge, %iota3A, %ge3A_550 : vector<16xi32>
      %eq3A_552 = arith.cmpi eq, %gather3A_545, %masked_sort3A_505 : vector<16xi32>
      %and3A_553 = arith.andi %ge3A_551, %eq3A_552 : vector<16xi1>
      %min3A_554 = arith.minimumf %select_n3A_536, %gather3A_548 : vector<16xf32>
      %select_n3A_555 = arith.select %and3A_553, %min3A_554, %select_n3A_536 : vector<16xi1>, vector<16xf32>
      %sub3A_556 = arith.constant 8 : i32
      %sub3A_557 = vector.broadcast %sub3A_556 : i32 to vector<16xi32>
      %sub3A_558 = arith.subi %iota3A, %sub3A_557 : vector<16xi32>
      %max3A_559 = arith.constant 0 : i32
      %max3A_560 = vector.broadcast %max3A_559 : i32 to vector<16xi32>
      %max3A_561 = arith.maxsi %sub3A_558, %max3A_560 : vector<16xi32>
      %broadcast_in_dim3A_562 = vector.shape_cast %max3A_561 : vector<16xi32> to vector<16x1xi32>
      %gather3A_563 = vector.shape_cast %broadcast_in_dim3A_562 : vector<16x1xi32> to vector<16xi32>
      %gather3A_564 = tpu.dynamic_gather %masked_sort3A_505[%gather3A_563] in [0] : vector<16xi32>, vector<16xi32> -> vector<16xi32>
      %broadcast_in_dim3A_565 = vector.shape_cast %max3A_561 : vector<16xi32> to vector<16x1xi32>
      %gather3A_566 = vector.shape_cast %broadcast_in_dim3A_565 : vector<16x1xi32> to vector<16xi32>
      %gather3A_567 = tpu.dynamic_gather %select_n3A_555[%gather3A_566] in [0] : vector<16xf32>, vector<16xi32> -> vector<16xf32>
      %ge3A_568 = arith.constant 8 : i32
      %ge3A_569 = vector.broadcast %ge3A_568 : i32 to vector<16xi32>
      %ge3A_570 = arith.cmpi sge, %iota3A, %ge3A_569 : vector<16xi32>
      %eq3A_571 = arith.cmpi eq, %gather3A_564, %masked_sort3A_505 : vector<16xi32>
      %and3A_572 = arith.andi %ge3A_570, %eq3A_571 : vector<16xi1>
      %min3A_573 = arith.minimumf %select_n3A_555, %gather3A_567 : vector<16xf32>
      %select_n3A_574 = arith.select %and3A_572, %min3A_573, %select_n3A_555 : vector<16xi1>, vector<16xf32>
      %add3A_575 = arith.constant 1 : i32
      %add3A_576 = vector.broadcast %add3A_575 : i32 to vector<16xi32>
      %add3A_577 = arith.addi %iota3A, %add3A_576 : vector<16xi32>
      %min3A_578 = arith.constant 15 : i32
      %min3A_579 = vector.broadcast %min3A_578 : i32 to vector<16xi32>
      %min3A_580 = arith.minsi %add3A_577, %min3A_579 : vector<16xi32>
      %broadcast_in_dim3A_581 = vector.shape_cast %min3A_580 : vector<16xi32> to vector<16x1xi32>
      %gather3A_582 = vector.shape_cast %broadcast_in_dim3A_581 : vector<16x1xi32> to vector<16xi32>
      %gather3A_583 = tpu.dynamic_gather %masked_sort3A_505[%gather3A_582] in [0] : vector<16xi32>, vector<16xi32> -> vector<16xi32>
      %eq3A_584 = arith.constant 15 : i32
      %eq3A_585 = vector.broadcast %eq3A_584 : i32 to vector<16xi32>
      %eq3A_586 = arith.cmpi eq, %iota3A, %eq3A_585 : vector<16xi32>
      %ne3A = arith.cmpi ne, %gather3A_583, %masked_sort3A_505 : vector<16xi32>
      %or3A = arith.ori %eq3A_586, %ne3A : vector<16xi1>
      %gather3A_587 = tpu.vector_load_idx %arg6[%masked_sort3A_505] : memref<50000xf32, #tpu.memory_space<vmem>>[vector<16xi32>], vector<16xf32>,
      %min3A_588 = arith.minimumf %gather3A_587, %select_n3A_574 : vector<16xf32>
      tpu.vector_store_idx %arg6[%masked_sort3A_505], %min3A_588 masked %or3A : memref<50000xf32, #tpu.memory_space<vmem>>[vector<16xi32>], vector<16xf32>, vector<16xi1>
      %scan3A_589 = arith.constant 0 : i32
      scf.yield %scan3A_589 : i32
    }
    %scan3A_452 = arith.constant 125 : i32
    %add3A_453 = arith.constant 48000 : i32
    %add3A_454 = arith.addi %mul3A_2, %add3A_453 : i32
    %dma_start3A_455 = tpu.memref_slice %arg2[%add3A_454] : memref<3200000xi32, #tpu.memory_space<hbm>> -> memref<2000xi32, #tpu.memory_space<hbm>>
    %dma_start3A_456 = tpu.memref_slice %arg2[%add3A_454] : memref<3200000xi32, #tpu.memory_space<hbm>> -> memref<2000xi32, #tpu.memory_space<hbm>>
    tpu.enqueue_dma source(%dma_start3A_456 : memref<2000xi32, #tpu.memory_space<hbm>>) target(%arg7 : memref<2000xi32, #tpu.memory_space<vmem>>) target_semaphore(%arg11 : memref<!tpu.dma_semaphore, #tpu.memory_space<semaphore_mem>>)
    %add3A_457 = arith.constant 1600000 : i32
    %add3A_458 = arith.addi %add3A_457, %add3A_454 : i32
    %dma_start3A_459 = tpu.memref_slice %arg2[%add3A_458] : memref<3200000xi32, #tpu.memory_space<hbm>> -> memref<2000xi32, #tpu.memory_space<hbm>>
    %dma_start3A_460 = tpu.memref_slice %arg2[%add3A_458] : memref<3200000xi32, #tpu.memory_space<hbm>> -> memref<2000xi32, #tpu.memory_space<hbm>>
    tpu.enqueue_dma source(%dma_start3A_460 : memref<2000xi32, #tpu.memory_space<hbm>>) target(%arg8 : memref<2000xi32, #tpu.memory_space<vmem>>) target_semaphore(%arg11 : memref<!tpu.dma_semaphore, #tpu.memory_space<semaphore_mem>>)
    %dma_wait3A_461 = tpu.memref_slice %arg2[%add3A_435] : memref<3200000xi32, #tpu.memory_space<hbm>> -> memref<2000xi32, #tpu.memory_space<hbm>>
    %dma_wait3A_462 = tpu.memref_slice %arg2[%add3A_435] : memref<3200000xi32, #tpu.memory_space<hbm>> -> memref<2000xi32, #tpu.memory_space<hbm>>
    tpu.wait_dma2 semaphore(%arg12 : memref<!tpu.dma_semaphore, #tpu.memory_space<semaphore_mem>>) src(%dma_wait3A_462 : memref<2000xi32, #tpu.memory_space<hbm>>) dst(%arg9 : memref<2000xi32, #tpu.memory_space<vmem>>)
    %dma_wait3A_463 = tpu.memref_slice %arg2[%add3A_439] : memref<3200000xi32, #tpu.memory_space<hbm>> -> memref<2000xi32, #tpu.memory_space<hbm>>
    %dma_wait3A_464 = tpu.memref_slice %arg2[%add3A_439] : memref<3200000xi32, #tpu.memory_space<hbm>> -> memref<2000xi32, #tpu.memory_space<hbm>>
    tpu.wait_dma2 semaphore(%arg12 : memref<!tpu.dma_semaphore, #tpu.memory_space<semaphore_mem>>) src(%dma_wait3A_464 : memref<2000xi32, #tpu.memory_space<hbm>>) dst(%arg10 : memref<2000xi32, #tpu.memory_space<vmem>>)
    %scan3A_465 = arith.constant 0 : i32
    %scan3A_466 = arith.constant 0 : i32
    %scan3A_467 = arith.constant 125 : i32
    %scan3A_468 = arith.addi %scan3A_466, %scan3A_467 : i32
    %scan3A_469 = arith.constant 1 : i32
    %scan3A_470 = scf.for %scan3A_490 = %scan3A_466 to %scan3A_468 step %scan3A_469 iter_args(%scan3A_491 = %scan3A_465) -> (i32)  : i32 {
      %mul3A_492 = arith.constant 16 : i32
      %mul3A_493 = arith.muli %scan3A_490, %mul3A_492 : i32
      %get3A = arith.index_cast %mul3A_493 : i32 to index
      %get3A_494 = tpu.vector_load %arg9[%get3A] {strides = array<i32>} : memref<2000xi32, #tpu.memory_space<vmem>>, vector<16xi32>,
      %mul3A_495 = arith.constant 16 : i32
      %mul3A_496 = arith.muli %scan3A_490, %mul3A_495 : i32
      %get3A_497 = arith.index_cast %mul3A_496 : i32 to index
      %get3A_498 = tpu.vector_load %arg10[%get3A_497] {strides = array<i32>} : memref<2000xi32, #tpu.memory_space<vmem>>, vector<16xi32>,
      %gather3A = tpu.vector_load_idx %arg5[%get3A_494] : memref<50000xf32, #tpu.memory_space<vmem>>[vector<16xi32>], vector<16xf32>,
      %masked_sort3A = arith.constant dense<true> : vector<16xi1>
      %masked_sort3A_499 = arith.constant -2147483648 : i32
      %masked_sort3A_500 = vector.broadcast %masked_sort3A_499 : i32 to vector<16xi32>
      %masked_sort3A_501 = arith.xori %get3A_498, %masked_sort3A_500 : vector<16xi32>
      %masked_sort3A_502, %masked_sort3A_503, %masked_sort3A_504 = tpu.sort %masked_sort3A_501, %gather3A masked %masked_sort3A : (vector<16xi32>, vector<16xf32>, vector<16xi1>) -> (vector<16xi1>, vector<16xi32>, vector<16xf32>)
      %masked_sort3A_505 = arith.xori %masked_sort3A_503, %masked_sort3A_500 : vector<16xi32>
      %sub3A = arith.constant 1 : i32
      %sub3A_506 = vector.broadcast %sub3A : i32 to vector<16xi32>
      %sub3A_507 = arith.subi %iota3A, %sub3A_506 : vector<16xi32>
      %max3A = arith.constant 0 : i32
      %max3A_508 = vector.broadcast %max3A : i32 to vector<16xi32>
      %max3A_509 = arith.maxsi %sub3A_507, %max3A_508 : vector<16xi32>
      %broadcast_in_dim3A_510 = vector.shape_cast %max3A_509 : vector<16xi32> to vector<16x1xi32>
      %gather3A_511 = vector.shape_cast %broadcast_in_dim3A_510 : vector<16x1xi32> to vector<16xi32>
      %gather3A_512 = tpu.dynamic_gather %masked_sort3A_505[%gather3A_511] in [0] : vector<16xi32>, vector<16xi32> -> vector<16xi32>
      %broadcast_in_dim3A_513 = vector.shape_cast %max3A_509 : vector<16xi32> to vector<16x1xi32>
      %gather3A_514 = vector.shape_cast %broadcast_in_dim3A_513 : vector<16x1xi32> to vector<16xi32>
      %gather3A_515 = tpu.dynamic_gather %masked_sort3A_504[%gather3A_514] in [0] : vector<16xf32>, vector<16xi32> -> vector<16xf32>
      %ge3A = arith.constant 1 : i32
      %ge3A_516 = vector.broadcast %ge3A : i32 to vector<16xi32>
      %ge3A_517 = arith.cmpi sge, %iota3A, %ge3A_516 : vector<16xi32>
      %eq3A = arith.cmpi eq, %gather3A_512, %masked_sort3A_505 : vector<16xi32>
      %and3A = arith.andi %ge3A_517, %eq3A : vector<16xi1>
      %min3A = arith.minimumf %masked_sort3A_504, %gather3A_515 : vector<16xf32>
      %select_n3A = arith.select %and3A, %min3A, %masked_sort3A_504 : vector<16xi1>, vector<16xf32>
      %sub3A_518 = arith.constant 2 : i32
      %sub3A_519 = vector.broadcast %sub3A_518 : i32 to vector<16xi32>
      %sub3A_520 = arith.subi %iota3A, %sub3A_519 : vector<16xi32>
      %max3A_521 = arith.constant 0 : i32
      %max3A_522 = vector.broadcast %max3A_521 : i32 to vector<16xi32>
      %max3A_523 = arith.maxsi %sub3A_520, %max3A_522 : vector<16xi32>
      %broadcast_in_dim3A_524 = vector.shape_cast %max3A_523 : vector<16xi32> to vector<16x1xi32>
      %gather3A_525 = vector.shape_cast %broadcast_in_dim3A_524 : vector<16x1xi32> to vector<16xi32>
      %gather3A_526 = tpu.dynamic_gather %masked_sort3A_505[%gather3A_525] in [0] : vector<16xi32>, vector<16xi32> -> vector<16xi32>
      %broadcast_in_dim3A_527 = vector.shape_cast %max3A_523 : vector<16xi32> to vector<16x1xi32>
      %gather3A_528 = vector.shape_cast %broadcast_in_dim3A_527 : vector<16x1xi32> to vector<16xi32>
      %gather3A_529 = tpu.dynamic_gather %select_n3A[%gather3A_528] in [0] : vector<16xf32>, vector<16xi32> -> vector<16xf32>
      %ge3A_530 = arith.constant 2 : i32
      %ge3A_531 = vector.broadcast %ge3A_530 : i32 to vector<16xi32>
      %ge3A_532 = arith.cmpi sge, %iota3A, %ge3A_531 : vector<16xi32>
      %eq3A_533 = arith.cmpi eq, %gather3A_526, %masked_sort3A_505 : vector<16xi32>
      %and3A_534 = arith.andi %ge3A_532, %eq3A_533 : vector<16xi1>
      %min3A_535 = arith.minimumf %select_n3A, %gather3A_529 : vector<16xf32>
      %select_n3A_536 = arith.select %and3A_534, %min3A_535, %select_n3A : vector<16xi1>, vector<16xf32>
      %sub3A_537 = arith.constant 4 : i32
      %sub3A_538 = vector.broadcast %sub3A_537 : i32 to vector<16xi32>
      %sub3A_539 = arith.subi %iota3A, %sub3A_538 : vector<16xi32>
      %max3A_540 = arith.constant 0 : i32
      %max3A_541 = vector.broadcast %max3A_540 : i32 to vector<16xi32>
      %max3A_542 = arith.maxsi %sub3A_539, %max3A_541 : vector<16xi32>
      %broadcast_in_dim3A_543 = vector.shape_cast %max3A_542 : vector<16xi32> to vector<16x1xi32>
      %gather3A_544 = vector.shape_cast %broadcast_in_dim3A_543 : vector<16x1xi32> to vector<16xi32>
      %gather3A_545 = tpu.dynamic_gather %masked_sort3A_505[%gather3A_544] in [0] : vector<16xi32>, vector<16xi32> -> vector<16xi32>
      %broadcast_in_dim3A_546 = vector.shape_cast %max3A_542 : vector<16xi32> to vector<16x1xi32>
      %gather3A_547 = vector.shape_cast %broadcast_in_dim3A_546 : vector<16x1xi32> to vector<16xi32>
      %gather3A_548 = tpu.dynamic_gather %select_n3A_536[%gather3A_547] in [0] : vector<16xf32>, vector<16xi32> -> vector<16xf32>
      %ge3A_549 = arith.constant 4 : i32
      %ge3A_550 = vector.broadcast %ge3A_549 : i32 to vector<16xi32>
      %ge3A_551 = arith.cmpi sge, %iota3A, %ge3A_550 : vector<16xi32>
      %eq3A_552 = arith.cmpi eq, %gather3A_545, %masked_sort3A_505 : vector<16xi32>
      %and3A_553 = arith.andi %ge3A_551, %eq3A_552 : vector<16xi1>
      %min3A_554 = arith.minimumf %select_n3A_536, %gather3A_548 : vector<16xf32>
      %select_n3A_555 = arith.select %and3A_553, %min3A_554, %select_n3A_536 : vector<16xi1>, vector<16xf32>
      %sub3A_556 = arith.constant 8 : i32
      %sub3A_557 = vector.broadcast %sub3A_556 : i32 to vector<16xi32>
      %sub3A_558 = arith.subi %iota3A, %sub3A_557 : vector<16xi32>
      %max3A_559 = arith.constant 0 : i32
      %max3A_560 = vector.broadcast %max3A_559 : i32 to vector<16xi32>
      %max3A_561 = arith.maxsi %sub3A_558, %max3A_560 : vector<16xi32>
      %broadcast_in_dim3A_562 = vector.shape_cast %max3A_561 : vector<16xi32> to vector<16x1xi32>
      %gather3A_563 = vector.shape_cast %broadcast_in_dim3A_562 : vector<16x1xi32> to vector<16xi32>
      %gather3A_564 = tpu.dynamic_gather %masked_sort3A_505[%gather3A_563] in [0] : vector<16xi32>, vector<16xi32> -> vector<16xi32>
      %broadcast_in_dim3A_565 = vector.shape_cast %max3A_561 : vector<16xi32> to vector<16x1xi32>
      %gather3A_566 = vector.shape_cast %broadcast_in_dim3A_565 : vector<16x1xi32> to vector<16xi32>
      %gather3A_567 = tpu.dynamic_gather %select_n3A_555[%gather3A_566] in [0] : vector<16xf32>, vector<16xi32> -> vector<16xf32>
      %ge3A_568 = arith.constant 8 : i32
      %ge3A_569 = vector.broadcast %ge3A_568 : i32 to vector<16xi32>
      %ge3A_570 = arith.cmpi sge, %iota3A, %ge3A_569 : vector<16xi32>
      %eq3A_571 = arith.cmpi eq, %gather3A_564, %masked_sort3A_505 : vector<16xi32>
      %and3A_572 = arith.andi %ge3A_570, %eq3A_571 : vector<16xi1>
      %min3A_573 = arith.minimumf %select_n3A_555, %gather3A_567 : vector<16xf32>
      %select_n3A_574 = arith.select %and3A_572, %min3A_573, %select_n3A_555 : vector<16xi1>, vector<16xf32>
      %add3A_575 = arith.constant 1 : i32
      %add3A_576 = vector.broadcast %add3A_575 : i32 to vector<16xi32>
      %add3A_577 = arith.addi %iota3A, %add3A_576 : vector<16xi32>
      %min3A_578 = arith.constant 15 : i32
      %min3A_579 = vector.broadcast %min3A_578 : i32 to vector<16xi32>
      %min3A_580 = arith.minsi %add3A_577, %min3A_579 : vector<16xi32>
      %broadcast_in_dim3A_581 = vector.shape_cast %min3A_580 : vector<16xi32> to vector<16x1xi32>
      %gather3A_582 = vector.shape_cast %broadcast_in_dim3A_581 : vector<16x1xi32> to vector<16xi32>
      %gather3A_583 = tpu.dynamic_gather %masked_sort3A_505[%gather3A_582] in [0] : vector<16xi32>, vector<16xi32> -> vector<16xi32>
      %eq3A_584 = arith.constant 15 : i32
      %eq3A_585 = vector.broadcast %eq3A_584 : i32 to vector<16xi32>
      %eq3A_586 = arith.cmpi eq, %iota3A, %eq3A_585 : vector<16xi32>
      %ne3A = arith.cmpi ne, %gather3A_583, %masked_sort3A_505 : vector<16xi32>
      %or3A = arith.ori %eq3A_586, %ne3A : vector<16xi1>
      %gather3A_587 = tpu.vector_load_idx %arg6[%masked_sort3A_505] : memref<50000xf32, #tpu.memory_space<vmem>>[vector<16xi32>], vector<16xf32>,
      %min3A_588 = arith.minimumf %gather3A_587, %select_n3A_574 : vector<16xf32>
      tpu.vector_store_idx %arg6[%masked_sort3A_505], %min3A_588 masked %or3A : memref<50000xf32, #tpu.memory_space<vmem>>[vector<16xi32>], vector<16xf32>, vector<16xi1>
      %scan3A_589 = arith.constant 0 : i32
      scf.yield %scan3A_589 : i32
    }
    %scan3A_471 = arith.constant 125 : i32
    %dma_wait3A_472 = tpu.memref_slice %arg2[%add3A_454] : memref<3200000xi32, #tpu.memory_space<hbm>> -> memref<2000xi32, #tpu.memory_space<hbm>>
    %dma_wait3A_473 = tpu.memref_slice %arg2[%add3A_454] : memref<3200000xi32, #tpu.memory_space<hbm>> -> memref<2000xi32, #tpu.memory_space<hbm>>
    tpu.wait_dma2 semaphore(%arg11 : memref<!tpu.dma_semaphore, #tpu.memory_space<semaphore_mem>>) src(%dma_wait3A_473 : memref<2000xi32, #tpu.memory_space<hbm>>) dst(%arg7 : memref<2000xi32, #tpu.memory_space<vmem>>)
    %dma_wait3A_474 = tpu.memref_slice %arg2[%add3A_458] : memref<3200000xi32, #tpu.memory_space<hbm>> -> memref<2000xi32, #tpu.memory_space<hbm>>
    %dma_wait3A_475 = tpu.memref_slice %arg2[%add3A_458] : memref<3200000xi32, #tpu.memory_space<hbm>> -> memref<2000xi32, #tpu.memory_space<hbm>>
    tpu.wait_dma2 semaphore(%arg11 : memref<!tpu.dma_semaphore, #tpu.memory_space<semaphore_mem>>) src(%dma_wait3A_475 : memref<2000xi32, #tpu.memory_space<hbm>>) dst(%arg8 : memref<2000xi32, #tpu.memory_space<vmem>>)
    %scan3A_476 = arith.constant 0 : i32
    %scan3A_477 = arith.constant 0 : i32
    %scan3A_478 = arith.constant 125 : i32
    %scan3A_479 = arith.addi %scan3A_477, %scan3A_478 : i32
    %scan3A_480 = arith.constant 1 : i32
    %scan3A_481 = scf.for %scan3A_490 = %scan3A_477 to %scan3A_479 step %scan3A_480 iter_args(%scan3A_491 = %scan3A_476) -> (i32)  : i32 {
      %mul3A_492 = arith.constant 16 : i32
      %mul3A_493 = arith.muli %scan3A_490, %mul3A_492 : i32
      %get3A = arith.index_cast %mul3A_493 : i32 to index
      %get3A_494 = tpu.vector_load %arg7[%get3A] {strides = array<i32>} : memref<2000xi32, #tpu.memory_space<vmem>>, vector<16xi32>,
      %mul3A_495 = arith.constant 16 : i32
      %mul3A_496 = arith.muli %scan3A_490, %mul3A_495 : i32
      %get3A_497 = arith.index_cast %mul3A_496 : i32 to index
      %get3A_498 = tpu.vector_load %arg8[%get3A_497] {strides = array<i32>} : memref<2000xi32, #tpu.memory_space<vmem>>, vector<16xi32>,
      %gather3A = tpu.vector_load_idx %arg5[%get3A_494] : memref<50000xf32, #tpu.memory_space<vmem>>[vector<16xi32>], vector<16xf32>,
      %masked_sort3A = arith.constant dense<true> : vector<16xi1>
      %masked_sort3A_499 = arith.constant -2147483648 : i32
      %masked_sort3A_500 = vector.broadcast %masked_sort3A_499 : i32 to vector<16xi32>
      %masked_sort3A_501 = arith.xori %get3A_498, %masked_sort3A_500 : vector<16xi32>
      %masked_sort3A_502, %masked_sort3A_503, %masked_sort3A_504 = tpu.sort %masked_sort3A_501, %gather3A masked %masked_sort3A : (vector<16xi32>, vector<16xf32>, vector<16xi1>) -> (vector<16xi1>, vector<16xi32>, vector<16xf32>)
      %masked_sort3A_505 = arith.xori %masked_sort3A_503, %masked_sort3A_500 : vector<16xi32>
      %sub3A = arith.constant 1 : i32
      %sub3A_506 = vector.broadcast %sub3A : i32 to vector<16xi32>
      %sub3A_507 = arith.subi %iota3A, %sub3A_506 : vector<16xi32>
      %max3A = arith.constant 0 : i32
      %max3A_508 = vector.broadcast %max3A : i32 to vector<16xi32>
      %max3A_509 = arith.maxsi %sub3A_507, %max3A_508 : vector<16xi32>
      %broadcast_in_dim3A_510 = vector.shape_cast %max3A_509 : vector<16xi32> to vector<16x1xi32>
      %gather3A_511 = vector.shape_cast %broadcast_in_dim3A_510 : vector<16x1xi32> to vector<16xi32>
      %gather3A_512 = tpu.dynamic_gather %masked_sort3A_505[%gather3A_511] in [0] : vector<16xi32>, vector<16xi32> -> vector<16xi32>
      %broadcast_in_dim3A_513 = vector.shape_cast %max3A_509 : vector<16xi32> to vector<16x1xi32>
      %gather3A_514 = vector.shape_cast %broadcast_in_dim3A_513 : vector<16x1xi32> to vector<16xi32>
      %gather3A_515 = tpu.dynamic_gather %masked_sort3A_504[%gather3A_514] in [0] : vector<16xf32>, vector<16xi32> -> vector<16xf32>
      %ge3A = arith.constant 1 : i32
      %ge3A_516 = vector.broadcast %ge3A : i32 to vector<16xi32>
      %ge3A_517 = arith.cmpi sge, %iota3A, %ge3A_516 : vector<16xi32>
      %eq3A = arith.cmpi eq, %gather3A_512, %masked_sort3A_505 : vector<16xi32>
      %and3A = arith.andi %ge3A_517, %eq3A : vector<16xi1>
      %min3A = arith.minimumf %masked_sort3A_504, %gather3A_515 : vector<16xf32>
      %select_n3A = arith.select %and3A, %min3A, %masked_sort3A_504 : vector<16xi1>, vector<16xf32>
      %sub3A_518 = arith.constant 2 : i32
      %sub3A_519 = vector.broadcast %sub3A_518 : i32 to vector<16xi32>
      %sub3A_520 = arith.subi %iota3A, %sub3A_519 : vector<16xi32>
      %max3A_521 = arith.constant 0 : i32
      %max3A_522 = vector.broadcast %max3A_521 : i32 to vector<16xi32>
      %max3A_523 = arith.maxsi %sub3A_520, %max3A_522 : vector<16xi32>
      %broadcast_in_dim3A_524 = vector.shape_cast %max3A_523 : vector<16xi32> to vector<16x1xi32>
      %gather3A_525 = vector.shape_cast %broadcast_in_dim3A_524 : vector<16x1xi32> to vector<16xi32>
      %gather3A_526 = tpu.dynamic_gather %masked_sort3A_505[%gather3A_525] in [0] : vector<16xi32>, vector<16xi32> -> vector<16xi32>
      %broadcast_in_dim3A_527 = vector.shape_cast %max3A_523 : vector<16xi32> to vector<16x1xi32>
      %gather3A_528 = vector.shape_cast %broadcast_in_dim3A_527 : vector<16x1xi32> to vector<16xi32>
      %gather3A_529 = tpu.dynamic_gather %select_n3A[%gather3A_528] in [0] : vector<16xf32>, vector<16xi32> -> vector<16xf32>
      %ge3A_530 = arith.constant 2 : i32
      %ge3A_531 = vector.broadcast %ge3A_530 : i32 to vector<16xi32>
      %ge3A_532 = arith.cmpi sge, %iota3A, %ge3A_531 : vector<16xi32>
      %eq3A_533 = arith.cmpi eq, %gather3A_526, %masked_sort3A_505 : vector<16xi32>
      %and3A_534 = arith.andi %ge3A_532, %eq3A_533 : vector<16xi1>
      %min3A_535 = arith.minimumf %select_n3A, %gather3A_529 : vector<16xf32>
      %select_n3A_536 = arith.select %and3A_534, %min3A_535, %select_n3A : vector<16xi1>, vector<16xf32>
      %sub3A_537 = arith.constant 4 : i32
      %sub3A_538 = vector.broadcast %sub3A_537 : i32 to vector<16xi32>
      %sub3A_539 = arith.subi %iota3A, %sub3A_538 : vector<16xi32>
      %max3A_540 = arith.constant 0 : i32
      %max3A_541 = vector.broadcast %max3A_540 : i32 to vector<16xi32>
      %max3A_542 = arith.maxsi %sub3A_539, %max3A_541 : vector<16xi32>
      %broadcast_in_dim3A_543 = vector.shape_cast %max3A_542 : vector<16xi32> to vector<16x1xi32>
      %gather3A_544 = vector.shape_cast %broadcast_in_dim3A_543 : vector<16x1xi32> to vector<16xi32>
      %gather3A_545 = tpu.dynamic_gather %masked_sort3A_505[%gather3A_544] in [0] : vector<16xi32>, vector<16xi32> -> vector<16xi32>
      %broadcast_in_dim3A_546 = vector.shape_cast %max3A_542 : vector<16xi32> to vector<16x1xi32>
      %gather3A_547 = vector.shape_cast %broadcast_in_dim3A_546 : vector<16x1xi32> to vector<16xi32>
      %gather3A_548 = tpu.dynamic_gather %select_n3A_536[%gather3A_547] in [0] : vector<16xf32>, vector<16xi32> -> vector<16xf32>
      %ge3A_549 = arith.constant 4 : i32
      %ge3A_550 = vector.broadcast %ge3A_549 : i32 to vector<16xi32>
      %ge3A_551 = arith.cmpi sge, %iota3A, %ge3A_550 : vector<16xi32>
      %eq3A_552 = arith.cmpi eq, %gather3A_545, %masked_sort3A_505 : vector<16xi32>
      %and3A_553 = arith.andi %ge3A_551, %eq3A_552 : vector<16xi1>
      %min3A_554 = arith.minimumf %select_n3A_536, %gather3A_548 : vector<16xf32>
      %select_n3A_555 = arith.select %and3A_553, %min3A_554, %select_n3A_536 : vector<16xi1>, vector<16xf32>
      %sub3A_556 = arith.constant 8 : i32
      %sub3A_557 = vector.broadcast %sub3A_556 : i32 to vector<16xi32>
      %sub3A_558 = arith.subi %iota3A, %sub3A_557 : vector<16xi32>
      %max3A_559 = arith.constant 0 : i32
      %max3A_560 = vector.broadcast %max3A_559 : i32 to vector<16xi32>
      %max3A_561 = arith.maxsi %sub3A_558, %max3A_560 : vector<16xi32>
      %broadcast_in_dim3A_562 = vector.shape_cast %max3A_561 : vector<16xi32> to vector<16x1xi32>
      %gather3A_563 = vector.shape_cast %broadcast_in_dim3A_562 : vector<16x1xi32> to vector<16xi32>
      %gather3A_564 = tpu.dynamic_gather %masked_sort3A_505[%gather3A_563] in [0] : vector<16xi32>, vector<16xi32> -> vector<16xi32>
      %broadcast_in_dim3A_565 = vector.shape_cast %max3A_561 : vector<16xi32> to vector<16x1xi32>
      %gather3A_566 = vector.shape_cast %broadcast_in_dim3A_565 : vector<16x1xi32> to vector<16xi32>
      %gather3A_567 = tpu.dynamic_gather %select_n3A_555[%gather3A_566] in [0] : vector<16xf32>, vector<16xi32> -> vector<16xf32>
      %ge3A_568 = arith.constant 8 : i32
      %ge3A_569 = vector.broadcast %ge3A_568 : i32 to vector<16xi32>
      %ge3A_570 = arith.cmpi sge, %iota3A, %ge3A_569 : vector<16xi32>
      %eq3A_571 = arith.cmpi eq, %gather3A_564, %masked_sort3A_505 : vector<16xi32>
      %and3A_572 = arith.andi %ge3A_570, %eq3A_571 : vector<16xi1>
      %min3A_573 = arith.minimumf %select_n3A_555, %gather3A_567 : vector<16xf32>
      %select_n3A_574 = arith.select %and3A_572, %min3A_573, %select_n3A_555 : vector<16xi1>, vector<16xf32>
      %add3A_575 = arith.constant 1 : i32
      %add3A_576 = vector.broadcast %add3A_575 : i32 to vector<16xi32>
      %add3A_577 = arith.addi %iota3A, %add3A_576 : vector<16xi32>
      %min3A_578 = arith.constant 15 : i32
      %min3A_579 = vector.broadcast %min3A_578 : i32 to vector<16xi32>
      %min3A_580 = arith.minsi %add3A_577, %min3A_579 : vector<16xi32>
      %broadcast_in_dim3A_581 = vector.shape_cast %min3A_580 : vector<16xi32> to vector<16x1xi32>
      %gather3A_582 = vector.shape_cast %broadcast_in_dim3A_581 : vector<16x1xi32> to vector<16xi32>
      %gather3A_583 = tpu.dynamic_gather %masked_sort3A_505[%gather3A_582] in [0] : vector<16xi32>, vector<16xi32> -> vector<16xi32>
      %eq3A_584 = arith.constant 15 : i32
      %eq3A_585 = vector.broadcast %eq3A_584 : i32 to vector<16xi32>
      %eq3A_586 = arith.cmpi eq, %iota3A, %eq3A_585 : vector<16xi32>
      %ne3A = arith.cmpi ne, %gather3A_583, %masked_sort3A_505 : vector<16xi32>
      %or3A = arith.ori %eq3A_586, %ne3A : vector<16xi1>
      %gather3A_587 = tpu.vector_load_idx %arg6[%masked_sort3A_505] : memref<50000xf32, #tpu.memory_space<vmem>>[vector<16xi32>], vector<16xf32>,
      %min3A_588 = arith.minimumf %gather3A_587, %select_n3A_574 : vector<16xf32>
      tpu.vector_store_idx %arg6[%masked_sort3A_505], %min3A_588 masked %or3A : memref<50000xf32, #tpu.memory_space<vmem>>[vector<16xi32>], vector<16xf32>, vector<16xi1>
      %scan3A_589 = arith.constant 0 : i32
      scf.yield %scan3A_589 : i32
    }
    %scan3A_482 = arith.constant 125 : i32
    %scan3A_483 = arith.constant 0 : i32
    %scan3A_484 = arith.constant 0 : i32
    %scan3A_485 = arith.constant 25 : i32
    %scan3A_486 = arith.addi %scan3A_484, %scan3A_485 : i32
    %scan3A_487 = arith.constant 1 : i32
    %scan3A_488 = scf.for %scan3A_490 = %scan3A_484 to %scan3A_486 step %scan3A_487 iter_args(%scan3A_491 = %scan3A_483) -> (i32)  : i32 {
      %mul3A_492 = arith.constant 2000 : i32
      %mul3A_493 = arith.muli %scan3A_490, %mul3A_492 : i32
      %mul3A_494 = arith.constant 32 : i32
      %mul3A_495 = arith.muli %scan3A_490, %mul3A_494 : i32
      %add3A_496 = arith.addi %mul3A_495, %add3A : i32
      %mul3A_497 = arith.constant 2000 : i32
      %mul3A_498 = arith.muli %add3A_496, %mul3A_497 : i32
      "tpu.region"() ({
        %run_scoped3A = tpu.sem_alloc : memref<!tpu.dma_semaphore, #tpu.memory_space<semaphore_mem>>
        %dma_start3A_500 = tpu.memref_slice %arg6[%mul3A_493] : memref<50000xf32, #tpu.memory_space<vmem>> -> memref<2000xf32, #tpu.memory_space<vmem>>
        %dma_start3A_501 = tpu.memref_slice %arg4[%mul3A_498] : memref<1600000xf32, #tpu.memory_space<hbm>> -> memref<2000xf32, #tpu.memory_space<hbm>>
        %dma_start3A_502 = tpu.memref_slice %arg4[%mul3A_498] : memref<1600000xf32, #tpu.memory_space<hbm>> -> memref<2000xf32, #tpu.memory_space<hbm>>
        %dma_start3A_503 = tpu.memref_slice %arg6[%mul3A_493] : memref<50000xf32, #tpu.memory_space<vmem>> -> memref<2000xf32, #tpu.memory_space<vmem>>
        tpu.enqueue_dma source(%dma_start3A_503 : memref<2000xf32, #tpu.memory_space<vmem>>) target(%dma_start3A_502 : memref<2000xf32, #tpu.memory_space<hbm>>) target_semaphore(%run_scoped3A : memref<!tpu.dma_semaphore, #tpu.memory_space<semaphore_mem>>)
        %dma_wait3A_504 = tpu.memref_slice %arg6[%mul3A_493] : memref<50000xf32, #tpu.memory_space<vmem>> -> memref<2000xf32, #tpu.memory_space<vmem>>
        %dma_wait3A_505 = tpu.memref_slice %arg4[%mul3A_498] : memref<1600000xf32, #tpu.memory_space<hbm>> -> memref<2000xf32, #tpu.memory_space<hbm>>
        %dma_wait3A_506 = tpu.memref_slice %arg4[%mul3A_498] : memref<1600000xf32, #tpu.memory_space<hbm>> -> memref<2000xf32, #tpu.memory_space<hbm>>
        %dma_wait3A_507 = tpu.memref_slice %arg6[%mul3A_493] : memref<50000xf32, #tpu.memory_space<vmem>> -> memref<2000xf32, #tpu.memory_space<vmem>>
        tpu.wait_dma2 semaphore(%run_scoped3A : memref<!tpu.dma_semaphore, #tpu.memory_space<semaphore_mem>>) src(%dma_wait3A_507 : memref<2000xf32, #tpu.memory_space<vmem>>) dst(%dma_wait3A_506 : memref<2000xf32, #tpu.memory_space<hbm>>)
        tpu.yield
      }) : () -> ()
      %scan3A_499 = arith.constant 0 : i32
      scf.yield %scan3A_499 : i32
    }
    %scan3A_489 = arith.constant 25 : i32
    return
  }
}

module attributes {stable_mosaic.version = 14 : i64} {
  func.func @_mlp_body(%arg0: i32, %arg1: memref<2000x256xf32, #tpu.memory_space<vmem>>, %arg2: memref<2000x256xf32, #tpu.memory_space<vmem>>, %arg3: memref<256x256xf32, #tpu.memory_space<vmem>>, %arg4: memref<256x256xf32, #tpu.memory_space<vmem>>, %arg5: memref<1x256xf32, #tpu.memory_space<vmem>>, %arg6: memref<256x1xf32, #tpu.memory_space<vmem>>, %arg7: memref<1x1xf32, #tpu.memory_space<vmem>>, %arg8: memref<2000x1xf32, #tpu.memory_space<vmem>>) attributes {dimension_semantics = [#tpu.dimension_semantics<arbitrary>], iteration_bounds = array<i64: 25>, scalar_prefetch = 0 : i64, scratch_operands = 0 : i64, tpu.core_type = #tpu.core_type<tc>, window_params = [{transform_indices = @transform_0, window_bounds = array<i64: 2000, 256>}, {transform_indices = @transform_1, window_bounds = array<i64: 2000, 256>}, {pipeline_mode = #tpu.pipeline_mode<synchronous>, transform_indices = @transform_2, window_bounds = array<i64: 256, 256>}, {pipeline_mode = #tpu.pipeline_mode<synchronous>, transform_indices = @transform_3, window_bounds = array<i64: 256, 256>}, {pipeline_mode = #tpu.pipeline_mode<synchronous>, transform_indices = @transform_4, window_bounds = array<i64: 1, 256>}, {pipeline_mode = #tpu.pipeline_mode<synchronous>, transform_indices = @transform_5, window_bounds = array<i64: 256, 1>}, {pipeline_mode = #tpu.pipeline_mode<synchronous>, transform_indices = @transform_6, window_bounds = array<i64: 1, 1>}, {transform_indices = @transform_7, window_bounds = array<i64: 2000, 1>}]} {
    %get3A = arith.constant 0 : index
    %get3A_0 = arith.constant 0 : index
    %get3A_1 = vector.load %arg1[%get3A, %get3A_0] : memref<2000x256xf32, #tpu.memory_space<vmem>>, vector<2000x256xf32>
    %get3A_2 = arith.constant 0 : index
    %get3A_3 = arith.constant 0 : index
    %get3A_4 = vector.load %arg3[%get3A_2, %get3A_3] : memref<256x256xf32, #tpu.memory_space<vmem>>, vector<256x256xf32>
    %dot_general3A = arith.constant dense<0.000000e+00> : vector<2000x256xf32>
    %dot_general3A_5 = tpu.matmul %get3A_1, %get3A_4, %dot_general3A {dimension_numbers = #tpu.dot_dimension_numbers<[1], [0], [0], [1], [0, 0, 1, 1], [], []>, transpose_lhs_hint = false} : vector<2000x256xf32>, vector<256x256xf32>, vector<2000x256xf32> -> vector<2000x256xf32>
    %get3A_6 = arith.constant 0 : index
    %get3A_7 = arith.constant 0 : index
    %get3A_8 = vector.load %arg2[%get3A_6, %get3A_7] : memref<2000x256xf32, #tpu.memory_space<vmem>>, vector<2000x256xf32>
    %get3A_9 = arith.constant 0 : index
    %get3A_10 = arith.constant 0 : index
    %get3A_11 = vector.load %arg4[%get3A_9, %get3A_10] : memref<256x256xf32, #tpu.memory_space<vmem>>, vector<256x256xf32>
    %dot_general3A_12 = arith.constant dense<0.000000e+00> : vector<2000x256xf32>
    %dot_general3A_13 = tpu.matmul %get3A_8, %get3A_11, %dot_general3A_12 {dimension_numbers = #tpu.dot_dimension_numbers<[1], [0], [0], [1], [0, 0, 1, 1], [], []>, transpose_lhs_hint = false} : vector<2000x256xf32>, vector<256x256xf32>, vector<2000x256xf32> -> vector<2000x256xf32>
    %add3A = arith.addf %dot_general3A_5, %dot_general3A_13 : vector<2000x256xf32>
    %get3A_14 = arith.constant 0 : index
    %get3A_15 = arith.constant 0 : index
    %get3A_16 = vector.load %arg5[%get3A_14, %get3A_15] : memref<1x256xf32, #tpu.memory_space<vmem>>, vector<1x256xf32>
    %add3A_17 = vector.broadcast %get3A_16 : vector<1x256xf32> to vector<2000x256xf32>
    %add3A_18 = arith.addf %add3A, %add3A_17 : vector<2000x256xf32>
    %gt3A = arith.constant 0.000000e+00 : f32
    %gt3A_19 = vector.broadcast %gt3A : f32 to vector<2000x256xf32>
    %gt3A_20 = arith.cmpf ogt, %add3A_18, %gt3A_19 : vector<2000x256xf32>
    %exp3A = math.exp %add3A_18 : vector<2000x256xf32>
    %sub3A = arith.constant 1.000000e+00 : f32
    %sub3A_21 = vector.broadcast %sub3A : f32 to vector<2000x256xf32>
    %sub3A_22 = arith.subf %exp3A, %sub3A_21 : vector<2000x256xf32>
    %select_n3A = arith.select %gt3A_20, %add3A_18, %sub3A_22 : vector<2000x256xi1>, vector<2000x256xf32>
    %get3A_23 = arith.constant 0 : index
    %get3A_24 = arith.constant 0 : index
    %get3A_25 = vector.load %arg6[%get3A_23, %get3A_24] : memref<256x1xf32, #tpu.memory_space<vmem>>, vector<256x1xf32>
    %dot_general3A_26 = arith.constant dense<0.000000e+00> : vector<2000x1xf32>
    %dot_general3A_27 = tpu.matmul %select_n3A, %get3A_25, %dot_general3A_26 {dimension_numbers = #tpu.dot_dimension_numbers<[1], [0], [0], [1], [0, 0, 1, 1], [], []>, transpose_lhs_hint = false} : vector<2000x256xf32>, vector<256x1xf32>, vector<2000x1xf32> -> vector<2000x1xf32>
    %get3A_28 = arith.constant 0 : index
    %get3A_29 = arith.constant 0 : index
    %get3A_30 = vector.load %arg7[%get3A_28, %get3A_29] : memref<1x1xf32, #tpu.memory_space<vmem>>, vector<1x1xf32>
    %add3A_31 = vector.broadcast %get3A_30 : vector<1x1xf32> to vector<2000x1xf32>
    %add3A_32 = arith.addf %dot_general3A_27, %add3A_31 : vector<2000x1xf32>
    %logistic3A = arith.negf %add3A_32 : vector<2000x1xf32>
    %logistic3A_33 = math.exp %logistic3A : vector<2000x1xf32>
    %logistic3A_34 = arith.constant 1.000000e+00 : f32
    %logistic3A_35 = vector.broadcast %logistic3A_34 : f32 to vector<2000x1xf32>
    %logistic3A_36 = arith.addf %logistic3A_35, %logistic3A_33 : vector<2000x1xf32>
    %logistic3A_37 = arith.divf %logistic3A_35, %logistic3A_36 : vector<2000x1xf32>
    %swap3A = arith.constant 0 : index
    %swap3A_38 = arith.constant 0 : index
    %swap3A_39 = vector.load %arg8[%swap3A, %swap3A_38] : memref<2000x1xf32, #tpu.memory_space<vmem>>, vector<2000x1xf32>
    tpu.vector_store %arg8[%swap3A, %swap3A_38], %logistic3A_37 {strides = array<i32>} : memref<2000x1xf32, #tpu.memory_space<vmem>>, vector<2000x1xf32>,
    return
  }
  func.func @transform_0(%arg0: i32) -> (i32, i32) {
    %c0_i32 = arith.constant 0 : i32
    %c0_i32_0 = arith.constant 0 : i32
    return %arg0, %c0_i32 : i32, i32
  }
  func.func @transform_1(%arg0: i32) -> (i32, i32) {
    %c0_i32 = arith.constant 0 : i32
    %c0_i32_0 = arith.constant 0 : i32
    return %arg0, %c0_i32 : i32, i32
  }
  func.func @transform_2(%arg0: i32) -> (i32, i32) {
    %c0_i32 = arith.constant 0 : i32
    %c0_i32_0 = arith.constant 0 : i32
    %c0_i32_1 = arith.constant 0 : i32
    return %c0_i32, %c0_i32_0 : i32, i32
  }
  func.func @transform_3(%arg0: i32) -> (i32, i32) {
    %c0_i32 = arith.constant 0 : i32
    %c0_i32_0 = arith.constant 0 : i32
    %c0_i32_1 = arith.constant 0 : i32
    return %c0_i32, %c0_i32_0 : i32, i32
  }
  func.func @transform_4(%arg0: i32) -> (i32, i32) {
    %c0_i32 = arith.constant 0 : i32
    %c0_i32_0 = arith.constant 0 : i32
    %c0_i32_1 = arith.constant 0 : i32
    return %c0_i32, %c0_i32_0 : i32, i32
  }
  func.func @transform_5(%arg0: i32) -> (i32, i32) {
    %c0_i32 = arith.constant 0 : i32
    %c0_i32_0 = arith.constant 0 : i32
    %c0_i32_1 = arith.constant 0 : i32
    return %c0_i32, %c0_i32_0 : i32, i32
  }
  func.func @transform_6(%arg0: i32) -> (i32, i32) {
    %c0_i32 = arith.constant 0 : i32
    %c0_i32_0 = arith.constant 0 : i32
    %c0_i32_1 = arith.constant 0 : i32
    return %c0_i32, %c0_i32_0 : i32, i32
  }
  func.func @transform_7(%arg0: i32) -> (i32, i32) {
    %c0_i32 = arith.constant 0 : i32
    %c0_i32_0 = arith.constant 0 : i32
    return %arg0, %c0_i32 : i32, i32
  }
}

module attributes {stable_mosaic.version = 14 : i64} {
  func.func @_combine_body(%arg0: i32, %arg1: memref<1x32x2000xf32, #tpu.memory_space<vmem>>, %arg2: memref<1x1x2000xf32, #tpu.memory_space<vmem>>, %arg3: memref<1x1xf32, #tpu.memory_space<vmem>>, %arg4: memref<1x1x2000xf32, #tpu.memory_space<vmem>>, %arg5: memref<1x1x2000xf32, #tpu.memory_space<vmem>>, %arg6: memref<1x1x2000xf32, #tpu.memory_space<vmem>>, %arg7: memref<1x1x2000xf32, #tpu.memory_space<vmem>>) attributes {dimension_semantics = [#tpu.dimension_semantics<arbitrary>], iteration_bounds = array<i64: 25>, scalar_prefetch = 0 : i64, scratch_operands = 0 : i64, tpu.core_type = #tpu.core_type<tc>, window_params = [{transform_indices = @transform_0, window_bounds = array<i64: 1, 32, 2000>}, {transform_indices = @transform_1, window_bounds = array<i64: 1, 1, 2000>}, {pipeline_mode = #tpu.pipeline_mode<synchronous>, transform_indices = @transform_2, window_bounds = array<i64: 1, 1>}, {transform_indices = @transform_3, window_bounds = array<i64: 1, 1, 2000>}, {transform_indices = @transform_4, window_bounds = array<i64: 1, 1, 2000>}, {transform_indices = @transform_5, window_bounds = array<i64: 1, 1, 2000>}, {transform_indices = @transform_6, window_bounds = array<i64: 1, 1, 2000>}]} {
    %get3A = arith.constant 0 : index
    %get3A_0 = arith.constant 0 : index
    %get3A_1 = arith.constant 0 : index
    %get3A_2 = vector.load %arg1[%get3A, %get3A_0, %get3A_1] : memref<1x32x2000xf32, #tpu.memory_space<vmem>>, vector<1x32x2000xf32>
    %get3A_3 = vector.shape_cast %get3A_2 : vector<1x32x2000xf32> to vector<32x2000xf32>
    %reduce_min3A = arith.constant dense<0x7F800000> : vector<2000xf32>
    %reduce_min3A_4 = vector.multi_reduction <minimumf>, %get3A_3, %reduce_min3A [0] : vector<32x2000xf32> to vector<2000xf32>
    %min3A = arith.constant 1.000000e+04 : f32
    %min3A_5 = vector.broadcast %min3A : f32 to vector<2000xf32>
    %min3A_6 = arith.minimumf %reduce_min3A_4, %min3A_5 : vector<2000xf32>
    %get3A_7 = arith.constant 0 : index
    %get3A_8 = arith.constant 0 : index
    %get3A_9 = vector.load %arg3[%get3A_7, %get3A_8] : memref<1x1xf32, #tpu.memory_space<vmem>>, vector<1x1xf32>
    %get3A_10 = vector.extract %get3A_9[0, 0] : f32 from vector<1x1xf32>
    %get3A_11 = arith.constant 0 : index
    %get3A_12 = arith.constant 0 : index
    %get3A_13 = vector.load %arg3[%get3A_11, %get3A_12] : memref<1x1xf32, #tpu.memory_space<vmem>>, vector<1x1xf32>
    %get3A_14 = vector.extract %get3A_13[0, 0] : f32 from vector<1x1xf32>
    %mul3A = arith.mulf %get3A_10, %get3A_14 : f32
    %neg3A = arith.constant 0.000000e+00 : f32
    %neg3A_15 = arith.subf %neg3A, %mul3A : f32
    %mul3A_16 = vector.broadcast %neg3A_15 : f32 to vector<2000xf32>
    %mul3A_17 = arith.mulf %mul3A_16, %min3A_6 : vector<2000xf32>
    %exp3A = math.exp %mul3A_17 : vector<2000xf32>
    %get3A_18 = arith.constant 0 : index
    %get3A_19 = arith.constant 0 : index
    %get3A_20 = arith.constant 0 : index
    %get3A_21 = vector.load %arg2[%get3A_18, %get3A_19, %get3A_20] : memref<1x1x2000xf32, #tpu.memory_space<vmem>>, vector<1x1x2000xf32>
    %get3A_22 = vector.shape_cast %get3A_21 : vector<1x1x2000xf32> to vector<2000xf32>
    %mul3A_23 = arith.mulf %exp3A, %get3A_22 : vector<2000xf32>
    %swap3A = arith.constant 0 : index
    %swap3A_24 = arith.constant 0 : index
    %swap3A_25 = arith.constant 0 : index
    %swap3A_26 = vector.load %arg4[%swap3A, %swap3A_24, %swap3A_25] : memref<1x1x2000xf32, #tpu.memory_space<vmem>>, vector<1x1x2000xf32>
    %swap3A_27 = vector.shape_cast %swap3A_26 : vector<1x1x2000xf32> to vector<2000xf32>
    %swap3A_28 = vector.shape_cast %exp3A : vector<2000xf32> to vector<1x1x2000xf32>
    tpu.vector_store %arg4[%swap3A, %swap3A_24, %swap3A_25], %swap3A_28 {strides = array<i32>} : memref<1x1x2000xf32, #tpu.memory_space<vmem>>, vector<1x1x2000xf32>,
    %swap3A_29 = arith.constant 0 : index
    %swap3A_30 = arith.constant 0 : index
    %swap3A_31 = arith.constant 0 : index
    %swap3A_32 = vector.load %arg5[%swap3A_29, %swap3A_30, %swap3A_31] : memref<1x1x2000xf32, #tpu.memory_space<vmem>>, vector<1x1x2000xf32>
    %swap3A_33 = vector.shape_cast %swap3A_32 : vector<1x1x2000xf32> to vector<2000xf32>
    %swap3A_34 = vector.shape_cast %get3A_22 : vector<2000xf32> to vector<1x1x2000xf32>
    tpu.vector_store %arg5[%swap3A_29, %swap3A_30, %swap3A_31], %swap3A_34 {strides = array<i32>} : memref<1x1x2000xf32, #tpu.memory_space<vmem>>, vector<1x1x2000xf32>,
    %swap3A_35 = arith.constant 0 : index
    %swap3A_36 = arith.constant 0 : index
    %swap3A_37 = arith.constant 0 : index
    %swap3A_38 = vector.load %arg6[%swap3A_35, %swap3A_36, %swap3A_37] : memref<1x1x2000xf32, #tpu.memory_space<vmem>>, vector<1x1x2000xf32>
    %swap3A_39 = vector.shape_cast %swap3A_38 : vector<1x1x2000xf32> to vector<2000xf32>
    %swap3A_40 = vector.shape_cast %mul3A_23 : vector<2000xf32> to vector<1x1x2000xf32>
    tpu.vector_store %arg6[%swap3A_35, %swap3A_36, %swap3A_37], %swap3A_40 {strides = array<i32>} : memref<1x1x2000xf32, #tpu.memory_space<vmem>>, vector<1x1x2000xf32>,
    %ge3A = arith.constant 5.000000e-01 : f32
    %ge3A_41 = vector.broadcast %ge3A : f32 to vector<2000xf32>
    %ge3A_42 = arith.cmpf oge, %mul3A_23, %ge3A_41 : vector<2000xf32>
    %jit3A = arith.constant 1.000000e+00 : f32
    %jit3A_43 = arith.constant 0.000000e+00 : f32
    %broadcast_in_dim3A = vector.broadcast %jit3A : f32 to vector<2000xf32>
    %broadcast_in_dim3A_44 = vector.broadcast %jit3A_43 : f32 to vector<2000xf32>
    %select_n3A = arith.select %ge3A_42, %broadcast_in_dim3A, %broadcast_in_dim3A_44 : vector<2000xi1>, vector<2000xf32>
    %swap3A_45 = arith.constant 0 : index
    %swap3A_46 = arith.constant 0 : index
    %swap3A_47 = arith.constant 0 : index
    %swap3A_48 = vector.load %arg7[%swap3A_45, %swap3A_46, %swap3A_47] : memref<1x1x2000xf32, #tpu.memory_space<vmem>>, vector<1x1x2000xf32>
    %swap3A_49 = vector.shape_cast %swap3A_48 : vector<1x1x2000xf32> to vector<2000xf32>
    %swap3A_50 = vector.shape_cast %select_n3A : vector<2000xf32> to vector<1x1x2000xf32>
    tpu.vector_store %arg7[%swap3A_45, %swap3A_46, %swap3A_47], %swap3A_50 {strides = array<i32>} : memref<1x1x2000xf32, #tpu.memory_space<vmem>>, vector<1x1x2000xf32>,
    return
  }
  func.func @transform_0(%arg0: i32) -> (i32, i32, i32) {
    %c0_i32 = arith.constant 0 : i32
    %c0_i32_0 = arith.constant 0 : i32
    %c0_i32_1 = arith.constant 0 : i32
    return %arg0, %c0_i32, %c0_i32_0 : i32, i32, i32
  }
  func.func @transform_1(%arg0: i32) -> (i32, i32, i32) {
    %c0_i32 = arith.constant 0 : i32
    %c0_i32_0 = arith.constant 0 : i32
    %c0_i32_1 = arith.constant 0 : i32
    return %arg0, %c0_i32, %c0_i32_0 : i32, i32, i32
  }
  func.func @transform_2(%arg0: i32) -> (i32, i32) {
    %c0_i32 = arith.constant 0 : i32
    %c0_i32_0 = arith.constant 0 : i32
    %c0_i32_1 = arith.constant 0 : i32
    return %c0_i32, %c0_i32_0 : i32, i32
  }
  func.func @transform_3(%arg0: i32) -> (i32, i32, i32) {
    %c0_i32 = arith.constant 0 : i32
    %c0_i32_0 = arith.constant 0 : i32
    %c0_i32_1 = arith.constant 0 : i32
    return %arg0, %c0_i32, %c0_i32_0 : i32, i32, i32
  }
  func.func @transform_4(%arg0: i32) -> (i32, i32, i32) {
    %c0_i32 = arith.constant 0 : i32
    %c0_i32_0 = arith.constant 0 : i32
    %c0_i32_1 = arith.constant 0 : i32
    return %arg0, %c0_i32, %c0_i32_0 : i32, i32, i32
  }
  func.func @transform_5(%arg0: i32) -> (i32, i32, i32) {
    %c0_i32 = arith.constant 0 : i32
    %c0_i32_0 = arith.constant 0 : i32
    %c0_i32_1 = arith.constant 0 : i32
    return %arg0, %c0_i32, %c0_i32_0 : i32, i32, i32
  }
  func.func @transform_6(%arg0: i32) -> (i32, i32, i32) {
    %c0_i32 = arith.constant 0 : i32
    %c0_i32_0 = arith.constant 0 : i32
    %c0_i32_1 = arith.constant 0 : i32
    return %arg0, %c0_i32, %c0_i32_0 : i32, i32, i32
  }
}

</mosaic_0001>

<sc_bundles>
// kernel: kernel.5.cloned.1.call-start
scs
__scs_entry_jumppad:
0x0: {  	(pc) =	sbr.rel $0x88, $3  }
0x1: {  	(tag) =	ssettag $0x0;
	lr =	simm.s32 $0x1  }
0x2: {  	[smem:$0x3F98] =	sst lr;
	_ =	strace $0xD0000000  }
0x3: {  	_ = 	snop  }
0x4: {  	_ = 	snop  }
0x5: {  	_ = 	snop  }
0x6: {  	_ = 	snop  }
0x7: {  	_ = 	snop  }
__scs_overlays_trampoline_lowered:
0x8: {  	[smem:$0x3FA7] =	sst s0  }
0x9: {  	[smem:$0x3FA8] =	sst s1  }
0xa: {  	[smem:$0x3FA9] =	sst s2  }
0xb: {  	[smem:$0x3FAA] =	sst s3  }
0xc: {  	[smem:$0x3FAB] =	sst s4  }
0xd: {  	[smem:$0x3FAC] =	sst s5  }
0xe: {  	[smem:$0x3FAD] =	sst s6  }
0xf: {  	[smem:$0x3FAE] =	sst s7  }
0x10: {  	[smem:$0x3FAF] =	sst s8  }
0x11: {  	[smem:$0x3FB0] =	sst s9;
	s0 =	simm.s32 @!p0 $0x0  }
0x12: {  	s1 =	sld [smem:$0x3F96];
	s0 =	simm.s32 @p0 $0x1  }
0x13: {  	[smem:$0x3FB1] =	sst s0;
	s0 =	simm.s32 @!p1 $0x0  }
0x14: {  	s2 =	sld [smem:$0x3F95];
	s0 =	simm.s32 @p1 $0x1  }
0x15: {  	[smem:$0x3FB2] =	sst s0;
	s0 =	simm.s32 @!p2 $0x0  }
0x16: {  	s3 =	sld [smem:$0x3FDB];
	s0 =	simm.s32 @p2 $0x1  }
0x17: {  	s4 =	simm.s32 $0x1BF5;
	[smem:$0x3FB4] =	sst s0  }
0x18: {  	s0 =	sld [smem:$0x3F97];
	_ =	swait.ge [sflag:s4], $0x0  }
0x19: {  	s7 =	sld [smem:$0x3F98]  }
0x1a: {  	s8 =	sadd.s32 $0xFFFFE003, lr  }
0x1b: {  	s9 =	sadd.s32 $0xFFFFFEF7, lr;
	s5 =	simm.s32 $0xFFFFFFFF;
	p2 =	slt.u32 s8, $0xFFFFF086  }
0x1c: {  	p1 =	slt.u32 s9, $0xF7A;
	s5 =	simm.s32 @!p2 $0x0  }
0x1d: {  	s5 =	simm.s32 @p1 $0x1;
	p0 =	seq.s32 s7, s2  }
0x1e: {  	s7 =	smul.u32 @!p0 $0xF7A, s2;
	p2 =	seq.s32 @!p0 s5, $0x0  }
0x1f: {  	s9 =	smul.u32 $0xF7A, s1;
	s8 =	simm.s32 @!p0 $0x1BF5;
	p2 =	por !p2, p0  }
0x20: {  	[sflag:s8] =	ssyncset.s32 @!p0 $0xFFFFF086;
	s6 =	sadd.s32 @!p0 s3, s7;
	s7 =	simm.s32 @!p0 $0x108  }
0x21: {  	s3 =	sadd.s32 s3, s9;
	s6 =	sadd.s32 @!p0 $0x88, s6;
	s7 =	simm.s32 @p2 $0x1082  }
0x22: {  	[simem:s7], [sflag:s8] =	dma.local @!p0 [hbm:s6], $0xF7A  }
0x23: {  	s9 =	sor.u32 $0xD0000000, s2;
	s6 =	simm.s32 $0x108;
	_ =	swait.ge @!p0 [sflag:s8], $0x0  }
0x24: {  	s3 =	sadd.s32 $0x88, s3;
	s6 =	simm.s32 @!p1 $0x1082;
	[sflag:s4] =	ssyncset.s32 $0xFFFFF086  }
0x25: {  	[simem:s6], [sflag:s4] =	dma.local [hbm:s3], $0xF7A  }
0x26: {  	[smem:$0x3F98] =	sst s1;
	(tag) =	ssettag s2;
	_ =	strace s9  }
0x27: {  	s1 =	sld [smem:$0x3FA8]  }
0x28: {  	s2 =	sld [smem:$0x3FA9]  }
0x29: {  	s4 =	sld [smem:$0x3FAB]  }
0x2a: {  	p0 =	seq.s32 s5, $0x0;
	s5 =	sld [smem:$0x3FAC]  }
0x2b: {  	s6 =	sld [smem:$0x3FAD]  }
0x2c: {  	s7 =	sld [smem:$0x3FAE]  }
0x2d: {  	s3 =	simm.s32 $0x108;
	s8 =	sld [smem:$0x3FAF]  }
0x2e: {  	s3 =	simm.s32 @!p0 $0x1082;
	s9 =	sld [smem:$0x3FB0]  }
0x2f: {  	lr =	sadd.s32 s0, s3;
	s0 =	sld [smem:$0x3FA7]  }
0x30: {  	s3 =	sld [smem:$0x3FAA]  }
0x31: {  	[smem:$0x3FB3] =	sst s10  }
0x32: {  	s10 =	sld [smem:$0x3FB1];
	_ =	sdelay $0x3  }
0x33: {  	p0 =	seq.s32 s10, $0x1;
	s10 =	sld [smem:$0x3FB3];
	_ =	sdelay $0x3  }
0x34: {  	[smem:$0x3FB3] =	sst s10  }
0x35: {  	s10 =	sld [smem:$0x3FB2];
	_ =	sdelay $0x3  }
0x36: {  	p1 =	seq.s32 s10, $0x1;
	s10 =	sld [smem:$0x3FB3];
	_ =	sdelay $0x3  }
0x37: {  	[smem:$0x3FB3] =	sst s10  }
0x38: {  	s10 =	sld [smem:$0x3FB4]  }
0x39: {  	_ = 	snop;
	(pc) =	sbr.ind lr, $3  }
0x3a: {  	_ = 	snop  }
0x3b: {  	_ = 	snop  }
0x3c: {  	p2 =	seq.s32 s10, $0x1;
	s10 =	sld [smem:$0x3FB3]  }
0x3d: {  	_ =	shalt  }
0x3e: {  	_ =	shalt  }
0x3f: {  	_ =	shalt  }
0x40: {  	_ =	shalt  }
0x41: {  	_ =	shalt  }
0x42: {  	_ =	shalt  }
0x43: {  	_ =	shalt  }
0x44: {  	_ =	shalt  }
0x45: {  	_ =	shalt  }
0x46: {  	_ =	shalt  }
0x47: {  	_ =	shalt  }
0x48: {  	_ =	shalt  }
0x49: {  	_ =	shalt  }
0x4a: {  	_ =	shalt  }
0x4b: {  	_ =	shalt  }
0x4c: {  	_ =	shalt  }
0x4d: {  	_ =	shalt  }
0x4e: {  	_ =	shalt  }
0x4f: {  	_ =	shalt  }
0x50: {  	_ =	shalt  }
0x51: {  	_ =	shalt  }
0x52: {  	_ =	shalt  }
0x53: {  	_ =	shalt  }
0x54: {  	_ =	shalt  }
0x55: {  	_ =	shalt  }
0x56: {  	_ =	shalt  }
0x57: {  	_ =	shalt  }
0x58: {  	_ =	shalt  }
0x59: {  	_ =	shalt  }
0x5a: {  	_ =	shalt  }
0x5b: {  	_ =	shalt  }
0x5c: {  	_ =	shalt  }
0x5d: {  	_ =	shalt  }
0x5e: {  	_ =	shalt  }
0x5f: {  	_ =	shalt  }
0x60: {  	_ =	shalt  }
0x61: {  	_ =	shalt  }
0x62: {  	_ =	shalt  }
0x63: {  	_ =	shalt  }
0x64: {  	_ =	shalt  }
0x65: {  	_ =	shalt  }
0x66: {  	_ =	shalt  }
0x67: {  	_ =	shalt  }
0x68: {  	_ =	shalt  }
0x69: {  	_ =	shalt  }
0x6a: {  	_ =	shalt  }
0x6b: {  	_ =	shalt  }
0x6c: {  	_ =	shalt  }
0x6d: {  	_ =	shalt  }
0x6e: {  	_ =	shalt  }
0x6f: {  	_ =	shalt  }
0x70: {  	_ =	shalt  }
0x71: {  	_ =	shalt  }
0x72: {  	_ =	shalt  }
0x73: {  	_ =	shalt  }
0x74: {  	_ =	shalt  }
0x75: {  	_ =	shalt  }
0x76: {  	_ =	shalt  }
0x77: {  	_ =	shalt  }
0x78: {  	_ =	shalt  }
0x79: {  	_ =	shalt  }
0x7a: {  	_ =	shalt  }
0x7b: {  	_ =	shalt  }
0x7c: {  	_ =	shalt  }
0x7d: {  	_ =	shalt  }
0x7e: {  	_ =	shalt  }
0x7f: {  	_ =	shalt  }
0x80: {  	_ =	shalt  }
0x81: {  	_ =	shalt  }
0x82: {  	_ =	shalt  }
0x83: {  	_ =	shalt  }
0x84: {  	_ =	shalt  }
0x85: {  	_ =	shalt  }
0x86: {  	_ =	shalt  }
0x87: {  	_ =	shalt  }
.Lfunc_end0:
.L_simem_size_0:
called_computation_lowered:
.L_overlay_start_0:
0x88: {  	s2 =	sld [smem:$0x3FD9]  }
0x89: {  	s3 =	sld [smem:$0x3FFE];
	_ =	sdelay $0x1  }
0x8a: {  	s1 =	srdreg.scid  }
0x8b: {  	s0 =	sand.u32 $0x1, s1  }
0x8c: {  	s17 =	sshll.u32 s0, $0xA;
	s2 =	sadd.s32 s3, s2  }
0x8d: {  	s2 =	sadd.s32 s2, s17  }
0x8e: {  	[smem:$0x3FBF] =	sst s2  }
0x8f: {  	_ = 	snop  }
0x90: {  	s2 =	sld [smem:$0x3FC9];
	(tm) =	ssettm $0x1  }
0x91: {  	s18 =	sld [smem:$0x3FFB];
	_ =	sdelay $0x3  }
0x92: {  	_ =	strace s18  }
0x93: {  	s3 =	sld [smem:$0x3FFC];
	_ =	sdelay $0x3  }
0x94: {  	_ =	strace s3  }
0x95: {  	s3 =	sld [smem:$0x3FFD];
	_ =	sdelay $0x3  }
0x96: {  	_ =	strace s3  }
0x97: {  	_ =	strace $0x8FFFFFFF  }
0x98: {  	s19 =	sld [smem:$0x3FDB];
	_ =	sdelay $0x1  }
0x99: {  	s4 =	simm.s32 $_scs_section_size  }
0x9a: {  	s5 =	simm.s32 $_size__tile_overlayer_lowered;
	s6 =	simm.s32 $_tile_overlayer_lowered  }
0x9b: {  	s22 =	simm.s32 $0x1BFF;
	s21 =	sshll.u32 s6, $0x1;
	s3 =	sadd.s32 s4, s19  }
0x9c: {  	s7 =	simm.s32 $0x0;
	s20 =	sshll.u32 s5, $0x1;
	s5 =	sadd.s32 s21, s3  }
0x9d: {  	[timem:s7], [sflag:s22] =	dma.local [hbm:s5], s20  }
0x9e: {  	_ =	swait.ge [sflag:s22], s20  }
0x9f: {  	s4 =	ssub.s32 $0x0, s20;
	[sflag:s22] =	ssyncset.done $0x0  }
0xa0: {  	[sflag:s22] =	ssyncadd.s32 s4;
	_ =	sdelay $0x1  }
0xa1: {  	s23 =	simm.s32 $0x1B8B  }
0xa2: {  	_ =	swait.ge [sflag:s23], $0x1  }
0xa3: {  	[sflag:s23] =	ssyncset.done $0x0  }
0xa4: {  	s25 =	simm.s32 $0x1B8E;
	s24 =	sld [smem:$0x3FFE];
	[sflag:s23] =	ssyncadd.s32 $0xFFFFFFFF  }
0xa5: {  	s26 =	simm.s32 $execute0_lowered;
	[smem:$0x3FD2] =	sst s25  }
0xa6: {  	s5 =	sshll.u32 s26, $0x1;
	_ =	strace $0x80000046;
	[dreg:$0x1] =	wrdreg $0xFFFFFFFF  }
0xa7: {  	s28 =	simm.s32 $_size_execute0_lowered;
	s3 =	sadd.s32 s3, s5;
	[dreg:$0x0] =	wrdreg $0x0  }
0xa8: {  	s5 =	sshll.u32 s28, $0x1;
	[dreg:$0x2] =	wrdreg s3  }
0xa9: {  	[dreg:$0x3] =	wrdreg s5  }
0xaa: {  	[dreg:$0x4] =	wrdreg $0xC0  }
0xab: {  	_ =	task [dreg:s7], $0x5FFFF  }
0xac: {  	[dreg:$0x1] =	wrdreg $0xFFFFFFFF  }
0xad: {  	[dreg:$0x0] =	wrdreg $0x60  }
0xae: {  	[dreg:$0x2] =	wrdreg s24  }
0xaf: {  	[dreg:$0x3] =	wrdreg s2  }
0xb0: {  	[dreg:$0x4] =	wrdreg $0x9  }
0xb1: {  	_ =	task.clear_ibuf [dreg:s7], $0x5FFFF;
	_ =	strace $0x90000046  }
0xb2: {  	s29 =	simm.s32 $0x9;
	_ =	strace $0x80000048  }
0xb3: {  	_ =	swait.ge [sflag:s29], $0x1  }
0xb4: {  	[sflag:s29] =	ssyncadd.s32 $0xFFFFFFFF  }
0xb5: {  	_ =	strace $0x90000048  }
0xb6: {  	_ =	sfence  }
0xb7: {  	s30 =	sld [smem:$0x0];
	_ =	sdelay $0x2  }
0xb8: {  	s31 =	sshll.u32 s1, $0xD;
	s1 =	sshrl.u32 s1, $0x2  }
0xb9: {  	s3 =	sand.u32 $0x4000, s31;
	s1 =	sadd.s32 s1, s30  }
0xba: {  	s0 =	sor.u32 s3, s0;
	s1 =	sshll.u32 s1, $0x11  }
0xbb: {  	s0 =	sor.u32 s1, s0  }
0xbc: {  	s0 =	sadd.s32 $0x8F2B, s0  }
0xbd: {  	[sflag:s0] =	ssyncadd.remote.s32 $0x1  }
0xbe: {  	_ =	sfence.sel $0xFFFF  }
0xbf: {  	[dreg:$0x0] =	wrdreg $0xFFFFFFFF;
	(pc) =	sbr.abs _section_cstart, $3  }
0xc0: {  	[dreg:$0x1] =	wrdreg $0xFFFFFFFF  }
0xc1: {  	_ =	task.clear_ibuf [dreg:s7], $0x2FFFF;
	_ =	strace $0x9FFFFFFF  }
0xc2: {  	(tm) =	ssettm $0x7FFFFFFF  }
0xc3: {  	_ =	shalt  }
tec
execute0_lowered:
.L_overlay_start_1:
0x0: {  	(tag) =	ssettag $0x1  }
0x1: {  	s4 =	stileid.u32;
	s0 =	srdreg.scid  }
0x2: {  	s0 =	sand.u32 $0x1, s0;
	s2 =	sshll.u32 s4, $0x1  }
0x3: {  	s2 =	sor.u32 s0, s2  }
0x4: {  	s1 =	rddreg [dreg:$0x0];
	s5 =	ssub.s32 $0x2, s0;
	s2 =	smul.u32 $0xC350, s2  }
0x5: {  	s3 =	simm.s32 $0x0;
	s4 =	smul.u32 $0x1F4, s4;
	s7 =	sshrl.u32 s5, $0x1  }
0x6: {  	[smem:$0x7FF] =	sst s3;
	s14 =	ssub.s32 s5, s7;
	s2 =	sshrl.u32 s2, $0x3  }
0x7: {  	s6 =	sadd.s32 s4, s1;
	s4 =	sadd.s32 s1, s2;
	s1 =	smax.u32 s14, $0x1  }
0x8: {  	_ =	strace $0x80000047;
	s2 =	sadd.s32 $0x30D40, s4;
	[dreg:$0x16] =	wrdreg s1  }
0x9: {  	s15 =	sadd.s32 $0xFA, s4;
	[dreg:$0x3] =	wrdreg s2  }
0xa: {  	s16 =	sadd.s32 $0x30E3A, s4;
	[dreg:$0x4] =	wrdreg s15  }
0xb: {  	s17 =	sadd.s32 $0x1F4, s4;
	[dreg:$0x5] =	wrdreg s16  }
0xc: {  	s18 =	sadd.s32 $0x30F34, s4;
	[dreg:$0x6] =	wrdreg s17  }
0xd: {  	s19 =	sadd.s32 $0x2EE, s4;
	[dreg:$0x7] =	wrdreg s18  }
0xe: {  	s20 =	sadd.s32 $0x3102E, s4;
	[dreg:$0x8] =	wrdreg s19  }
0xf: {  	s21 =	sadd.s32 $0x3E8, s4;
	[dreg:$0x9] =	wrdreg s20  }
0x10: {  	s22 =	sadd.s32 $0x31128, s4;
	[dreg:$0xa] =	wrdreg s21  }
0x11: {  	s23 =	sadd.s32 $0x4E2, s4;
	[dreg:$0xb] =	wrdreg s22  }
0x12: {  	s24 =	sadd.s32 $0x31222, s4;
	[dreg:$0xc] =	wrdreg s23  }
0x13: {  	s25 =	sadd.s32 $0x5DC, s4;
	[dreg:$0xd] =	wrdreg s24  }
0x14: {  	s26 =	sadd.s32 $0x3131C, s4;
	[dreg:$0xe] =	wrdreg s25  }
0x15: {  	s5 =	sadd.s32 $0x6D6, s4;
	[dreg:$0xf] =	wrdreg s26  }
0x16: {  	s7 =	sadd.s32 $0x31416, s4;
	[dreg:$0x10] =	wrdreg s5  }
0x17: {  	s8 =	sadd.s32 $0x7D0, s4;
	[dreg:$0x11] =	wrdreg s7  }
0x18: {  	s9 =	sadd.s32 $0x31510, s4;
	[dreg:$0x12] =	wrdreg s8  }
0x19: {  	s10 =	sadd.s32 $0x8CA, s4;
	[dreg:$0x13] =	wrdreg s9  }
0x1a: {  	s11 =	sadd.s32 $0x3160A, s4;
	[dreg:$0x14] =	wrdreg s10  }
0x1b: {  	s29 =	simm.s32 $0x18700;
	s12 =	sadd.s32 $0x9C4, s4;
	[dreg:$0x15] =	wrdreg s11  }
0x1c: {  	s30 =	simm.s32 $0x18F00;
	s13 =	sadd.s32 $0x31704, s4;
	[dreg:$0x17] =	wrdreg s12  }
0x1d: {  	s0 =	smul.u32 $0xFA, s0;
	s14 =	sadd.s32 $0xABE, s4;
	[dreg:$0x18] =	wrdreg s13  }
0x1e: {  	v0 =	vimm.s32 $0xEDCBA987;
	s31 =	simm.s32 $0x3;
	[dreg:$0x19] =	wrdreg s14;
	s15 =	sadd.s32 $0x317FE, s4  }
0x1f: {  	v1 =	vimm.s32 $0x65432100;
	v2 =	vimm.s32 $0xDCBA9876;
	v0 =	vunpack.c.l.s4.s8 v0;
	s0 =	sadd.s32 s0, s6;
	s16 =	sadd.s32 $0xBB8, s4;
	[dreg:$0x1a] =	wrdreg s15  }
0x20: {  	v3 =	vimm.s32 $0x54321000;
	v4 =	vimm.s32 $0xE40000;
	v1 =	vunpack.c.l.s4.s8 v1;
	s6 =	simm.s32 $0x2;
	s17 =	sadd.s32 $0x318F8, s4;
	[dreg:$0x1b] =	wrdreg s16  }
0x21: {  	v5 =	vimm.s32 $0xBA987654;
	v6 =	vimm.s32 $0x7060504;
	v0 =	vunpack.c.0.s8.s32 v0;
	s28 =	sadd.s32 $0x324B0, s4;
	s18 =	sadd.s32 $0xCB2, s4;
	[dreg:$0x1c] =	wrdreg s17  }
0x22: {  	v7 =	vimm.s32 $0xFFEDCBA9;
	v8 =	vimm.s32 $0x87654321;
	v1 =	vunpack.c.0.s8.s32 v1;
	s1 =	simm.s32 $0x19700;
	s19 =	sadd.s32 $0x319F2, s4;
	[dreg:$0x1d] =	wrdreg s18  }
0x23: {  	vm0 =	vcmask $0x3F30;
	vm1 =	vcmask $0x3F08;
	v0 =	vand.u32 $0xF, v0;
	s25 =	sadd.s32 $0x61C00, s0;
	s20 =	sadd.s32 $0xDAC, s4;
	[dreg:$0x1e] =	wrdreg s19  }
0x24: {  	v2 =	vunpack.c.l.s4.s8 v2;
	v4 =	vunpack.c.l.s2.s4 v4;
	v0 =	vcombine.low v1, v0;
	s21 =	sadd.s32 $0x31AEC, s4;
	s22 =	sadd.s32 $0xEA6, s4;
	[dreg:$0x1f] =	wrdreg s20  }
0x25: {  	v1 =	vunpack.c.l.s4.s8 v3;
	v3 =	vunpack.c.l.s4.s8 v5;
	v5 =	vimm.s32 $0x32100000;
	s23 =	sadd.s32 $0x31BE6, s4;
	s24 =	sadd.s32 $0xFA0, s4;
	[smem:$0x7F9] =	sst s21  }
0x26: {  	v6 =	vunpack.c.0.s8.s32 v6;
	v4 =	vunpack.c.l.s4.s8 v4;
	v5 =	vunpack.c.l.s4.s8 v5;
	s26 =	sadd.s32 $0x31CE0, s4;
	s11 =	sadd.s32 $0x109A, s4;
	[smem:$0x7FA] =	sst s22  }
0x27: {  	v7 =	vunpack.c.l.s4.s8 v7;
	v2 =	vunpack.c.0.s8.s32 v2;
	v3 =	vunpack.c.0.s8.s32 v3;
	s12 =	sadd.s32 $0x31DDA, s4;
	s13 =	sadd.s32 $0x1194, s4;
	[smem:$0x7FB] =	sst s23  }
0x28: {  	v4 =	vunpack.c.0.s8.s32 v4;
	v1 =	vunpack.c.0.s8.s32 v1;
	s14 =	sadd.s32 $0x31ED4, s4;
	s0 =	simm.s32 $0x19F00;
	[smem:$0x7FC] =	sst s24;
	v5 =	vunpack.c.0.s8.s32 v5  }
0x29: {  	v8 =	vunpack.c.l.s4.s8 v8;
	v2 =	vand.u32 $0xF, v2;
	s2 =	simm.s32 $0x1;
	s5 =	simm.s32 $0xC380;
	[smem:$0x7FD] =	sst s26;
	v3 =	vand.u32 $0xF, v3  }
0x2a: {  	v4 =	vand.u32 $0x3, v4;
	s15 =	sadd.s32 $0x128E, s4;
	s16 =	sadd.s32 $0x31FCE, s4;
	s17 =	sadd.s32 $0x1388, s4;
	v1 =	vcombine.low v1, v2;
	v2 =	vcombine.low v5, v3  }
0x2b: {  	s18 =	sadd.s32 $0x320C8, s4;
	s19 =	sadd.s32 $0x1482, s4;
	s20 =	sadd.s32 $0x321C2, s4;
	v3 =	vsel vm0, v6, v4;
	v5 =	vunpack.c.0.s8.s32 v7;
	v6 =	vunpack.c.0.s8.s32 v8  }
0x2c: {  	vm2 =	vcmask $0x3F10;
	vm3 =	vcmask $0x3F20;
	vm4 =	vcmask $0x3F3C;
	s21 =	sadd.s32 $0x157C, s4;
	s22 =	sadd.s32 $0x322BC, s4;
	s23 =	sadd.s32 $0x1676, s4  }
0x2d: {  	s7 =	simm.s32 $0x0;
	s24 =	sadd.s32 $0x323B6, s4;
	s26 =	sadd.s32 $0x1770, s4;
	v4 =	vimm.f32 $3.000000010e+38;
	vm0 =	vcmask $0x3F04;
	v5 =	vcombine.low v6, v5  }
.LBB2_1:
0x2e: {  	[tilespmem:s29], [sflag:$0x1] =	stream.linear.gather [hbm4b:s4+s3], $0x7D0, $0x38;
	[tilespmem:$0x1A700] =	vst v63  }
0x2f: {  	s8 =	rddreg [dreg:$0x3]  }
0x30: {  	[tilespmem:s30], [sflag:$0x1] =	stream.linear.gather [hbm4b:s8+s3], $0x7D0, $0x38;
	[tilespmem:$0x1A700] =	vst v63  }
0x31: {  	s10 =	rddreg [dreg:$0x1]  }
0x32: {  	[tilespmem:s3], [sflag:$0x3] =	stream.linear.gather [hbm4b:s10+s3], $0xC380, $0x38;
	[tilespmem:$0x1A700] =	vst v63  }
0x33: {  	_ =	swait.ge [sflag:s31], $0xC380  }
0x34: {  	[sflag:s31] =	ssyncset.done $0x0  }
0x35: {  	s9 =	simm.s32 $0x0;
	s8 =	simm.s32 $0x40;
	[sflag:s31] =	ssyncadd.s32 $0xFFFF3C80  }
.LBB2_2:
0x36: {  	p0 =	sne.s32 s8, $0x30D00;
	[tilespmem:s9+$0xC380] =	vst v4;
	s9 =	smov.u32 s8;
	s8 =	sadd.s32 $0x40, s8  }
.Ltmp0:
0x37: {  	(pc) =	sbr.rel @p0 .LBB2_2-.Ltmp0, $2  }
0x38: {  	_ =	sdelay $0x2  }
0x39: {  	s9 =	sshra.s32 s9, $0x2  }
0x3a: {  	[tilespmem:s9+$0xC380] =	vst v4;
	s8 =	simm.s32 $0x0;
	s10 =	rddreg [dreg:$0x4]  }
0x3b: {  	[tilespmem:s1], [sflag:$0x2] =	stream.linear.gather [hbm4b:s10+s8], $0x7D0, $0x38;
	[tilespmem:$0x1A700] =	vst v63  }
0x3c: {  	s10 =	rddreg [dreg:$0x5]  }
0x3d: {  	[tilespmem:s0], [sflag:$0x2] =	stream.linear.gather [hbm4b:s10+s8], $0x7D0, $0x38;
	[tilespmem:$0x1A700] =	vst v63  }
0x3e: {  	_ =	swait.ge [sflag:s2], $0x7D0  }
0x3f: {  	[sflag:s2] =	ssyncset.done $0x0  }
0x40: {  	[sflag:s2] =	ssyncadd.s32 $0xFFFFF830  }
0x41: {  	_ =	swait.ge [sflag:s2], $0x7D0  }
0x42: {  	[sflag:s2] =	ssyncset.done $0x0  }
0x43: {  	s9 =	simm.s32 $0x0;
	s8 =	simm.s32 $0x40;
	[sflag:s2] =	ssyncadd.s32 $0xFFFFF830  }
.LBB2_4:
0x44: {  	p0 =	sne.s32 s8, $0x1F00;
	v6 =	vld [tilespmem:s9+$0x18700];
	_ =	sdelay $0x6  }
0x45: {  	v7 =	vld [tilespmem:s9+$0x18F00]  }
0x46: {  	v6 =	vld.idx.msk [tilespmem:v6+s3+$0x0], $0xffff;
	_ =	sdelay $0x4  }
0x47: {  	v7 =	vxor.u32 $0x80000000, v7  }
0x48: {  	(xrf1) =	vsort.ascd.msk.u32 $0xffff, v7, v6;
	_ =	sdelay $0xd  }
0x49: {  	v6, v7, _ =	vpop (xrf1)  }
0x4a: {  	v6 =	vxor.u32 $0x80000000, v6  }
0x4b: {  	v8 =	vperm.xlane v6, v0  }
0x4c: {  	v9 =	vperm.xlane v7, v0  }
0x4d: {  	vm5 =	veq.s32 v8, v6  }
0x4e: {  	v8 =	vmin.f32 v7, v9;
	vm5 =	vmand vm5, vm0  }
0x4f: {  	v7 =	vsel vm5, v8, v7;
	v8 =	vperm.xlane v6, v1  }
0x50: {  	v9 =	vperm.xlane v7, v1  }
0x51: {  	vm5 =	veq.s32 v8, v6  }
0x52: {  	vm5 =	vmand vm5, vm1;
	v8 =	vmin.f32 v7, v9  }
0x53: {  	v7 =	vsel vm5, v8, v7;
	v8 =	vperm.xlane v6, v2  }
0x54: {  	v10 =	vperm.xlane v6, v5;
	v9 =	vperm.xlane v7, v2  }
0x55: {  	vm5 =	veq.s32 v8, v6  }
0x56: {  	vm6 =	vne.s32 v10, v6;
	vm5 =	vmand vm5, vm2;
	v8 =	vmin.f32 v7, v9;
	v9 =	vld.idx.msk [tilespmem:v6+s5+$0x0], $0xffff  }
0x57: {  	v7 =	vsel vm5, v8, v7;
	v8 =	vperm.xlane v6, v3;
	vm5 =	vmor vm6, vm4  }
0x58: {  	v10 =	vperm.xlane v7, v3  }
.Ltmp1:
0x59: {  	vm6 =	veq.s32 v8, v6;
	(pc) =	sbr.rel @p0 .LBB2_4-.Ltmp1, $4  }
0x5a: {  	vm6 =	vmand vm6, vm3;
	v8 =	vmin.f32 v7, v10  }
0x5b: {  	v7 =	vsel vm6, v8, v7  }
0x5c: {  	v7 =	vmin.f32 v9, v7  }
0x5d: {  	s9 =	sshra.s32 s8, $0x2;
	s8 =	sadd.s32 $0x40, s8;
	[tilespmem:v6+s5+$0x0] =	vst.idx.msk vm5, v7  }
0x5e: {  	v6 =	vld [tilespmem:s9+$0x18700];
	_ =	sdelay $0x6  }
0x5f: {  	v7 =	vld [tilespmem:s9+$0x18F00]  }
0x60: {  	v6 =	vld.idx.msk [tilespmem:v6+s3+$0x0], $0xffff;
	_ =	sdelay $0x3  }
0x61: {  	v7 =	vxor.u32 $0x80000000, v7  }
0x62: {  	(xrf1) =	vsort.ascd.msk.u32 $0xffff, v7, v6;
	_ =	sdelay $0xd  }
0x63: {  	v6, v7, _ =	vpop (xrf1)  }
0x64: {  	v6 =	vxor.u32 $0x80000000, v6  }
0x65: {  	v8 =	vperm.xlane v6, v0  }
0x66: {  	v9 =	vperm.xlane v7, v0  }
0x67: {  	vm5 =	veq.s32 v8, v6  }
0x68: {  	v53 =	vmin.f32 v7, v9;
	vm5 =	vmand vm5, vm0  }
0x69: {  	v54 =	vperm.xlane v6, v1;
	v7 =	vsel vm5, v53, v7  }
0x6a: {  	v55 =	vperm.xlane v7, v1  }
0x6b: {  	vm5 =	veq.s32 v54, v6  }
0x6c: {  	vm5 =	vmand vm5, vm1;
	v56 =	vmin.f32 v7, v55  }
0x6d: {  	v57 =	vperm.xlane v6, v2;
	v7 =	vsel vm5, v56, v7  }
0x6e: {  	v10 =	vperm.xlane v6, v5;
	v58 =	vperm.xlane v7, v2  }
0x6f: {  	vm5 =	veq.s32 v57, v6  }
0x70: {  	vm6 =	vne.s32 v10, v6;
	vm5 =	vmand vm5, vm2;
	v59 =	vmin.f32 v7, v58  }
0x71: {  	v61 =	vperm.xlane v6, v3;
	v60 =	vld.idx.msk [tilespmem:v6+s5+$0x0], $0xffff;
	v7 =	vsel vm5, v59, v7;
	vm5 =	vmor vm6, vm4  }
0x72: {  	v62 =	vperm.xlane v7, v3  }
0x73: {  	vm6 =	veq.s32 v61, v6  }
0x74: {  	vm6 =	vmand vm6, vm3;
	v63 =	vmin.f32 v7, v62  }
0x75: {  	v7 =	vsel vm6, v63, v7  }
0x76: {  	v7 =	vmin.f32 v60, v7  }
0x77: {  	s8 =	simm.s32 $0x0;
	s10 =	rddreg [dreg:$0x6];
	[tilespmem:v6+s5+$0x0] =	vst.idx.msk vm5, v7  }
0x78: {  	[tilespmem:s29], [sflag:$0x1] =	stream.linear.gather [hbm4b:s10+s8], $0x7D0, $0x38;
	[tilespmem:$0x1A700] =	vst v63  }
0x79: {  	s10 =	rddreg [dreg:$0x7]  }
0x7a: {  	[tilespmem:s30], [sflag:$0x1] =	stream.linear.gather [hbm4b:s10+s8], $0x7D0, $0x38;
	[tilespmem:$0x1A700] =	vst v63  }
0x7b: {  	_ =	swait.ge [sflag:s6], $0x7D0  }
0x7c: {  	[sflag:s6] =	ssyncset.done $0x0  }
0x7d: {  	[sflag:s6] =	ssyncadd.s32 $0xFFFFF830  }
0x7e: {  	_ =	swait.ge [sflag:s6], $0x7D0  }
0x7f: {  	[sflag:s6] =	ssyncset.done $0x0  }
0x80: {  	s9 =	simm.s32 $0x0;
	s8 =	simm.s32 $0x40;
	[sflag:s6] =	ssyncadd.s32 $0xFFFFF830  }
.LBB2_6:
0x81: {  	p0 =	sne.s32 s8, $0x1F00;
	v6 =	vld [tilespmem:s9+$0x19700];
	_ =	sdelay $0x6  }
0x82: {  	v7 =	vld [tilespmem:s9+$0x19F00]  }
0x83: {  	v6 =	vld.idx.msk [tilespmem:v6+s3+$0x0], $0xffff;
	_ =	sdelay $0x4  }
0x84: {  	v7 =	vxor.u32 $0x80000000, v7  }
0x85: {  	(xrf1) =	vsort.ascd.msk.u32 $0xffff, v7, v6;
	_ =	sdelay $0xd  }
0x86: {  	v6, v7, _ =	vpop (xrf1)  }
0x87: {  	v6 =	vxor.u32 $0x80000000, v6  }
0x88: {  	v8 =	vperm.xlane v6, v0  }
0x89: {  	v9 =	vperm.xlane v7, v0  }
0x8a: {  	vm5 =	veq.s32 v8, v6  }
0x8b: {  	v8 =	vmin.f32 v7, v9;
	vm5 =	vmand vm5, vm0  }
0x8c: {  	v7 =	vsel vm5, v8, v7;
	v8 =	vperm.xlane v6, v1  }
0x8d: {  	v9 =	vperm.xlane v7, v1  }
0x8e: {  	vm5 =	veq.s32 v8, v6  }
0x8f: {  	vm5 =	vmand vm5, vm1;
	v8 =	vmin.f32 v7, v9  }
0x90: {  	v7 =	vsel vm5, v8, v7;
	v8 =	vperm.xlane v6, v2  }
0x91: {  	v10 =	vperm.xlane v6, v5;
	v9 =	vperm.xlane v7, v2  }
0x92: {  	vm5 =	veq.s32 v8, v6  }
0x93: {  	vm6 =	vne.s32 v10, v6;
	vm5 =	vmand vm5, vm2;
	v8 =	vmin.f32 v7, v9;
	v9 =	vld.idx.msk [tilespmem:v6+s5+$0x0], $0xffff  }
0x94: {  	v7 =	vsel vm5, v8, v7;
	v8 =	vperm.xlane v6, v3;
	vm5 =	vmor vm6, vm4  }
0x95: {  	v10 =	vperm.xlane v7, v3  }
.Ltmp2:
0x96: {  	vm6 =	veq.s32 v8, v6;
	(pc) =	sbr.rel @p0 .LBB2_6-.Ltmp2, $4  }
0x97: {  	vm6 =	vmand vm6, vm3;
	v8 =	vmin.f32 v7, v10  }
0x98: {  	v7 =	vsel vm6, v8, v7  }
0x99: {  	v7 =	vmin.f32 v9, v7  }
0x9a: {  	s9 =	sshra.s32 s8, $0x2;
	s8 =	sadd.s32 $0x40, s8;
	[tilespmem:v6+s5+$0x0] =	vst.idx.msk vm5, v7  }
0x9b: {  	v6 =	vld [tilespmem:s9+$0x19700];
	_ =	sdelay $0x6  }
0x9c: {  	v7 =	vld [tilespmem:s9+$0x19F00]  }
0x9d: {  	v6 =	vld.idx.msk [tilespmem:v6+s3+$0x0], $0xffff;
	_ =	sdelay $0x3  }
0x9e: {  	v7 =	vxor.u32 $0x80000000, v7  }
0x9f: {  	(xrf1) =	vsort.ascd.msk.u32 $0xffff, v7, v6;
	_ =	sdelay $0xd  }
0xa0: {  	v6, v7, _ =	vpop (xrf1)  }
0xa1: {  	v6 =	vxor.u32 $0x80000000, v6  }
0xa2: {  	v8 =	vperm.xlane v6, v0  }
0xa3: {  	v9 =	vperm.xlane v7, v0  }
0xa4: {  	vm5 =	veq.s32 v8, v6  }
0xa5: {  	v53 =	vmin.f32 v7, v9;
	vm5 =	vmand vm5, vm0  }
0xa6: {  	v54 =	vperm.xlane v6, v1;
	v7 =	vsel vm5, v53, v7  }
0xa7: {  	v55 =	vperm.xlane v7, v1  }
0xa8: {  	vm5 =	veq.s32 v54, v6  }
0xa9: {  	vm5 =	vmand vm5, vm1;
	v56 =	vmin.f32 v7, v55  }
0xaa: {  	v57 =	vperm.xlane v6, v2;
	v7 =	vsel vm5, v56, v7  }
0xab: {  	v10 =	vperm.xlane v6, v5;
	v58 =	vperm.xlane v7, v2  }
0xac: {  	vm5 =	veq.s32 v57, v6  }
0xad: {  	vm6 =	vne.s32 v10, v6;
	vm5 =	vmand vm5, vm2;
	v59 =	vmin.f32 v7, v58  }
0xae: {  	v61 =	vperm.xlane v6, v3;
	v60 =	vld.idx.msk [tilespmem:v6+s5+$0x0], $0xffff;
	v7 =	vsel vm5, v59, v7;
	vm5 =	vmor vm6, vm4  }
0xaf: {  	v62 =	vperm.xlane v7, v3  }
0xb0: {  	vm6 =	veq.s32 v61, v6  }
0xb1: {  	vm6 =	vmand vm6, vm3;
	v63 =	vmin.f32 v7, v62  }
0xb2: {  	v7 =	vsel vm6, v63, v7  }
0xb3: {  	v7 =	vmin.f32 v60, v7  }
0xb4: {  	s8 =	simm.s32 $0x0;
	s10 =	rddreg [dreg:$0x8];
	[tilespmem:v6+s5+$0x0] =	vst.idx.msk vm5, v7  }
0xb5: {  	[tilespmem:s1], [sflag:$0x2] =	stream.linear.gather [hbm4b:s10+s8], $0x7D0, $0x38;
	[tilespmem:$0x1A700] =	vst v63  }
0xb6: {  	s10 =	rddreg [dreg:$0x9]  }
0xb7: {  	[tilespmem:s0], [sflag:$0x2] =	stream.linear.gather [hbm4b:s10+s8], $0x7D0, $0x38;
	[tilespmem:$0x1A700] =	vst v63  }
0xb8: {  	_ =	swait.ge [sflag:s2], $0x7D0  }
0xb9: {  	[sflag:s2] =	ssyncset.done $0x0  }
0xba: {  	[sflag:s2] =	ssyncadd.s32 $0xFFFFF830  }
0xbb: {  	_ =	swait.ge [sflag:s2], $0x7D0  }
0xbc: {  	[sflag:s2] =	ssyncset.done $0x0  }
0xbd: {  	s9 =	simm.s32 $0x0;
	s8 =	simm.s32 $0x40;
	[sflag:s2] =	ssyncadd.s32 $0xFFFFF830  }
.LBB2_8:
0xbe: {  	p0 =	sne.s32 s8, $0x1F00;
	v6 =	vld [tilespmem:s9+$0x18700];
	_ =	sdelay $0x6  }
0xbf: {  	v7 =	vld [tilespmem:s9+$0x18F00]  }
0xc0: {  	v6 =	vld.idx.msk [tilespmem:v6+s3+$0x0], $0xffff;
	_ =	sdelay $0x4  }
0xc1: {  	v7 =	vxor.u32 $0x80000000, v7  }
0xc2: {  	(xrf1) =	vsort.ascd.msk.u32 $0xffff, v7, v6;
	_ =	sdelay $0xd  }
0xc3: {  	v6, v7, _ =	vpop (xrf1)  }
0xc4: {  	v6 =	vxor.u32 $0x80000000, v6  }
0xc5: {  	v8 =	vperm.xlane v6, v0  }
0xc6: {  	v9 =	vperm.xlane v7, v0  }
0xc7: {  	vm5 =	veq.s32 v8, v6  }
0xc8: {  	v8 =	vmin.f32 v7, v9;
	vm5 =	vmand vm5, vm0  }
0xc9: {  	v7 =	vsel vm5, v8, v7;
	v8 =	vperm.xlane v6, v1  }
0xca: {  	v9 =	vperm.xlane v7, v1  }
0xcb: {  	vm5 =	veq.s32 v8, v6  }
0xcc: {  	vm5 =	vmand vm5, vm1;
	v8 =	vmin.f32 v7, v9  }
0xcd: {  	v7 =	vsel vm5, v8, v7;
	v8 =	vperm.xlane v6, v2  }
0xce: {  	v10 =	vperm.xlane v6, v5;
	v9 =	vperm.xlane v7, v2  }
0xcf: {  	vm5 =	veq.s32 v8, v6  }
0xd0: {  	vm6 =	vne.s32 v10, v6;
	vm5 =	vmand vm5, vm2;
	v8 =	vmin.f32 v7, v9;
	v9 =	vld.idx.msk [tilespmem:v6+s5+$0x0], $0xffff  }
0xd1: {  	v7 =	vsel vm5, v8, v7;
	v8 =	vperm.xlane v6, v3;
	vm5 =	vmor vm6, vm4  }
0xd2: {  	v10 =	vperm.xlane v7, v3  }
.Ltmp3:
0xd3: {  	vm6 =	veq.s32 v8, v6;
	(pc) =	sbr.rel @p0 .LBB2_8-.Ltmp3, $4  }
0xd4: {  	vm6 =	vmand vm6, vm3;
	v8 =	vmin.f32 v7, v10  }
0xd5: {  	v7 =	vsel vm6, v8, v7  }
0xd6: {  	v7 =	vmin.f32 v9, v7  }
0xd7: {  	s9 =	sshra.s32 s8, $0x2;
	s8 =	sadd.s32 $0x40, s8;
	[tilespmem:v6+s5+$0x0] =	vst.idx.msk vm5, v7  }
0xd8: {  	v6 =	vld [tilespmem:s9+$0x18700];
	_ =	sdelay $0x6  }
0xd9: {  	v7 =	vld [tilespmem:s9+$0x18F00]  }
0xda: {  	v6 =	vld.idx.msk [tilespmem:v6+s3+$0x0], $0xffff;
	_ =	sdelay $0x3  }
0xdb: {  	v7 =	vxor.u32 $0x80000000, v7  }
0xdc: {  	(xrf1) =	vsort.ascd.msk.u32 $0xffff, v7, v6;
	_ =	sdelay $0xd  }
0xdd: {  	v6, v7, _ =	vpop (xrf1)  }
0xde: {  	v6 =	vxor.u32 $0x80000000, v6  }
0xdf: {  	v8 =	vperm.xlane v6, v0  }
0xe0: {  	v9 =	vperm.xlane v7, v0  }
0xe1: {  	vm5 =	veq.s32 v8, v6  }
0xe2: {  	v53 =	vmin.f32 v7, v9;
	vm5 =	vmand vm5, vm0  }
0xe3: {  	v54 =	vperm.xlane v6, v1;
	v7 =	vsel vm5, v53, v7  }
0xe4: {  	v55 =	vperm.xlane v7, v1  }
0xe5: {  	vm5 =	veq.s32 v54, v6  }
0xe6: {  	vm5 =	vmand vm5, vm1;
	v56 =	vmin.f32 v7, v55  }
0xe7: {  	v57 =	vperm.xlane v6, v2;
	v7 =	vsel vm5, v56, v7  }
0xe8: {  	v10 =	vperm.xlane v6, v5;
	v58 =	vperm.xlane v7, v2  }
0xe9: {  	vm5 =	veq.s32 v57, v6  }
0xea: {  	vm6 =	vne.s32 v10, v6;
	vm5 =	vmand vm5, vm2;
	v59 =	vmin.f32 v7, v58  }
0xeb: {  	v61 =	vperm.xlane v6, v3;
	v60 =	vld.idx.msk [tilespmem:v6+s5+$0x0], $0xffff;
	v7 =	vsel vm5, v59, v7;
	vm5 =	vmor vm6, vm4  }
0xec: {  	v62 =	vperm.xlane v7, v3  }
0xed: {  	vm6 =	veq.s32 v61, v6  }
0xee: {  	vm6 =	vmand vm6, vm3;
	v63 =	vmin.f32 v7, v62  }
0xef: {  	v7 =	vsel vm6, v63, v7  }
0xf0: {  	v7 =	vmin.f32 v60, v7  }
0xf1: {  	s8 =	simm.s32 $0x0;
	s10 =	rddreg [dreg:$0xa];
	[tilespmem:v6+s5+$0x0] =	vst.idx.msk vm5, v7  }
0xf2: {  	[tilespmem:s29], [sflag:$0x1] =	stream.linear.gather [hbm4b:s10+s8], $0x7D0, $0x38;
	[tilespmem:$0x1A700] =	vst v63  }
0xf3: {  	s10 =	rddreg [dreg:$0xb]  }
0xf4: {  	[tilespmem:s30], [sflag:$0x1] =	stream.linear.gather [hbm4b:s10+s8], $0x7D0, $0x38;
	[tilespmem:$0x1A700] =	vst v63  }
0xf5: {  	_ =	swait.ge [sflag:s6], $0x7D0  }
0xf6: {  	[sflag:s6] =	ssyncset.done $0x0  }
0xf7: {  	[sflag:s6] =	ssyncadd.s32 $0xFFFFF830  }
0xf8: {  	_ =	swait.ge [sflag:s6], $0x7D0  }
0xf9: {  	[sflag:s6] =	ssyncset.done $0x0  }
0xfa: {  	s9 =	simm.s32 $0x0;
	s8 =	simm.s32 $0x40;
	[sflag:s6] =	ssyncadd.s32 $0xFFFFF830  }
.LBB2_10:
0xfb: {  	p0 =	sne.s32 s8, $0x1F00;
	v6 =	vld [tilespmem:s9+$0x19700];
	_ =	sdelay $0x6  }
0xfc: {  	v7 =	vld [tilespmem:s9+$0x19F00]  }
0xfd: {  	v6 =	vld.idx.msk [tilespmem:v6+s3+$0x0], $0xffff;
	_ =	sdelay $0x4  }
0xfe: {  	v7 =	vxor.u32 $0x80000000, v7  }
0xff: {  	(xrf1) =	vsort.ascd.msk.u32 $0xffff, v7, v6;
	_ =	sdelay $0xd  }
0x100: {  	v6, v7, _ =	vpop (xrf1)  }
0x101: {  	v6 =	vxor.u32 $0x80000000, v6  }
0x102: {  	v8 =	vperm.xlane v6, v0  }
0x103: {  	v9 =	vperm.xlane v7, v0  }
0x104: {  	vm5 =	veq.s32 v8, v6  }
0x105: {  	v8 =	vmin.f32 v7, v9;
	vm5 =	vmand vm5, vm0  }
0x106: {  	v7 =	vsel vm5, v8, v7;
	v8 =	vperm.xlane v6, v1  }
0x107: {  	v9 =	vperm.xlane v7, v1  }
0x108: {  	vm5 =	veq.s32 v8, v6  }
0x109: {  	vm5 =	vmand vm5, vm1;
	v8 =	vmin.f32 v7, v9  }
0x10a: {  	v7 =	vsel vm5, v8, v7;
	v8 =	vperm.xlane v6, v2  }
0x10b: {  	v10 =	vperm.xlane v6, v5;
	v9 =	vperm.xlane v7, v2  }
0x10c: {  	vm5 =	veq.s32 v8, v6  }
0x10d: {  	vm6 =	vne.s32 v10, v6;
	vm5 =	vmand vm5, vm2;
	v8 =	vmin.f32 v7, v9;
	v9 =	vld.idx.msk [tilespmem:v6+s5+$0x0], $0xffff  }
0x10e: {  	v7 =	vsel vm5, v8, v7;
	v8 =	vperm.xlane v6, v3;
	vm5 =	vmor vm6, vm4  }
0x10f: {  	v10 =	vperm.xlane v7, v3  }
.Ltmp4:
0x110: {  	vm6 =	veq.s32 v8, v6;
	(pc) =	sbr.rel @p0 .LBB2_10-.Ltmp4, $4  }
0x111: {  	vm6 =	vmand vm6, vm3;
	v8 =	vmin.f32 v7, v10  }
0x112: {  	v7 =	vsel vm6, v8, v7  }
0x113: {  	v7 =	vmin.f32 v9, v7  }
0x114: {  	s9 =	sshra.s32 s8, $0x2;
	s8 =	sadd.s32 $0x40, s8;
	[tilespmem:v6+s5+$0x0] =	vst.idx.msk vm5, v7  }
0x115: {  	v6 =	vld [tilespmem:s9+$0x19700];
	_ =	sdelay $0x6  }
0x116: {  	v7 =	vld [tilespmem:s9+$0x19F00]  }
0x117: {  	v6 =	vld.idx.msk [tilespmem:v6+s3+$0x0], $0xffff;
	_ =	sdelay $0x3  }
0x118: {  	v7 =	vxor.u32 $0x80000000, v7  }
0x119: {  	(xrf1) =	vsort.ascd.msk.u32 $0xffff, v7, v6;
	_ =	sdelay $0xd  }
0x11a: {  	v6, v7, _ =	vpop (xrf1)  }
0x11b: {  	v6 =	vxor.u32 $0x80000000, v6  }
0x11c: {  	v8 =	vperm.xlane v6, v0  }
0x11d: {  	v9 =	vperm.xlane v7, v0  }
0x11e: {  	vm5 =	veq.s32 v8, v6  }
0x11f: {  	v53 =	vmin.f32 v7, v9;
	vm5 =	vmand vm5, vm0  }
0x120: {  	v54 =	vperm.xlane v6, v1;
	v7 =	vsel vm5, v53, v7  }
0x121: {  	v55 =	vperm.xlane v7, v1  }
0x122: {  	vm5 =	veq.s32 v54, v6  }
0x123: {  	vm5 =	vmand vm5, vm1;
	v56 =	vmin.f32 v7, v55  }
0x124: {  	v57 =	vperm.xlane v6, v2;
	v7 =	vsel vm5, v56, v7  }
0x125: {  	v10 =	vperm.xlane v6, v5;
	v58 =	vperm.xlane v7, v2  }
0x126: {  	vm5 =	veq.s32 v57, v6  }
0x127: {  	vm6 =	vne.s32 v10, v6;
	vm5 =	vmand vm5, vm2;
	v59 =	vmin.f32 v7, v58  }
0x128: {  	v61 =	vperm.xlane v6, v3;
	v60 =	vld.idx.msk [tilespmem:v6+s5+$0x0], $0xffff;
	v7 =	vsel vm5, v59, v7;
	vm5 =	vmor vm6, vm4  }
0x129: {  	v62 =	vperm.xlane v7, v3  }
0x12a: {  	vm6 =	veq.s32 v61, v6  }
0x12b: {  	vm6 =	vmand vm6, vm3;
	v63 =	vmin.f32 v7, v62  }
0x12c: {  	v7 =	vsel vm6, v63, v7  }
0x12d: {  	v7 =	vmin.f32 v60, v7  }
0x12e: {  	s8 =	simm.s32 $0x0;
	s10 =	rddreg [dreg:$0xc];
	[tilespmem:v6+s5+$0x0] =	vst.idx.msk vm5, v7  }
0x12f: {  	[tilespmem:s1], [sflag:$0x2] =	stream.linear.gather [hbm4b:s10+s8], $0x7D0, $0x38;
	[tilespmem:$0x1A700] =	vst v63  }
0x130: {  	s10 =	rddreg [dreg:$0xd]  }
0x131: {  	[tilespmem:s0], [sflag:$0x2] =	stream.linear.gather [hbm4b:s10+s8], $0x7D0, $0x38;
	[tilespmem:$0x1A700] =	vst v63  }
0x132: {  	_ =	swait.ge [sflag:s2], $0x7D0  }
0x133: {  	[sflag:s2] =	ssyncset.done $0x0  }
0x134: {  	[sflag:s2] =	ssyncadd.s32 $0xFFFFF830  }
0x135: {  	_ =	swait.ge [sflag:s2], $0x7D0  }
0x136: {  	[sflag:s2] =	ssyncset.done $0x0  }
0x137: {  	s9 =	simm.s32 $0x0;
	s8 =	simm.s32 $0x40;
	[sflag:s2] =	ssyncadd.s32 $0xFFFFF830  }
.LBB2_12:
0x138: {  	p0 =	sne.s32 s8, $0x1F00;
	v6 =	vld [tilespmem:s9+$0x18700];
	_ =	sdelay $0x6  }
0x139: {  	v7 =	vld [tilespmem:s9+$0x18F00]  }
0x13a: {  	v6 =	vld.idx.msk [tilespmem:v6+s3+$0x0], $0xffff;
	_ =	sdelay $0x4  }
0x13b: {  	v7 =	vxor.u32 $0x80000000, v7  }
0x13c: {  	(xrf1) =	vsort.ascd.msk.u32 $0xffff, v7, v6;
	_ =	sdelay $0xd  }
0x13d: {  	v6, v7, _ =	vpop (xrf1)  }
0x13e: {  	v6 =	vxor.u32 $0x80000000, v6  }
0x13f: {  	v8 =	vperm.xlane v6, v0  }
0x140: {  	v9 =	vperm.xlane v7, v0  }
0x141: {  	vm5 =	veq.s32 v8, v6  }
0x142: {  	v8 =	vmin.f32 v7, v9;
	vm5 =	vmand vm5, vm0  }
0x143: {  	v7 =	vsel vm5, v8, v7;
	v8 =	vperm.xlane v6, v1  }
0x144: {  	v9 =	vperm.xlane v7, v1  }
0x145: {  	vm5 =	veq.s32 v8, v6  }
0x146: {  	vm5 =	vmand vm5, vm1;
	v8 =	vmin.f32 v7, v9  }
0x147: {  	v7 =	vsel vm5, v8, v7;
	v8 =	vperm.xlane v6, v2  }
0x148: {  	v10 =	vperm.xlane v6, v5;
	v9 =	vperm.xlane v7, v2  }
0x149: {  	vm5 =	veq.s32 v8, v6  }
0x14a: {  	vm6 =	vne.s32 v10, v6;
	vm5 =	vmand vm5, vm2;
	v8 =	vmin.f32 v7, v9;
	v9 =	vld.idx.msk [tilespmem:v6+s5+$0x0], $0xffff  }
0x14b: {  	v7 =	vsel vm5, v8, v7;
	v8 =	vperm.xlane v6, v3;
	vm5 =	vmor vm6, vm4  }
0x14c: {  	v10 =	vperm.xlane v7, v3  }
.Ltmp5:
0x14d: {  	vm6 =	veq.s32 v8, v6;
	(pc) =	sbr.rel @p0 .LBB2_12-.Ltmp5, $4  }
0x14e: {  	vm6 =	vmand vm6, vm3;
	v8 =	vmin.f32 v7, v10  }
0x14f: {  	v7 =	vsel vm6, v8, v7  }
0x150: {  	v7 =	vmin.f32 v9, v7  }
0x151: {  	s9 =	sshra.s32 s8, $0x2;
	s8 =	sadd.s32 $0x40, s8;
	[tilespmem:v6+s5+$0x0] =	vst.idx.msk vm5, v7  }
0x152: {  	v6 =	vld [tilespmem:s9+$0x18700];
	_ =	sdelay $0x6  }
0x153: {  	v7 =	vld [tilespmem:s9+$0x18F00]  }
0x154: {  	v6 =	vld.idx.msk [tilespmem:v6+s3+$0x0], $0xffff;
	_ =	sdelay $0x3  }
0x155: {  	v7 =	vxor.u32 $0x80000000, v7  }
0x156: {  	(xrf1) =	vsort.ascd.msk.u32 $0xffff, v7, v6;
	_ =	sdelay $0xd  }
0x157: {  	v6, v7, _ =	vpop (xrf1)  }
0x158: {  	v6 =	vxor.u32 $0x80000000, v6  }
0x159: {  	v8 =	vperm.xlane v6, v0  }
0x15a: {  	v9 =	vperm.xlane v7, v0  }
0x15b: {  	vm5 =	veq.s32 v8, v6  }
0x15c: {  	v53 =	vmin.f32 v7, v9;
	vm5 =	vmand vm5, vm0  }
0x15d: {  	v54 =	vperm.xlane v6, v1;
	v7 =	vsel vm5, v53, v7  }
0x15e: {  	v55 =	vperm.xlane v7, v1  }
0x15f: {  	vm5 =	veq.s32 v54, v6  }
0x160: {  	vm5 =	vmand vm5, vm1;
	v56 =	vmin.f32 v7, v55  }
0x161: {  	v57 =	vperm.xlane v6, v2;
	v7 =	vsel vm5, v56, v7  }
0x162: {  	v10 =	vperm.xlane v6, v5;
	v58 =	vperm.xlane v7, v2  }
0x163: {  	vm5 =	veq.s32 v57, v6  }
0x164: {  	vm6 =	vne.s32 v10, v6;
	vm5 =	vmand vm5, vm2;
	v59 =	vmin.f32 v7, v58  }
0x165: {  	v61 =	vperm.xlane v6, v3;
	v60 =	vld.idx.msk [tilespmem:v6+s5+$0x0], $0xffff;
	v7 =	vsel vm5, v59, v7;
	vm5 =	vmor vm6, vm4  }
0x166: {  	v62 =	vperm.xlane v7, v3  }
0x167: {  	vm6 =	veq.s32 v61, v6  }
0x168: {  	vm6 =	vmand vm6, vm3;
	v63 =	vmin.f32 v7, v62  }
0x169: {  	v7 =	vsel vm6, v63, v7  }
0x16a: {  	v7 =	vmin.f32 v60, v7  }
0x16b: {  	s8 =	simm.s32 $0x0;
	s10 =	rddreg [dreg:$0xe];
	[tilespmem:v6+s5+$0x0] =	vst.idx.msk vm5, v7  }
0x16c: {  	[tilespmem:s29], [sflag:$0x1] =	stream.linear.gather [hbm4b:s10+s8], $0x7D0, $0x38;
	[tilespmem:$0x1A700] =	vst v63  }
0x16d: {  	s10 =	rddreg [dreg:$0xf]  }
0x16e: {  	[tilespmem:s30], [sflag:$0x1] =	stream.linear.gather [hbm4b:s10+s8], $0x7D0, $0x38;
	[tilespmem:$0x1A700] =	vst v63  }
0x16f: {  	_ =	swait.ge [sflag:s6], $0x7D0  }
0x170: {  	[sflag:s6] =	ssyncset.done $0x0  }
0x171: {  	[sflag:s6] =	ssyncadd.s32 $0xFFFFF830  }
0x172: {  	_ =	swait.ge [sflag:s6], $0x7D0  }
0x173: {  	[sflag:s6] =	ssyncset.done $0x0  }
0x174: {  	s9 =	simm.s32 $0x0;
	s8 =	simm.s32 $0x40;
	[sflag:s6] =	ssyncadd.s32 $0xFFFFF830  }
.LBB2_14:
0x175: {  	p0 =	sne.s32 s8, $0x1F00;
	v6 =	vld [tilespmem:s9+$0x19700];
	_ =	sdelay $0x6  }
0x176: {  	v7 =	vld [tilespmem:s9+$0x19F00]  }
0x177: {  	v6 =	vld.idx.msk [tilespmem:v6+s3+$0x0], $0xffff;
	_ =	sdelay $0x4  }
0x178: {  	v7 =	vxor.u32 $0x80000000, v7  }
0x179: {  	(xrf1) =	vsort.ascd.msk.u32 $0xffff, v7, v6;
	_ =	sdelay $0xd  }
0x17a: {  	v6, v7, _ =	vpop (xrf1)  }
0x17b: {  	v6 =	vxor.u32 $0x80000000, v6  }
0x17c: {  	v8 =	vperm.xlane v6, v0  }
0x17d: {  	v9 =	vperm.xlane v7, v0  }
0x17e: {  	vm5 =	veq.s32 v8, v6  }
0x17f: {  	v8 =	vmin.f32 v7, v9;
	vm5 =	vmand vm5, vm0  }
0x180: {  	v7 =	vsel vm5, v8, v7;
	v8 =	vperm.xlane v6, v1  }
0x181: {  	v9 =	vperm.xlane v7, v1  }
0x182: {  	vm5 =	veq.s32 v8, v6  }
0x183: {  	vm5 =	vmand vm5, vm1;
	v8 =	vmin.f32 v7, v9  }
0x184: {  	v7 =	vsel vm5, v8, v7;
	v8 =	vperm.xlane v6, v2  }
0x185: {  	v10 =	vperm.xlane v6, v5;
	v9 =	vperm.xlane v7, v2  }
0x186: {  	vm5 =	veq.s32 v8, v6  }
0x187: {  	vm6 =	vne.s32 v10, v6;
	vm5 =	vmand vm5, vm2;
	v8 =	vmin.f32 v7, v9;
	v9 =	vld.idx.msk [tilespmem:v6+s5+$0x0], $0xffff  }
0x188: {  	v7 =	vsel vm5, v8, v7;
	v8 =	vperm.xlane v6, v3;
	vm5 =	vmor vm6, vm4  }
0x189: {  	v10 =	vperm.xlane v7, v3  }
.Ltmp6:
0x18a: {  	vm6 =	veq.s32 v8, v6;
	(pc) =	sbr.rel @p0 .LBB2_14-.Ltmp6, $4  }
0x18b: {  	vm6 =	vmand vm6, vm3;
	v8 =	vmin.f32 v7, v10  }
0x18c: {  	v7 =	vsel vm6, v8, v7  }
0x18d: {  	v7 =	vmin.f32 v9, v7  }
0x18e: {  	s9 =	sshra.s32 s8, $0x2;
	s8 =	sadd.s32 $0x40, s8;
	[tilespmem:v6+s5+$0x0] =	vst.idx.msk vm5, v7  }
0x18f: {  	v6 =	vld [tilespmem:s9+$0x19700];
	_ =	sdelay $0x6  }
0x190: {  	v7 =	vld [tilespmem:s9+$0x19F00]  }
0x191: {  	v6 =	vld.idx.msk [tilespmem:v6+s3+$0x0], $0xffff;
	_ =	sdelay $0x3  }
0x192: {  	v7 =	vxor.u32 $0x80000000, v7  }
0x193: {  	(xrf1) =	vsort.ascd.msk.u32 $0xffff, v7, v6;
	_ =	sdelay $0xd  }
0x194: {  	v6, v7, _ =	vpop (xrf1)  }
0x195: {  	v6 =	vxor.u32 $0x80000000, v6  }
0x196: {  	v8 =	vperm.xlane v6, v0  }
0x197: {  	v9 =	vperm.xlane v7, v0  }
0x198: {  	vm5 =	veq.s32 v8, v6  }
0x199: {  	v53 =	vmin.f32 v7, v9;
	vm5 =	vmand vm5, vm0  }
0x19a: {  	v54 =	vperm.xlane v6, v1;
	v7 =	vsel vm5, v53, v7  }
0x19b: {  	v55 =	vperm.xlane v7, v1  }
0x19c: {  	vm5 =	veq.s32 v54, v6  }
0x19d: {  	vm5 =	vmand vm5, vm1;
	v56 =	vmin.f32 v7, v55  }
0x19e: {  	v57 =	vperm.xlane v6, v2;
	v7 =	vsel vm5, v56, v7  }
0x19f: {  	v10 =	vperm.xlane v6, v5;
	v58 =	vperm.xlane v7, v2  }
0x1a0: {  	vm5 =	veq.s32 v57, v6  }
0x1a1: {  	vm6 =	vne.s32 v10, v6;
	vm5 =	vmand vm5, vm2;
	v59 =	vmin.f32 v7, v58  }
0x1a2: {  	v61 =	vperm.xlane v6, v3;
	v60 =	vld.idx.msk [tilespmem:v6+s5+$0x0], $0xffff;
	v7 =	vsel vm5, v59, v7;
	vm5 =	vmor vm6, vm4  }
0x1a3: {  	v62 =	vperm.xlane v7, v3  }
0x1a4: {  	vm6 =	veq.s32 v61, v6  }
0x1a5: {  	vm6 =	vmand vm6, vm3;
	v63 =	vmin.f32 v7, v62  }
0x1a6: {  	v7 =	vsel vm6, v63, v7  }
0x1a7: {  	v7 =	vmin.f32 v60, v7  }
0x1a8: {  	s8 =	simm.s32 $0x0;
	s10 =	rddreg [dreg:$0x10];
	[tilespmem:v6+s5+$0x0] =	vst.idx.msk vm5, v7  }
0x1a9: {  	[tilespmem:s1], [sflag:$0x2] =	stream.linear.gather [hbm4b:s10+s8], $0x7D0, $0x38;
	[tilespmem:$0x1A700] =	vst v63  }
0x1aa: {  	s10 =	rddreg [dreg:$0x11]  }
0x1ab: {  	[tilespmem:s0], [sflag:$0x2] =	stream.linear.gather [hbm4b:s10+s8], $0x7D0, $0x38;
	[tilespmem:$0x1A700] =	vst v63  }
0x1ac: {  	_ =	swait.ge [sflag:s2], $0x7D0  }
0x1ad: {  	[sflag:s2] =	ssyncset.done $0x0  }
0x1ae: {  	[sflag:s2] =	ssyncadd.s32 $0xFFFFF830  }
0x1af: {  	_ =	swait.ge [sflag:s2], $0x7D0  }
0x1b0: {  	[sflag:s2] =	ssyncset.done $0x0  }
0x1b1: {  	s9 =	simm.s32 $0x0;
	s8 =	simm.s32 $0x40;
	[sflag:s2] =	ssyncadd.s32 $0xFFFFF830  }
.LBB2_16:
0x1b2: {  	p0 =	sne.s32 s8, $0x1F00;
	v6 =	vld [tilespmem:s9+$0x18700];
	_ =	sdelay $0x6  }
0x1b3: {  	v7 =	vld [tilespmem:s9+$0x18F00]  }
0x1b4: {  	v6 =	vld.idx.msk [tilespmem:v6+s3+$0x0], $0xffff;
	_ =	sdelay $0x4  }
0x1b5: {  	v7 =	vxor.u32 $0x80000000, v7  }
0x1b6: {  	(xrf1) =	vsort.ascd.msk.u32 $0xffff, v7, v6;
	_ =	sdelay $0xd  }
0x1b7: {  	v6, v7, _ =	vpop (xrf1)  }
0x1b8: {  	v6 =	vxor.u32 $0x80000000, v6  }
0x1b9: {  	v8 =	vperm.xlane v6, v0  }
0x1ba: {  	v9 =	vperm.xlane v7, v0  }
0x1bb: {  	vm5 =	veq.s32 v8, v6  }
0x1bc: {  	v8 =	vmin.f32 v7, v9;
	vm5 =	vmand vm5, vm0  }
0x1bd: {  	v7 =	vsel vm5, v8, v7;
	v8 =	vperm.xlane v6, v1  }
0x1be: {  	v9 =	vperm.xlane v7, v1  }
0x1bf: {  	vm5 =	veq.s32 v8, v6  }
0x1c0: {  	vm5 =	vmand vm5, vm1;
	v8 =	vmin.f32 v7, v9  }
0x1c1: {  	v7 =	vsel vm5, v8, v7;
	v8 =	vperm.xlane v6, v2  }
0x1c2: {  	v10 =	vperm.xlane v6, v5;
	v9 =	vperm.xlane v7, v2  }
0x1c3: {  	vm5 =	veq.s32 v8, v6  }
0x1c4: {  	vm6 =	vne.s32 v10, v6;
	vm5 =	vmand vm5, vm2;
	v8 =	vmin.f32 v7, v9;
	v9 =	vld.idx.msk [tilespmem:v6+s5+$0x0], $0xffff  }
0x1c5: {  	v7 =	vsel vm5, v8, v7;
	v8 =	vperm.xlane v6, v3;
	vm5 =	vmor vm6, vm4  }
0x1c6: {  	v10 =	vperm.xlane v7, v3  }
.Ltmp7:
0x1c7: {  	vm6 =	veq.s32 v8, v6;
	(pc) =	sbr.rel @p0 .LBB2_16-.Ltmp7, $4  }
0x1c8: {  	vm6 =	vmand vm6, vm3;
	v8 =	vmin.f32 v7, v10  }
0x1c9: {  	v7 =	vsel vm6, v8, v7  }
0x1ca: {  	v7 =	vmin.f32 v9, v7  }
0x1cb: {  	s9 =	sshra.s32 s8, $0x2;
	s8 =	sadd.s32 $0x40, s8;
	[tilespmem:v6+s5+$0x0] =	vst.idx.msk vm5, v7  }
0x1cc: {  	v6 =	vld [tilespmem:s9+$0x18700];
	_ =	sdelay $0x6  }
0x1cd: {  	v7 =	vld [tilespmem:s9+$0x18F00]  }
0x1ce: {  	v6 =	vld.idx.msk [tilespmem:v6+s3+$0x0], $0xffff;
	_ =	sdelay $0x3  }
0x1cf: {  	v7 =	vxor.u32 $0x80000000, v7  }
0x1d0: {  	(xrf1) =	vsort.ascd.msk.u32 $0xffff, v7, v6;
	_ =	sdelay $0xd  }
0x1d1: {  	v6, v7, _ =	vpop (xrf1)  }
0x1d2: {  	v6 =	vxor.u32 $0x80000000, v6  }
0x1d3: {  	v8 =	vperm.xlane v6, v0  }
0x1d4: {  	v9 =	vperm.xlane v7, v0  }
0x1d5: {  	vm5 =	veq.s32 v8, v6  }
0x1d6: {  	v53 =	vmin.f32 v7, v9;
	vm5 =	vmand vm5, vm0  }
0x1d7: {  	v54 =	vperm.xlane v6, v1;
	v7 =	vsel vm5, v53, v7  }
0x1d8: {  	v55 =	vperm.xlane v7, v1  }
0x1d9: {  	vm5 =	veq.s32 v54, v6  }
0x1da: {  	vm5 =	vmand vm5, vm1;
	v56 =	vmin.f32 v7, v55  }
0x1db: {  	v57 =	vperm.xlane v6, v2;
	v7 =	vsel vm5, v56, v7  }
0x1dc: {  	v10 =	vperm.xlane v6, v5;
	v58 =	vperm.xlane v7, v2  }
0x1dd: {  	vm5 =	veq.s32 v57, v6  }
0x1de: {  	vm6 =	vne.s32 v10, v6;
	vm5 =	vmand vm5, vm2;
	v59 =	vmin.f32 v7, v58  }
0x1df: {  	v61 =	vperm.xlane v6, v3;
	v60 =	vld.idx.msk [tilespmem:v6+s5+$0x0], $0xffff;
	v7 =	vsel vm5, v59, v7;
	vm5 =	vmor vm6, vm4  }
0x1e0: {  	v62 =	vperm.xlane v7, v3  }
0x1e1: {  	vm6 =	veq.s32 v61, v6  }
0x1e2: {  	vm6 =	vmand vm6, vm3;
	v63 =	vmin.f32 v7, v62  }
0x1e3: {  	v7 =	vsel vm6, v63, v7  }
0x1e4: {  	v7 =	vmin.f32 v60, v7  }
0x1e5: {  	s8 =	simm.s32 $0x0;
	s10 =	rddreg [dreg:$0x12];
	[tilespmem:v6+s5+$0x0] =	vst.idx.msk vm5, v7  }
0x1e6: {  	[tilespmem:s29], [sflag:$0x1] =	stream.linear.gather [hbm4b:s10+s8], $0x7D0, $0x38;
	[tilespmem:$0x1A700] =	vst v63  }
0x1e7: {  	s10 =	rddreg [dreg:$0x13]  }
0x1e8: {  	[tilespmem:s30], [sflag:$0x1] =	stream.linear.gather [hbm4b:s10+s8], $0x7D0, $0x38;
	[tilespmem:$0x1A700] =	vst v63  }
0x1e9: {  	_ =	swait.ge [sflag:s6], $0x7D0  }
0x1ea: {  	[sflag:s6] =	ssyncset.done $0x0  }
0x1eb: {  	[sflag:s6] =	ssyncadd.s32 $0xFFFFF830  }
0x1ec: {  	_ =	swait.ge [sflag:s6], $0x7D0  }
0x1ed: {  	[sflag:s6] =	ssyncset.done $0x0  }
0x1ee: {  	s9 =	simm.s32 $0x0;
	s8 =	simm.s32 $0x40;
	[sflag:s6] =	ssyncadd.s32 $0xFFFFF830  }
.LBB2_18:
0x1ef: {  	p0 =	sne.s32 s8, $0x1F00;
	v6 =	vld [tilespmem:s9+$0x19700];
	_ =	sdelay $0x6  }
0x1f0: {  	v7 =	vld [tilespmem:s9+$0x19F00]  }
0x1f1: {  	v6 =	vld.idx.msk [tilespmem:v6+s3+$0x0], $0xffff;
	_ =	sdelay $0x4  }
0x1f2: {  	v7 =	vxor.u32 $0x80000000, v7  }
0x1f3: {  	(xrf1) =	vsort.ascd.msk.u32 $0xffff, v7, v6;
	_ =	sdelay $0xd  }
0x1f4: {  	v6, v7, _ =	vpop (xrf1)  }
0x1f5: {  	v6 =	vxor.u32 $0x80000000, v6  }
0x1f6: {  	v8 =	vperm.xlane v6, v0  }
0x1f7: {  	v9 =	vperm.xlane v7, v0  }
0x1f8: {  	vm5 =	veq.s32 v8, v6  }
0x1f9: {  	v8 =	vmin.f32 v7, v9;
	vm5 =	vmand vm5, vm0  }
0x1fa: {  	v7 =	vsel vm5, v8, v7;
	v8 =	vperm.xlane v6, v1  }
0x1fb: {  	v9 =	vperm.xlane v7, v1  }
0x1fc: {  	vm5 =	veq.s32 v8, v6  }
0x1fd: {  	vm5 =	vmand vm5, vm1;
	v8 =	vmin.f32 v7, v9  }
0x1fe: {  	v7 =	vsel vm5, v8, v7;
	v8 =	vperm.xlane v6, v2  }
0x1ff: {  	v10 =	vperm.xlane v6, v5;
	v9 =	vperm.xlane v7, v2  }
0x200: {  	vm5 =	veq.s32 v8, v6  }
0x201: {  	vm6 =	vne.s32 v10, v6;
	vm5 =	vmand vm5, vm2;
	v8 =	vmin.f32 v7, v9;
	v9 =	vld.idx.msk [tilespmem:v6+s5+$0x0], $0xffff  }
0x202: {  	v7 =	vsel vm5, v8, v7;
	v8 =	vperm.xlane v6, v3;
	vm5 =	vmor vm6, vm4  }
0x203: {  	v10 =	vperm.xlane v7, v3  }
.Ltmp8:
0x204: {  	vm6 =	veq.s32 v8, v6;
	(pc) =	sbr.rel @p0 .LBB2_18-.Ltmp8, $4  }
0x205: {  	vm6 =	vmand vm6, vm3;
	v8 =	vmin.f32 v7, v10  }
0x206: {  	v7 =	vsel vm6, v8, v7  }
0x207: {  	v7 =	vmin.f32 v9, v7  }
0x208: {  	s9 =	sshra.s32 s8, $0x2;
	s8 =	sadd.s32 $0x40, s8;
	[tilespmem:v6+s5+$0x0] =	vst.idx.msk vm5, v7  }
0x209: {  	v6 =	vld [tilespmem:s9+$0x19700];
	_ =	sdelay $0x6  }
0x20a: {  	v7 =	vld [tilespmem:s9+$0x19F00]  }
0x20b: {  	v6 =	vld.idx.msk [tilespmem:v6+s3+$0x0], $0xffff;
	_ =	sdelay $0x3  }
0x20c: {  	v7 =	vxor.u32 $0x80000000, v7  }
0x20d: {  	(xrf1) =	vsort.ascd.msk.u32 $0xffff, v7, v6;
	_ =	sdelay $0xd  }
0x20e: {  	v6, v7, _ =	vpop (xrf1)  }
0x20f: {  	v6 =	vxor.u32 $0x80000000, v6  }
0x210: {  	v8 =	vperm.xlane v6, v0  }
0x211: {  	v9 =	vperm.xlane v7, v0  }
0x212: {  	vm5 =	veq.s32 v8, v6  }
0x213: {  	v53 =	vmin.f32 v7, v9;
	vm5 =	vmand vm5, vm0  }
0x214: {  	v54 =	vperm.xlane v6, v1;
	v7 =	vsel vm5, v53, v7  }
0x215: {  	v55 =	vperm.xlane v7, v1  }
0x216: {  	vm5 =	veq.s32 v54, v6  }
0x217: {  	vm5 =	vmand vm5, vm1;
	v56 =	vmin.f32 v7, v55  }
0x218: {  	v57 =	vperm.xlane v6, v2;
	v7 =	vsel vm5, v56, v7  }
0x219: {  	v10 =	vperm.xlane v6, v5;
	v58 =	vperm.xlane v7, v2  }
0x21a: {  	vm5 =	veq.s32 v57, v6  }
0x21b: {  	vm6 =	vne.s32 v10, v6;
	vm5 =	vmand vm5, vm2;
	v59 =	vmin.f32 v7, v58  }
0x21c: {  	v61 =	vperm.xlane v6, v3;
	v60 =	vld.idx.msk [tilespmem:v6+s5+$0x0], $0xffff;
	v7 =	vsel vm5, v59, v7;
	vm5 =	vmor vm6, vm4  }
0x21d: {  	v62 =	vperm.xlane v7, v3  }
0x21e: {  	vm6 =	veq.s32 v61, v6  }
0x21f: {  	vm6 =	vmand vm6, vm3;
	v63 =	vmin.f32 v7, v62  }
0x220: {  	v7 =	vsel vm6, v63, v7  }
0x221: {  	v7 =	vmin.f32 v60, v7  }
0x222: {  	s8 =	simm.s32 $0x0;
	s10 =	rddreg [dreg:$0x14];
	[tilespmem:v6+s5+$0x0] =	vst.idx.msk vm5, v7  }
0x223: {  	[tilespmem:s1], [sflag:$0x2] =	stream.linear.gather [hbm4b:s10+s8], $0x7D0, $0x38;
	[tilespmem:$0x1A700] =	vst v63  }
0x224: {  	s10 =	rddreg [dreg:$0x15]  }
0x225: {  	[tilespmem:s0], [sflag:$0x2] =	stream.linear.gather [hbm4b:s10+s8], $0x7D0, $0x38;
	[tilespmem:$0x1A700] =	vst v63  }
0x226: {  	_ =	swait.ge [sflag:s2], $0x7D0  }
0x227: {  	[sflag:s2] =	ssyncset.done $0x0  }
0x228: {  	[sflag:s2] =	ssyncadd.s32 $0xFFFFF830  }
0x229: {  	_ =	swait.ge [sflag:s2], $0x7D0  }
0x22a: {  	[sflag:s2] =	ssyncset.done $0x0  }
0x22b: {  	s9 =	simm.s32 $0x0;
	s8 =	simm.s32 $0x40;
	[sflag:s2] =	ssyncadd.s32 $0xFFFFF830  }
.LBB2_20:
0x22c: {  	p0 =	sne.s32 s8, $0x1F00;
	v6 =	vld [tilespmem:s9+$0x18700];
	_ =	sdelay $0x6  }
0x22d: {  	v7 =	vld [tilespmem:s9+$0x18F00]  }
0x22e: {  	v6 =	vld.idx.msk [tilespmem:v6+s3+$0x0], $0xffff;
	_ =	sdelay $0x4  }
0x22f: {  	v7 =	vxor.u32 $0x80000000, v7  }
0x230: {  	(xrf1) =	vsort.ascd.msk.u32 $0xffff, v7, v6;
	_ =	sdelay $0xd  }
0x231: {  	v6, v7, _ =	vpop (xrf1)  }
0x232: {  	v6 =	vxor.u32 $0x80000000, v6  }
0x233: {  	v8 =	vperm.xlane v6, v0  }
0x234: {  	v9 =	vperm.xlane v7, v0  }
0x235: {  	vm5 =	veq.s32 v8, v6  }
0x236: {  	v8 =	vmin.f32 v7, v9;
	vm5 =	vmand vm5, vm0  }
0x237: {  	v7 =	vsel vm5, v8, v7;
	v8 =	vperm.xlane v6, v1  }
0x238: {  	v9 =	vperm.xlane v7, v1  }
0x239: {  	vm5 =	veq.s32 v8, v6  }
0x23a: {  	vm5 =	vmand vm5, vm1;
	v8 =	vmin.f32 v7, v9  }
0x23b: {  	v7 =	vsel vm5, v8, v7;
	v8 =	vperm.xlane v6, v2  }
0x23c: {  	v10 =	vperm.xlane v6, v5;
	v9 =	vperm.xlane v7, v2  }
0x23d: {  	vm5 =	veq.s32 v8, v6  }
0x23e: {  	vm6 =	vne.s32 v10, v6;
	vm5 =	vmand vm5, vm2;
	v8 =	vmin.f32 v7, v9;
	v9 =	vld.idx.msk [tilespmem:v6+s5+$0x0], $0xffff  }
0x23f: {  	v7 =	vsel vm5, v8, v7;
	v8 =	vperm.xlane v6, v3;
	vm5 =	vmor vm6, vm4  }
0x240: {  	v10 =	vperm.xlane v7, v3  }
.Ltmp9:
0x241: {  	vm6 =	veq.s32 v8, v6;
	(pc) =	sbr.rel @p0 .LBB2_20-.Ltmp9, $4  }
0x242: {  	vm6 =	vmand vm6, vm3;
	v8 =	vmin.f32 v7, v10  }
0x243: {  	v7 =	vsel vm6, v8, v7  }
0x244: {  	v7 =	vmin.f32 v9, v7  }
0x245: {  	s9 =	sshra.s32 s8, $0x2;
	s8 =	sadd.s32 $0x40, s8;
	[tilespmem:v6+s5+$0x0] =	vst.idx.msk vm5, v7  }
0x246: {  	v6 =	vld [tilespmem:s9+$0x18700];
	_ =	sdelay $0x6  }
0x247: {  	v7 =	vld [tilespmem:s9+$0x18F00]  }
0x248: {  	v6 =	vld.idx.msk [tilespmem:v6+s3+$0x0], $0xffff;
	_ =	sdelay $0x3  }
0x249: {  	v7 =	vxor.u32 $0x80000000, v7  }
0x24a: {  	(xrf1) =	vsort.ascd.msk.u32 $0xffff, v7, v6;
	_ =	sdelay $0xd  }
0x24b: {  	v6, v7, _ =	vpop (xrf1)  }
0x24c: {  	v6 =	vxor.u32 $0x80000000, v6  }
0x24d: {  	v8 =	vperm.xlane v6, v0  }
0x24e: {  	v9 =	vperm.xlane v7, v0  }
0x24f: {  	vm5 =	veq.s32 v8, v6  }
0x250: {  	v53 =	vmin.f32 v7, v9;
	vm5 =	vmand vm5, vm0  }
0x251: {  	v54 =	vperm.xlane v6, v1;
	v7 =	vsel vm5, v53, v7  }
0x252: {  	v55 =	vperm.xlane v7, v1  }
0x253: {  	vm5 =	veq.s32 v54, v6  }
0x254: {  	vm5 =	vmand vm5, vm1;
	v56 =	vmin.f32 v7, v55  }
0x255: {  	v57 =	vperm.xlane v6, v2;
	v7 =	vsel vm5, v56, v7  }
0x256: {  	v10 =	vperm.xlane v6, v5;
	v58 =	vperm.xlane v7, v2  }
0x257: {  	vm5 =	veq.s32 v57, v6  }
0x258: {  	vm6 =	vne.s32 v10, v6;
	vm5 =	vmand vm5, vm2;
	v59 =	vmin.f32 v7, v58  }
0x259: {  	v61 =	vperm.xlane v6, v3;
	v60 =	vld.idx.msk [tilespmem:v6+s5+$0x0], $0xffff;
	v7 =	vsel vm5, v59, v7;
	vm5 =	vmor vm6, vm4  }
0x25a: {  	v62 =	vperm.xlane v7, v3  }
0x25b: {  	vm6 =	veq.s32 v61, v6  }
0x25c: {  	vm6 =	vmand vm6, vm3;
	v63 =	vmin.f32 v7, v62  }
0x25d: {  	v7 =	vsel vm6, v63, v7  }
0x25e: {  	v7 =	vmin.f32 v60, v7  }
0x25f: {  	s8 =	simm.s32 $0x0;
	s10 =	rddreg [dreg:$0x17];
	[tilespmem:v6+s5+$0x0] =	vst.idx.msk vm5, v7  }
0x260: {  	[tilespmem:s29], [sflag:$0x1] =	stream.linear.gather [hbm4b:s10+s8], $0x7D0, $0x38;
	[tilespmem:$0x1A700] =	vst v63  }
0x261: {  	s10 =	rddreg [dreg:$0x18]  }
0x262: {  	[tilespmem:s30], [sflag:$0x1] =	stream.linear.gather [hbm4b:s10+s8], $0x7D0, $0x38;
	[tilespmem:$0x1A700] =	vst v63  }
0x263: {  	_ =	swait.ge [sflag:s6], $0x7D0  }
0x264: {  	[sflag:s6] =	ssyncset.done $0x0  }
0x265: {  	[sflag:s6] =	ssyncadd.s32 $0xFFFFF830  }
0x266: {  	_ =	swait.ge [sflag:s6], $0x7D0  }
0x267: {  	[sflag:s6] =	ssyncset.done $0x0  }
0x268: {  	s9 =	simm.s32 $0x0;
	s8 =	simm.s32 $0x40;
	[sflag:s6] =	ssyncadd.s32 $0xFFFFF830  }
.LBB2_22:
0x269: {  	p0 =	sne.s32 s8, $0x1F00;
	v6 =	vld [tilespmem:s9+$0x19700];
	_ =	sdelay $0x6  }
0x26a: {  	v7 =	vld [tilespmem:s9+$0x19F00]  }
0x26b: {  	v6 =	vld.idx.msk [tilespmem:v6+s3+$0x0], $0xffff;
	_ =	sdelay $0x4  }
0x26c: {  	v7 =	vxor.u32 $0x80000000, v7  }
0x26d: {  	(xrf1) =	vsort.ascd.msk.u32 $0xffff, v7, v6;
	_ =	sdelay $0xd  }
0x26e: {  	v6, v7, _ =	vpop (xrf1)  }
0x26f: {  	v6 =	vxor.u32 $0x80000000, v6  }
0x270: {  	v8 =	vperm.xlane v6, v0  }
0x271: {  	v9 =	vperm.xlane v7, v0  }
0x272: {  	vm5 =	veq.s32 v8, v6  }
0x273: {  	v8 =	vmin.f32 v7, v9;
	vm5 =	vmand vm5, vm0  }
0x274: {  	v7 =	vsel vm5, v8, v7;
	v8 =	vperm.xlane v6, v1  }
0x275: {  	v9 =	vperm.xlane v7, v1  }
0x276: {  	vm5 =	veq.s32 v8, v6  }
0x277: {  	vm5 =	vmand vm5, vm1;
	v8 =	vmin.f32 v7, v9  }
0x278: {  	v7 =	vsel vm5, v8, v7;
	v8 =	vperm.xlane v6, v2  }
0x279: {  	v10 =	vperm.xlane v6, v5;
	v9 =	vperm.xlane v7, v2  }
0x27a: {  	vm5 =	veq.s32 v8, v6  }
0x27b: {  	vm6 =	vne.s32 v10, v6;
	vm5 =	vmand vm5, vm2;
	v8 =	vmin.f32 v7, v9;
	v9 =	vld.idx.msk [tilespmem:v6+s5+$0x0], $0xffff  }
0x27c: {  	v7 =	vsel vm5, v8, v7;
	v8 =	vperm.xlane v6, v3;
	vm5 =	vmor vm6, vm4  }
0x27d: {  	v10 =	vperm.xlane v7, v3  }
.Ltmp10:
0x27e: {  	vm6 =	veq.s32 v8, v6;
	(pc) =	sbr.rel @p0 .LBB2_22-.Ltmp10, $4  }
0x27f: {  	vm6 =	vmand vm6, vm3;
	v8 =	vmin.f32 v7, v10  }
0x280: {  	v7 =	vsel vm6, v8, v7  }
0x281: {  	v7 =	vmin.f32 v9, v7  }
0x282: {  	s9 =	sshra.s32 s8, $0x2;
	s8 =	sadd.s32 $0x40, s8;
	[tilespmem:v6+s5+$0x0] =	vst.idx.msk vm5, v7  }
0x283: {  	v6 =	vld [tilespmem:s9+$0x19700];
	_ =	sdelay $0x6  }
0x284: {  	v7 =	vld [tilespmem:s9+$0x19F00]  }
0x285: {  	v6 =	vld.idx.msk [tilespmem:v6+s3+$0x0], $0xffff;
	_ =	sdelay $0x3  }
0x286: {  	v7 =	vxor.u32 $0x80000000, v7  }
0x287: {  	(xrf1) =	vsort.ascd.msk.u32 $0xffff, v7, v6;
	_ =	sdelay $0xd  }
0x288: {  	v6, v7, _ =	vpop (xrf1)  }
0x289: {  	v6 =	vxor.u32 $0x80000000, v6  }
0x28a: {  	v8 =	vperm.xlane v6, v0  }
0x28b: {  	v9 =	vperm.xlane v7, v0  }
0x28c: {  	vm5 =	veq.s32 v8, v6  }
0x28d: {  	v53 =	vmin.f32 v7, v9;
	vm5 =	vmand vm5, vm0  }
0x28e: {  	v54 =	vperm.xlane v6, v1;
	v7 =	vsel vm5, v53, v7  }
0x28f: {  	v55 =	vperm.xlane v7, v1  }
0x290: {  	vm5 =	veq.s32 v54, v6  }
0x291: {  	vm5 =	vmand vm5, vm1;
	v56 =	vmin.f32 v7, v55  }
0x292: {  	v57 =	vperm.xlane v6, v2;
	v7 =	vsel vm5, v56, v7  }
0x293: {  	v10 =	vperm.xlane v6, v5;
	v58 =	vperm.xlane v7, v2  }
0x294: {  	vm5 =	veq.s32 v57, v6  }
0x295: {  	vm6 =	vne.s32 v10, v6;
	vm5 =	vmand vm5, vm2;
	v59 =	vmin.f32 v7, v58  }
0x296: {  	v61 =	vperm.xlane v6, v3;
	v60 =	vld.idx.msk [tilespmem:v6+s5+$0x0], $0xffff;
	v7 =	vsel vm5, v59, v7;
	vm5 =	vmor vm6, vm4  }
0x297: {  	v62 =	vperm.xlane v7, v3  }
0x298: {  	vm6 =	veq.s32 v61, v6  }
0x299: {  	vm6 =	vmand vm6, vm3;
	v63 =	vmin.f32 v7, v62  }
0x29a: {  	v7 =	vsel vm6, v63, v7  }
0x29b: {  	v7 =	vmin.f32 v60, v7  }
0x29c: {  	s8 =	simm.s32 $0x0;
	s10 =	rddreg [dreg:$0x19];
	[tilespmem:v6+s5+$0x0] =	vst.idx.msk vm5, v7  }
0x29d: {  	[tilespmem:s1], [sflag:$0x2] =	stream.linear.gather [hbm4b:s10+s8], $0x7D0, $0x38;
	[tilespmem:$0x1A700] =	vst v63  }
0x29e: {  	s10 =	rddreg [dreg:$0x1a]  }
0x29f: {  	[tilespmem:s0], [sflag:$0x2] =	stream.linear.gather [hbm4b:s10+s8], $0x7D0, $0x38;
	[tilespmem:$0x1A700] =	vst v63  }
0x2a0: {  	_ =	swait.ge [sflag:s2], $0x7D0  }
0x2a1: {  	[sflag:s2] =	ssyncset.done $0x0  }
0x2a2: {  	[sflag:s2] =	ssyncadd.s32 $0xFFFFF830  }
0x2a3: {  	_ =	swait.ge [sflag:s2], $0x7D0  }
0x2a4: {  	[sflag:s2] =	ssyncset.done $0x0  }
0x2a5: {  	s9 =	simm.s32 $0x0;
	s8 =	simm.s32 $0x40;
	[sflag:s2] =	ssyncadd.s32 $0xFFFFF830  }
.LBB2_24:
0x2a6: {  	p0 =	sne.s32 s8, $0x1F00;
	v6 =	vld [tilespmem:s9+$0x18700];
	_ =	sdelay $0x6  }
0x2a7: {  	v7 =	vld [tilespmem:s9+$0x18F00]  }
0x2a8: {  	v6 =	vld.idx.msk [tilespmem:v6+s3+$0x0], $0xffff;
	_ =	sdelay $0x4  }
0x2a9: {  	v7 =	vxor.u32 $0x80000000, v7  }
0x2aa: {  	(xrf1) =	vsort.ascd.msk.u32 $0xffff, v7, v6;
	_ =	sdelay $0xd  }
0x2ab: {  	v6, v7, _ =	vpop (xrf1)  }
0x2ac: {  	v6 =	vxor.u32 $0x80000000, v6  }
0x2ad: {  	v8 =	vperm.xlane v6, v0  }
0x2ae: {  	v9 =	vperm.xlane v7, v0  }
0x2af: {  	vm5 =	veq.s32 v8, v6  }
0x2b0: {  	v8 =	vmin.f32 v7, v9;
	vm5 =	vmand vm5, vm0  }
0x2b1: {  	v7 =	vsel vm5, v8, v7;
	v8 =	vperm.xlane v6, v1  }
0x2b2: {  	v9 =	vperm.xlane v7, v1  }
0x2b3: {  	vm5 =	veq.s32 v8, v6  }
0x2b4: {  	vm5 =	vmand vm5, vm1;
	v8 =	vmin.f32 v7, v9  }
0x2b5: {  	v7 =	vsel vm5, v8, v7;
	v8 =	vperm.xlane v6, v2  }
0x2b6: {  	v10 =	vperm.xlane v6, v5;
	v9 =	vperm.xlane v7, v2  }
0x2b7: {  	vm5 =	veq.s32 v8, v6  }
0x2b8: {  	vm6 =	vne.s32 v10, v6;
	vm5 =	vmand vm5, vm2;
	v8 =	vmin.f32 v7, v9;
	v9 =	vld.idx.msk [tilespmem:v6+s5+$0x0], $0xffff  }
0x2b9: {  	v7 =	vsel vm5, v8, v7;
	v8 =	vperm.xlane v6, v3;
	vm5 =	vmor vm6, vm4  }
0x2ba: {  	v10 =	vperm.xlane v7, v3  }
.Ltmp11:
0x2bb: {  	vm6 =	veq.s32 v8, v6;
	(pc) =	sbr.rel @p0 .LBB2_24-.Ltmp11, $4  }
0x2bc: {  	vm6 =	vmand vm6, vm3;
	v8 =	vmin.f32 v7, v10  }
0x2bd: {  	v7 =	vsel vm6, v8, v7  }
0x2be: {  	v7 =	vmin.f32 v9, v7  }
0x2bf: {  	s9 =	sshra.s32 s8, $0x2;
	s8 =	sadd.s32 $0x40, s8;
	[tilespmem:v6+s5+$0x0] =	vst.idx.msk vm5, v7  }
0x2c0: {  	v6 =	vld [tilespmem:s9+$0x18700];
	_ =	sdelay $0x6  }
0x2c1: {  	v7 =	vld [tilespmem:s9+$0x18F00]  }
0x2c2: {  	v6 =	vld.idx.msk [tilespmem:v6+s3+$0x0], $0xffff;
	_ =	sdelay $0x3  }
0x2c3: {  	v7 =	vxor.u32 $0x80000000, v7  }
0x2c4: {  	(xrf1) =	vsort.ascd.msk.u32 $0xffff, v7, v6;
	_ =	sdelay $0xd  }
0x2c5: {  	v6, v7, _ =	vpop (xrf1)  }
0x2c6: {  	v6 =	vxor.u32 $0x80000000, v6  }
0x2c7: {  	v8 =	vperm.xlane v6, v0  }
0x2c8: {  	v9 =	vperm.xlane v7, v0  }
0x2c9: {  	vm5 =	veq.s32 v8, v6  }
0x2ca: {  	v53 =	vmin.f32 v7, v9;
	vm5 =	vmand vm5, vm0  }
0x2cb: {  	v54 =	vperm.xlane v6, v1;
	v7 =	vsel vm5, v53, v7  }
0x2cc: {  	v55 =	vperm.xlane v7, v1  }
0x2cd: {  	vm5 =	veq.s32 v54, v6  }
0x2ce: {  	vm5 =	vmand vm5, vm1;
	v56 =	vmin.f32 v7, v55  }
0x2cf: {  	v57 =	vperm.xlane v6, v2;
	v7 =	vsel vm5, v56, v7  }
0x2d0: {  	v10 =	vperm.xlane v6, v5;
	v58 =	vperm.xlane v7, v2  }
0x2d1: {  	vm5 =	veq.s32 v57, v6  }
0x2d2: {  	vm6 =	vne.s32 v10, v6;
	vm5 =	vmand vm5, vm2;
	v59 =	vmin.f32 v7, v58  }
0x2d3: {  	v61 =	vperm.xlane v6, v3;
	v60 =	vld.idx.msk [tilespmem:v6+s5+$0x0], $0xffff;
	v7 =	vsel vm5, v59, v7;
	vm5 =	vmor vm6, vm4  }
0x2d4: {  	v62 =	vperm.xlane v7, v3  }
0x2d5: {  	vm6 =	veq.s32 v61, v6  }
0x2d6: {  	vm6 =	vmand vm6, vm3;
	v63 =	vmin.f32 v7, v62  }
0x2d7: {  	v7 =	vsel vm6, v63, v7  }
0x2d8: {  	v7 =	vmin.f32 v60, v7  }
0x2d9: {  	s8 =	simm.s32 $0x0;
	s10 =	rddreg [dreg:$0x1b];
	[tilespmem:v6+s5+$0x0] =	vst.idx.msk vm5, v7  }
0x2da: {  	[tilespmem:s29], [sflag:$0x1] =	stream.linear.gather [hbm4b:s10+s8], $0x7D0, $0x38;
	[tilespmem:$0x1A700] =	vst v63  }
0x2db: {  	s10 =	rddreg [dreg:$0x1c]  }
0x2dc: {  	[tilespmem:s30], [sflag:$0x1] =	stream.linear.gather [hbm4b:s10+s8], $0x7D0, $0x38;
	[tilespmem:$0x1A700] =	vst v63  }
0x2dd: {  	_ =	swait.ge [sflag:s6], $0x7D0  }
0x2de: {  	[sflag:s6] =	ssyncset.done $0x0  }
0x2df: {  	[sflag:s6] =	ssyncadd.s32 $0xFFFFF830  }
0x2e0: {  	_ =	swait.ge [sflag:s6], $0x7D0  }
0x2e1: {  	[sflag:s6] =	ssyncset.done $0x0  }
0x2e2: {  	s9 =	simm.s32 $0x0;
	s8 =	simm.s32 $0x40;
	[sflag:s6] =	ssyncadd.s32 $0xFFFFF830  }
.LBB2_26:
0x2e3: {  	p0 =	sne.s32 s8, $0x1F00;
	v6 =	vld [tilespmem:s9+$0x19700];
	_ =	sdelay $0x6  }
0x2e4: {  	v7 =	vld [tilespmem:s9+$0x19F00]  }
0x2e5: {  	v6 =	vld.idx.msk [tilespmem:v6+s3+$0x0], $0xffff;
	_ =	sdelay $0x4  }
0x2e6: {  	v7 =	vxor.u32 $0x80000000, v7  }
0x2e7: {  	(xrf1) =	vsort.ascd.msk.u32 $0xffff, v7, v6;
	_ =	sdelay $0xd  }
0x2e8: {  	v6, v7, _ =	vpop (xrf1)  }
0x2e9: {  	v6 =	vxor.u32 $0x80000000, v6  }
0x2ea: {  	v8 =	vperm.xlane v6, v0  }
0x2eb: {  	v9 =	vperm.xlane v7, v0  }
0x2ec: {  	vm5 =	veq.s32 v8, v6  }
0x2ed: {  	v8 =	vmin.f32 v7, v9;
	vm5 =	vmand vm5, vm0  }
0x2ee: {  	v7 =	vsel vm5, v8, v7;
	v8 =	vperm.xlane v6, v1  }
0x2ef: {  	v9 =	vperm.xlane v7, v1  }
0x2f0: {  	vm5 =	veq.s32 v8, v6  }
0x2f1: {  	vm5 =	vmand vm5, vm1;
	v8 =	vmin.f32 v7, v9  }
0x2f2: {  	v7 =	vsel vm5, v8, v7;
	v8 =	vperm.xlane v6, v2  }
0x2f3: {  	v10 =	vperm.xlane v6, v5;
	v9 =	vperm.xlane v7, v2  }
0x2f4: {  	vm5 =	veq.s32 v8, v6  }
0x2f5: {  	vm6 =	vne.s32 v10, v6;
	vm5 =	vmand vm5, vm2;
	v8 =	vmin.f32 v7, v9;
	v9 =	vld.idx.msk [tilespmem:v6+s5+$0x0], $0xffff  }
0x2f6: {  	v7 =	vsel vm5, v8, v7;
	v8 =	vperm.xlane v6, v3;
	vm5 =	vmor vm6, vm4  }
0x2f7: {  	v10 =	vperm.xlane v7, v3  }
.Ltmp12:
0x2f8: {  	vm6 =	veq.s32 v8, v6;
	(pc) =	sbr.rel @p0 .LBB2_26-.Ltmp12, $4  }
0x2f9: {  	vm6 =	vmand vm6, vm3;
	v8 =	vmin.f32 v7, v10  }
0x2fa: {  	v7 =	vsel vm6, v8, v7  }
0x2fb: {  	v7 =	vmin.f32 v9, v7  }
0x2fc: {  	s9 =	sshra.s32 s8, $0x2;
	s8 =	sadd.s32 $0x40, s8;
	[tilespmem:v6+s5+$0x0] =	vst.idx.msk vm5, v7  }
0x2fd: {  	v6 =	vld [tilespmem:s9+$0x19700];
	_ =	sdelay $0x6  }
0x2fe: {  	v7 =	vld [tilespmem:s9+$0x19F00]  }
0x2ff: {  	v6 =	vld.idx.msk [tilespmem:v6+s3+$0x0], $0xffff;
	_ =	sdelay $0x3  }
0x300: {  	v7 =	vxor.u32 $0x80000000, v7  }
0x301: {  	(xrf1) =	vsort.ascd.msk.u32 $0xffff, v7, v6;
	_ =	sdelay $0xd  }
0x302: {  	v6, v7, _ =	vpop (xrf1)  }
0x303: {  	v6 =	vxor.u32 $0x80000000, v6  }
0x304: {  	v8 =	vperm.xlane v6, v0  }
0x305: {  	v9 =	vperm.xlane v7, v0  }
0x306: {  	vm5 =	veq.s32 v8, v6  }
0x307: {  	v53 =	vmin.f32 v7, v9;
	vm5 =	vmand vm5, vm0  }
0x308: {  	v54 =	vperm.xlane v6, v1;
	v7 =	vsel vm5, v53, v7  }
0x309: {  	v55 =	vperm.xlane v7, v1  }
0x30a: {  	vm5 =	veq.s32 v54, v6  }
0x30b: {  	vm5 =	vmand vm5, vm1;
	v56 =	vmin.f32 v7, v55  }
0x30c: {  	v57 =	vperm.xlane v6, v2;
	v7 =	vsel vm5, v56, v7  }
0x30d: {  	v10 =	vperm.xlane v6, v5;
	v58 =	vperm.xlane v7, v2  }
0x30e: {  	vm5 =	veq.s32 v57, v6  }
0x30f: {  	vm6 =	vne.s32 v10, v6;
	vm5 =	vmand vm5, vm2;
	v59 =	vmin.f32 v7, v58  }
0x310: {  	v61 =	vperm.xlane v6, v3;
	v60 =	vld.idx.msk [tilespmem:v6+s5+$0x0], $0xffff;
	v7 =	vsel vm5, v59, v7;
	vm5 =	vmor vm6, vm4  }
0x311: {  	v62 =	vperm.xlane v7, v3  }
0x312: {  	vm6 =	veq.s32 v61, v6  }
0x313: {  	vm6 =	vmand vm6, vm3;
	v63 =	vmin.f32 v7, v62  }
0x314: {  	v7 =	vsel vm6, v63, v7  }
0x315: {  	v7 =	vmin.f32 v60, v7  }
0x316: {  	s8 =	simm.s32 $0x0;
	s10 =	rddreg [dreg:$0x1d];
	[tilespmem:v6+s5+$0x0] =	vst.idx.msk vm5, v7  }
0x317: {  	[tilespmem:s1], [sflag:$0x2] =	stream.linear.gather [hbm4b:s10+s8], $0x7D0, $0x38;
	[tilespmem:$0x1A700] =	vst v63  }
0x318: {  	s10 =	rddreg [dreg:$0x1e]  }
0x319: {  	[tilespmem:s0], [sflag:$0x2] =	stream.linear.gather [hbm4b:s10+s8], $0x7D0, $0x38;
	[tilespmem:$0x1A700] =	vst v63  }
0x31a: {  	_ =	swait.ge [sflag:s2], $0x7D0  }
0x31b: {  	[sflag:s2] =	ssyncset.done $0x0  }
0x31c: {  	[sflag:s2] =	ssyncadd.s32 $0xFFFFF830  }
0x31d: {  	_ =	swait.ge [sflag:s2], $0x7D0  }
0x31e: {  	[sflag:s2] =	ssyncset.done $0x0  }
0x31f: {  	s9 =	simm.s32 $0x0;
	s8 =	simm.s32 $0x40;
	[sflag:s2] =	ssyncadd.s32 $0xFFFFF830  }
.LBB2_28:
0x320: {  	p0 =	sne.s32 s8, $0x1F00;
	v6 =	vld [tilespmem:s9+$0x18700];
	_ =	sdelay $0x6  }
0x321: {  	v7 =	vld [tilespmem:s9+$0x18F00]  }
0x322: {  	v6 =	vld.idx.msk [tilespmem:v6+s3+$0x0], $0xffff;
	_ =	sdelay $0x4  }
0x323: {  	v7 =	vxor.u32 $0x80000000, v7  }
0x324: {  	(xrf1) =	vsort.ascd.msk.u32 $0xffff, v7, v6;
	_ =	sdelay $0xd  }
0x325: {  	v6, v7, _ =	vpop (xrf1)  }
0x326: {  	v6 =	vxor.u32 $0x80000000, v6  }
0x327: {  	v8 =	vperm.xlane v6, v0  }
0x328: {  	v9 =	vperm.xlane v7, v0  }
0x329: {  	vm5 =	veq.s32 v8, v6  }
0x32a: {  	v8 =	vmin.f32 v7, v9;
	vm5 =	vmand vm5, vm0  }
0x32b: {  	v7 =	vsel vm5, v8, v7;
	v8 =	vperm.xlane v6, v1  }
0x32c: {  	v9 =	vperm.xlane v7, v1  }
0x32d: {  	vm5 =	veq.s32 v8, v6  }
0x32e: {  	vm5 =	vmand vm5, vm1;
	v8 =	vmin.f32 v7, v9  }
0x32f: {  	v7 =	vsel vm5, v8, v7;
	v8 =	vperm.xlane v6, v2  }
0x330: {  	v10 =	vperm.xlane v6, v5;
	v9 =	vperm.xlane v7, v2  }
0x331: {  	vm5 =	veq.s32 v8, v6  }
0x332: {  	vm6 =	vne.s32 v10, v6;
	vm5 =	vmand vm5, vm2;
	v8 =	vmin.f32 v7, v9;
	v9 =	vld.idx.msk [tilespmem:v6+s5+$0x0], $0xffff  }
0x333: {  	v7 =	vsel vm5, v8, v7;
	v8 =	vperm.xlane v6, v3;
	vm5 =	vmor vm6, vm4  }
0x334: {  	v10 =	vperm.xlane v7, v3  }
.Ltmp13:
0x335: {  	vm6 =	veq.s32 v8, v6;
	(pc) =	sbr.rel @p0 .LBB2_28-.Ltmp13, $4  }
0x336: {  	vm6 =	vmand vm6, vm3;
	v8 =	vmin.f32 v7, v10  }
0x337: {  	v7 =	vsel vm6, v8, v7  }
0x338: {  	v7 =	vmin.f32 v9, v7  }
0x339: {  	s9 =	sshra.s32 s8, $0x2;
	s8 =	sadd.s32 $0x40, s8;
	[tilespmem:v6+s5+$0x0] =	vst.idx.msk vm5, v7  }
0x33a: {  	v6 =	vld [tilespmem:s9+$0x18700];
	_ =	sdelay $0x6  }
0x33b: {  	v7 =	vld [tilespmem:s9+$0x18F00]  }
0x33c: {  	v6 =	vld.idx.msk [tilespmem:v6+s3+$0x0], $0xffff;
	_ =	sdelay $0x3  }
0x33d: {  	v7 =	vxor.u32 $0x80000000, v7  }
0x33e: {  	(xrf1) =	vsort.ascd.msk.u32 $0xffff, v7, v6;
	_ =	sdelay $0xd  }
0x33f: {  	v6, v7, _ =	vpop (xrf1)  }
0x340: {  	v6 =	vxor.u32 $0x80000000, v6  }
0x341: {  	v8 =	vperm.xlane v6, v0  }
0x342: {  	v9 =	vperm.xlane v7, v0  }
0x343: {  	vm5 =	veq.s32 v8, v6  }
0x344: {  	v53 =	vmin.f32 v7, v9;
	vm5 =	vmand vm5, vm0  }
0x345: {  	v54 =	vperm.xlane v6, v1;
	v7 =	vsel vm5, v53, v7  }
0x346: {  	v55 =	vperm.xlane v7, v1  }
0x347: {  	vm5 =	veq.s32 v54, v6  }
0x348: {  	vm5 =	vmand vm5, vm1;
	v56 =	vmin.f32 v7, v55  }
0x349: {  	v57 =	vperm.xlane v6, v2;
	v7 =	vsel vm5, v56, v7  }
0x34a: {  	v10 =	vperm.xlane v6, v5;
	v58 =	vperm.xlane v7, v2  }
0x34b: {  	vm5 =	veq.s32 v57, v6  }
0x34c: {  	vm6 =	vne.s32 v10, v6;
	vm5 =	vmand vm5, vm2;
	v59 =	vmin.f32 v7, v58  }
0x34d: {  	v61 =	vperm.xlane v6, v3;
	v60 =	vld.idx.msk [tilespmem:v6+s5+$0x0], $0xffff;
	v7 =	vsel vm5, v59, v7;
	vm5 =	vmor vm6, vm4  }
0x34e: {  	v62 =	vperm.xlane v7, v3  }
0x34f: {  	vm6 =	veq.s32 v61, v6  }
0x350: {  	vm6 =	vmand vm6, vm3;
	v63 =	vmin.f32 v7, v62  }
0x351: {  	v7 =	vsel vm6, v63, v7  }
0x352: {  	v7 =	vmin.f32 v60, v7  }
0x353: {  	s8 =	simm.s32 $0x0;
	s10 =	rddreg [dreg:$0x1f];
	[tilespmem:v6+s5+$0x0] =	vst.idx.msk vm5, v7  }
0x354: {  	[tilespmem:s29], [sflag:$0x1] =	stream.linear.gather [hbm4b:s10+s8], $0x7D0, $0x38;
	[tilespmem:$0x1A700] =	vst v63  }
0x355: {  	s10 =	sld [smem:$0x7F9];
	_ =	sdelay $0x2  }
0x356: {  	[tilespmem:s30], [sflag:$0x1] =	stream.linear.gather [hbm4b:s10+s8], $0x7D0, $0x38;
	[tilespmem:$0x1A700] =	vst v63  }
0x357: {  	_ =	swait.ge [sflag:s6], $0x7D0  }
0x358: {  	[sflag:s6] =	ssyncset.done $0x0  }
0x359: {  	[sflag:s6] =	ssyncadd.s32 $0xFFFFF830  }
0x35a: {  	_ =	swait.ge [sflag:s6], $0x7D0  }
0x35b: {  	[sflag:s6] =	ssyncset.done $0x0  }
0x35c: {  	s9 =	simm.s32 $0x0;
	s8 =	simm.s32 $0x40;
	[sflag:s6] =	ssyncadd.s32 $0xFFFFF830  }
.LBB2_30:
0x35d: {  	p0 =	sne.s32 s8, $0x1F00;
	v6 =	vld [tilespmem:s9+$0x19700];
	_ =	sdelay $0x6  }
0x35e: {  	v7 =	vld [tilespmem:s9+$0x19F00]  }
0x35f: {  	v6 =	vld.idx.msk [tilespmem:v6+s3+$0x0], $0xffff;
	_ =	sdelay $0x4  }
0x360: {  	v7 =	vxor.u32 $0x80000000, v7  }
0x361: {  	(xrf1) =	vsort.ascd.msk.u32 $0xffff, v7, v6;
	_ =	sdelay $0xd  }
0x362: {  	v6, v7, _ =	vpop (xrf1)  }
0x363: {  	v6 =	vxor.u32 $0x80000000, v6  }
0x364: {  	v8 =	vperm.xlane v6, v0  }
0x365: {  	v9 =	vperm.xlane v7, v0  }
0x366: {  	vm5 =	veq.s32 v8, v6  }
0x367: {  	v8 =	vmin.f32 v7, v9;
	vm5 =	vmand vm5, vm0  }
0x368: {  	v7 =	vsel vm5, v8, v7;
	v8 =	vperm.xlane v6, v1  }
0x369: {  	v9 =	vperm.xlane v7, v1  }
0x36a: {  	vm5 =	veq.s32 v8, v6  }
0x36b: {  	vm5 =	vmand vm5, vm1;
	v8 =	vmin.f32 v7, v9  }
0x36c: {  	v7 =	vsel vm5, v8, v7;
	v8 =	vperm.xlane v6, v2  }
0x36d: {  	v10 =	vperm.xlane v6, v5;
	v9 =	vperm.xlane v7, v2  }
0x36e: {  	vm5 =	veq.s32 v8, v6  }
0x36f: {  	vm6 =	vne.s32 v10, v6;
	vm5 =	vmand vm5, vm2;
	v8 =	vmin.f32 v7, v9;
	v9 =	vld.idx.msk [tilespmem:v6+s5+$0x0], $0xffff  }
0x370: {  	v7 =	vsel vm5, v8, v7;
	v8 =	vperm.xlane v6, v3;
	vm5 =	vmor vm6, vm4  }
0x371: {  	v10 =	vperm.xlane v7, v3  }
.Ltmp14:
0x372: {  	vm6 =	veq.s32 v8, v6;
	(pc) =	sbr.rel @p0 .LBB2_30-.Ltmp14, $4  }
0x373: {  	vm6 =	vmand vm6, vm3;
	v8 =	vmin.f32 v7, v10  }
0x374: {  	v7 =	vsel vm6, v8, v7  }
0x375: {  	v7 =	vmin.f32 v9, v7  }
0x376: {  	s9 =	sshra.s32 s8, $0x2;
	s8 =	sadd.s32 $0x40, s8;
	[tilespmem:v6+s5+$0x0] =	vst.idx.msk vm5, v7  }
0x377: {  	v6 =	vld [tilespmem:s9+$0x19700];
	_ =	sdelay $0x6  }
0x378: {  	v7 =	vld [tilespmem:s9+$0x19F00]  }
0x379: {  	v6 =	vld.idx.msk [tilespmem:v6+s3+$0x0], $0xffff;
	_ =	sdelay $0x3  }
0x37a: {  	v7 =	vxor.u32 $0x80000000, v7  }
0x37b: {  	(xrf1) =	vsort.ascd.msk.u32 $0xffff, v7, v6;
	_ =	sdelay $0xd  }
0x37c: {  	v6, v7, _ =	vpop (xrf1)  }
0x37d: {  	v6 =	vxor.u32 $0x80000000, v6  }
0x37e: {  	v8 =	vperm.xlane v6, v0  }
0x37f: {  	v9 =	vperm.xlane v7, v0  }
0x380: {  	vm5 =	veq.s32 v8, v6  }
0x381: {  	v53 =	vmin.f32 v7, v9;
	vm5 =	vmand vm5, vm0  }
0x382: {  	v54 =	vperm.xlane v6, v1;
	v7 =	vsel vm5, v53, v7  }
0x383: {  	v55 =	vperm.xlane v7, v1  }
0x384: {  	vm5 =	veq.s32 v54, v6  }
0x385: {  	vm5 =	vmand vm5, vm1;
	v56 =	vmin.f32 v7, v55  }
0x386: {  	v57 =	vperm.xlane v6, v2;
	v7 =	vsel vm5, v56, v7  }
0x387: {  	v10 =	vperm.xlane v6, v5;
	v58 =	vperm.xlane v7, v2  }
0x388: {  	vm5 =	veq.s32 v57, v6  }
0x389: {  	vm6 =	vne.s32 v10, v6;
	vm5 =	vmand vm5, vm2;
	v59 =	vmin.f32 v7, v58  }
0x38a: {  	v61 =	vperm.xlane v6, v3;
	v60 =	vld.idx.msk [tilespmem:v6+s5+$0x0], $0xffff;
	v7 =	vsel vm5, v59, v7;
	vm5 =	vmor vm6, vm4  }
0x38b: {  	v62 =	vperm.xlane v7, v3  }
0x38c: {  	vm6 =	veq.s32 v61, v6  }
0x38d: {  	vm6 =	vmand vm6, vm3;
	v63 =	vmin.f32 v7, v62  }
0x38e: {  	s10 =	sld [smem:$0x7FA];
	v7 =	vsel vm6, v63, v7  }
0x38f: {  	v7 =	vmin.f32 v60, v7  }
0x390: {  	s8 =	simm.s32 $0x0;
	[tilespmem:v6+s5+$0x0] =	vst.idx.msk vm5, v7  }
0x391: {  	[tilespmem:s1], [sflag:$0x2] =	stream.linear.gather [hbm4b:s10+s8], $0x7D0, $0x38;
	[tilespmem:$0x1A700] =	vst v63  }
0x392: {  	s10 =	sld [smem:$0x7FB];
	_ =	sdelay $0x2  }
0x393: {  	[tilespmem:s0], [sflag:$0x2] =	stream.linear.gather [hbm4b:s10+s8], $0x7D0, $0x38;
	[tilespmem:$0x1A700] =	vst v63  }
0x394: {  	_ =	swait.ge [sflag:s2], $0x7D0  }
0x395: {  	[sflag:s2] =	ssyncset.done $0x0  }
0x396: {  	[sflag:s2] =	ssyncadd.s32 $0xFFFFF830  }
0x397: {  	_ =	swait.ge [sflag:s2], $0x7D0  }
0x398: {  	[sflag:s2] =	ssyncset.done $0x0  }
0x399: {  	s9 =	simm.s32 $0x0;
	s8 =	simm.s32 $0x40;
	[sflag:s2] =	ssyncadd.s32 $0xFFFFF830  }
.LBB2_32:
0x39a: {  	p0 =	sne.s32 s8, $0x1F00;
	v6 =	vld [tilespmem:s9+$0x18700];
	_ =	sdelay $0x6  }
0x39b: {  	v7 =	vld [tilespmem:s9+$0x18F00]  }
0x39c: {  	v6 =	vld.idx.msk [tilespmem:v6+s3+$0x0], $0xffff;
	_ =	sdelay $0x4  }
0x39d: {  	v7 =	vxor.u32 $0x80000000, v7  }
0x39e: {  	(xrf1) =	vsort.ascd.msk.u32 $0xffff, v7, v6;
	_ =	sdelay $0xd  }
0x39f: {  	v6, v7, _ =	vpop (xrf1)  }
0x3a0: {  	v6 =	vxor.u32 $0x80000000, v6  }
0x3a1: {  	v8 =	vperm.xlane v6, v0  }
0x3a2: {  	v9 =	vperm.xlane v7, v0  }
0x3a3: {  	vm5 =	veq.s32 v8, v6  }
0x3a4: {  	v8 =	vmin.f32 v7, v9;
	vm5 =	vmand vm5, vm0  }
0x3a5: {  	v7 =	vsel vm5, v8, v7;
	v8 =	vperm.xlane v6, v1  }
0x3a6: {  	v9 =	vperm.xlane v7, v1  }
0x3a7: {  	vm5 =	veq.s32 v8, v6  }
0x3a8: {  	vm5 =	vmand vm5, vm1;
	v8 =	vmin.f32 v7, v9  }
0x3a9: {  	v7 =	vsel vm5, v8, v7;
	v8 =	vperm.xlane v6, v2  }
0x3aa: {  	v10 =	vperm.xlane v6, v5;
	v9 =	vperm.xlane v7, v2  }
0x3ab: {  	vm5 =	veq.s32 v8, v6  }
0x3ac: {  	vm6 =	vne.s32 v10, v6;
	vm5 =	vmand vm5, vm2;
	v8 =	vmin.f32 v7, v9;
	v9 =	vld.idx.msk [tilespmem:v6+s5+$0x0], $0xffff  }
0x3ad: {  	v7 =	vsel vm5, v8, v7;
	v8 =	vperm.xlane v6, v3;
	vm5 =	vmor vm6, vm4  }
0x3ae: {  	v10 =	vperm.xlane v7, v3  }
.Ltmp15:
0x3af: {  	vm6 =	veq.s32 v8, v6;
	(pc) =	sbr.rel @p0 .LBB2_32-.Ltmp15, $4  }
0x3b0: {  	vm6 =	vmand vm6, vm3;
	v8 =	vmin.f32 v7, v10  }
0x3b1: {  	v7 =	vsel vm6, v8, v7  }
0x3b2: {  	v7 =	vmin.f32 v9, v7  }
0x3b3: {  	s9 =	sshra.s32 s8, $0x2;
	s8 =	sadd.s32 $0x40, s8;
	[tilespmem:v6+s5+$0x0] =	vst.idx.msk vm5, v7  }
0x3b4: {  	v6 =	vld [tilespmem:s9+$0x18700];
	_ =	sdelay $0x6  }
0x3b5: {  	v7 =	vld [tilespmem:s9+$0x18F00]  }
0x3b6: {  	v6 =	vld.idx.msk [tilespmem:v6+s3+$0x0], $0xffff;
	_ =	sdelay $0x3  }
0x3b7: {  	v7 =	vxor.u32 $0x80000000, v7  }
0x3b8: {  	(xrf1) =	vsort.ascd.msk.u32 $0xffff, v7, v6;
	_ =	sdelay $0xd  }
0x3b9: {  	v6, v7, _ =	vpop (xrf1)  }
0x3ba: {  	v6 =	vxor.u32 $0x80000000, v6  }
0x3bb: {  	v8 =	vperm.xlane v6, v0  }
0x3bc: {  	v9 =	vperm.xlane v7, v0  }
0x3bd: {  	vm5 =	veq.s32 v8, v6  }
0x3be: {  	v53 =	vmin.f32 v7, v9;
	vm5 =	vmand vm5, vm0  }
0x3bf: {  	v54 =	vperm.xlane v6, v1;
	v7 =	vsel vm5, v53, v7  }
0x3c0: {  	v55 =	vperm.xlane v7, v1  }
0x3c1: {  	vm5 =	veq.s32 v54, v6  }
0x3c2: {  	vm5 =	vmand vm5, vm1;
	v56 =	vmin.f32 v7, v55  }
0x3c3: {  	v57 =	vperm.xlane v6, v2;
	v7 =	vsel vm5, v56, v7  }
0x3c4: {  	v10 =	vperm.xlane v6, v5;
	v58 =	vperm.xlane v7, v2  }
0x3c5: {  	vm5 =	veq.s32 v57, v6  }
0x3c6: {  	vm6 =	vne.s32 v10, v6;
	vm5 =	vmand vm5, vm2;
	v59 =	vmin.f32 v7, v58  }
0x3c7: {  	v61 =	vperm.xlane v6, v3;
	v60 =	vld.idx.msk [tilespmem:v6+s5+$0x0], $0xffff;
	v7 =	vsel vm5, v59, v7;
	vm5 =	vmor vm6, vm4  }
0x3c8: {  	v62 =	vperm.xlane v7, v3  }
0x3c9: {  	vm6 =	veq.s32 v61, v6  }
0x3ca: {  	vm6 =	vmand vm6, vm3;
	v63 =	vmin.f32 v7, v62  }
0x3cb: {  	s10 =	sld [smem:$0x7FC];
	v7 =	vsel vm6, v63, v7  }
0x3cc: {  	v7 =	vmin.f32 v60, v7  }
0x3cd: {  	s8 =	simm.s32 $0x0;
	[tilespmem:v6+s5+$0x0] =	vst.idx.msk vm5, v7  }
0x3ce: {  	[tilespmem:s29], [sflag:$0x1] =	stream.linear.gather [hbm4b:s10+s8], $0x7D0, $0x38;
	[tilespmem:$0x1A700] =	vst v63  }
0x3cf: {  	s10 =	sld [smem:$0x7FD];
	_ =	sdelay $0x2  }
0x3d0: {  	[tilespmem:s30], [sflag:$0x1] =	stream.linear.gather [hbm4b:s10+s8], $0x7D0, $0x38;
	[tilespmem:$0x1A700] =	vst v63  }
0x3d1: {  	_ =	swait.ge [sflag:s6], $0x7D0  }
0x3d2: {  	[sflag:s6] =	ssyncset.done $0x0  }
0x3d3: {  	[sflag:s6] =	ssyncadd.s32 $0xFFFFF830  }
0x3d4: {  	_ =	swait.ge [sflag:s6], $0x7D0  }
0x3d5: {  	[sflag:s6] =	ssyncset.done $0x0  }
0x3d6: {  	s9 =	simm.s32 $0x0;
	s8 =	simm.s32 $0x40;
	[sflag:s6] =	ssyncadd.s32 $0xFFFFF830  }
.LBB2_34:
0x3d7: {  	p0 =	sne.s32 s8, $0x1F00;
	v6 =	vld [tilespmem:s9+$0x19700];
	_ =	sdelay $0x6  }
0x3d8: {  	v7 =	vld [tilespmem:s9+$0x19F00]  }
0x3d9: {  	v6 =	vld.idx.msk [tilespmem:v6+s3+$0x0], $0xffff;
	_ =	sdelay $0x4  }
0x3da: {  	v7 =	vxor.u32 $0x80000000, v7  }
0x3db: {  	(xrf1) =	vsort.ascd.msk.u32 $0xffff, v7, v6;
	_ =	sdelay $0xd  }
0x3dc: {  	v6, v7, _ =	vpop (xrf1)  }
0x3dd: {  	v6 =	vxor.u32 $0x80000000, v6  }
0x3de: {  	v8 =	vperm.xlane v6, v0  }
0x3df: {  	v9 =	vperm.xlane v7, v0  }
0x3e0: {  	vm5 =	veq.s32 v8, v6  }
0x3e1: {  	v8 =	vmin.f32 v7, v9;
	vm5 =	vmand vm5, vm0  }
0x3e2: {  	v7 =	vsel vm5, v8, v7;
	v8 =	vperm.xlane v6, v1  }
0x3e3: {  	v9 =	vperm.xlane v7, v1  }
0x3e4: {  	vm5 =	veq.s32 v8, v6  }
0x3e5: {  	vm5 =	vmand vm5, vm1;
	v8 =	vmin.f32 v7, v9  }
0x3e6: {  	v7 =	vsel vm5, v8, v7;
	v8 =	vperm.xlane v6, v2  }
0x3e7: {  	v10 =	vperm.xlane v6, v5;
	v9 =	vperm.xlane v7, v2  }
0x3e8: {  	vm5 =	veq.s32 v8, v6  }
0x3e9: {  	vm6 =	vne.s32 v10, v6;
	vm5 =	vmand vm5, vm2;
	v8 =	vmin.f32 v7, v9;
	v9 =	vld.idx.msk [tilespmem:v6+s5+$0x0], $0xffff  }
0x3ea: {  	v7 =	vsel vm5, v8, v7;
	v8 =	vperm.xlane v6, v3;
	vm5 =	vmor vm6, vm4  }
0x3eb: {  	v10 =	vperm.xlane v7, v3  }
.Ltmp16:
0x3ec: {  	vm6 =	veq.s32 v8, v6;
	(pc) =	sbr.rel @p0 .LBB2_34-.Ltmp16, $4  }
0x3ed: {  	vm6 =	vmand vm6, vm3;
	v8 =	vmin.f32 v7, v10  }
0x3ee: {  	v7 =	vsel vm6, v8, v7  }
0x3ef: {  	v7 =	vmin.f32 v9, v7  }
0x3f0: {  	s9 =	sshra.s32 s8, $0x2;
	s8 =	sadd.s32 $0x40, s8;
	[tilespmem:v6+s5+$0x0] =	vst.idx.msk vm5, v7  }
0x3f1: {  	v6 =	vld [tilespmem:s9+$0x19700];
	_ =	sdelay $0x6  }
0x3f2: {  	v7 =	vld [tilespmem:s9+$0x19F00]  }
0x3f3: {  	v6 =	vld.idx.msk [tilespmem:v6+s3+$0x0], $0xffff;
	_ =	sdelay $0x3  }
0x3f4: {  	v7 =	vxor.u32 $0x80000000, v7  }
0x3f5: {  	(xrf1) =	vsort.ascd.msk.u32 $0xffff, v7, v6;
	_ =	sdelay $0xd  }
0x3f6: {  	v6, v7, _ =	vpop (xrf1)  }
0x3f7: {  	v6 =	vxor.u32 $0x80000000, v6  }
0x3f8: {  	v8 =	vperm.xlane v6, v0  }
0x3f9: {  	v9 =	vperm.xlane v7, v0  }
0x3fa: {  	vm5 =	veq.s32 v8, v6  }
0x3fb: {  	v53 =	vmin.f32 v7, v9;
	vm5 =	vmand vm5, vm0  }
0x3fc: {  	v54 =	vperm.xlane v6, v1;
	v7 =	vsel vm5, v53, v7  }
0x3fd: {  	v55 =	vperm.xlane v7, v1  }
0x3fe: {  	vm5 =	veq.s32 v54, v6  }
0x3ff: {  	vm5 =	vmand vm5, vm1;
	v56 =	vmin.f32 v7, v55  }
0x400: {  	v57 =	vperm.xlane v6, v2;
	v7 =	vsel vm5, v56, v7  }
0x401: {  	v10 =	vperm.xlane v6, v5;
	v58 =	vperm.xlane v7, v2  }
0x402: {  	vm5 =	veq.s32 v57, v6  }
0x403: {  	vm6 =	vne.s32 v10, v6;
	vm5 =	vmand vm5, vm2;
	v59 =	vmin.f32 v7, v58  }
0x404: {  	v61 =	vperm.xlane v6, v3;
	v60 =	vld.idx.msk [tilespmem:v6+s5+$0x0], $0xffff;
	v7 =	vsel vm5, v59, v7;
	vm5 =	vmor vm6, vm4  }
0x405: {  	v62 =	vperm.xlane v7, v3  }
0x406: {  	vm6 =	veq.s32 v61, v6  }
0x407: {  	vm6 =	vmand vm6, vm3;
	v63 =	vmin.f32 v7, v62  }
0x408: {  	v7 =	vsel vm6, v63, v7  }
0x409: {  	v7 =	vmin.f32 v60, v7  }
0x40a: {  	s8 =	simm.s32 $0x0;
	[tilespmem:v6+s5+$0x0] =	vst.idx.msk vm5, v7  }
0x40b: {  	[tilespmem:s1], [sflag:$0x2] =	stream.linear.gather [hbm4b:s11+s8], $0x7D0, $0x38;
	[tilespmem:$0x1A700] =	vst v63  }
0x40c: {  	_ = 	snop  }
0x40d: {  	[tilespmem:s0], [sflag:$0x2] =	stream.linear.gather [hbm4b:s12+s8], $0x7D0, $0x38;
	[tilespmem:$0x1A700] =	vst v63  }
0x40e: {  	_ =	swait.ge [sflag:s2], $0x7D0  }
0x40f: {  	[sflag:s2] =	ssyncset.done $0x0  }
0x410: {  	[sflag:s2] =	ssyncadd.s32 $0xFFFFF830  }
0x411: {  	_ =	swait.ge [sflag:s2], $0x7D0  }
0x412: {  	[sflag:s2] =	ssyncset.done $0x0  }
0x413: {  	s9 =	simm.s32 $0x0;
	s8 =	simm.s32 $0x40;
	[sflag:s2] =	ssyncadd.s32 $0xFFFFF830  }
.LBB2_36:
0x414: {  	p0 =	sne.s32 s8, $0x1F00;
	v6 =	vld [tilespmem:s9+$0x18700];
	_ =	sdelay $0x6  }
0x415: {  	v7 =	vld [tilespmem:s9+$0x18F00]  }
0x416: {  	v6 =	vld.idx.msk [tilespmem:v6+s3+$0x0], $0xffff;
	_ =	sdelay $0x4  }
0x417: {  	v7 =	vxor.u32 $0x80000000, v7  }
0x418: {  	(xrf1) =	vsort.ascd.msk.u32 $0xffff, v7, v6;
	_ =	sdelay $0xd  }
0x419: {  	v6, v7, _ =	vpop (xrf1)  }
0x41a: {  	v6 =	vxor.u32 $0x80000000, v6  }
0x41b: {  	v8 =	vperm.xlane v6, v0  }
0x41c: {  	v9 =	vperm.xlane v7, v0  }
0x41d: {  	vm5 =	veq.s32 v8, v6  }
0x41e: {  	v8 =	vmin.f32 v7, v9;
	vm5 =	vmand vm5, vm0  }
0x41f: {  	v7 =	vsel vm5, v8, v7;
	v8 =	vperm.xlane v6, v1  }
0x420: {  	v9 =	vperm.xlane v7, v1  }
0x421: {  	vm5 =	veq.s32 v8, v6  }
0x422: {  	vm5 =	vmand vm5, vm1;
	v8 =	vmin.f32 v7, v9  }
0x423: {  	v7 =	vsel vm5, v8, v7;
	v8 =	vperm.xlane v6, v2  }
0x424: {  	v10 =	vperm.xlane v6, v5;
	v9 =	vperm.xlane v7, v2  }
0x425: {  	vm5 =	veq.s32 v8, v6  }
0x426: {  	vm6 =	vne.s32 v10, v6;
	vm5 =	vmand vm5, vm2;
	v8 =	vmin.f32 v7, v9;
	v9 =	vld.idx.msk [tilespmem:v6+s5+$0x0], $0xffff  }
0x427: {  	v7 =	vsel vm5, v8, v7;
	v8 =	vperm.xlane v6, v3;
	vm5 =	vmor vm6, vm4  }
0x428: {  	v10 =	vperm.xlane v7, v3  }
.Ltmp17:
0x429: {  	vm6 =	veq.s32 v8, v6;
	(pc) =	sbr.rel @p0 .LBB2_36-.Ltmp17, $4  }
0x42a: {  	vm6 =	vmand vm6, vm3;
	v8 =	vmin.f32 v7, v10  }
0x42b: {  	v7 =	vsel vm6, v8, v7  }
0x42c: {  	v7 =	vmin.f32 v9, v7  }
0x42d: {  	s9 =	sshra.s32 s8, $0x2;
	s8 =	sadd.s32 $0x40, s8;
	[tilespmem:v6+s5+$0x0] =	vst.idx.msk vm5, v7  }
0x42e: {  	v6 =	vld [tilespmem:s9+$0x18700];
	_ =	sdelay $0x6  }
0x42f: {  	v7 =	vld [tilespmem:s9+$0x18F00]  }
0x430: {  	v6 =	vld.idx.msk [tilespmem:v6+s3+$0x0], $0xffff;
	_ =	sdelay $0x3  }
0x431: {  	v7 =	vxor.u32 $0x80000000, v7  }
0x432: {  	(xrf1) =	vsort.ascd.msk.u32 $0xffff, v7, v6;
	_ =	sdelay $0xd  }
0x433: {  	v6, v7, _ =	vpop (xrf1)  }
0x434: {  	v6 =	vxor.u32 $0x80000000, v6  }
0x435: {  	v8 =	vperm.xlane v6, v0  }
0x436: {  	v9 =	vperm.xlane v7, v0  }
0x437: {  	vm5 =	veq.s32 v8, v6  }
0x438: {  	v53 =	vmin.f32 v7, v9;
	vm5 =	vmand vm5, vm0  }
0x439: {  	v54 =	vperm.xlane v6, v1;
	v7 =	vsel vm5, v53, v7  }
0x43a: {  	v55 =	vperm.xlane v7, v1  }
0x43b: {  	vm5 =	veq.s32 v54, v6  }
0x43c: {  	vm5 =	vmand vm5, vm1;
	v56 =	vmin.f32 v7, v55  }
0x43d: {  	v57 =	vperm.xlane v6, v2;
	v7 =	vsel vm5, v56, v7  }
0x43e: {  	v10 =	vperm.xlane v6, v5;
	v58 =	vperm.xlane v7, v2  }
0x43f: {  	vm5 =	veq.s32 v57, v6  }
0x440: {  	vm6 =	vne.s32 v10, v6;
	vm5 =	vmand vm5, vm2;
	v59 =	vmin.f32 v7, v58  }
0x441: {  	v61 =	vperm.xlane v6, v3;
	v60 =	vld.idx.msk [tilespmem:v6+s5+$0x0], $0xffff;
	v7 =	vsel vm5, v59, v7;
	vm5 =	vmor vm6, vm4  }
0x442: {  	v62 =	vperm.xlane v7, v3  }
0x443: {  	vm6 =	veq.s32 v61, v6  }
0x444: {  	vm6 =	vmand vm6, vm3;
	v63 =	vmin.f32 v7, v62  }
0x445: {  	v7 =	vsel vm6, v63, v7  }
0x446: {  	v7 =	vmin.f32 v60, v7  }
0x447: {  	s8 =	simm.s32 $0x0;
	[tilespmem:v6+s5+$0x0] =	vst.idx.msk vm5, v7  }
0x448: {  	[tilespmem:s29], [sflag:$0x1] =	stream.linear.gather [hbm4b:s13+s8], $0x7D0, $0x38;
	[tilespmem:$0x1A700] =	vst v63  }
0x449: {  	_ = 	snop  }
0x44a: {  	[tilespmem:s30], [sflag:$0x1] =	stream.linear.gather [hbm4b:s14+s8], $0x7D0, $0x38;
	[tilespmem:$0x1A700] =	vst v63  }
0x44b: {  	_ =	swait.ge [sflag:s6], $0x7D0  }
0x44c: {  	[sflag:s6] =	ssyncset.done $0x0  }
0x44d: {  	[sflag:s6] =	ssyncadd.s32 $0xFFFFF830  }
0x44e: {  	_ =	swait.ge [sflag:s6], $0x7D0  }
0x44f: {  	[sflag:s6] =	ssyncset.done $0x0  }
0x450: {  	s9 =	simm.s32 $0x0;
	s8 =	simm.s32 $0x40;
	[sflag:s6] =	ssyncadd.s32 $0xFFFFF830  }
.LBB2_38:
0x451: {  	p0 =	sne.s32 s8, $0x1F00;
	v6 =	vld [tilespmem:s9+$0x19700];
	_ =	sdelay $0x6  }
0x452: {  	v7 =	vld [tilespmem:s9+$0x19F00]  }
0x453: {  	v6 =	vld.idx.msk [tilespmem:v6+s3+$0x0], $0xffff;
	_ =	sdelay $0x4  }
0x454: {  	v7 =	vxor.u32 $0x80000000, v7  }
0x455: {  	(xrf1) =	vsort.ascd.msk.u32 $0xffff, v7, v6;
	_ =	sdelay $0xd  }
0x456: {  	v6, v7, _ =	vpop (xrf1)  }
0x457: {  	v6 =	vxor.u32 $0x80000000, v6  }
0x458: {  	v8 =	vperm.xlane v6, v0  }
0x459: {  	v9 =	vperm.xlane v7, v0  }
0x45a: {  	vm5 =	veq.s32 v8, v6  }
0x45b: {  	v8 =	vmin.f32 v7, v9;
	vm5 =	vmand vm5, vm0  }
0x45c: {  	v7 =	vsel vm5, v8, v7;
	v8 =	vperm.xlane v6, v1  }
0x45d: {  	v9 =	vperm.xlane v7, v1  }
0x45e: {  	vm5 =	veq.s32 v8, v6  }
0x45f: {  	vm5 =	vmand vm5, vm1;
	v8 =	vmin.f32 v7, v9  }
0x460: {  	v7 =	vsel vm5, v8, v7;
	v8 =	vperm.xlane v6, v2  }
0x461: {  	v10 =	vperm.xlane v6, v5;
	v9 =	vperm.xlane v7, v2  }
0x462: {  	vm5 =	veq.s32 v8, v6  }
0x463: {  	vm6 =	vne.s32 v10, v6;
	vm5 =	vmand vm5, vm2;
	v8 =	vmin.f32 v7, v9;
	v9 =	vld.idx.msk [tilespmem:v6+s5+$0x0], $0xffff  }
0x464: {  	v7 =	vsel vm5, v8, v7;
	v8 =	vperm.xlane v6, v3;
	vm5 =	vmor vm6, vm4  }
0x465: {  	v10 =	vperm.xlane v7, v3  }
.Ltmp18:
0x466: {  	vm6 =	veq.s32 v8, v6;
	(pc) =	sbr.rel @p0 .LBB2_38-.Ltmp18, $4  }
0x467: {  	vm6 =	vmand vm6, vm3;
	v8 =	vmin.f32 v7, v10  }
0x468: {  	v7 =	vsel vm6, v8, v7  }
0x469: {  	v7 =	vmin.f32 v9, v7  }
0x46a: {  	s9 =	sshra.s32 s8, $0x2;
	s8 =	sadd.s32 $0x40, s8;
	[tilespmem:v6+s5+$0x0] =	vst.idx.msk vm5, v7  }
0x46b: {  	v6 =	vld [tilespmem:s9+$0x19700];
	_ =	sdelay $0x6  }
0x46c: {  	v7 =	vld [tilespmem:s9+$0x19F00]  }
0x46d: {  	v6 =	vld.idx.msk [tilespmem:v6+s3+$0x0], $0xffff;
	_ =	sdelay $0x3  }
0x46e: {  	v7 =	vxor.u32 $0x80000000, v7  }
0x46f: {  	(xrf1) =	vsort.ascd.msk.u32 $0xffff, v7, v6;
	_ =	sdelay $0xd  }
0x470: {  	v6, v7, _ =	vpop (xrf1)  }
0x471: {  	v6 =	vxor.u32 $0x80000000, v6  }
0x472: {  	v8 =	vperm.xlane v6, v0  }
0x473: {  	v9 =	vperm.xlane v7, v0  }
0x474: {  	vm5 =	veq.s32 v8, v6  }
0x475: {  	v53 =	vmin.f32 v7, v9;
	vm5 =	vmand vm5, vm0  }
0x476: {  	v54 =	vperm.xlane v6, v1;
	v7 =	vsel vm5, v53, v7  }
0x477: {  	v55 =	vperm.xlane v7, v1  }
0x478: {  	vm5 =	veq.s32 v54, v6  }
0x479: {  	vm5 =	vmand vm5, vm1;
	v56 =	vmin.f32 v7, v55  }
0x47a: {  	v57 =	vperm.xlane v6, v2;
	v7 =	vsel vm5, v56, v7  }
0x47b: {  	v10 =	vperm.xlane v6, v5;
	v58 =	vperm.xlane v7, v2  }
0x47c: {  	vm5 =	veq.s32 v57, v6  }
0x47d: {  	vm6 =	vne.s32 v10, v6;
	vm5 =	vmand vm5, vm2;
	v59 =	vmin.f32 v7, v58  }
0x47e: {  	v61 =	vperm.xlane v6, v3;
	v60 =	vld.idx.msk [tilespmem:v6+s5+$0x0], $0xffff;
	v7 =	vsel vm5, v59, v7;
	vm5 =	vmor vm6, vm4  }
0x47f: {  	v62 =	vperm.xlane v7, v3  }
0x480: {  	vm6 =	veq.s32 v61, v6  }
0x481: {  	vm6 =	vmand vm6, vm3;
	v63 =	vmin.f32 v7, v62  }
0x482: {  	v7 =	vsel vm6, v63, v7  }
0x483: {  	v7 =	vmin.f32 v60, v7  }
0x484: {  	s8 =	simm.s32 $0x0;
	[tilespmem:v6+s5+$0x0] =	vst.idx.msk vm5, v7  }
0x485: {  	[tilespmem:s1], [sflag:$0x2] =	stream.linear.gather [hbm4b:s15+s8], $0x7D0, $0x38;
	[tilespmem:$0x1A700] =	vst v63  }
0x486: {  	_ = 	snop  }
0x487: {  	[tilespmem:s0], [sflag:$0x2] =	stream.linear.gather [hbm4b:s16+s8], $0x7D0, $0x38;
	[tilespmem:$0x1A700] =	vst v63  }
0x488: {  	_ =	swait.ge [sflag:s2], $0x7D0  }
0x489: {  	[sflag:s2] =	ssyncset.done $0x0  }
0x48a: {  	[sflag:s2] =	ssyncadd.s32 $0xFFFFF830  }
0x48b: {  	_ =	swait.ge [sflag:s2], $0x7D0  }
0x48c: {  	[sflag:s2] =	ssyncset.done $0x0  }
0x48d: {  	s9 =	simm.s32 $0x0;
	s8 =	simm.s32 $0x40;
	[sflag:s2] =	ssyncadd.s32 $0xFFFFF830  }
.LBB2_40:
0x48e: {  	p0 =	sne.s32 s8, $0x1F00;
	v6 =	vld [tilespmem:s9+$0x18700];
	_ =	sdelay $0x6  }
0x48f: {  	v7 =	vld [tilespmem:s9+$0x18F00]  }
0x490: {  	v6 =	vld.idx.msk [tilespmem:v6+s3+$0x0], $0xffff;
	_ =	sdelay $0x4  }
0x491: {  	v7 =	vxor.u32 $0x80000000, v7  }
0x492: {  	(xrf1) =	vsort.ascd.msk.u32 $0xffff, v7, v6;
	_ =	sdelay $0xd  }
0x493: {  	v6, v7, _ =	vpop (xrf1)  }
0x494: {  	v6 =	vxor.u32 $0x80000000, v6  }
0x495: {  	v8 =	vperm.xlane v6, v0  }
0x496: {  	v9 =	vperm.xlane v7, v0  }
0x497: {  	vm5 =	veq.s32 v8, v6  }
0x498: {  	v8 =	vmin.f32 v7, v9;
	vm5 =	vmand vm5, vm0  }
0x499: {  	v7 =	vsel vm5, v8, v7;
	v8 =	vperm.xlane v6, v1  }
0x49a: {  	v9 =	vperm.xlane v7, v1  }
0x49b: {  	vm5 =	veq.s32 v8, v6  }
0x49c: {  	vm5 =	vmand vm5, vm1;
	v8 =	vmin.f32 v7, v9  }
0x49d: {  	v7 =	vsel vm5, v8, v7;
	v8 =	vperm.xlane v6, v2  }
0x49e: {  	v10 =	vperm.xlane v6, v5;
	v9 =	vperm.xlane v7, v2  }
0x49f: {  	vm5 =	veq.s32 v8, v6  }
0x4a0: {  	vm6 =	vne.s32 v10, v6;
	vm5 =	vmand vm5, vm2;
	v8 =	vmin.f32 v7, v9;
	v9 =	vld.idx.msk [tilespmem:v6+s5+$0x0], $0xffff  }
0x4a1: {  	v7 =	vsel vm5, v8, v7;
	v8 =	vperm.xlane v6, v3;
	vm5 =	vmor vm6, vm4  }
0x4a2: {  	v10 =	vperm.xlane v7, v3  }
.Ltmp19:
0x4a3: {  	vm6 =	veq.s32 v8, v6;
	(pc) =	sbr.rel @p0 .LBB2_40-.Ltmp19, $4  }
0x4a4: {  	vm6 =	vmand vm6, vm3;
	v8 =	vmin.f32 v7, v10  }
0x4a5: {  	v7 =	vsel vm6, v8, v7  }
0x4a6: {  	v7 =	vmin.f32 v9, v7  }
0x4a7: {  	s9 =	sshra.s32 s8, $0x2;
	s8 =	sadd.s32 $0x40, s8;
	[tilespmem:v6+s5+$0x0] =	vst.idx.msk vm5, v7  }
0x4a8: {  	v6 =	vld [tilespmem:s9+$0x18700];
	_ =	sdelay $0x6  }
0x4a9: {  	v7 =	vld [tilespmem:s9+$0x18F00]  }
0x4aa: {  	v6 =	vld.idx.msk [tilespmem:v6+s3+$0x0], $0xffff;
	_ =	sdelay $0x3  }
0x4ab: {  	v7 =	vxor.u32 $0x80000000, v7  }
0x4ac: {  	(xrf1) =	vsort.ascd.msk.u32 $0xffff, v7, v6;
	_ =	sdelay $0xd  }
0x4ad: {  	v6, v7, _ =	vpop (xrf1)  }
0x4ae: {  	v6 =	vxor.u32 $0x80000000, v6  }
0x4af: {  	v8 =	vperm.xlane v6, v0  }
0x4b0: {  	v9 =	vperm.xlane v7, v0  }
0x4b1: {  	vm5 =	veq.s32 v8, v6  }
0x4b2: {  	v53 =	vmin.f32 v7, v9;
	vm5 =	vmand vm5, vm0  }
0x4b3: {  	v54 =	vperm.xlane v6, v1;
	v7 =	vsel vm5, v53, v7  }
0x4b4: {  	v55 =	vperm.xlane v7, v1  }
0x4b5: {  	vm5 =	veq.s32 v54, v6  }
0x4b6: {  	vm5 =	vmand vm5, vm1;
	v56 =	vmin.f32 v7, v55  }
0x4b7: {  	v57 =	vperm.xlane v6, v2;
	v7 =	vsel vm5, v56, v7  }
0x4b8: {  	v10 =	vperm.xlane v6, v5;
	v58 =	vperm.xlane v7, v2  }
0x4b9: {  	vm5 =	veq.s32 v57, v6  }
0x4ba: {  	vm6 =	vne.s32 v10, v6;
	vm5 =	vmand vm5, vm2;
	v59 =	vmin.f32 v7, v58  }
0x4bb: {  	v61 =	vperm.xlane v6, v3;
	v60 =	vld.idx.msk [tilespmem:v6+s5+$0x0], $0xffff;
	v7 =	vsel vm5, v59, v7;
	vm5 =	vmor vm6, vm4  }
0x4bc: {  	v62 =	vperm.xlane v7, v3  }
0x4bd: {  	vm6 =	veq.s32 v61, v6  }
0x4be: {  	vm6 =	vmand vm6, vm3;
	v63 =	vmin.f32 v7, v62  }
0x4bf: {  	v7 =	vsel vm6, v63, v7  }
0x4c0: {  	v7 =	vmin.f32 v60, v7  }
0x4c1: {  	s8 =	simm.s32 $0x0;
	[tilespmem:v6+s5+$0x0] =	vst.idx.msk vm5, v7  }
0x4c2: {  	[tilespmem:s29], [sflag:$0x1] =	stream.linear.gather [hbm4b:s17+s8], $0x7D0, $0x38;
	[tilespmem:$0x1A700] =	vst v63  }
0x4c3: {  	_ = 	snop  }
0x4c4: {  	[tilespmem:s30], [sflag:$0x1] =	stream.linear.gather [hbm4b:s18+s8], $0x7D0, $0x38;
	[tilespmem:$0x1A700] =	vst v63  }
0x4c5: {  	_ =	swait.ge [sflag:s6], $0x7D0  }
0x4c6: {  	[sflag:s6] =	ssyncset.done $0x0  }
0x4c7: {  	[sflag:s6] =	ssyncadd.s32 $0xFFFFF830  }
0x4c8: {  	_ =	swait.ge [sflag:s6], $0x7D0  }
0x4c9: {  	[sflag:s6] =	ssyncset.done $0x0  }
0x4ca: {  	s9 =	simm.s32 $0x0;
	s8 =	simm.s32 $0x40;
	[sflag:s6] =	ssyncadd.s32 $0xFFFFF830  }
.LBB2_42:
0x4cb: {  	p0 =	sne.s32 s8, $0x1F00;
	v6 =	vld [tilespmem:s9+$0x19700];
	_ =	sdelay $0x6  }
0x4cc: {  	v7 =	vld [tilespmem:s9+$0x19F00]  }
0x4cd: {  	v6 =	vld.idx.msk [tilespmem:v6+s3+$0x0], $0xffff;
	_ =	sdelay $0x4  }
0x4ce: {  	v7 =	vxor.u32 $0x80000000, v7  }
0x4cf: {  	(xrf1) =	vsort.ascd.msk.u32 $0xffff, v7, v6;
	_ =	sdelay $0xd  }
0x4d0: {  	v6, v7, _ =	vpop (xrf1)  }
0x4d1: {  	v6 =	vxor.u32 $0x80000000, v6  }
0x4d2: {  	v8 =	vperm.xlane v6, v0  }
0x4d3: {  	v9 =	vperm.xlane v7, v0  }
0x4d4: {  	vm5 =	veq.s32 v8, v6  }
0x4d5: {  	v8 =	vmin.f32 v7, v9;
	vm5 =	vmand vm5, vm0  }
0x4d6: {  	v7 =	vsel vm5, v8, v7;
	v8 =	vperm.xlane v6, v1  }
0x4d7: {  	v9 =	vperm.xlane v7, v1  }
0x4d8: {  	vm5 =	veq.s32 v8, v6  }
0x4d9: {  	vm5 =	vmand vm5, vm1;
	v8 =	vmin.f32 v7, v9  }
0x4da: {  	v7 =	vsel vm5, v8, v7;
	v8 =	vperm.xlane v6, v2  }
0x4db: {  	v10 =	vperm.xlane v6, v5;
	v9 =	vperm.xlane v7, v2  }
0x4dc: {  	vm5 =	veq.s32 v8, v6  }
0x4dd: {  	vm6 =	vne.s32 v10, v6;
	vm5 =	vmand vm5, vm2;
	v8 =	vmin.f32 v7, v9;
	v9 =	vld.idx.msk [tilespmem:v6+s5+$0x0], $0xffff  }
0x4de: {  	v7 =	vsel vm5, v8, v7;
	v8 =	vperm.xlane v6, v3;
	vm5 =	vmor vm6, vm4  }
0x4df: {  	v10 =	vperm.xlane v7, v3  }
.Ltmp20:
0x4e0: {  	vm6 =	veq.s32 v8, v6;
	(pc) =	sbr.rel @p0 .LBB2_42-.Ltmp20, $4  }
0x4e1: {  	vm6 =	vmand vm6, vm3;
	v8 =	vmin.f32 v7, v10  }
0x4e2: {  	v7 =	vsel vm6, v8, v7  }
0x4e3: {  	v7 =	vmin.f32 v9, v7  }
0x4e4: {  	s9 =	sshra.s32 s8, $0x2;
	s8 =	sadd.s32 $0x40, s8;
	[tilespmem:v6+s5+$0x0] =	vst.idx.msk vm5, v7  }
0x4e5: {  	v6 =	vld [tilespmem:s9+$0x19700];
	_ =	sdelay $0x6  }
0x4e6: {  	v7 =	vld [tilespmem:s9+$0x19F00]  }
0x4e7: {  	v6 =	vld.idx.msk [tilespmem:v6+s3+$0x0], $0xffff;
	_ =	sdelay $0x3  }
0x4e8: {  	v7 =	vxor.u32 $0x80000000, v7  }
0x4e9: {  	(xrf1) =	vsort.ascd.msk.u32 $0xffff, v7, v6;
	_ =	sdelay $0xd  }
0x4ea: {  	v6, v7, _ =	vpop (xrf1)  }
0x4eb: {  	v6 =	vxor.u32 $0x80000000, v6  }
0x4ec: {  	v8 =	vperm.xlane v6, v0  }
0x4ed: {  	v9 =	vperm.xlane v7, v0  }
0x4ee: {  	vm5 =	veq.s32 v8, v6  }
0x4ef: {  	v53 =	vmin.f32 v7, v9;
	vm5 =	vmand vm5, vm0  }
0x4f0: {  	v54 =	vperm.xlane v6, v1;
	v7 =	vsel vm5, v53, v7  }
0x4f1: {  	v55 =	vperm.xlane v7, v1  }
0x4f2: {  	vm5 =	veq.s32 v54, v6  }
0x4f3: {  	vm5 =	vmand vm5, vm1;
	v56 =	vmin.f32 v7, v55  }
0x4f4: {  	v57 =	vperm.xlane v6, v2;
	v7 =	vsel vm5, v56, v7  }
0x4f5: {  	v10 =	vperm.xlane v6, v5;
	v58 =	vperm.xlane v7, v2  }
0x4f6: {  	vm5 =	veq.s32 v57, v6  }
0x4f7: {  	vm6 =	vne.s32 v10, v6;
	vm5 =	vmand vm5, vm2;
	v59 =	vmin.f32 v7, v58  }
0x4f8: {  	v61 =	vperm.xlane v6, v3;
	v60 =	vld.idx.msk [tilespmem:v6+s5+$0x0], $0xffff;
	v7 =	vsel vm5, v59, v7;
	vm5 =	vmor vm6, vm4  }
0x4f9: {  	v62 =	vperm.xlane v7, v3  }
0x4fa: {  	vm6 =	veq.s32 v61, v6  }
0x4fb: {  	vm6 =	vmand vm6, vm3;
	v63 =	vmin.f32 v7, v62  }
0x4fc: {  	v7 =	vsel vm6, v63, v7  }
0x4fd: {  	v7 =	vmin.f32 v60, v7  }
0x4fe: {  	s8 =	simm.s32 $0x0;
	[tilespmem:v6+s5+$0x0] =	vst.idx.msk vm5, v7  }
0x4ff: {  	[tilespmem:s1], [sflag:$0x2] =	stream.linear.gather [hbm4b:s19+s8], $0x7D0, $0x38;
	[tilespmem:$0x1A700] =	vst v63  }
0x500: {  	_ = 	snop  }
0x501: {  	[tilespmem:s0], [sflag:$0x2] =	stream.linear.gather [hbm4b:s20+s8], $0x7D0, $0x38;
	[tilespmem:$0x1A700] =	vst v63  }
0x502: {  	_ =	swait.ge [sflag:s2], $0x7D0  }
0x503: {  	[sflag:s2] =	ssyncset.done $0x0  }
0x504: {  	[sflag:s2] =	ssyncadd.s32 $0xFFFFF830  }
0x505: {  	_ =	swait.ge [sflag:s2], $0x7D0  }
0x506: {  	[sflag:s2] =	ssyncset.done $0x0  }
0x507: {  	s9 =	simm.s32 $0x0;
	s8 =	simm.s32 $0x40;
	[sflag:s2] =	ssyncadd.s32 $0xFFFFF830  }
.LBB2_44:
0x508: {  	p0 =	sne.s32 s8, $0x1F00;
	v6 =	vld [tilespmem:s9+$0x18700];
	_ =	sdelay $0x6  }
0x509: {  	v7 =	vld [tilespmem:s9+$0x18F00]  }
0x50a: {  	v6 =	vld.idx.msk [tilespmem:v6+s3+$0x0], $0xffff;
	_ =	sdelay $0x4  }
0x50b: {  	v7 =	vxor.u32 $0x80000000, v7  }
0x50c: {  	(xrf1) =	vsort.ascd.msk.u32 $0xffff, v7, v6;
	_ =	sdelay $0xd  }
0x50d: {  	v6, v7, _ =	vpop (xrf1)  }
0x50e: {  	v6 =	vxor.u32 $0x80000000, v6  }
0x50f: {  	v8 =	vperm.xlane v6, v0  }
0x510: {  	v9 =	vperm.xlane v7, v0  }
0x511: {  	vm5 =	veq.s32 v8, v6  }
0x512: {  	v8 =	vmin.f32 v7, v9;
	vm5 =	vmand vm5, vm0  }
0x513: {  	v7 =	vsel vm5, v8, v7;
	v8 =	vperm.xlane v6, v1  }
0x514: {  	v9 =	vperm.xlane v7, v1  }
0x515: {  	vm5 =	veq.s32 v8, v6  }
0x516: {  	vm5 =	vmand vm5, vm1;
	v8 =	vmin.f32 v7, v9  }
0x517: {  	v7 =	vsel vm5, v8, v7;
	v8 =	vperm.xlane v6, v2  }
0x518: {  	v10 =	vperm.xlane v6, v5;
	v9 =	vperm.xlane v7, v2  }
0x519: {  	vm5 =	veq.s32 v8, v6  }
0x51a: {  	vm6 =	vne.s32 v10, v6;
	vm5 =	vmand vm5, vm2;
	v8 =	vmin.f32 v7, v9;
	v9 =	vld.idx.msk [tilespmem:v6+s5+$0x0], $0xffff  }
0x51b: {  	v7 =	vsel vm5, v8, v7;
	v8 =	vperm.xlane v6, v3;
	vm5 =	vmor vm6, vm4  }
0x51c: {  	v10 =	vperm.xlane v7, v3  }
.Ltmp21:
0x51d: {  	vm6 =	veq.s32 v8, v6;
	(pc) =	sbr.rel @p0 .LBB2_44-.Ltmp21, $4  }
0x51e: {  	vm6 =	vmand vm6, vm3;
	v8 =	vmin.f32 v7, v10  }
0x51f: {  	v7 =	vsel vm6, v8, v7  }
0x520: {  	v7 =	vmin.f32 v9, v7  }
0x521: {  	s9 =	sshra.s32 s8, $0x2;
	s8 =	sadd.s32 $0x40, s8;
	[tilespmem:v6+s5+$0x0] =	vst.idx.msk vm5, v7  }
0x522: {  	v6 =	vld [tilespmem:s9+$0x18700];
	_ =	sdelay $0x6  }
0x523: {  	v7 =	vld [tilespmem:s9+$0x18F00]  }
0x524: {  	v6 =	vld.idx.msk [tilespmem:v6+s3+$0x0], $0xffff;
	_ =	sdelay $0x3  }
0x525: {  	v7 =	vxor.u32 $0x80000000, v7  }
0x526: {  	(xrf1) =	vsort.ascd.msk.u32 $0xffff, v7, v6;
	_ =	sdelay $0xd  }
0x527: {  	v6, v7, _ =	vpop (xrf1)  }
0x528: {  	v6 =	vxor.u32 $0x80000000, v6  }
0x529: {  	v8 =	vperm.xlane v6, v0  }
0x52a: {  	v9 =	vperm.xlane v7, v0  }
0x52b: {  	vm5 =	veq.s32 v8, v6  }
0x52c: {  	v53 =	vmin.f32 v7, v9;
	vm5 =	vmand vm5, vm0  }
0x52d: {  	v54 =	vperm.xlane v6, v1;
	v7 =	vsel vm5, v53, v7  }
0x52e: {  	v55 =	vperm.xlane v7, v1  }
0x52f: {  	vm5 =	veq.s32 v54, v6  }
0x530: {  	vm5 =	vmand vm5, vm1;
	v56 =	vmin.f32 v7, v55  }
0x531: {  	v57 =	vperm.xlane v6, v2;
	v7 =	vsel vm5, v56, v7  }
0x532: {  	v10 =	vperm.xlane v6, v5;
	v58 =	vperm.xlane v7, v2  }
0x533: {  	vm5 =	veq.s32 v57, v6  }
0x534: {  	vm6 =	vne.s32 v10, v6;
	vm5 =	vmand vm5, vm2;
	v59 =	vmin.f32 v7, v58  }
0x535: {  	v61 =	vperm.xlane v6, v3;
	v60 =	vld.idx.msk [tilespmem:v6+s5+$0x0], $0xffff;
	v7 =	vsel vm5, v59, v7;
	vm5 =	vmor vm6, vm4  }
0x536: {  	v62 =	vperm.xlane v7, v3  }
0x537: {  	vm6 =	veq.s32 v61, v6  }
0x538: {  	vm6 =	vmand vm6, vm3;
	v63 =	vmin.f32 v7, v62  }
0x539: {  	v7 =	vsel vm6, v63, v7  }
0x53a: {  	v7 =	vmin.f32 v60, v7  }
0x53b: {  	s8 =	simm.s32 $0x0;
	[tilespmem:v6+s5+$0x0] =	vst.idx.msk vm5, v7  }
0x53c: {  	[tilespmem:s29], [sflag:$0x1] =	stream.linear.gather [hbm4b:s21+s8], $0x7D0, $0x38;
	[tilespmem:$0x1A700] =	vst v63  }
0x53d: {  	_ = 	snop  }
0x53e: {  	[tilespmem:s30], [sflag:$0x1] =	stream.linear.gather [hbm4b:s22+s8], $0x7D0, $0x38;
	[tilespmem:$0x1A700] =	vst v63  }
0x53f: {  	_ =	swait.ge [sflag:s6], $0x7D0  }
0x540: {  	[sflag:s6] =	ssyncset.done $0x0  }
0x541: {  	[sflag:s6] =	ssyncadd.s32 $0xFFFFF830  }
0x542: {  	_ =	swait.ge [sflag:s6], $0x7D0  }
0x543: {  	[sflag:s6] =	ssyncset.done $0x0  }
0x544: {  	s9 =	simm.s32 $0x0;
	s8 =	simm.s32 $0x40;
	[sflag:s6] =	ssyncadd.s32 $0xFFFFF830  }
.LBB2_46:
0x545: {  	p0 =	sne.s32 s8, $0x1F00;
	v6 =	vld [tilespmem:s9+$0x19700];
	_ =	sdelay $0x6  }
0x546: {  	v7 =	vld [tilespmem:s9+$0x19F00]  }
0x547: {  	v6 =	vld.idx.msk [tilespmem:v6+s3+$0x0], $0xffff;
	_ =	sdelay $0x4  }
0x548: {  	v7 =	vxor.u32 $0x80000000, v7  }
0x549: {  	(xrf1) =	vsort.ascd.msk.u32 $0xffff, v7, v6;
	_ =	sdelay $0xd  }
0x54a: {  	v6, v7, _ =	vpop (xrf1)  }
0x54b: {  	v6 =	vxor.u32 $0x80000000, v6  }
0x54c: {  	v8 =	vperm.xlane v6, v0  }
0x54d: {  	v9 =	vperm.xlane v7, v0  }
0x54e: {  	vm5 =	veq.s32 v8, v6  }
0x54f: {  	v8 =	vmin.f32 v7, v9;
	vm5 =	vmand vm5, vm0  }
0x550: {  	v7 =	vsel vm5, v8, v7;
	v8 =	vperm.xlane v6, v1  }
0x551: {  	v9 =	vperm.xlane v7, v1  }
0x552: {  	vm5 =	veq.s32 v8, v6  }
0x553: {  	vm5 =	vmand vm5, vm1;
	v8 =	vmin.f32 v7, v9  }
0x554: {  	v7 =	vsel vm5, v8, v7;
	v8 =	vperm.xlane v6, v2  }
0x555: {  	v10 =	vperm.xlane v6, v5;
	v9 =	vperm.xlane v7, v2  }
0x556: {  	vm5 =	veq.s32 v8, v6  }
0x557: {  	vm6 =	vne.s32 v10, v6;
	vm5 =	vmand vm5, vm2;
	v8 =	vmin.f32 v7, v9;
	v9 =	vld.idx.msk [tilespmem:v6+s5+$0x0], $0xffff  }
0x558: {  	v7 =	vsel vm5, v8, v7;
	v8 =	vperm.xlane v6, v3;
	vm5 =	vmor vm6, vm4  }
0x559: {  	v10 =	vperm.xlane v7, v3  }
.Ltmp22:
0x55a: {  	vm6 =	veq.s32 v8, v6;
	(pc) =	sbr.rel @p0 .LBB2_46-.Ltmp22, $4  }
0x55b: {  	vm6 =	vmand vm6, vm3;
	v8 =	vmin.f32 v7, v10  }
0x55c: {  	v7 =	vsel vm6, v8, v7  }
0x55d: {  	v7 =	vmin.f32 v9, v7  }
0x55e: {  	s9 =	sshra.s32 s8, $0x2;
	s8 =	sadd.s32 $0x40, s8;
	[tilespmem:v6+s5+$0x0] =	vst.idx.msk vm5, v7  }
0x55f: {  	v6 =	vld [tilespmem:s9+$0x19700];
	_ =	sdelay $0x6  }
0x560: {  	v7 =	vld [tilespmem:s9+$0x19F00]  }
0x561: {  	v6 =	vld.idx.msk [tilespmem:v6+s3+$0x0], $0xffff;
	_ =	sdelay $0x3  }
0x562: {  	v7 =	vxor.u32 $0x80000000, v7  }
0x563: {  	(xrf1) =	vsort.ascd.msk.u32 $0xffff, v7, v6;
	_ =	sdelay $0xd  }
0x564: {  	v6, v7, _ =	vpop (xrf1)  }
0x565: {  	v6 =	vxor.u32 $0x80000000, v6  }
0x566: {  	v8 =	vperm.xlane v6, v0  }
0x567: {  	v9 =	vperm.xlane v7, v0  }
0x568: {  	vm5 =	veq.s32 v8, v6  }
0x569: {  	v53 =	vmin.f32 v7, v9;
	vm5 =	vmand vm5, vm0  }
0x56a: {  	v54 =	vperm.xlane v6, v1;
	v7 =	vsel vm5, v53, v7  }
0x56b: {  	v55 =	vperm.xlane v7, v1  }
0x56c: {  	vm5 =	veq.s32 v54, v6  }
0x56d: {  	vm5 =	vmand vm5, vm1;
	v56 =	vmin.f32 v7, v55  }
0x56e: {  	v57 =	vperm.xlane v6, v2;
	v7 =	vsel vm5, v56, v7  }
0x56f: {  	v10 =	vperm.xlane v6, v5;
	v58 =	vperm.xlane v7, v2  }
0x570: {  	vm5 =	veq.s32 v57, v6  }
0x571: {  	vm6 =	vne.s32 v10, v6;
	vm5 =	vmand vm5, vm2;
	v59 =	vmin.f32 v7, v58  }
0x572: {  	v61 =	vperm.xlane v6, v3;
	v60 =	vld.idx.msk [tilespmem:v6+s5+$0x0], $0xffff;
	v7 =	vsel vm5, v59, v7;
	vm5 =	vmor vm6, vm4  }
0x573: {  	v62 =	vperm.xlane v7, v3  }
0x574: {  	vm6 =	veq.s32 v61, v6  }
0x575: {  	vm6 =	vmand vm6, vm3;
	v63 =	vmin.f32 v7, v62  }
0x576: {  	v7 =	vsel vm6, v63, v7  }
0x577: {  	v7 =	vmin.f32 v60, v7  }
0x578: {  	s8 =	simm.s32 $0x0;
	[tilespmem:v6+s5+$0x0] =	vst.idx.msk vm5, v7  }
0x579: {  	[tilespmem:s1], [sflag:$0x2] =	stream.linear.gather [hbm4b:s23+s8], $0x7D0, $0x38;
	[tilespmem:$0x1A700] =	vst v63  }
0x57a: {  	_ = 	snop  }
0x57b: {  	[tilespmem:s0], [sflag:$0x2] =	stream.linear.gather [hbm4b:s24+s8], $0x7D0, $0x38;
	[tilespmem:$0x1A700] =	vst v63  }
0x57c: {  	_ =	swait.ge [sflag:s2], $0x7D0  }
0x57d: {  	[sflag:s2] =	ssyncset.done $0x0  }
0x57e: {  	[sflag:s2] =	ssyncadd.s32 $0xFFFFF830  }
0x57f: {  	_ =	swait.ge [sflag:s2], $0x7D0  }
0x580: {  	[sflag:s2] =	ssyncset.done $0x0  }
0x581: {  	s9 =	simm.s32 $0x0;
	s8 =	simm.s32 $0x40;
	[sflag:s2] =	ssyncadd.s32 $0xFFFFF830  }
.LBB2_48:
0x582: {  	p0 =	sne.s32 s8, $0x1F00;
	v6 =	vld [tilespmem:s9+$0x18700];
	_ =	sdelay $0x6  }
0x583: {  	v7 =	vld [tilespmem:s9+$0x18F00]  }
0x584: {  	v6 =	vld.idx.msk [tilespmem:v6+s3+$0x0], $0xffff;
	_ =	sdelay $0x4  }
0x585: {  	v7 =	vxor.u32 $0x80000000, v7  }
0x586: {  	(xrf1) =	vsort.ascd.msk.u32 $0xffff, v7, v6;
	_ =	sdelay $0xd  }
0x587: {  	v6, v7, _ =	vpop (xrf1)  }
0x588: {  	v6 =	vxor.u32 $0x80000000, v6  }
0x589: {  	v8 =	vperm.xlane v6, v0  }
0x58a: {  	v9 =	vperm.xlane v7, v0  }
0x58b: {  	vm5 =	veq.s32 v8, v6  }
0x58c: {  	v8 =	vmin.f32 v7, v9;
	vm5 =	vmand vm5, vm0  }
0x58d: {  	v7 =	vsel vm5, v8, v7;
	v8 =	vperm.xlane v6, v1  }
0x58e: {  	v9 =	vperm.xlane v7, v1  }
0x58f: {  	vm5 =	veq.s32 v8, v6  }
0x590: {  	vm5 =	vmand vm5, vm1;
	v8 =	vmin.f32 v7, v9  }
0x591: {  	v7 =	vsel vm5, v8, v7;
	v8 =	vperm.xlane v6, v2  }
0x592: {  	v10 =	vperm.xlane v6, v5;
	v9 =	vperm.xlane v7, v2  }
0x593: {  	vm5 =	veq.s32 v8, v6  }
0x594: {  	vm6 =	vne.s32 v10, v6;
	vm5 =	vmand vm5, vm2;
	v8 =	vmin.f32 v7, v9;
	v9 =	vld.idx.msk [tilespmem:v6+s5+$0x0], $0xffff  }
0x595: {  	v7 =	vsel vm5, v8, v7;
	v8 =	vperm.xlane v6, v3;
	vm5 =	vmor vm6, vm4  }
0x596: {  	v10 =	vperm.xlane v7, v3  }
.Ltmp23:
0x597: {  	vm6 =	veq.s32 v8, v6;
	(pc) =	sbr.rel @p0 .LBB2_48-.Ltmp23, $4  }
0x598: {  	vm6 =	vmand vm6, vm3;
	v8 =	vmin.f32 v7, v10  }
0x599: {  	v7 =	vsel vm6, v8, v7  }
0x59a: {  	v7 =	vmin.f32 v9, v7  }
0x59b: {  	s9 =	sshra.s32 s8, $0x2;
	s8 =	sadd.s32 $0x40, s8;
	[tilespmem:v6+s5+$0x0] =	vst.idx.msk vm5, v7  }
0x59c: {  	v6 =	vld [tilespmem:s9+$0x18700];
	_ =	sdelay $0x6  }
0x59d: {  	v7 =	vld [tilespmem:s9+$0x18F00]  }
0x59e: {  	v6 =	vld.idx.msk [tilespmem:v6+s3+$0x0], $0xffff;
	_ =	sdelay $0x3  }
0x59f: {  	v7 =	vxor.u32 $0x80000000, v7  }
0x5a0: {  	(xrf1) =	vsort.ascd.msk.u32 $0xffff, v7, v6;
	_ =	sdelay $0xd  }
0x5a1: {  	v6, v7, _ =	vpop (xrf1)  }
0x5a2: {  	v6 =	vxor.u32 $0x80000000, v6  }
0x5a3: {  	v8 =	vperm.xlane v6, v0  }
0x5a4: {  	v9 =	vperm.xlane v7, v0  }
0x5a5: {  	vm5 =	veq.s32 v8, v6  }
0x5a6: {  	v53 =	vmin.f32 v7, v9;
	vm5 =	vmand vm5, vm0  }
0x5a7: {  	v54 =	vperm.xlane v6, v1;
	v7 =	vsel vm5, v53, v7  }
0x5a8: {  	v55 =	vperm.xlane v7, v1  }
0x5a9: {  	vm5 =	veq.s32 v54, v6  }
0x5aa: {  	vm5 =	vmand vm5, vm1;
	v56 =	vmin.f32 v7, v55  }
0x5ab: {  	v57 =	vperm.xlane v6, v2;
	v7 =	vsel vm5, v56, v7  }
0x5ac: {  	v10 =	vperm.xlane v6, v5;
	v58 =	vperm.xlane v7, v2  }
0x5ad: {  	vm5 =	veq.s32 v57, v6  }
0x5ae: {  	vm6 =	vne.s32 v10, v6;
	vm5 =	vmand vm5, vm2;
	v59 =	vmin.f32 v7, v58  }
0x5af: {  	v61 =	vperm.xlane v6, v3;
	v60 =	vld.idx.msk [tilespmem:v6+s5+$0x0], $0xffff;
	v7 =	vsel vm5, v59, v7;
	vm5 =	vmor vm6, vm4  }
0x5b0: {  	v62 =	vperm.xlane v7, v3  }
0x5b1: {  	vm6 =	veq.s32 v61, v6  }
0x5b2: {  	vm6 =	vmand vm6, vm3;
	v63 =	vmin.f32 v7, v62  }
0x5b3: {  	v7 =	vsel vm6, v63, v7  }
0x5b4: {  	v7 =	vmin.f32 v60, v7  }
0x5b5: {  	s8 =	simm.s32 $0x0;
	[tilespmem:v6+s5+$0x0] =	vst.idx.msk vm5, v7  }
0x5b6: {  	[tilespmem:s29], [sflag:$0x1] =	stream.linear.gather [hbm4b:s26+s8], $0x7D0, $0x38;
	[tilespmem:$0x1A700] =	vst v63  }
0x5b7: {  	_ = 	snop  }
0x5b8: {  	[tilespmem:s30], [sflag:$0x1] =	stream.linear.gather [hbm4b:s28+s8], $0x7D0, $0x38;
	[tilespmem:$0x1A700] =	vst v63  }
0x5b9: {  	_ =	swait.ge [sflag:s6], $0x7D0  }
0x5ba: {  	[sflag:s6] =	ssyncset.done $0x0  }
0x5bb: {  	[sflag:s6] =	ssyncadd.s32 $0xFFFFF830  }
0x5bc: {  	_ =	swait.ge [sflag:s6], $0x7D0  }
0x5bd: {  	[sflag:s6] =	ssyncset.done $0x0  }
0x5be: {  	s9 =	simm.s32 $0x0;
	s8 =	simm.s32 $0x40;
	[sflag:s6] =	ssyncadd.s32 $0xFFFFF830  }
.LBB2_50:
0x5bf: {  	p0 =	sne.s32 s8, $0x1F00;
	v6 =	vld [tilespmem:s9+$0x19700];
	_ =	sdelay $0x6  }
0x5c0: {  	v7 =	vld [tilespmem:s9+$0x19F00]  }
0x5c1: {  	v6 =	vld.idx.msk [tilespmem:v6+s3+$0x0], $0xffff;
	_ =	sdelay $0x4  }
0x5c2: {  	v7 =	vxor.u32 $0x80000000, v7  }
0x5c3: {  	(xrf1) =	vsort.ascd.msk.u32 $0xffff, v7, v6;
	_ =	sdelay $0xd  }
0x5c4: {  	v6, v7, _ =	vpop (xrf1)  }
0x5c5: {  	v6 =	vxor.u32 $0x80000000, v6  }
0x5c6: {  	v8 =	vperm.xlane v6, v0  }
0x5c7: {  	v9 =	vperm.xlane v7, v0  }
0x5c8: {  	vm5 =	veq.s32 v8, v6  }
0x5c9: {  	v8 =	vmin.f32 v7, v9;
	vm5 =	vmand vm5, vm0  }
0x5ca: {  	v7 =	vsel vm5, v8, v7;
	v8 =	vperm.xlane v6, v1  }
0x5cb: {  	v9 =	vperm.xlane v7, v1  }
0x5cc: {  	vm5 =	veq.s32 v8, v6  }
0x5cd: {  	vm5 =	vmand vm5, vm1;
	v8 =	vmin.f32 v7, v9  }
0x5ce: {  	v7 =	vsel vm5, v8, v7;
	v8 =	vperm.xlane v6, v2  }
0x5cf: {  	v10 =	vperm.xlane v6, v5;
	v9 =	vperm.xlane v7, v2  }
0x5d0: {  	vm5 =	veq.s32 v8, v6  }
0x5d1: {  	vm6 =	vne.s32 v10, v6;
	vm5 =	vmand vm5, vm2;
	v8 =	vmin.f32 v7, v9;
	v9 =	vld.idx.msk [tilespmem:v6+s5+$0x0], $0xffff  }
0x5d2: {  	v7 =	vsel vm5, v8, v7;
	v8 =	vperm.xlane v6, v3;
	vm5 =	vmor vm6, vm4  }
0x5d3: {  	v10 =	vperm.xlane v7, v3  }
.Ltmp24:
0x5d4: {  	vm6 =	veq.s32 v8, v6;
	(pc) =	sbr.rel @p0 .LBB2_50-.Ltmp24, $4  }
0x5d5: {  	vm6 =	vmand vm6, vm3;
	v8 =	vmin.f32 v7, v10  }
0x5d6: {  	v7 =	vsel vm6, v8, v7  }
0x5d7: {  	v7 =	vmin.f32 v9, v7  }
0x5d8: {  	s9 =	sshra.s32 s8, $0x2;
	s8 =	sadd.s32 $0x40, s8;
	[tilespmem:v6+s5+$0x0] =	vst.idx.msk vm5, v7  }
0x5d9: {  	v6 =	vld [tilespmem:s9+$0x19700];
	_ =	sdelay $0x6  }
0x5da: {  	v7 =	vld [tilespmem:s9+$0x19F00]  }
0x5db: {  	v6 =	vld.idx.msk [tilespmem:v6+s3+$0x0], $0xffff;
	_ =	sdelay $0x3  }
0x5dc: {  	v7 =	vxor.u32 $0x80000000, v7  }
0x5dd: {  	(xrf1) =	vsort.ascd.msk.u32 $0xffff, v7, v6;
	_ =	sdelay $0xd  }
0x5de: {  	v6, v7, _ =	vpop (xrf1)  }
0x5df: {  	v6 =	vxor.u32 $0x80000000, v6  }
0x5e0: {  	v8 =	vperm.xlane v6, v0  }
0x5e1: {  	v9 =	vperm.xlane v7, v0  }
0x5e2: {  	vm5 =	veq.s32 v8, v6  }
0x5e3: {  	v53 =	vmin.f32 v7, v9;
	vm5 =	vmand vm5, vm0  }
0x5e4: {  	v54 =	vperm.xlane v6, v1;
	v7 =	vsel vm5, v53, v7  }
0x5e5: {  	v55 =	vperm.xlane v7, v1  }
0x5e6: {  	vm5 =	veq.s32 v54, v6  }
0x5e7: {  	vm5 =	vmand vm5, vm1;
	v56 =	vmin.f32 v7, v55  }
0x5e8: {  	v57 =	vperm.xlane v6, v2;
	v7 =	vsel vm5, v56, v7  }
0x5e9: {  	v10 =	vperm.xlane v6, v5;
	v58 =	vperm.xlane v7, v2  }
0x5ea: {  	vm5 =	veq.s32 v57, v6  }
0x5eb: {  	vm6 =	vne.s32 v10, v6;
	vm5 =	vmand vm5, vm2;
	v59 =	vmin.f32 v7, v58  }
0x5ec: {  	v61 =	vperm.xlane v6, v3;
	v60 =	vld.idx.msk [tilespmem:v6+s5+$0x0], $0xffff;
	v7 =	vsel vm5, v59, v7;
	vm5 =	vmor vm6, vm4  }
0x5ed: {  	v62 =	vperm.xlane v7, v3  }
0x5ee: {  	vm6 =	veq.s32 v61, v6  }
0x5ef: {  	vm6 =	vmand vm6, vm3;
	v63 =	vmin.f32 v7, v62  }
0x5f0: {  	v7 =	vsel vm6, v63, v7  }
0x5f1: {  	v7 =	vmin.f32 v60, v7  }
0x5f2: {  	[tilespmem:v6+s5+$0x0] =	vst.idx.msk vm5, v7  }
0x5f3: {  	_ =	swait.ge [sflag:s2], $0x7D0  }
0x5f4: {  	[sflag:s2] =	ssyncset.done $0x0  }
0x5f5: {  	[sflag:s2] =	ssyncadd.s32 $0xFFFFF830  }
0x5f6: {  	_ =	swait.ge [sflag:s2], $0x7D0  }
0x5f7: {  	s8 =	simm.s32 $0x0;
	[sflag:s2] =	ssyncset.done $0x0  }
0x5f8: {  	s10 =	simm.s32 $0x0;
	s9 =	simm.s32 $0x40;
	[sflag:s2] =	ssyncadd.s32 $0xFFFFF830  }
.LBB2_52:
0x5f9: {  	p0 =	sne.s32 s9, $0x1F00;
	v6 =	vld [tilespmem:s10+$0x18700];
	_ =	sdelay $0x6  }
0x5fa: {  	v7 =	vld [tilespmem:s10+$0x18F00]  }
0x5fb: {  	v6 =	vld.idx.msk [tilespmem:v6+s8+$0x0], $0xffff;
	_ =	sdelay $0x4  }
0x5fc: {  	v7 =	vxor.u32 $0x80000000, v7  }
0x5fd: {  	(xrf1) =	vsort.ascd.msk.u32 $0xffff, v7, v6;
	_ =	sdelay $0xd  }
0x5fe: {  	v6, v7, _ =	vpop (xrf1)  }
0x5ff: {  	v6 =	vxor.u32 $0x80000000, v6  }
0x600: {  	v8 =	vperm.xlane v6, v0  }
0x601: {  	v9 =	vperm.xlane v7, v0  }
0x602: {  	vm5 =	veq.s32 v8, v6  }
0x603: {  	v8 =	vmin.f32 v7, v9;
	vm5 =	vmand vm5, vm0  }
0x604: {  	v7 =	vsel vm5, v8, v7;
	v8 =	vperm.xlane v6, v1  }
0x605: {  	v9 =	vperm.xlane v7, v1  }
0x606: {  	vm5 =	veq.s32 v8, v6  }
0x607: {  	vm5 =	vmand vm5, vm1;
	v8 =	vmin.f32 v7, v9  }
0x608: {  	v7 =	vsel vm5, v8, v7;
	v8 =	vperm.xlane v6, v2  }
0x609: {  	v10 =	vperm.xlane v6, v5;
	v9 =	vperm.xlane v7, v2  }
0x60a: {  	vm5 =	veq.s32 v8, v6  }
0x60b: {  	vm6 =	vne.s32 v10, v6;
	vm5 =	vmand vm5, vm2;
	v8 =	vmin.f32 v7, v9;
	v9 =	vld.idx.msk [tilespmem:v6+s5+$0x0], $0xffff  }
0x60c: {  	v7 =	vsel vm5, v8, v7;
	v8 =	vperm.xlane v6, v3;
	vm5 =	vmor vm6, vm4  }
0x60d: {  	v10 =	vperm.xlane v7, v3  }
.Ltmp25:
0x60e: {  	vm6 =	veq.s32 v8, v6;
	(pc) =	sbr.rel @p0 .LBB2_52-.Ltmp25, $4  }
0x60f: {  	vm6 =	vmand vm6, vm3;
	v8 =	vmin.f32 v7, v10  }
0x610: {  	v7 =	vsel vm6, v8, v7  }
0x611: {  	v7 =	vmin.f32 v9, v7  }
0x612: {  	s10 =	sshra.s32 s9, $0x2;
	s9 =	sadd.s32 $0x40, s9;
	[tilespmem:v6+s5+$0x0] =	vst.idx.msk vm5, v7  }
0x613: {  	v6 =	vld [tilespmem:s10+$0x18700];
	_ =	sdelay $0x6  }
0x614: {  	v7 =	vld [tilespmem:s10+$0x18F00]  }
0x615: {  	v6 =	vld.idx.msk [tilespmem:v6+s8+$0x0], $0xffff;
	_ =	sdelay $0x3  }
0x616: {  	v7 =	vxor.u32 $0x80000000, v7  }
0x617: {  	(xrf1) =	vsort.ascd.msk.u32 $0xffff, v7, v6;
	_ =	sdelay $0xd  }
0x618: {  	v6, v7, _ =	vpop (xrf1)  }
0x619: {  	v6 =	vxor.u32 $0x80000000, v6  }
0x61a: {  	v8 =	vperm.xlane v6, v0  }
0x61b: {  	v9 =	vperm.xlane v7, v0  }
0x61c: {  	vm5 =	veq.s32 v8, v6  }
0x61d: {  	v53 =	vmin.f32 v7, v9;
	vm5 =	vmand vm5, vm0  }
0x61e: {  	v54 =	vperm.xlane v6, v1;
	v7 =	vsel vm5, v53, v7  }
0x61f: {  	v55 =	vperm.xlane v7, v1  }
0x620: {  	vm5 =	veq.s32 v54, v6  }
0x621: {  	vm5 =	vmand vm5, vm1;
	v56 =	vmin.f32 v7, v55  }
0x622: {  	v57 =	vperm.xlane v6, v2;
	v7 =	vsel vm5, v56, v7  }
0x623: {  	v10 =	vperm.xlane v6, v5;
	v58 =	vperm.xlane v7, v2  }
0x624: {  	vm5 =	veq.s32 v57, v6  }
0x625: {  	vm6 =	vne.s32 v10, v6;
	vm5 =	vmand vm5, vm2;
	v59 =	vmin.f32 v7, v58  }
0x626: {  	v61 =	vperm.xlane v6, v3;
	v60 =	vld.idx.msk [tilespmem:v6+s5+$0x0], $0xffff;
	v7 =	vsel vm5, v59, v7;
	vm5 =	vmor vm6, vm4  }
0x627: {  	v62 =	vperm.xlane v7, v3  }
0x628: {  	vm6 =	veq.s32 v61, v6  }
0x629: {  	vm6 =	vmand vm6, vm3;
	v63 =	vmin.f32 v7, v62  }
0x62a: {  	v7 =	vsel vm6, v63, v7  }
0x62b: {  	v7 =	vmin.f32 v60, v7  }
0x62c: {  	s10 =	sadd.s32 $0x0, s25;
	s9 =	simm.s32 $0xC380;
	[tilespmem:v6+s5+$0x0] =	vst.idx.msk vm5, v7  }
0x62d: {  	[hbm4b:s10+s3] =	stream.linear.scatter [tilespmem:s9], [sflag:$0x3], $0x7D0, $0x38;
	[tilespmem:$0x1A700] =	vst v63  }
0x62e: {  	s8 =	simm.s32 $0x1F40;
	_ =	swait.ge [sflag:s31], $0x7D0  }
.LBB2_54:
0x62f: {  	s9 =	sshra.s32 s8, $0x2  }
0x630: {  	[sflag:s31] =	ssyncset.done $0x0;
	s10 =	sadd.s32 s8, s25;
	p0 =	sne.s32 s8, $0x2EE00  }
.Ltmp26:
0x631: {  	s9 =	sadd.s32 $0xC380, s9;
	[sflag:s31] =	ssyncadd.s32 $0xFFFFF830;
	(pc) =	sbr.rel @p0 .LBB2_54-.Ltmp26, $3  }
0x632: {  	[hbm4b:s10+s3] =	stream.linear.scatter [tilespmem:s9], [sflag:$0x3], $0x7D0, $0x38;
	[tilespmem:$0x1A700] =	vst v63  }
0x633: {  	s8 =	sadd.s32 $0x1F40, s8;
	_ =	sdelay $0x1  }
0x634: {  	_ =	swait.ge [sflag:s31], $0x7D0  }
0x635: {  	s7 =	sadd.s32 $0x1, s7;
	s8 =	rddreg [dreg:$0x16]  }
0x636: {  	p0 =	sne.s32 s7, s8  }
.Ltmp27:
0x637: {  	_ = 	snop;
	(pc) =	sbr.rel @p0 .LBB2_1-.Ltmp27, $3  }
0x638: {  	_ =	sdelay $0x1  }
0x639: {  	[sflag:s31] =	ssyncset.done $0x0  }
0x63a: {  	[sflag:s31] =	ssyncadd.s32 $0xFFFFF830  }
0x63b: {  	_ =	sfence.sel $0x180000  }
0x63c: {  	[bflag:$0x0] =	sbarrier.arrive $0xFFFF  }
0x63d: {  	_ =	strace $0x90000047  }
0x63e: {  	s0 =	stileid.u32;
	[bflag:$0x2] =	sbarrier.arrive $0xFFFF  }
0x63f: {  	p0 =	sne.s32 s0, $0x0;
	s0 =	rddreg [dreg:$0x2]  }
0x640: {  	s0 =	sadd.s32 @!p0 $0x100000, s0  }
0x641: {  	[sflag:s0] =	ssyncadd.tile.s32 @!p0 $0x1;
	_ =	shalt  }
.Lfunc_end2:
_tile_overlayer_lowered:
.L_overlay_start_2:
0x642: {  	(tag) =	ssettag $0x2  }
0x643: {  	s0 =	rddreg [dreg:$0x0];
	s2 =	stileid.u32  }
0x644: {  	s1 =	rddreg [dreg:$0x1];
	p0 =	sne.s32 s2, $0x0  }
0x645: {  	s3 =	rddreg [dreg:$0x2];
	[bflag:$0x3] =	sbarrier.arrive $0xFFFF;
	s2 =	simm.s32 @!p0 $0x1C03  }
0x646: {  	[timem:s3], [sflag:s2] =	dma.local @!p0 [hbm:s0], s1  }
0x647: {  	s0 =	simm.s32 @!p0 $0x3  }
0x648: {  	_ =	swait.ge @!p0 [sflag:s0], s1  }
0x649: {  	s1 =	ssub.s32 @!p0 $0x0, s1;
	[sflag:s0] =	ssyncset.done @!p0 $0x0  }
0x64a: {  	[sflag:s0] =	ssyncadd.s32 @!p0 s1  }
0x64b: {  	[bflag:$0x3] =	sbarrier.arrive $0xFFFF  }
0x64c: {  	_ =	shalt  }

</sc_bundles>
